<compile_context>
chip_gen: v7x
topology: tpu7x:2x2x1
jax: 0.10.2.dev20260603
libtpu: 0.0.44.dev20260713+nightly
codegen_flags: <defaults>
</compile_context>

<pallas_src>
import jax
import jax.numpy as jnp
from jax import lax
from jax.experimental import pallas as pl
from jax.experimental.pallas import tpu as pltpu
from jax.experimental.pallas import tpu_sc as plsc

_BATCH = 16384
_DIM = 32
_NUM_WORKERS = 32
_B_PER_W = _BATCH // _NUM_WORKERS
_CHUNK = 4
_NCHUNK = _B_PER_W // _CHUNK


def _mf_body(user_ids_hbm, item_ids_hbm, uemb_t_hbm, iemb_t_hbm,
             out_hbm, uid_v, iid_v, ubuf0, ibuf0, ubuf1, ibuf1,
             ubuf2, ibuf2, out_v,
             sem_u0, sem_i0, sem_u1, sem_i1, sem_u2, sem_i2):
    num_cores = 2
    wid = lax.axis_index("s") * num_cores + lax.axis_index("c")
    base = wid * _B_PER_W

    pltpu.sync_copy(user_ids_hbm.at[pl.ds(base, _B_PER_W)],
                    uid_v.at[pl.ds(0, _B_PER_W)])
    pltpu.sync_copy(item_ids_hbm.at[pl.ds(base, _B_PER_W)],
                    iid_v.at[pl.ds(0, _B_PER_W)])
    lane = lax.iota(jnp.int32, 16)
    row_j = (lane & (_CHUNK - 1)) * _DIM
    bufs = ((ubuf0, ibuf0, sem_u0, sem_i0), (ubuf1, ibuf1, sem_u1, sem_i1),
            (ubuf2, ibuf2, sem_u2, sem_i2))

    def fire_chunk(c, slot):
        ubuf, ibuf, sem_u, sem_i = bufs[slot]
        uid = uid_v[pl.ds(c * _CHUNK, 16)]
        iid = iid_v[pl.ds(c * _CHUNK, 16)]
        ubv = (uid >> 7) << 7
        ibv = (iid >> 7) << 7
        for b in range(_CHUNK):
            ub = ubv[b]
            ib = ibv[b]
            pltpu.async_copy(
                uemb_t_hbm.at[:, pl.ds(pl.multiple_of(ub, 128), 128)],
                ubuf.at[pl.ds(b * _DIM, _DIM), :], sem_u)
            pltpu.async_copy(
                iemb_t_hbm.at[:, pl.ds(pl.multiple_of(ib, 128), 128)],
                ibuf.at[pl.ds(b * _DIM, _DIM), :], sem_i)

    def drain_compute_chunk(c, slot):
        ubuf, ibuf, sem_u, sem_i = bufs[slot]
        for b in range(_CHUNK):
            pltpu.make_async_copy(
                uemb_t_hbm.at[:, pl.ds(0, 128)],
                ubuf.at[pl.ds(b * _DIM, _DIM), :], sem_u).wait()
            pltpu.make_async_copy(
                iemb_t_hbm.at[:, pl.ds(0, 128)],
                ibuf.at[pl.ds(b * _DIM, _DIM), :], sem_i).wait()
        uid = uid_v[pl.ds(c * _CHUNK, 16)]
        iid = iid_v[pl.ds(c * _CHUNK, 16)]
        ucol = uid & 127
        icol = iid & 127
        acc = jnp.zeros((16,), jnp.float32)
        for j in range(_DIM):
            uu = plsc.load_gather(ubuf, [row_j + j, ucol])
            vv = plsc.load_gather(ibuf, [row_j + j, icol])
            acc = acc + uu * vv
        plsc.store_compressed(out_v.at[pl.ds(c * _CHUNK, 16)], acc,
                              mask=lane < _CHUNK)

    fire_chunk(0, 0)
    fire_chunk(1, 1)

    def step(k, _):
        c = k * 3
        fire_chunk(c + 2, 2)
        drain_compute_chunk(c, 0)
        fire_chunk(c + 3, 0)
        drain_compute_chunk(c + 1, 1)
        fire_chunk(c + 4, 1)
        drain_compute_chunk(c + 2, 2)
        return _

    lax.fori_loop(0, _NCHUNK // 3, step, None)

    drain_compute_chunk(_NCHUNK - 2, 0)
    drain_compute_chunk(_NCHUNK - 1, 1)

    pltpu.sync_copy(out_v.at[pl.ds(0, _B_PER_W)],
                    out_hbm.at[pl.ds(base, _B_PER_W)])


@jax.jit
def _mf(user_ids, item_ids, user_emb, item_emb):
    mesh = plsc.VectorSubcoreMesh(core_axis_name="c", subcore_axis_name="s")
    return pl.kernel(
        _mf_body,
        out_type=jax.ShapeDtypeStruct((_BATCH,), jnp.float32),
        mesh=mesh,
        scratch_types=[
            pltpu.VMEM((_B_PER_W + 16,), jnp.int32),
            pltpu.VMEM((_B_PER_W + 16,), jnp.int32),
            pltpu.VMEM((_CHUNK * _DIM, 128), jnp.float32),
            pltpu.VMEM((_CHUNK * _DIM, 128), jnp.float32),
            pltpu.VMEM((_CHUNK * _DIM, 128), jnp.float32),
            pltpu.VMEM((_CHUNK * _DIM, 128), jnp.float32),
            pltpu.VMEM((_CHUNK * _DIM, 128), jnp.float32),
            pltpu.VMEM((_CHUNK * _DIM, 128), jnp.float32),
            pltpu.VMEM((_B_PER_W + 16,), jnp.float32),
            pltpu.SemaphoreType.DMA,
            pltpu.SemaphoreType.DMA,
            pltpu.SemaphoreType.DMA,
            pltpu.SemaphoreType.DMA,
            pltpu.SemaphoreType.DMA,
            pltpu.SemaphoreType.DMA,
        ],
        compiler_params=pltpu.CompilerParams(
            needs_layout_passes=False, disable_bounds_checks=True),
    )(user_ids, item_ids, user_emb.T, item_emb.T)


def kernel(user_ids, item_ids, user_emb, item_emb):
    return _mf(user_ids, item_ids, user_emb, item_emb)

# --- scband reference (transcript-rebuilt; emitter-appended) ---
"""Pipeline reference for scband-mf-52596169507040 (READ-ONLY COPY).

The authoritative reference and input builder live on the scoring server;
editing this copy changes nothing except your own understanding.
"""

import jax, jax.numpy as jnp
import numpy as np

NUM_USERS = 1000000
NUM_ITEMS = 1000000
EMBED_DIM = 32
BATCH = 16384


def setup_inputs(seed: int = 0) -> dict:
    key = jax.random.key(seed)
    k1, k2, k3, k4 = jax.random.split(key, 4)
    user_ids = jax.random.randint(k1, (BATCH,), 0, NUM_USERS, dtype=jnp.int64 if jax.config.jax_enable_x64 else jnp.int32)
    item_ids = jax.random.randint(k2, (BATCH,), 0, NUM_ITEMS, dtype=jnp.int64 if jax.config.jax_enable_x64 else jnp.int32)
    user_emb = jax.random.normal(k3, (NUM_USERS, EMBED_DIM), dtype=jnp.float32) * 0.01
    item_emb = jax.random.normal(k4, (NUM_ITEMS, EMBED_DIM), dtype=jnp.float32) * 0.01
    return {"user_ids": user_ids, "item_ids": item_ids, "user_emb": user_emb, "item_emb": item_emb}


def reference(user_ids, item_ids, user_emb, item_emb):
    # user_vecs = self.user_emb(user_ids)
    user_vecs = jnp.take(user_emb, user_ids, axis=0)
    # item_vecs = self.item_emb(item_ids)
    item_vecs = jnp.take(item_emb, item_ids, axis=0)
    # scores = (user_vecs * item_vecs).sum(dim=1)
    scores = (user_vecs * item_vecs).sum(axis=1)
    return scores

if __name__ == "__main__":
    import jax
    _d = setup_inputs()
    print(jax.jit(kernel)(*tuple(_d.values())))

</pallas_src>

<mosaic_0001>
#map = affine_map<(d0, d1) -> (0)>
#map1 = affine_map<(d0, d1) -> (0, 0)>
module attributes {stable_mosaic.version = 14 : i64} {
  func.func @_mf_body(%arg0: i32, %arg1: i32, %arg2: memref<16384xi32, #tpu.memory_space<hbm>>, %arg3: memref<16384xi32, #tpu.memory_space<hbm>>, %arg4: memref<32x1000000xf32, #tpu.memory_space<hbm>>, %arg5: memref<32x1000000xf32, #tpu.memory_space<hbm>>, %arg6: memref<16384xf32, #tpu.memory_space<hbm>>, %arg7: memref<528xi32, #tpu.memory_space<vmem>>, %arg8: memref<528xi32, #tpu.memory_space<vmem>>, %arg9: memref<128x128xf32, #tpu.memory_space<vmem>>, %arg10: memref<128x128xf32, #tpu.memory_space<vmem>>, %arg11: memref<128x128xf32, #tpu.memory_space<vmem>>, %arg12: memref<128x128xf32, #tpu.memory_space<vmem>>, %arg13: memref<128x128xf32, #tpu.memory_space<vmem>>, %arg14: memref<128x128xf32, #tpu.memory_space<vmem>>, %arg15: memref<528xf32, #tpu.memory_space<vmem>>, %arg16: memref<!tpu.dma_semaphore, #tpu.memory_space<semaphore_mem>>, %arg17: memref<!tpu.dma_semaphore, #tpu.memory_space<semaphore_mem>>, %arg18: memref<!tpu.dma_semaphore, #tpu.memory_space<semaphore_mem>>, %arg19: memref<!tpu.dma_semaphore, #tpu.memory_space<semaphore_mem>>, %arg20: memref<!tpu.dma_semaphore, #tpu.memory_space<semaphore_mem>>, %arg21: memref<!tpu.dma_semaphore, #tpu.memory_space<semaphore_mem>>) attributes {dimension_semantics = [#tpu.dimension_semantics<core_parallel>, #tpu.dimension_semantics<subcore_parallel>], iteration_bounds = array<i64: 2, 16>, scalar_prefetch = 0 : i64, scratch_operands = 15 : i64, tpu.core_type = #tpu.core_type<sc_vector_subcore>, window_params = [{transform_indices = #map}, {transform_indices = #map}, {transform_indices = #map1}, {transform_indices = #map1}, {transform_indices = #map}]} {
    %mul3A = arith.constant 2 : i32
    %mul3A_0 = arith.muli %arg1, %mul3A : i32
    %add3A = arith.addi %mul3A_0, %arg0 : i32
    %mul3A_1 = arith.constant 512 : i32
    %mul3A_2 = arith.muli %add3A, %mul3A_1 : i32
    "tpu.region"() ({
      %run_scoped3A = tpu.sem_alloc : memref<!tpu.dma_semaphore, #tpu.memory_space<semaphore_mem>>
      %dma_start3A_1106 = arith.constant 0 : i32
      %dma_start3A_1107 = tpu.memref_slice %arg7[%dma_start3A_1106] : memref<528xi32, #tpu.memory_space<vmem>> -> memref<512xi32, #tpu.memory_space<vmem>>
      %dma_start3A_1108 = tpu.memref_slice %arg2[%mul3A_2] : memref<16384xi32, #tpu.memory_space<hbm>> -> memref<512xi32, #tpu.memory_space<hbm>>
      %dma_start3A_1109 = arith.constant 0 : i32
      %dma_start3A_1110 = tpu.memref_slice %arg7[%dma_start3A_1109] : memref<528xi32, #tpu.memory_space<vmem>> -> memref<512xi32, #tpu.memory_space<vmem>>
      %dma_start3A_1111 = tpu.memref_slice %arg2[%mul3A_2] : memref<16384xi32, #tpu.memory_space<hbm>> -> memref<512xi32, #tpu.memory_space<hbm>>
      tpu.enqueue_dma source(%dma_start3A_1111 : memref<512xi32, #tpu.memory_space<hbm>>) target(%dma_start3A_1110 : memref<512xi32, #tpu.memory_space<vmem>>) target_semaphore(%run_scoped3A : memref<!tpu.dma_semaphore, #tpu.memory_space<semaphore_mem>>)
      %dma_wait3A_1112 = arith.constant 0 : i32
      %dma_wait3A_1113 = tpu.memref_slice %arg7[%dma_wait3A_1112] : memref<528xi32, #tpu.memory_space<vmem>> -> memref<512xi32, #tpu.memory_space<vmem>>
      %dma_wait3A_1114 = tpu.memref_slice %arg2[%mul3A_2] : memref<16384xi32, #tpu.memory_space<hbm>> -> memref<512xi32, #tpu.memory_space<hbm>>
      %dma_wait3A_1115 = arith.constant 0 : i32
      %dma_wait3A_1116 = tpu.memref_slice %arg7[%dma_wait3A_1115] : memref<528xi32, #tpu.memory_space<vmem>> -> memref<512xi32, #tpu.memory_space<vmem>>
      %dma_wait3A_1117 = tpu.memref_slice %arg2[%mul3A_2] : memref<16384xi32, #tpu.memory_space<hbm>> -> memref<512xi32, #tpu.memory_space<hbm>>
      tpu.wait_dma2 semaphore(%run_scoped3A : memref<!tpu.dma_semaphore, #tpu.memory_space<semaphore_mem>>) src(%dma_wait3A_1117 : memref<512xi32, #tpu.memory_space<hbm>>) dst(%dma_wait3A_1116 : memref<512xi32, #tpu.memory_space<vmem>>)
      tpu.yield
    }) : () -> ()
    "tpu.region"() ({
      %run_scoped3A = tpu.sem_alloc : memref<!tpu.dma_semaphore, #tpu.memory_space<semaphore_mem>>
      %dma_start3A_1106 = arith.constant 0 : i32
      %dma_start3A_1107 = tpu.memref_slice %arg8[%dma_start3A_1106] : memref<528xi32, #tpu.memory_space<vmem>> -> memref<512xi32, #tpu.memory_space<vmem>>
      %dma_start3A_1108 = tpu.memref_slice %arg3[%mul3A_2] : memref<16384xi32, #tpu.memory_space<hbm>> -> memref<512xi32, #tpu.memory_space<hbm>>
      %dma_start3A_1109 = arith.constant 0 : i32
      %dma_start3A_1110 = tpu.memref_slice %arg8[%dma_start3A_1109] : memref<528xi32, #tpu.memory_space<vmem>> -> memref<512xi32, #tpu.memory_space<vmem>>
      %dma_start3A_1111 = tpu.memref_slice %arg3[%mul3A_2] : memref<16384xi32, #tpu.memory_space<hbm>> -> memref<512xi32, #tpu.memory_space<hbm>>
      tpu.enqueue_dma source(%dma_start3A_1111 : memref<512xi32, #tpu.memory_space<hbm>>) target(%dma_start3A_1110 : memref<512xi32, #tpu.memory_space<vmem>>) target_semaphore(%run_scoped3A : memref<!tpu.dma_semaphore, #tpu.memory_space<semaphore_mem>>)
      %dma_wait3A_1112 = arith.constant 0 : i32
      %dma_wait3A_1113 = tpu.memref_slice %arg8[%dma_wait3A_1112] : memref<528xi32, #tpu.memory_space<vmem>> -> memref<512xi32, #tpu.memory_space<vmem>>
      %dma_wait3A_1114 = tpu.memref_slice %arg3[%mul3A_2] : memref<16384xi32, #tpu.memory_space<hbm>> -> memref<512xi32, #tpu.memory_space<hbm>>
      %dma_wait3A_1115 = arith.constant 0 : i32
      %dma_wait3A_1116 = tpu.memref_slice %arg8[%dma_wait3A_1115] : memref<528xi32, #tpu.memory_space<vmem>> -> memref<512xi32, #tpu.memory_space<vmem>>
      %dma_wait3A_1117 = tpu.memref_slice %arg3[%mul3A_2] : memref<16384xi32, #tpu.memory_space<hbm>> -> memref<512xi32, #tpu.memory_space<hbm>>
      tpu.wait_dma2 semaphore(%run_scoped3A : memref<!tpu.dma_semaphore, #tpu.memory_space<semaphore_mem>>) src(%dma_wait3A_1117 : memref<512xi32, #tpu.memory_space<hbm>>) dst(%dma_wait3A_1116 : memref<512xi32, #tpu.memory_space<vmem>>)
      tpu.yield
    }) : () -> ()
    %iota3A = tpu.iota {dimensions = array<i32: 0>} : vector<16xi32>
    %and3A = arith.constant 3 : i32
    %and3A_3 = vector.broadcast %and3A : i32 to vector<16xi32>
    %and3A_4 = arith.andi %iota3A, %and3A_3 : vector<16xi32>
    %mul3A_5 = arith.constant 32 : i32
    %mul3A_6 = vector.broadcast %mul3A_5 : i32 to vector<16xi32>
    %mul3A_7 = arith.muli %and3A_4, %mul3A_6 : vector<16xi32>
    %get3A = arith.constant 0 : index
    %get3A_8 = tpu.vector_load %arg7[%get3A] {strides = array<i32>} : memref<528xi32, #tpu.memory_space<vmem>>, vector<16xi32>,
    %get3A_9 = arith.constant 0 : index
    %get3A_10 = tpu.vector_load %arg8[%get3A_9] {strides = array<i32>} : memref<528xi32, #tpu.memory_space<vmem>>, vector<16xi32>,
    %shift_right_arithmetic3A = arith.constant 7 : i32
    %shift_right_arithmetic3A_11 = vector.broadcast %shift_right_arithmetic3A : i32 to vector<16xi32>
    %shift_right_arithmetic3A_12 = arith.shrsi %get3A_8, %shift_right_arithmetic3A_11 : vector<16xi32>
    %shift_left3A = arith.constant 7 : i32
    %shift_left3A_13 = vector.broadcast %shift_left3A : i32 to vector<16xi32>
    %shift_left3A_14 = arith.shli %shift_right_arithmetic3A_12, %shift_left3A_13 : vector<16xi32>
    %shift_right_arithmetic3A_15 = arith.constant 7 : i32
    %shift_right_arithmetic3A_16 = vector.broadcast %shift_right_arithmetic3A_15 : i32 to vector<16xi32>
    %shift_right_arithmetic3A_17 = arith.shrsi %get3A_10, %shift_right_arithmetic3A_16 : vector<16xi32>
    %shift_left3A_18 = arith.constant 7 : i32
    %shift_left3A_19 = vector.broadcast %shift_left3A_18 : i32 to vector<16xi32>
    %shift_left3A_20 = arith.shli %shift_right_arithmetic3A_17, %shift_left3A_19 : vector<16xi32>
    %slice3A = vector.extract_strided_slice %shift_left3A_14 {offsets = [0], sizes = [1], strides = [1]} : vector<16xi32> to vector<1xi32>
    %squeeze3A = vector.extract %slice3A[0] : i32 from vector<1xi32>
    %slice3A_21 = vector.extract_strided_slice %shift_left3A_20 {offsets = [0], sizes = [1], strides = [1]} : vector<16xi32> to vector<1xi32>
    %squeeze3A_22 = vector.extract %slice3A_21[0] : i32 from vector<1xi32>
    %multiple_of3A = tpu.assume_multiple %squeeze3A, 128 : i32
    %dma_start3A = arith.constant 0 : i32
    %dma_start3A_23 = arith.constant 0 : i32
    %dma_start3A_24 = tpu.memref_slice %arg9[%dma_start3A, %dma_start3A_23] : memref<128x128xf32, #tpu.memory_space<vmem>> -> memref<32x128xf32, #tpu.memory_space<vmem>>
    %dma_start3A_25 = arith.constant 0 : i32
    %dma_start3A_26 = tpu.memref_slice %arg4[%dma_start3A_25, %multiple_of3A] : memref<32x1000000xf32, #tpu.memory_space<hbm>> -> memref<32x128xf32, #tpu.memory_space<hbm>>
    %dma_start3A_27 = arith.constant 0 : i32
    %dma_start3A_28 = arith.constant 0 : i32
    %dma_start3A_29 = tpu.memref_slice %arg9[%dma_start3A_27, %dma_start3A_28] : memref<128x128xf32, #tpu.memory_space<vmem>> -> memref<32x128xf32, #tpu.memory_space<vmem>>
    %dma_start3A_30 = arith.constant 0 : i32
    %dma_start3A_31 = tpu.memref_slice %arg4[%dma_start3A_30, %multiple_of3A] : memref<32x1000000xf32, #tpu.memory_space<hbm>> -> memref<32x128xf32, #tpu.memory_space<hbm>>
    tpu.enqueue_dma source(%dma_start3A_31 : memref<32x128xf32, #tpu.memory_space<hbm>>) target(%dma_start3A_29 : memref<32x128xf32, #tpu.memory_space<vmem>>) target_semaphore(%arg16 : memref<!tpu.dma_semaphore, #tpu.memory_space<semaphore_mem>>)
    %multiple_of3A_32 = tpu.assume_multiple %squeeze3A_22, 128 : i32
    %dma_start3A_33 = arith.constant 0 : i32
    %dma_start3A_34 = arith.constant 0 : i32
    %dma_start3A_35 = tpu.memref_slice %arg10[%dma_start3A_33, %dma_start3A_34] : memref<128x128xf32, #tpu.memory_space<vmem>> -> memref<32x128xf32, #tpu.memory_space<vmem>>
    %dma_start3A_36 = arith.constant 0 : i32
    %dma_start3A_37 = tpu.memref_slice %arg5[%dma_start3A_36, %multiple_of3A_32] : memref<32x1000000xf32, #tpu.memory_space<hbm>> -> memref<32x128xf32, #tpu.memory_space<hbm>>
    %dma_start3A_38 = arith.constant 0 : i32
    %dma_start3A_39 = arith.constant 0 : i32
    %dma_start3A_40 = tpu.memref_slice %arg10[%dma_start3A_38, %dma_start3A_39] : memref<128x128xf32, #tpu.memory_space<vmem>> -> memref<32x128xf32, #tpu.memory_space<vmem>>
    %dma_start3A_41 = arith.constant 0 : i32
    %dma_start3A_42 = tpu.memref_slice %arg5[%dma_start3A_41, %multiple_of3A_32] : memref<32x1000000xf32, #tpu.memory_space<hbm>> -> memref<32x128xf32, #tpu.memory_space<hbm>>
    tpu.enqueue_dma source(%dma_start3A_42 : memref<32x128xf32, #tpu.memory_space<hbm>>) target(%dma_start3A_40 : memref<32x128xf32, #tpu.memory_space<vmem>>) target_semaphore(%arg17 : memref<!tpu.dma_semaphore, #tpu.memory_space<semaphore_mem>>)
    %slice3A_43 = vector.extract_strided_slice %shift_left3A_14 {offsets = [1], sizes = [1], strides = [1]} : vector<16xi32> to vector<1xi32>
    %squeeze3A_44 = vector.extract %slice3A_43[0] : i32 from vector<1xi32>
    %slice3A_45 = vector.extract_strided_slice %shift_left3A_20 {offsets = [1], sizes = [1], strides = [1]} : vector<16xi32> to vector<1xi32>
    %squeeze3A_46 = vector.extract %slice3A_45[0] : i32 from vector<1xi32>
    %multiple_of3A_47 = tpu.assume_multiple %squeeze3A_44, 128 : i32
    %dma_start3A_48 = arith.constant 32 : i32
    %dma_start3A_49 = arith.constant 0 : i32
    %dma_start3A_50 = tpu.memref_slice %arg9[%dma_start3A_48, %dma_start3A_49] : memref<128x128xf32, #tpu.memory_space<vmem>> -> memref<32x128xf32, #tpu.memory_space<vmem>>
    %dma_start3A_51 = arith.constant 0 : i32
    %dma_start3A_52 = tpu.memref_slice %arg4[%dma_start3A_51, %multiple_of3A_47] : memref<32x1000000xf32, #tpu.memory_space<hbm>> -> memref<32x128xf32, #tpu.memory_space<hbm>>
    %dma_start3A_53 = arith.constant 32 : i32
    %dma_start3A_54 = arith.constant 0 : i32
    %dma_start3A_55 = tpu.memref_slice %arg9[%dma_start3A_53, %dma_start3A_54] : memref<128x128xf32, #tpu.memory_space<vmem>> -> memref<32x128xf32, #tpu.memory_space<vmem>>
    %dma_start3A_56 = arith.constant 0 : i32
    %dma_start3A_57 = tpu.memref_slice %arg4[%dma_start3A_56, %multiple_of3A_47] : memref<32x1000000xf32, #tpu.memory_space<hbm>> -> memref<32x128xf32, #tpu.memory_space<hbm>>
    tpu.enqueue_dma source(%dma_start3A_57 : memref<32x128xf32, #tpu.memory_space<hbm>>) target(%dma_start3A_55 : memref<32x128xf32, #tpu.memory_space<vmem>>) target_semaphore(%arg16 : memref<!tpu.dma_semaphore, #tpu.memory_space<semaphore_mem>>)
    %multiple_of3A_58 = tpu.assume_multiple %squeeze3A_46, 128 : i32
    %dma_start3A_59 = arith.constant 32 : i32
    %dma_start3A_60 = arith.constant 0 : i32
    %dma_start3A_61 = tpu.memref_slice %arg10[%dma_start3A_59, %dma_start3A_60] : memref<128x128xf32, #tpu.memory_space<vmem>> -> memref<32x128xf32, #tpu.memory_space<vmem>>
    %dma_start3A_62 = arith.constant 0 : i32
    %dma_start3A_63 = tpu.memref_slice %arg5[%dma_start3A_62, %multiple_of3A_58] : memref<32x1000000xf32, #tpu.memory_space<hbm>> -> memref<32x128xf32, #tpu.memory_space<hbm>>
    %dma_start3A_64 = arith.constant 32 : i32
    %dma_start3A_65 = arith.constant 0 : i32
    %dma_start3A_66 = tpu.memref_slice %arg10[%dma_start3A_64, %dma_start3A_65] : memref<128x128xf32, #tpu.memory_space<vmem>> -> memref<32x128xf32, #tpu.memory_space<vmem>>
    %dma_start3A_67 = arith.constant 0 : i32
    %dma_start3A_68 = tpu.memref_slice %arg5[%dma_start3A_67, %multiple_of3A_58] : memref<32x1000000xf32, #tpu.memory_space<hbm>> -> memref<32x128xf32, #tpu.memory_space<hbm>>
    tpu.enqueue_dma source(%dma_start3A_68 : memref<32x128xf32, #tpu.memory_space<hbm>>) target(%dma_start3A_66 : memref<32x128xf32, #tpu.memory_space<vmem>>) target_semaphore(%arg17 : memref<!tpu.dma_semaphore, #tpu.memory_space<semaphore_mem>>)
    %slice3A_69 = vector.extract_strided_slice %shift_left3A_14 {offsets = [2], sizes = [1], strides = [1]} : vector<16xi32> to vector<1xi32>
    %squeeze3A_70 = vector.extract %slice3A_69[0] : i32 from vector<1xi32>
    %slice3A_71 = vector.extract_strided_slice %shift_left3A_20 {offsets = [2], sizes = [1], strides = [1]} : vector<16xi32> to vector<1xi32>
    %squeeze3A_72 = vector.extract %slice3A_71[0] : i32 from vector<1xi32>
    %multiple_of3A_73 = tpu.assume_multiple %squeeze3A_70, 128 : i32
    %dma_start3A_74 = arith.constant 64 : i32
    %dma_start3A_75 = arith.constant 0 : i32
    %dma_start3A_76 = tpu.memref_slice %arg9[%dma_start3A_74, %dma_start3A_75] : memref<128x128xf32, #tpu.memory_space<vmem>> -> memref<32x128xf32, #tpu.memory_space<vmem>>
    %dma_start3A_77 = arith.constant 0 : i32
    %dma_start3A_78 = tpu.memref_slice %arg4[%dma_start3A_77, %multiple_of3A_73] : memref<32x1000000xf32, #tpu.memory_space<hbm>> -> memref<32x128xf32, #tpu.memory_space<hbm>>
    %dma_start3A_79 = arith.constant 64 : i32
    %dma_start3A_80 = arith.constant 0 : i32
    %dma_start3A_81 = tpu.memref_slice %arg9[%dma_start3A_79, %dma_start3A_80] : memref<128x128xf32, #tpu.memory_space<vmem>> -> memref<32x128xf32, #tpu.memory_space<vmem>>
    %dma_start3A_82 = arith.constant 0 : i32
    %dma_start3A_83 = tpu.memref_slice %arg4[%dma_start3A_82, %multiple_of3A_73] : memref<32x1000000xf32, #tpu.memory_space<hbm>> -> memref<32x128xf32, #tpu.memory_space<hbm>>
    tpu.enqueue_dma source(%dma_start3A_83 : memref<32x128xf32, #tpu.memory_space<hbm>>) target(%dma_start3A_81 : memref<32x128xf32, #tpu.memory_space<vmem>>) target_semaphore(%arg16 : memref<!tpu.dma_semaphore, #tpu.memory_space<semaphore_mem>>)
    %multiple_of3A_84 = tpu.assume_multiple %squeeze3A_72, 128 : i32
    %dma_start3A_85 = arith.constant 64 : i32
    %dma_start3A_86 = arith.constant 0 : i32
    %dma_start3A_87 = tpu.memref_slice %arg10[%dma_start3A_85, %dma_start3A_86] : memref<128x128xf32, #tpu.memory_space<vmem>> -> memref<32x128xf32, #tpu.memory_space<vmem>>
    %dma_start3A_88 = arith.constant 0 : i32
    %dma_start3A_89 = tpu.memref_slice %arg5[%dma_start3A_88, %multiple_of3A_84] : memref<32x1000000xf32, #tpu.memory_space<hbm>> -> memref<32x128xf32, #tpu.memory_space<hbm>>
    %dma_start3A_90 = arith.constant 64 : i32
    %dma_start3A_91 = arith.constant 0 : i32
    %dma_start3A_92 = tpu.memref_slice %arg10[%dma_start3A_90, %dma_start3A_91] : memref<128x128xf32, #tpu.memory_space<vmem>> -> memref<32x128xf32, #tpu.memory_space<vmem>>
    %dma_start3A_93 = arith.constant 0 : i32
    %dma_start3A_94 = tpu.memref_slice %arg5[%dma_start3A_93, %multiple_of3A_84] : memref<32x1000000xf32, #tpu.memory_space<hbm>> -> memref<32x128xf32, #tpu.memory_space<hbm>>
    tpu.enqueue_dma source(%dma_start3A_94 : memref<32x128xf32, #tpu.memory_space<hbm>>) target(%dma_start3A_92 : memref<32x128xf32, #tpu.memory_space<vmem>>) target_semaphore(%arg17 : memref<!tpu.dma_semaphore, #tpu.memory_space<semaphore_mem>>)
    %slice3A_95 = vector.extract_strided_slice %shift_left3A_14 {offsets = [3], sizes = [1], strides = [1]} : vector<16xi32> to vector<1xi32>
    %squeeze3A_96 = vector.extract %slice3A_95[0] : i32 from vector<1xi32>
    %slice3A_97 = vector.extract_strided_slice %shift_left3A_20 {offsets = [3], sizes = [1], strides = [1]} : vector<16xi32> to vector<1xi32>
    %squeeze3A_98 = vector.extract %slice3A_97[0] : i32 from vector<1xi32>
    %multiple_of3A_99 = tpu.assume_multiple %squeeze3A_96, 128 : i32
    %dma_start3A_100 = arith.constant 96 : i32
    %dma_start3A_101 = arith.constant 0 : i32
    %dma_start3A_102 = tpu.memref_slice %arg9[%dma_start3A_100, %dma_start3A_101] : memref<128x128xf32, #tpu.memory_space<vmem>> -> memref<32x128xf32, #tpu.memory_space<vmem>>
    %dma_start3A_103 = arith.constant 0 : i32
    %dma_start3A_104 = tpu.memref_slice %arg4[%dma_start3A_103, %multiple_of3A_99] : memref<32x1000000xf32, #tpu.memory_space<hbm>> -> memref<32x128xf32, #tpu.memory_space<hbm>>
    %dma_start3A_105 = arith.constant 96 : i32
    %dma_start3A_106 = arith.constant 0 : i32
    %dma_start3A_107 = tpu.memref_slice %arg9[%dma_start3A_105, %dma_start3A_106] : memref<128x128xf32, #tpu.memory_space<vmem>> -> memref<32x128xf32, #tpu.memory_space<vmem>>
    %dma_start3A_108 = arith.constant 0 : i32
    %dma_start3A_109 = tpu.memref_slice %arg4[%dma_start3A_108, %multiple_of3A_99] : memref<32x1000000xf32, #tpu.memory_space<hbm>> -> memref<32x128xf32, #tpu.memory_space<hbm>>
    tpu.enqueue_dma source(%dma_start3A_109 : memref<32x128xf32, #tpu.memory_space<hbm>>) target(%dma_start3A_107 : memref<32x128xf32, #tpu.memory_space<vmem>>) target_semaphore(%arg16 : memref<!tpu.dma_semaphore, #tpu.memory_space<semaphore_mem>>)
    %multiple_of3A_110 = tpu.assume_multiple %squeeze3A_98, 128 : i32
    %dma_start3A_111 = arith.constant 96 : i32
    %dma_start3A_112 = arith.constant 0 : i32
    %dma_start3A_113 = tpu.memref_slice %arg10[%dma_start3A_111, %dma_start3A_112] : memref<128x128xf32, #tpu.memory_space<vmem>> -> memref<32x128xf32, #tpu.memory_space<vmem>>
    %dma_start3A_114 = arith.constant 0 : i32
    %dma_start3A_115 = tpu.memref_slice %arg5[%dma_start3A_114, %multiple_of3A_110] : memref<32x1000000xf32, #tpu.memory_space<hbm>> -> memref<32x128xf32, #tpu.memory_space<hbm>>
    %dma_start3A_116 = arith.constant 96 : i32
    %dma_start3A_117 = arith.constant 0 : i32
    %dma_start3A_118 = tpu.memref_slice %arg10[%dma_start3A_116, %dma_start3A_117] : memref<128x128xf32, #tpu.memory_space<vmem>> -> memref<32x128xf32, #tpu.memory_space<vmem>>
    %dma_start3A_119 = arith.constant 0 : i32
    %dma_start3A_120 = tpu.memref_slice %arg5[%dma_start3A_119, %multiple_of3A_110] : memref<32x1000000xf32, #tpu.memory_space<hbm>> -> memref<32x128xf32, #tpu.memory_space<hbm>>
    tpu.enqueue_dma source(%dma_start3A_120 : memref<32x128xf32, #tpu.memory_space<hbm>>) target(%dma_start3A_118 : memref<32x128xf32, #tpu.memory_space<vmem>>) target_semaphore(%arg17 : memref<!tpu.dma_semaphore, #tpu.memory_space<semaphore_mem>>)
    %get3A_121 = arith.constant 4 : index
    %get3A_122 = tpu.vector_load %arg7[%get3A_121] {strides = array<i32>} : memref<528xi32, #tpu.memory_space<vmem>>, vector<16xi32>,
    %get3A_123 = arith.constant 4 : index
    %get3A_124 = tpu.vector_load %arg8[%get3A_123] {strides = array<i32>} : memref<528xi32, #tpu.memory_space<vmem>>, vector<16xi32>,
    %shift_right_arithmetic3A_125 = arith.constant 7 : i32
    %shift_right_arithmetic3A_126 = vector.broadcast %shift_right_arithmetic3A_125 : i32 to vector<16xi32>
    %shift_right_arithmetic3A_127 = arith.shrsi %get3A_122, %shift_right_arithmetic3A_126 : vector<16xi32>
    %shift_left3A_128 = arith.constant 7 : i32
    %shift_left3A_129 = vector.broadcast %shift_left3A_128 : i32 to vector<16xi32>
    %shift_left3A_130 = arith.shli %shift_right_arithmetic3A_127, %shift_left3A_129 : vector<16xi32>
    %shift_right_arithmetic3A_131 = arith.constant 7 : i32
    %shift_right_arithmetic3A_132 = vector.broadcast %shift_right_arithmetic3A_131 : i32 to vector<16xi32>
    %shift_right_arithmetic3A_133 = arith.shrsi %get3A_124, %shift_right_arithmetic3A_132 : vector<16xi32>
    %shift_left3A_134 = arith.constant 7 : i32
    %shift_left3A_135 = vector.broadcast %shift_left3A_134 : i32 to vector<16xi32>
    %shift_left3A_136 = arith.shli %shift_right_arithmetic3A_133, %shift_left3A_135 : vector<16xi32>
    %slice3A_137 = vector.extract_strided_slice %shift_left3A_130 {offsets = [0], sizes = [1], strides = [1]} : vector<16xi32> to vector<1xi32>
    %squeeze3A_138 = vector.extract %slice3A_137[0] : i32 from vector<1xi32>
    %slice3A_139 = vector.extract_strided_slice %shift_left3A_136 {offsets = [0], sizes = [1], strides = [1]} : vector<16xi32> to vector<1xi32>
    %squeeze3A_140 = vector.extract %slice3A_139[0] : i32 from vector<1xi32>
    %multiple_of3A_141 = tpu.assume_multiple %squeeze3A_138, 128 : i32
    %dma_start3A_142 = arith.constant 0 : i32
    %dma_start3A_143 = arith.constant 0 : i32
    %dma_start3A_144 = tpu.memref_slice %arg11[%dma_start3A_142, %dma_start3A_143] : memref<128x128xf32, #tpu.memory_space<vmem>> -> memref<32x128xf32, #tpu.memory_space<vmem>>
    %dma_start3A_145 = arith.constant 0 : i32
    %dma_start3A_146 = tpu.memref_slice %arg4[%dma_start3A_145, %multiple_of3A_141] : memref<32x1000000xf32, #tpu.memory_space<hbm>> -> memref<32x128xf32, #tpu.memory_space<hbm>>
    %dma_start3A_147 = arith.constant 0 : i32
    %dma_start3A_148 = arith.constant 0 : i32
    %dma_start3A_149 = tpu.memref_slice %arg11[%dma_start3A_147, %dma_start3A_148] : memref<128x128xf32, #tpu.memory_space<vmem>> -> memref<32x128xf32, #tpu.memory_space<vmem>>
    %dma_start3A_150 = arith.constant 0 : i32
    %dma_start3A_151 = tpu.memref_slice %arg4[%dma_start3A_150, %multiple_of3A_141] : memref<32x1000000xf32, #tpu.memory_space<hbm>> -> memref<32x128xf32, #tpu.memory_space<hbm>>
    tpu.enqueue_dma source(%dma_start3A_151 : memref<32x128xf32, #tpu.memory_space<hbm>>) target(%dma_start3A_149 : memref<32x128xf32, #tpu.memory_space<vmem>>) target_semaphore(%arg18 : memref<!tpu.dma_semaphore, #tpu.memory_space<semaphore_mem>>)
    %multiple_of3A_152 = tpu.assume_multiple %squeeze3A_140, 128 : i32
    %dma_start3A_153 = arith.constant 0 : i32
    %dma_start3A_154 = arith.constant 0 : i32
    %dma_start3A_155 = tpu.memref_slice %arg12[%dma_start3A_153, %dma_start3A_154] : memref<128x128xf32, #tpu.memory_space<vmem>> -> memref<32x128xf32, #tpu.memory_space<vmem>>
    %dma_start3A_156 = arith.constant 0 : i32
    %dma_start3A_157 = tpu.memref_slice %arg5[%dma_start3A_156, %multiple_of3A_152] : memref<32x1000000xf32, #tpu.memory_space<hbm>> -> memref<32x128xf32, #tpu.memory_space<hbm>>
    %dma_start3A_158 = arith.constant 0 : i32
    %dma_start3A_159 = arith.constant 0 : i32
    %dma_start3A_160 = tpu.memref_slice %arg12[%dma_start3A_158, %dma_start3A_159] : memref<128x128xf32, #tpu.memory_space<vmem>> -> memref<32x128xf32, #tpu.memory_space<vmem>>
    %dma_start3A_161 = arith.constant 0 : i32
    %dma_start3A_162 = tpu.memref_slice %arg5[%dma_start3A_161, %multiple_of3A_152] : memref<32x1000000xf32, #tpu.memory_space<hbm>> -> memref<32x128xf32, #tpu.memory_space<hbm>>
    tpu.enqueue_dma source(%dma_start3A_162 : memref<32x128xf32, #tpu.memory_space<hbm>>) target(%dma_start3A_160 : memref<32x128xf32, #tpu.memory_space<vmem>>) target_semaphore(%arg19 : memref<!tpu.dma_semaphore, #tpu.memory_space<semaphore_mem>>)
    %slice3A_163 = vector.extract_strided_slice %shift_left3A_130 {offsets = [1], sizes = [1], strides = [1]} : vector<16xi32> to vector<1xi32>
    %squeeze3A_164 = vector.extract %slice3A_163[0] : i32 from vector<1xi32>
    %slice3A_165 = vector.extract_strided_slice %shift_left3A_136 {offsets = [1], sizes = [1], strides = [1]} : vector<16xi32> to vector<1xi32>
    %squeeze3A_166 = vector.extract %slice3A_165[0] : i32 from vector<1xi32>
    %multiple_of3A_167 = tpu.assume_multiple %squeeze3A_164, 128 : i32
    %dma_start3A_168 = arith.constant 32 : i32
    %dma_start3A_169 = arith.constant 0 : i32
    %dma_start3A_170 = tpu.memref_slice %arg11[%dma_start3A_168, %dma_start3A_169] : memref<128x128xf32, #tpu.memory_space<vmem>> -> memref<32x128xf32, #tpu.memory_space<vmem>>
    %dma_start3A_171 = arith.constant 0 : i32
    %dma_start3A_172 = tpu.memref_slice %arg4[%dma_start3A_171, %multiple_of3A_167] : memref<32x1000000xf32, #tpu.memory_space<hbm>> -> memref<32x128xf32, #tpu.memory_space<hbm>>
    %dma_start3A_173 = arith.constant 32 : i32
    %dma_start3A_174 = arith.constant 0 : i32
    %dma_start3A_175 = tpu.memref_slice %arg11[%dma_start3A_173, %dma_start3A_174] : memref<128x128xf32, #tpu.memory_space<vmem>> -> memref<32x128xf32, #tpu.memory_space<vmem>>
    %dma_start3A_176 = arith.constant 0 : i32
    %dma_start3A_177 = tpu.memref_slice %arg4[%dma_start3A_176, %multiple_of3A_167] : memref<32x1000000xf32, #tpu.memory_space<hbm>> -> memref<32x128xf32, #tpu.memory_space<hbm>>
    tpu.enqueue_dma source(%dma_start3A_177 : memref<32x128xf32, #tpu.memory_space<hbm>>) target(%dma_start3A_175 : memref<32x128xf32, #tpu.memory_space<vmem>>) target_semaphore(%arg18 : memref<!tpu.dma_semaphore, #tpu.memory_space<semaphore_mem>>)
    %multiple_of3A_178 = tpu.assume_multiple %squeeze3A_166, 128 : i32
    %dma_start3A_179 = arith.constant 32 : i32
    %dma_start3A_180 = arith.constant 0 : i32
    %dma_start3A_181 = tpu.memref_slice %arg12[%dma_start3A_179, %dma_start3A_180] : memref<128x128xf32, #tpu.memory_space<vmem>> -> memref<32x128xf32, #tpu.memory_space<vmem>>
    %dma_start3A_182 = arith.constant 0 : i32
    %dma_start3A_183 = tpu.memref_slice %arg5[%dma_start3A_182, %multiple_of3A_178] : memref<32x1000000xf32, #tpu.memory_space<hbm>> -> memref<32x128xf32, #tpu.memory_space<hbm>>
    %dma_start3A_184 = arith.constant 32 : i32
    %dma_start3A_185 = arith.constant 0 : i32
    %dma_start3A_186 = tpu.memref_slice %arg12[%dma_start3A_184, %dma_start3A_185] : memref<128x128xf32, #tpu.memory_space<vmem>> -> memref<32x128xf32, #tpu.memory_space<vmem>>
    %dma_start3A_187 = arith.constant 0 : i32
    %dma_start3A_188 = tpu.memref_slice %arg5[%dma_start3A_187, %multiple_of3A_178] : memref<32x1000000xf32, #tpu.memory_space<hbm>> -> memref<32x128xf32, #tpu.memory_space<hbm>>
    tpu.enqueue_dma source(%dma_start3A_188 : memref<32x128xf32, #tpu.memory_space<hbm>>) target(%dma_start3A_186 : memref<32x128xf32, #tpu.memory_space<vmem>>) target_semaphore(%arg19 : memref<!tpu.dma_semaphore, #tpu.memory_space<semaphore_mem>>)
    %slice3A_189 = vector.extract_strided_slice %shift_left3A_130 {offsets = [2], sizes = [1], strides = [1]} : vector<16xi32> to vector<1xi32>
    %squeeze3A_190 = vector.extract %slice3A_189[0] : i32 from vector<1xi32>
    %slice3A_191 = vector.extract_strided_slice %shift_left3A_136 {offsets = [2], sizes = [1], strides = [1]} : vector<16xi32> to vector<1xi32>
    %squeeze3A_192 = vector.extract %slice3A_191[0] : i32 from vector<1xi32>
    %multiple_of3A_193 = tpu.assume_multiple %squeeze3A_190, 128 : i32
    %dma_start3A_194 = arith.constant 64 : i32
    %dma_start3A_195 = arith.constant 0 : i32
    %dma_start3A_196 = tpu.memref_slice %arg11[%dma_start3A_194, %dma_start3A_195] : memref<128x128xf32, #tpu.memory_space<vmem>> -> memref<32x128xf32, #tpu.memory_space<vmem>>
    %dma_start3A_197 = arith.constant 0 : i32
    %dma_start3A_198 = tpu.memref_slice %arg4[%dma_start3A_197, %multiple_of3A_193] : memref<32x1000000xf32, #tpu.memory_space<hbm>> -> memref<32x128xf32, #tpu.memory_space<hbm>>
    %dma_start3A_199 = arith.constant 64 : i32
    %dma_start3A_200 = arith.constant 0 : i32
    %dma_start3A_201 = tpu.memref_slice %arg11[%dma_start3A_199, %dma_start3A_200] : memref<128x128xf32, #tpu.memory_space<vmem>> -> memref<32x128xf32, #tpu.memory_space<vmem>>
    %dma_start3A_202 = arith.constant 0 : i32
    %dma_start3A_203 = tpu.memref_slice %arg4[%dma_start3A_202, %multiple_of3A_193] : memref<32x1000000xf32, #tpu.memory_space<hbm>> -> memref<32x128xf32, #tpu.memory_space<hbm>>
    tpu.enqueue_dma source(%dma_start3A_203 : memref<32x128xf32, #tpu.memory_space<hbm>>) target(%dma_start3A_201 : memref<32x128xf32, #tpu.memory_space<vmem>>) target_semaphore(%arg18 : memref<!tpu.dma_semaphore, #tpu.memory_space<semaphore_mem>>)
    %multiple_of3A_204 = tpu.assume_multiple %squeeze3A_192, 128 : i32
    %dma_start3A_205 = arith.constant 64 : i32
    %dma_start3A_206 = arith.constant 0 : i32
    %dma_start3A_207 = tpu.memref_slice %arg12[%dma_start3A_205, %dma_start3A_206] : memref<128x128xf32, #tpu.memory_space<vmem>> -> memref<32x128xf32, #tpu.memory_space<vmem>>
    %dma_start3A_208 = arith.constant 0 : i32
    %dma_start3A_209 = tpu.memref_slice %arg5[%dma_start3A_208, %multiple_of3A_204] : memref<32x1000000xf32, #tpu.memory_space<hbm>> -> memref<32x128xf32, #tpu.memory_space<hbm>>
    %dma_start3A_210 = arith.constant 64 : i32
    %dma_start3A_211 = arith.constant 0 : i32
    %dma_start3A_212 = tpu.memref_slice %arg12[%dma_start3A_210, %dma_start3A_211] : memref<128x128xf32, #tpu.memory_space<vmem>> -> memref<32x128xf32, #tpu.memory_space<vmem>>
    %dma_start3A_213 = arith.constant 0 : i32
    %dma_start3A_214 = tpu.memref_slice %arg5[%dma_start3A_213, %multiple_of3A_204] : memref<32x1000000xf32, #tpu.memory_space<hbm>> -> memref<32x128xf32, #tpu.memory_space<hbm>>
    tpu.enqueue_dma source(%dma_start3A_214 : memref<32x128xf32, #tpu.memory_space<hbm>>) target(%dma_start3A_212 : memref<32x128xf32, #tpu.memory_space<vmem>>) target_semaphore(%arg19 : memref<!tpu.dma_semaphore, #tpu.memory_space<semaphore_mem>>)
    %slice3A_215 = vector.extract_strided_slice %shift_left3A_130 {offsets = [3], sizes = [1], strides = [1]} : vector<16xi32> to vector<1xi32>
    %squeeze3A_216 = vector.extract %slice3A_215[0] : i32 from vector<1xi32>
    %slice3A_217 = vector.extract_strided_slice %shift_left3A_136 {offsets = [3], sizes = [1], strides = [1]} : vector<16xi32> to vector<1xi32>
    %squeeze3A_218 = vector.extract %slice3A_217[0] : i32 from vector<1xi32>
    %multiple_of3A_219 = tpu.assume_multiple %squeeze3A_216, 128 : i32
    %dma_start3A_220 = arith.constant 96 : i32
    %dma_start3A_221 = arith.constant 0 : i32
    %dma_start3A_222 = tpu.memref_slice %arg11[%dma_start3A_220, %dma_start3A_221] : memref<128x128xf32, #tpu.memory_space<vmem>> -> memref<32x128xf32, #tpu.memory_space<vmem>>
    %dma_start3A_223 = arith.constant 0 : i32
    %dma_start3A_224 = tpu.memref_slice %arg4[%dma_start3A_223, %multiple_of3A_219] : memref<32x1000000xf32, #tpu.memory_space<hbm>> -> memref<32x128xf32, #tpu.memory_space<hbm>>
    %dma_start3A_225 = arith.constant 96 : i32
    %dma_start3A_226 = arith.constant 0 : i32
    %dma_start3A_227 = tpu.memref_slice %arg11[%dma_start3A_225, %dma_start3A_226] : memref<128x128xf32, #tpu.memory_space<vmem>> -> memref<32x128xf32, #tpu.memory_space<vmem>>
    %dma_start3A_228 = arith.constant 0 : i32
    %dma_start3A_229 = tpu.memref_slice %arg4[%dma_start3A_228, %multiple_of3A_219] : memref<32x1000000xf32, #tpu.memory_space<hbm>> -> memref<32x128xf32, #tpu.memory_space<hbm>>
    tpu.enqueue_dma source(%dma_start3A_229 : memref<32x128xf32, #tpu.memory_space<hbm>>) target(%dma_start3A_227 : memref<32x128xf32, #tpu.memory_space<vmem>>) target_semaphore(%arg18 : memref<!tpu.dma_semaphore, #tpu.memory_space<semaphore_mem>>)
    %multiple_of3A_230 = tpu.assume_multiple %squeeze3A_218, 128 : i32
    %dma_start3A_231 = arith.constant 96 : i32
    %dma_start3A_232 = arith.constant 0 : i32
    %dma_start3A_233 = tpu.memref_slice %arg12[%dma_start3A_231, %dma_start3A_232] : memref<128x128xf32, #tpu.memory_space<vmem>> -> memref<32x128xf32, #tpu.memory_space<vmem>>
    %dma_start3A_234 = arith.constant 0 : i32
    %dma_start3A_235 = tpu.memref_slice %arg5[%dma_start3A_234, %multiple_of3A_230] : memref<32x1000000xf32, #tpu.memory_space<hbm>> -> memref<32x128xf32, #tpu.memory_space<hbm>>
    %dma_start3A_236 = arith.constant 96 : i32
    %dma_start3A_237 = arith.constant 0 : i32
    %dma_start3A_238 = tpu.memref_slice %arg12[%dma_start3A_236, %dma_start3A_237] : memref<128x128xf32, #tpu.memory_space<vmem>> -> memref<32x128xf32, #tpu.memory_space<vmem>>
    %dma_start3A_239 = arith.constant 0 : i32
    %dma_start3A_240 = tpu.memref_slice %arg5[%dma_start3A_239, %multiple_of3A_230] : memref<32x1000000xf32, #tpu.memory_space<hbm>> -> memref<32x128xf32, #tpu.memory_space<hbm>>
    tpu.enqueue_dma source(%dma_start3A_240 : memref<32x128xf32, #tpu.memory_space<hbm>>) target(%dma_start3A_238 : memref<32x128xf32, #tpu.memory_space<vmem>>) target_semaphore(%arg19 : memref<!tpu.dma_semaphore, #tpu.memory_space<semaphore_mem>>)
    %scan3A = arith.constant 0 : i32
    %scan3A_241 = arith.constant 42 : i32
    %scan3A_242 = arith.addi %scan3A, %scan3A_241 : i32
    %scan3A_243 = arith.constant 1 : i32
    scf.for %scan3A_1106 = %scan3A to %scan3A_242 step %scan3A_243  : i32 {
      %mul3A_1107 = arith.constant 3 : i32
      %mul3A_1108 = arith.muli %scan3A_1106, %mul3A_1107 : i32
      %add3A_1109 = arith.constant 2 : i32
      %add3A_1110 = arith.addi %mul3A_1108, %add3A_1109 : i32
      %mul3A_1111 = arith.constant 4 : i32
      %mul3A_1112 = arith.muli %add3A_1110, %mul3A_1111 : i32
      %get3A_1113 = arith.index_cast %mul3A_1112 : i32 to index
      %get3A_1114 = tpu.vector_load %arg7[%get3A_1113] {strides = array<i32>} : memref<528xi32, #tpu.memory_space<vmem>>, vector<16xi32>,
      %mul3A_1115 = arith.constant 4 : i32
      %mul3A_1116 = arith.muli %add3A_1110, %mul3A_1115 : i32
      %get3A_1117 = arith.index_cast %mul3A_1116 : i32 to index
      %get3A_1118 = tpu.vector_load %arg8[%get3A_1117] {strides = array<i32>} : memref<528xi32, #tpu.memory_space<vmem>>, vector<16xi32>,
      %shift_right_arithmetic3A_1119 = arith.constant 7 : i32
      %shift_right_arithmetic3A_1120 = vector.broadcast %shift_right_arithmetic3A_1119 : i32 to vector<16xi32>
      %shift_right_arithmetic3A_1121 = arith.shrsi %get3A_1114, %shift_right_arithmetic3A_1120 : vector<16xi32>
      %shift_left3A_1122 = arith.constant 7 : i32
      %shift_left3A_1123 = vector.broadcast %shift_left3A_1122 : i32 to vector<16xi32>
      %shift_left3A_1124 = arith.shli %shift_right_arithmetic3A_1121, %shift_left3A_1123 : vector<16xi32>
      %shift_right_arithmetic3A_1125 = arith.constant 7 : i32
      %shift_right_arithmetic3A_1126 = vector.broadcast %shift_right_arithmetic3A_1125 : i32 to vector<16xi32>
      %shift_right_arithmetic3A_1127 = arith.shrsi %get3A_1118, %shift_right_arithmetic3A_1126 : vector<16xi32>
      %shift_left3A_1128 = arith.constant 7 : i32
      %shift_left3A_1129 = vector.broadcast %shift_left3A_1128 : i32 to vector<16xi32>
      %shift_left3A_1130 = arith.shli %shift_right_arithmetic3A_1127, %shift_left3A_1129 : vector<16xi32>
      %slice3A_1131 = vector.extract_strided_slice %shift_left3A_1124 {offsets = [0], sizes = [1], strides = [1]} : vector<16xi32> to vector<1xi32>
      %squeeze3A_1132 = vector.extract %slice3A_1131[0] : i32 from vector<1xi32>
      %slice3A_1133 = vector.extract_strided_slice %shift_left3A_1130 {offsets = [0], sizes = [1], strides = [1]} : vector<16xi32> to vector<1xi32>
      %squeeze3A_1134 = vector.extract %slice3A_1133[0] : i32 from vector<1xi32>
      %multiple_of3A_1135 = tpu.assume_multiple %squeeze3A_1132, 128 : i32
      %dma_start3A_1136 = arith.constant 0 : i32
      %dma_start3A_1137 = arith.constant 0 : i32
      %dma_start3A_1138 = tpu.memref_slice %arg13[%dma_start3A_1136, %dma_start3A_1137] : memref<128x128xf32, #tpu.memory_space<vmem>> -> memref<32x128xf32, #tpu.memory_space<vmem>>
      %dma_start3A_1139 = arith.constant 0 : i32
      %dma_start3A_1140 = tpu.memref_slice %arg4[%dma_start3A_1139, %multiple_of3A_1135] : memref<32x1000000xf32, #tpu.memory_space<hbm>> -> memref<32x128xf32, #tpu.memory_space<hbm>>
      %dma_start3A_1141 = arith.constant 0 : i32
      %dma_start3A_1142 = arith.constant 0 : i32
      %dma_start3A_1143 = tpu.memref_slice %arg13[%dma_start3A_1141, %dma_start3A_1142] : memref<128x128xf32, #tpu.memory_space<vmem>> -> memref<32x128xf32, #tpu.memory_space<vmem>>
      %dma_start3A_1144 = arith.constant 0 : i32
      %dma_start3A_1145 = tpu.memref_slice %arg4[%dma_start3A_1144, %multiple_of3A_1135] : memref<32x1000000xf32, #tpu.memory_space<hbm>> -> memref<32x128xf32, #tpu.memory_space<hbm>>
      tpu.enqueue_dma source(%dma_start3A_1145 : memref<32x128xf32, #tpu.memory_space<hbm>>) target(%dma_start3A_1143 : memref<32x128xf32, #tpu.memory_space<vmem>>) target_semaphore(%arg20 : memref<!tpu.dma_semaphore, #tpu.memory_space<semaphore_mem>>)
      %multiple_of3A_1146 = tpu.assume_multiple %squeeze3A_1134, 128 : i32
      %dma_start3A_1147 = arith.constant 0 : i32
      %dma_start3A_1148 = arith.constant 0 : i32
      %dma_start3A_1149 = tpu.memref_slice %arg14[%dma_start3A_1147, %dma_start3A_1148] : memref<128x128xf32, #tpu.memory_space<vmem>> -> memref<32x128xf32, #tpu.memory_space<vmem>>
      %dma_start3A_1150 = arith.constant 0 : i32
      %dma_start3A_1151 = tpu.memref_slice %arg5[%dma_start3A_1150, %multiple_of3A_1146] : memref<32x1000000xf32, #tpu.memory_space<hbm>> -> memref<32x128xf32, #tpu.memory_space<hbm>>
      %dma_start3A_1152 = arith.constant 0 : i32
      %dma_start3A_1153 = arith.constant 0 : i32
      %dma_start3A_1154 = tpu.memref_slice %arg14[%dma_start3A_1152, %dma_start3A_1153] : memref<128x128xf32, #tpu.memory_space<vmem>> -> memref<32x128xf32, #tpu.memory_space<vmem>>
      %dma_start3A_1155 = arith.constant 0 : i32
      %dma_start3A_1156 = tpu.memref_slice %arg5[%dma_start3A_1155, %multiple_of3A_1146] : memref<32x1000000xf32, #tpu.memory_space<hbm>> -> memref<32x128xf32, #tpu.memory_space<hbm>>
      tpu.enqueue_dma source(%dma_start3A_1156 : memref<32x128xf32, #tpu.memory_space<hbm>>) target(%dma_start3A_1154 : memref<32x128xf32, #tpu.memory_space<vmem>>) target_semaphore(%arg21 : memref<!tpu.dma_semaphore, #tpu.memory_space<semaphore_mem>>)
      %slice3A_1157 = vector.extract_strided_slice %shift_left3A_1124 {offsets = [1], sizes = [1], strides = [1]} : vector<16xi32> to vector<1xi32>
      %squeeze3A_1158 = vector.extract %slice3A_1157[0] : i32 from vector<1xi32>
      %slice3A_1159 = vector.extract_strided_slice %shift_left3A_1130 {offsets = [1], sizes = [1], strides = [1]} : vector<16xi32> to vector<1xi32>
      %squeeze3A_1160 = vector.extract %slice3A_1159[0] : i32 from vector<1xi32>
      %multiple_of3A_1161 = tpu.assume_multiple %squeeze3A_1158, 128 : i32
      %dma_start3A_1162 = arith.constant 32 : i32
      %dma_start3A_1163 = arith.constant 0 : i32
      %dma_start3A_1164 = tpu.memref_slice %arg13[%dma_start3A_1162, %dma_start3A_1163] : memref<128x128xf32, #tpu.memory_space<vmem>> -> memref<32x128xf32, #tpu.memory_space<vmem>>
      %dma_start3A_1165 = arith.constant 0 : i32
      %dma_start3A_1166 = tpu.memref_slice %arg4[%dma_start3A_1165, %multiple_of3A_1161] : memref<32x1000000xf32, #tpu.memory_space<hbm>> -> memref<32x128xf32, #tpu.memory_space<hbm>>
      %dma_start3A_1167 = arith.constant 32 : i32
      %dma_start3A_1168 = arith.constant 0 : i32
      %dma_start3A_1169 = tpu.memref_slice %arg13[%dma_start3A_1167, %dma_start3A_1168] : memref<128x128xf32, #tpu.memory_space<vmem>> -> memref<32x128xf32, #tpu.memory_space<vmem>>
      %dma_start3A_1170 = arith.constant 0 : i32
      %dma_start3A_1171 = tpu.memref_slice %arg4[%dma_start3A_1170, %multiple_of3A_1161] : memref<32x1000000xf32, #tpu.memory_space<hbm>> -> memref<32x128xf32, #tpu.memory_space<hbm>>
      tpu.enqueue_dma source(%dma_start3A_1171 : memref<32x128xf32, #tpu.memory_space<hbm>>) target(%dma_start3A_1169 : memref<32x128xf32, #tpu.memory_space<vmem>>) target_semaphore(%arg20 : memref<!tpu.dma_semaphore, #tpu.memory_space<semaphore_mem>>)
      %multiple_of3A_1172 = tpu.assume_multiple %squeeze3A_1160, 128 : i32
      %dma_start3A_1173 = arith.constant 32 : i32
      %dma_start3A_1174 = arith.constant 0 : i32
      %dma_start3A_1175 = tpu.memref_slice %arg14[%dma_start3A_1173, %dma_start3A_1174] : memref<128x128xf32, #tpu.memory_space<vmem>> -> memref<32x128xf32, #tpu.memory_space<vmem>>
      %dma_start3A_1176 = arith.constant 0 : i32
      %dma_start3A_1177 = tpu.memref_slice %arg5[%dma_start3A_1176, %multiple_of3A_1172] : memref<32x1000000xf32, #tpu.memory_space<hbm>> -> memref<32x128xf32, #tpu.memory_space<hbm>>
      %dma_start3A_1178 = arith.constant 32 : i32
      %dma_start3A_1179 = arith.constant 0 : i32
      %dma_start3A_1180 = tpu.memref_slice %arg14[%dma_start3A_1178, %dma_start3A_1179] : memref<128x128xf32, #tpu.memory_space<vmem>> -> memref<32x128xf32, #tpu.memory_space<vmem>>
      %dma_start3A_1181 = arith.constant 0 : i32
      %dma_start3A_1182 = tpu.memref_slice %arg5[%dma_start3A_1181, %multiple_of3A_1172] : memref<32x1000000xf32, #tpu.memory_space<hbm>> -> memref<32x128xf32, #tpu.memory_space<hbm>>
      tpu.enqueue_dma source(%dma_start3A_1182 : memref<32x128xf32, #tpu.memory_space<hbm>>) target(%dma_start3A_1180 : memref<32x128xf32, #tpu.memory_space<vmem>>) target_semaphore(%arg21 : memref<!tpu.dma_semaphore, #tpu.memory_space<semaphore_mem>>)
      %slice3A_1183 = vector.extract_strided_slice %shift_left3A_1124 {offsets = [2], sizes = [1], strides = [1]} : vector<16xi32> to vector<1xi32>
      %squeeze3A_1184 = vector.extract %slice3A_1183[0] : i32 from vector<1xi32>
      %slice3A_1185 = vector.extract_strided_slice %shift_left3A_1130 {offsets = [2], sizes = [1], strides = [1]} : vector<16xi32> to vector<1xi32>
      %squeeze3A_1186 = vector.extract %slice3A_1185[0] : i32 from vector<1xi32>
      %multiple_of3A_1187 = tpu.assume_multiple %squeeze3A_1184, 128 : i32
      %dma_start3A_1188 = arith.constant 64 : i32
      %dma_start3A_1189 = arith.constant 0 : i32
      %dma_start3A_1190 = tpu.memref_slice %arg13[%dma_start3A_1188, %dma_start3A_1189] : memref<128x128xf32, #tpu.memory_space<vmem>> -> memref<32x128xf32, #tpu.memory_space<vmem>>
      %dma_start3A_1191 = arith.constant 0 : i32
      %dma_start3A_1192 = tpu.memref_slice %arg4[%dma_start3A_1191, %multiple_of3A_1187] : memref<32x1000000xf32, #tpu.memory_space<hbm>> -> memref<32x128xf32, #tpu.memory_space<hbm>>
      %dma_start3A_1193 = arith.constant 64 : i32
      %dma_start3A_1194 = arith.constant 0 : i32
      %dma_start3A_1195 = tpu.memref_slice %arg13[%dma_start3A_1193, %dma_start3A_1194] : memref<128x128xf32, #tpu.memory_space<vmem>> -> memref<32x128xf32, #tpu.memory_space<vmem>>
      %dma_start3A_1196 = arith.constant 0 : i32
      %dma_start3A_1197 = tpu.memref_slice %arg4[%dma_start3A_1196, %multiple_of3A_1187] : memref<32x1000000xf32, #tpu.memory_space<hbm>> -> memref<32x128xf32, #tpu.memory_space<hbm>>
      tpu.enqueue_dma source(%dma_start3A_1197 : memref<32x128xf32, #tpu.memory_space<hbm>>) target(%dma_start3A_1195 : memref<32x128xf32, #tpu.memory_space<vmem>>) target_semaphore(%arg20 : memref<!tpu.dma_semaphore, #tpu.memory_space<semaphore_mem>>)
      %multiple_of3A_1198 = tpu.assume_multiple %squeeze3A_1186, 128 : i32
      %dma_start3A_1199 = arith.constant 64 : i32
      %dma_start3A_1200 = arith.constant 0 : i32
      %dma_start3A_1201 = tpu.memref_slice %arg14[%dma_start3A_1199, %dma_start3A_1200] : memref<128x128xf32, #tpu.memory_space<vmem>> -> memref<32x128xf32, #tpu.memory_space<vmem>>
      %dma_start3A_1202 = arith.constant 0 : i32
      %dma_start3A_1203 = tpu.memref_slice %arg5[%dma_start3A_1202, %multiple_of3A_1198] : memref<32x1000000xf32, #tpu.memory_space<hbm>> -> memref<32x128xf32, #tpu.memory_space<hbm>>
      %dma_start3A_1204 = arith.constant 64 : i32
      %dma_start3A_1205 = arith.constant 0 : i32
      %dma_start3A_1206 = tpu.memref_slice %arg14[%dma_start3A_1204, %dma_start3A_1205] : memref<128x128xf32, #tpu.memory_space<vmem>> -> memref<32x128xf32, #tpu.memory_space<vmem>>
      %dma_start3A_1207 = arith.constant 0 : i32
      %dma_start3A_1208 = tpu.memref_slice %arg5[%dma_start3A_1207, %multiple_of3A_1198] : memref<32x1000000xf32, #tpu.memory_space<hbm>> -> memref<32x128xf32, #tpu.memory_space<hbm>>
      tpu.enqueue_dma source(%dma_start3A_1208 : memref<32x128xf32, #tpu.memory_space<hbm>>) target(%dma_start3A_1206 : memref<32x128xf32, #tpu.memory_space<vmem>>) target_semaphore(%arg21 : memref<!tpu.dma_semaphore, #tpu.memory_space<semaphore_mem>>)
      %slice3A_1209 = vector.extract_strided_slice %shift_left3A_1124 {offsets = [3], sizes = [1], strides = [1]} : vector<16xi32> to vector<1xi32>
      %squeeze3A_1210 = vector.extract %slice3A_1209[0] : i32 from vector<1xi32>
      %slice3A_1211 = vector.extract_strided_slice %shift_left3A_1130 {offsets = [3], sizes = [1], strides = [1]} : vector<16xi32> to vector<1xi32>
      %squeeze3A_1212 = vector.extract %slice3A_1211[0] : i32 from vector<1xi32>
      %multiple_of3A_1213 = tpu.assume_multiple %squeeze3A_1210, 128 : i32
      %dma_start3A_1214 = arith.constant 96 : i32
      %dma_start3A_1215 = arith.constant 0 : i32
      %dma_start3A_1216 = tpu.memref_slice %arg13[%dma_start3A_1214, %dma_start3A_1215] : memref<128x128xf32, #tpu.memory_space<vmem>> -> memref<32x128xf32, #tpu.memory_space<vmem>>
      %dma_start3A_1217 = arith.constant 0 : i32
      %dma_start3A_1218 = tpu.memref_slice %arg4[%dma_start3A_1217, %multiple_of3A_1213] : memref<32x1000000xf32, #tpu.memory_space<hbm>> -> memref<32x128xf32, #tpu.memory_space<hbm>>
      %dma_start3A_1219 = arith.constant 96 : i32
      %dma_start3A_1220 = arith.constant 0 : i32
      %dma_start3A_1221 = tpu.memref_slice %arg13[%dma_start3A_1219, %dma_start3A_1220] : memref<128x128xf32, #tpu.memory_space<vmem>> -> memref<32x128xf32, #tpu.memory_space<vmem>>
      %dma_start3A_1222 = arith.constant 0 : i32
      %dma_start3A_1223 = tpu.memref_slice %arg4[%dma_start3A_1222, %multiple_of3A_1213] : memref<32x1000000xf32, #tpu.memory_space<hbm>> -> memref<32x128xf32, #tpu.memory_space<hbm>>
      tpu.enqueue_dma source(%dma_start3A_1223 : memref<32x128xf32, #tpu.memory_space<hbm>>) target(%dma_start3A_1221 : memref<32x128xf32, #tpu.memory_space<vmem>>) target_semaphore(%arg20 : memref<!tpu.dma_semaphore, #tpu.memory_space<semaphore_mem>>)
      %multiple_of3A_1224 = tpu.assume_multiple %squeeze3A_1212, 128 : i32
      %dma_start3A_1225 = arith.constant 96 : i32
      %dma_start3A_1226 = arith.constant 0 : i32
      %dma_start3A_1227 = tpu.memref_slice %arg14[%dma_start3A_1225, %dma_start3A_1226] : memref<128x128xf32, #tpu.memory_space<vmem>> -> memref<32x128xf32, #tpu.memory_space<vmem>>
      %dma_start3A_1228 = arith.constant 0 : i32
      %dma_start3A_1229 = tpu.memref_slice %arg5[%dma_start3A_1228, %multiple_of3A_1224] : memref<32x1000000xf32, #tpu.memory_space<hbm>> -> memref<32x128xf32, #tpu.memory_space<hbm>>
      %dma_start3A_1230 = arith.constant 96 : i32
      %dma_start3A_1231 = arith.constant 0 : i32
      %dma_start3A_1232 = tpu.memref_slice %arg14[%dma_start3A_1230, %dma_start3A_1231] : memref<128x128xf32, #tpu.memory_space<vmem>> -> memref<32x128xf32, #tpu.memory_space<vmem>>
      %dma_start3A_1233 = arith.constant 0 : i32
      %dma_start3A_1234 = tpu.memref_slice %arg5[%dma_start3A_1233, %multiple_of3A_1224] : memref<32x1000000xf32, #tpu.memory_space<hbm>> -> memref<32x128xf32, #tpu.memory_space<hbm>>
      tpu.enqueue_dma source(%dma_start3A_1234 : memref<32x128xf32, #tpu.memory_space<hbm>>) target(%dma_start3A_1232 : memref<32x128xf32, #tpu.memory_space<vmem>>) target_semaphore(%arg21 : memref<!tpu.dma_semaphore, #tpu.memory_space<semaphore_mem>>)
      %dma_wait3A_1235 = arith.constant 0 : i32
      %dma_wait3A_1236 = arith.constant 0 : i32
      %dma_wait3A_1237 = tpu.memref_slice %arg9[%dma_wait3A_1235, %dma_wait3A_1236] : memref<128x128xf32, #tpu.memory_space<vmem>> -> memref<32x128xf32, #tpu.memory_space<vmem>>
      %dma_wait3A_1238 = arith.constant 0 : i32
      %dma_wait3A_1239 = arith.constant 0 : i32
      %dma_wait3A_1240 = tpu.memref_slice %arg4[%dma_wait3A_1238, %dma_wait3A_1239] : memref<32x1000000xf32, #tpu.memory_space<hbm>> -> memref<32x128xf32, #tpu.memory_space<hbm>>
      %dma_wait3A_1241 = arith.constant 0 : i32
      %dma_wait3A_1242 = arith.constant 0 : i32
      %dma_wait3A_1243 = tpu.memref_slice %arg9[%dma_wait3A_1241, %dma_wait3A_1242] : memref<128x128xf32, #tpu.memory_space<vmem>> -> memref<32x128xf32, #tpu.memory_space<vmem>>
      %dma_wait3A_1244 = arith.constant 0 : i32
      %dma_wait3A_1245 = arith.constant 0 : i32
      %dma_wait3A_1246 = tpu.memref_slice %arg4[%dma_wait3A_1244, %dma_wait3A_1245] : memref<32x1000000xf32, #tpu.memory_space<hbm>> -> memref<32x128xf32, #tpu.memory_space<hbm>>
      tpu.wait_dma2 semaphore(%arg16 : memref<!tpu.dma_semaphore, #tpu.memory_space<semaphore_mem>>) src(%dma_wait3A_1246 : memref<32x128xf32, #tpu.memory_space<hbm>>) dst(%dma_wait3A_1243 : memref<32x128xf32, #tpu.memory_space<vmem>>)
      %dma_wait3A_1247 = arith.constant 0 : i32
      %dma_wait3A_1248 = arith.constant 0 : i32
      %dma_wait3A_1249 = tpu.memref_slice %arg10[%dma_wait3A_1247, %dma_wait3A_1248] : memref<128x128xf32, #tpu.memory_space<vmem>> -> memref<32x128xf32, #tpu.memory_space<vmem>>
      %dma_wait3A_1250 = arith.constant 0 : i32
      %dma_wait3A_1251 = arith.constant 0 : i32
      %dma_wait3A_1252 = tpu.memref_slice %arg5[%dma_wait3A_1250, %dma_wait3A_1251] : memref<32x1000000xf32, #tpu.memory_space<hbm>> -> memref<32x128xf32, #tpu.memory_space<hbm>>
      %dma_wait3A_1253 = arith.constant 0 : i32
      %dma_wait3A_1254 = arith.constant 0 : i32
      %dma_wait3A_1255 = tpu.memref_slice %arg10[%dma_wait3A_1253, %dma_wait3A_1254] : memref<128x128xf32, #tpu.memory_space<vmem>> -> memref<32x128xf32, #tpu.memory_space<vmem>>
      %dma_wait3A_1256 = arith.constant 0 : i32
      %dma_wait3A_1257 = arith.constant 0 : i32
      %dma_wait3A_1258 = tpu.memref_slice %arg5[%dma_wait3A_1256, %dma_wait3A_1257] : memref<32x1000000xf32, #tpu.memory_space<hbm>> -> memref<32x128xf32, #tpu.memory_space<hbm>>
      tpu.wait_dma2 semaphore(%arg17 : memref<!tpu.dma_semaphore, #tpu.memory_space<semaphore_mem>>) src(%dma_wait3A_1258 : memref<32x128xf32, #tpu.memory_space<hbm>>) dst(%dma_wait3A_1255 : memref<32x128xf32, #tpu.memory_space<vmem>>)
      %dma_wait3A_1259 = arith.constant 32 : i32
      %dma_wait3A_1260 = arith.constant 0 : i32
      %dma_wait3A_1261 = tpu.memref_slice %arg9[%dma_wait3A_1259, %dma_wait3A_1260] : memref<128x128xf32, #tpu.memory_space<vmem>> -> memref<32x128xf32, #tpu.memory_space<vmem>>
      %dma_wait3A_1262 = arith.constant 0 : i32
      %dma_wait3A_1263 = arith.constant 0 : i32
      %dma_wait3A_1264 = tpu.memref_slice %arg4[%dma_wait3A_1262, %dma_wait3A_1263] : memref<32x1000000xf32, #tpu.memory_space<hbm>> -> memref<32x128xf32, #tpu.memory_space<hbm>>
      %dma_wait3A_1265 = arith.constant 32 : i32
      %dma_wait3A_1266 = arith.constant 0 : i32
      %dma_wait3A_1267 = tpu.memref_slice %arg9[%dma_wait3A_1265, %dma_wait3A_1266] : memref<128x128xf32, #tpu.memory_space<vmem>> -> memref<32x128xf32, #tpu.memory_space<vmem>>
      %dma_wait3A_1268 = arith.constant 0 : i32
      %dma_wait3A_1269 = arith.constant 0 : i32
      %dma_wait3A_1270 = tpu.memref_slice %arg4[%dma_wait3A_1268, %dma_wait3A_1269] : memref<32x1000000xf32, #tpu.memory_space<hbm>> -> memref<32x128xf32, #tpu.memory_space<hbm>>
      tpu.wait_dma2 semaphore(%arg16 : memref<!tpu.dma_semaphore, #tpu.memory_space<semaphore_mem>>) src(%dma_wait3A_1270 : memref<32x128xf32, #tpu.memory_space<hbm>>) dst(%dma_wait3A_1267 : memref<32x128xf32, #tpu.memory_space<vmem>>)
      %dma_wait3A_1271 = arith.constant 32 : i32
      %dma_wait3A_1272 = arith.constant 0 : i32
      %dma_wait3A_1273 = tpu.memref_slice %arg10[%dma_wait3A_1271, %dma_wait3A_1272] : memref<128x128xf32, #tpu.memory_space<vmem>> -> memref<32x128xf32, #tpu.memory_space<vmem>>
      %dma_wait3A_1274 = arith.constant 0 : i32
      %dma_wait3A_1275 = arith.constant 0 : i32
      %dma_wait3A_1276 = tpu.memref_slice %arg5[%dma_wait3A_1274, %dma_wait3A_1275] : memref<32x1000000xf32, #tpu.memory_space<hbm>> -> memref<32x128xf32, #tpu.memory_space<hbm>>
      %dma_wait3A_1277 = arith.constant 32 : i32
      %dma_wait3A_1278 = arith.constant 0 : i32
      %dma_wait3A_1279 = tpu.memref_slice %arg10[%dma_wait3A_1277, %dma_wait3A_1278] : memref<128x128xf32, #tpu.memory_space<vmem>> -> memref<32x128xf32, #tpu.memory_space<vmem>>
      %dma_wait3A_1280 = arith.constant 0 : i32
      %dma_wait3A_1281 = arith.constant 0 : i32
      %dma_wait3A_1282 = tpu.memref_slice %arg5[%dma_wait3A_1280, %dma_wait3A_1281] : memref<32x1000000xf32, #tpu.memory_space<hbm>> -> memref<32x128xf32, #tpu.memory_space<hbm>>
      tpu.wait_dma2 semaphore(%arg17 : memref<!tpu.dma_semaphore, #tpu.memory_space<semaphore_mem>>) src(%dma_wait3A_1282 : memref<32x128xf32, #tpu.memory_space<hbm>>) dst(%dma_wait3A_1279 : memref<32x128xf32, #tpu.memory_space<vmem>>)
      %dma_wait3A_1283 = arith.constant 64 : i32
      %dma_wait3A_1284 = arith.constant 0 : i32
      %dma_wait3A_1285 = tpu.memref_slice %arg9[%dma_wait3A_1283, %dma_wait3A_1284] : memref<128x128xf32, #tpu.memory_space<vmem>> -> memref<32x128xf32, #tpu.memory_space<vmem>>
      %dma_wait3A_1286 = arith.constant 0 : i32
      %dma_wait3A_1287 = arith.constant 0 : i32
      %dma_wait3A_1288 = tpu.memref_slice %arg4[%dma_wait3A_1286, %dma_wait3A_1287] : memref<32x1000000xf32, #tpu.memory_space<hbm>> -> memref<32x128xf32, #tpu.memory_space<hbm>>
      %dma_wait3A_1289 = arith.constant 64 : i32
      %dma_wait3A_1290 = arith.constant 0 : i32
      %dma_wait3A_1291 = tpu.memref_slice %arg9[%dma_wait3A_1289, %dma_wait3A_1290] : memref<128x128xf32, #tpu.memory_space<vmem>> -> memref<32x128xf32, #tpu.memory_space<vmem>>
      %dma_wait3A_1292 = arith.constant 0 : i32
      %dma_wait3A_1293 = arith.constant 0 : i32
      %dma_wait3A_1294 = tpu.memref_slice %arg4[%dma_wait3A_1292, %dma_wait3A_1293] : memref<32x1000000xf32, #tpu.memory_space<hbm>> -> memref<32x128xf32, #tpu.memory_space<hbm>>
      tpu.wait_dma2 semaphore(%arg16 : memref<!tpu.dma_semaphore, #tpu.memory_space<semaphore_mem>>) src(%dma_wait3A_1294 : memref<32x128xf32, #tpu.memory_space<hbm>>) dst(%dma_wait3A_1291 : memref<32x128xf32, #tpu.memory_space<vmem>>)
      %dma_wait3A_1295 = arith.constant 64 : i32
      %dma_wait3A_1296 = arith.constant 0 : i32
      %dma_wait3A_1297 = tpu.memref_slice %arg10[%dma_wait3A_1295, %dma_wait3A_1296] : memref<128x128xf32, #tpu.memory_space<vmem>> -> memref<32x128xf32, #tpu.memory_space<vmem>>
      %dma_wait3A_1298 = arith.constant 0 : i32
      %dma_wait3A_1299 = arith.constant 0 : i32
      %dma_wait3A_1300 = tpu.memref_slice %arg5[%dma_wait3A_1298, %dma_wait3A_1299] : memref<32x1000000xf32, #tpu.memory_space<hbm>> -> memref<32x128xf32, #tpu.memory_space<hbm>>
      %dma_wait3A_1301 = arith.constant 64 : i32
      %dma_wait3A_1302 = arith.constant 0 : i32
      %dma_wait3A_1303 = tpu.memref_slice %arg10[%dma_wait3A_1301, %dma_wait3A_1302] : memref<128x128xf32, #tpu.memory_space<vmem>> -> memref<32x128xf32, #tpu.memory_space<vmem>>
      %dma_wait3A_1304 = arith.constant 0 : i32
      %dma_wait3A_1305 = arith.constant 0 : i32
      %dma_wait3A_1306 = tpu.memref_slice %arg5[%dma_wait3A_1304, %dma_wait3A_1305] : memref<32x1000000xf32, #tpu.memory_space<hbm>> -> memref<32x128xf32, #tpu.memory_space<hbm>>
      tpu.wait_dma2 semaphore(%arg17 : memref<!tpu.dma_semaphore, #tpu.memory_space<semaphore_mem>>) src(%dma_wait3A_1306 : memref<32x128xf32, #tpu.memory_space<hbm>>) dst(%dma_wait3A_1303 : memref<32x128xf32, #tpu.memory_space<vmem>>)
      %dma_wait3A_1307 = arith.constant 96 : i32
      %dma_wait3A_1308 = arith.constant 0 : i32
      %dma_wait3A_1309 = tpu.memref_slice %arg9[%dma_wait3A_1307, %dma_wait3A_1308] : memref<128x128xf32, #tpu.memory_space<vmem>> -> memref<32x128xf32, #tpu.memory_space<vmem>>
      %dma_wait3A_1310 = arith.constant 0 : i32
      %dma_wait3A_1311 = arith.constant 0 : i32
      %dma_wait3A_1312 = tpu.memref_slice %arg4[%dma_wait3A_1310, %dma_wait3A_1311] : memref<32x1000000xf32, #tpu.memory_space<hbm>> -> memref<32x128xf32, #tpu.memory_space<hbm>>
      %dma_wait3A_1313 = arith.constant 96 : i32
      %dma_wait3A_1314 = arith.constant 0 : i32
      %dma_wait3A_1315 = tpu.memref_slice %arg9[%dma_wait3A_1313, %dma_wait3A_1314] : memref<128x128xf32, #tpu.memory_space<vmem>> -> memref<32x128xf32, #tpu.memory_space<vmem>>
      %dma_wait3A_1316 = arith.constant 0 : i32
      %dma_wait3A_1317 = arith.constant 0 : i32
      %dma_wait3A_1318 = tpu.memref_slice %arg4[%dma_wait3A_1316, %dma_wait3A_1317] : memref<32x1000000xf32, #tpu.memory_space<hbm>> -> memref<32x128xf32, #tpu.memory_space<hbm>>
      tpu.wait_dma2 semaphore(%arg16 : memref<!tpu.dma_semaphore, #tpu.memory_space<semaphore_mem>>) src(%dma_wait3A_1318 : memref<32x128xf32, #tpu.memory_space<hbm>>) dst(%dma_wait3A_1315 : memref<32x128xf32, #tpu.memory_space<vmem>>)
      %dma_wait3A_1319 = arith.constant 96 : i32
      %dma_wait3A_1320 = arith.constant 0 : i32
      %dma_wait3A_1321 = tpu.memref_slice %arg10[%dma_wait3A_1319, %dma_wait3A_1320] : memref<128x128xf32, #tpu.memory_space<vmem>> -> memref<32x128xf32, #tpu.memory_space<vmem>>
      %dma_wait3A_1322 = arith.constant 0 : i32
      %dma_wait3A_1323 = arith.constant 0 : i32
      %dma_wait3A_1324 = tpu.memref_slice %arg5[%dma_wait3A_1322, %dma_wait3A_1323] : memref<32x1000000xf32, #tpu.memory_space<hbm>> -> memref<32x128xf32, #tpu.memory_space<hbm>>
      %dma_wait3A_1325 = arith.constant 96 : i32
      %dma_wait3A_1326 = arith.constant 0 : i32
      %dma_wait3A_1327 = tpu.memref_slice %arg10[%dma_wait3A_1325, %dma_wait3A_1326] : memref<128x128xf32, #tpu.memory_space<vmem>> -> memref<32x128xf32, #tpu.memory_space<vmem>>
      %dma_wait3A_1328 = arith.constant 0 : i32
      %dma_wait3A_1329 = arith.constant 0 : i32
      %dma_wait3A_1330 = tpu.memref_slice %arg5[%dma_wait3A_1328, %dma_wait3A_1329] : memref<32x1000000xf32, #tpu.memory_space<hbm>> -> memref<32x128xf32, #tpu.memory_space<hbm>>
      tpu.wait_dma2 semaphore(%arg17 : memref<!tpu.dma_semaphore, #tpu.memory_space<semaphore_mem>>) src(%dma_wait3A_1330 : memref<32x128xf32, #tpu.memory_space<hbm>>) dst(%dma_wait3A_1327 : memref<32x128xf32, #tpu.memory_space<vmem>>)
      %mul3A_1331 = arith.constant 4 : i32
      %mul3A_1332 = arith.muli %mul3A_1108, %mul3A_1331 : i32
      %get3A_1333 = arith.index_cast %mul3A_1332 : i32 to index
      %get3A_1334 = tpu.vector_load %arg7[%get3A_1333] {strides = array<i32>} : memref<528xi32, #tpu.memory_space<vmem>>, vector<16xi32>,
      %mul3A_1335 = arith.constant 4 : i32
      %mul3A_1336 = arith.muli %mul3A_1108, %mul3A_1335 : i32
      %get3A_1337 = arith.index_cast %mul3A_1336 : i32 to index
      %get3A_1338 = tpu.vector_load %arg8[%get3A_1337] {strides = array<i32>} : memref<528xi32, #tpu.memory_space<vmem>>, vector<16xi32>,
      %and3A_1339 = arith.constant 127 : i32
      %and3A_1340 = vector.broadcast %and3A_1339 : i32 to vector<16xi32>
      %and3A_1341 = arith.andi %get3A_1334, %and3A_1340 : vector<16xi32>
      %and3A_1342 = arith.constant 127 : i32
      %and3A_1343 = vector.broadcast %and3A_1342 : i32 to vector<16xi32>
      %and3A_1344 = arith.andi %get3A_1338, %and3A_1343 : vector<16xi32>
      %broadcast_in_dim3A_1345 = arith.constant 0.000000e+00 : f32
      %broadcast_in_dim3A_1346 = vector.broadcast %broadcast_in_dim3A_1345 : f32 to vector<16xf32>
      %add3A_1347 = arith.constant 0 : i32
      %add3A_1348 = vector.broadcast %add3A_1347 : i32 to vector<16xi32>
      %add3A_1349 = arith.addi %mul3A_7, %add3A_1348 : vector<16xi32>
      %gather3A_1350 = tpu.vector_load_idx %arg9[%add3A_1349, %and3A_1341] : memref<128x128xf32, #tpu.memory_space<vmem>>[vector<16xi32>, vector<16xi32>], vector<16xf32>,
      %add3A_1351 = arith.constant 0 : i32
      %add3A_1352 = vector.broadcast %add3A_1351 : i32 to vector<16xi32>
      %add3A_1353 = arith.addi %mul3A_7, %add3A_1352 : vector<16xi32>
      %gather3A_1354 = tpu.vector_load_idx %arg10[%add3A_1353, %and3A_1344] : memref<128x128xf32, #tpu.memory_space<vmem>>[vector<16xi32>, vector<16xi32>], vector<16xf32>,
      %mul3A_1355 = arith.mulf %gather3A_1350, %gather3A_1354 : vector<16xf32>
      %add3A_1356 = arith.addf %broadcast_in_dim3A_1346, %mul3A_1355 : vector<16xf32>
      %add3A_1357 = arith.constant 1 : i32
      %add3A_1358 = vector.broadcast %add3A_1357 : i32 to vector<16xi32>
      %add3A_1359 = arith.addi %mul3A_7, %add3A_1358 : vector<16xi32>
      %gather3A_1360 = tpu.vector_load_idx %arg9[%add3A_1359, %and3A_1341] : memref<128x128xf32, #tpu.memory_space<vmem>>[vector<16xi32>, vector<16xi32>], vector<16xf32>,
      %add3A_1361 = arith.constant 1 : i32
      %add3A_1362 = vector.broadcast %add3A_1361 : i32 to vector<16xi32>
      %add3A_1363 = arith.addi %mul3A_7, %add3A_1362 : vector<16xi32>
      %gather3A_1364 = tpu.vector_load_idx %arg10[%add3A_1363, %and3A_1344] : memref<128x128xf32, #tpu.memory_space<vmem>>[vector<16xi32>, vector<16xi32>], vector<16xf32>,
      %mul3A_1365 = arith.mulf %gather3A_1360, %gather3A_1364 : vector<16xf32>
      %add3A_1366 = arith.addf %add3A_1356, %mul3A_1365 : vector<16xf32>
      %add3A_1367 = arith.constant 2 : i32
      %add3A_1368 = vector.broadcast %add3A_1367 : i32 to vector<16xi32>
      %add3A_1369 = arith.addi %mul3A_7, %add3A_1368 : vector<16xi32>
      %gather3A_1370 = tpu.vector_load_idx %arg9[%add3A_1369, %and3A_1341] : memref<128x128xf32, #tpu.memory_space<vmem>>[vector<16xi32>, vector<16xi32>], vector<16xf32>,
      %add3A_1371 = arith.constant 2 : i32
      %add3A_1372 = vector.broadcast %add3A_1371 : i32 to vector<16xi32>
      %add3A_1373 = arith.addi %mul3A_7, %add3A_1372 : vector<16xi32>
      %gather3A_1374 = tpu.vector_load_idx %arg10[%add3A_1373, %and3A_1344] : memref<128x128xf32, #tpu.memory_space<vmem>>[vector<16xi32>, vector<16xi32>], vector<16xf32>,
      %mul3A_1375 = arith.mulf %gather3A_1370, %gather3A_1374 : vector<16xf32>
      %add3A_1376 = arith.addf %add3A_1366, %mul3A_1375 : vector<16xf32>
      %add3A_1377 = arith.constant 3 : i32
      %add3A_1378 = vector.broadcast %add3A_1377 : i32 to vector<16xi32>
      %add3A_1379 = arith.addi %mul3A_7, %add3A_1378 : vector<16xi32>
      %gather3A_1380 = tpu.vector_load_idx %arg9[%add3A_1379, %and3A_1341] : memref<128x128xf32, #tpu.memory_space<vmem>>[vector<16xi32>, vector<16xi32>], vector<16xf32>,
      %add3A_1381 = arith.constant 3 : i32
      %add3A_1382 = vector.broadcast %add3A_1381 : i32 to vector<16xi32>
      %add3A_1383 = arith.addi %mul3A_7, %add3A_1382 : vector<16xi32>
      %gather3A_1384 = tpu.vector_load_idx %arg10[%add3A_1383, %and3A_1344] : memref<128x128xf32, #tpu.memory_space<vmem>>[vector<16xi32>, vector<16xi32>], vector<16xf32>,
      %mul3A_1385 = arith.mulf %gather3A_1380, %gather3A_1384 : vector<16xf32>
      %add3A_1386 = arith.addf %add3A_1376, %mul3A_1385 : vector<16xf32>
      %add3A_1387 = arith.constant 4 : i32
      %add3A_1388 = vector.broadcast %add3A_1387 : i32 to vector<16xi32>
      %add3A_1389 = arith.addi %mul3A_7, %add3A_1388 : vector<16xi32>
      %gather3A_1390 = tpu.vector_load_idx %arg9[%add3A_1389, %and3A_1341] : memref<128x128xf32, #tpu.memory_space<vmem>>[vector<16xi32>, vector<16xi32>], vector<16xf32>,
      %add3A_1391 = arith.constant 4 : i32
      %add3A_1392 = vector.broadcast %add3A_1391 : i32 to vector<16xi32>
      %add3A_1393 = arith.addi %mul3A_7, %add3A_1392 : vector<16xi32>
      %gather3A_1394 = tpu.vector_load_idx %arg10[%add3A_1393, %and3A_1344] : memref<128x128xf32, #tpu.memory_space<vmem>>[vector<16xi32>, vector<16xi32>], vector<16xf32>,
      %mul3A_1395 = arith.mulf %gather3A_1390, %gather3A_1394 : vector<16xf32>
      %add3A_1396 = arith.addf %add3A_1386, %mul3A_1395 : vector<16xf32>
      %add3A_1397 = arith.constant 5 : i32
      %add3A_1398 = vector.broadcast %add3A_1397 : i32 to vector<16xi32>
      %add3A_1399 = arith.addi %mul3A_7, %add3A_1398 : vector<16xi32>
      %gather3A_1400 = tpu.vector_load_idx %arg9[%add3A_1399, %and3A_1341] : memref<128x128xf32, #tpu.memory_space<vmem>>[vector<16xi32>, vector<16xi32>], vector<16xf32>,
      %add3A_1401 = arith.constant 5 : i32
      %add3A_1402 = vector.broadcast %add3A_1401 : i32 to vector<16xi32>
      %add3A_1403 = arith.addi %mul3A_7, %add3A_1402 : vector<16xi32>
      %gather3A_1404 = tpu.vector_load_idx %arg10[%add3A_1403, %and3A_1344] : memref<128x128xf32, #tpu.memory_space<vmem>>[vector<16xi32>, vector<16xi32>], vector<16xf32>,
      %mul3A_1405 = arith.mulf %gather3A_1400, %gather3A_1404 : vector<16xf32>
      %add3A_1406 = arith.addf %add3A_1396, %mul3A_1405 : vector<16xf32>
      %add3A_1407 = arith.constant 6 : i32
      %add3A_1408 = vector.broadcast %add3A_1407 : i32 to vector<16xi32>
      %add3A_1409 = arith.addi %mul3A_7, %add3A_1408 : vector<16xi32>
      %gather3A_1410 = tpu.vector_load_idx %arg9[%add3A_1409, %and3A_1341] : memref<128x128xf32, #tpu.memory_space<vmem>>[vector<16xi32>, vector<16xi32>], vector<16xf32>,
      %add3A_1411 = arith.constant 6 : i32
      %add3A_1412 = vector.broadcast %add3A_1411 : i32 to vector<16xi32>
      %add3A_1413 = arith.addi %mul3A_7, %add3A_1412 : vector<16xi32>
      %gather3A_1414 = tpu.vector_load_idx %arg10[%add3A_1413, %and3A_1344] : memref<128x128xf32, #tpu.memory_space<vmem>>[vector<16xi32>, vector<16xi32>], vector<16xf32>,
      %mul3A_1415 = arith.mulf %gather3A_1410, %gather3A_1414 : vector<16xf32>
      %add3A_1416 = arith.addf %add3A_1406, %mul3A_1415 : vector<16xf32>
      %add3A_1417 = arith.constant 7 : i32
      %add3A_1418 = vector.broadcast %add3A_1417 : i32 to vector<16xi32>
      %add3A_1419 = arith.addi %mul3A_7, %add3A_1418 : vector<16xi32>
      %gather3A_1420 = tpu.vector_load_idx %arg9[%add3A_1419, %and3A_1341] : memref<128x128xf32, #tpu.memory_space<vmem>>[vector<16xi32>, vector<16xi32>], vector<16xf32>,
      %add3A_1421 = arith.constant 7 : i32
      %add3A_1422 = vector.broadcast %add3A_1421 : i32 to vector<16xi32>
      %add3A_1423 = arith.addi %mul3A_7, %add3A_1422 : vector<16xi32>
      %gather3A_1424 = tpu.vector_load_idx %arg10[%add3A_1423, %and3A_1344] : memref<128x128xf32, #tpu.memory_space<vmem>>[vector<16xi32>, vector<16xi32>], vector<16xf32>,
      %mul3A_1425 = arith.mulf %gather3A_1420, %gather3A_1424 : vector<16xf32>
      %add3A_1426 = arith.addf %add3A_1416, %mul3A_1425 : vector<16xf32>
      %add3A_1427 = arith.constant 8 : i32
      %add3A_1428 = vector.broadcast %add3A_1427 : i32 to vector<16xi32>
      %add3A_1429 = arith.addi %mul3A_7, %add3A_1428 : vector<16xi32>
      %gather3A_1430 = tpu.vector_load_idx %arg9[%add3A_1429, %and3A_1341] : memref<128x128xf32, #tpu.memory_space<vmem>>[vector<16xi32>, vector<16xi32>], vector<16xf32>,
      %add3A_1431 = arith.constant 8 : i32
      %add3A_1432 = vector.broadcast %add3A_1431 : i32 to vector<16xi32>
      %add3A_1433 = arith.addi %mul3A_7, %add3A_1432 : vector<16xi32>
      %gather3A_1434 = tpu.vector_load_idx %arg10[%add3A_1433, %and3A_1344] : memref<128x128xf32, #tpu.memory_space<vmem>>[vector<16xi32>, vector<16xi32>], vector<16xf32>,
      %mul3A_1435 = arith.mulf %gather3A_1430, %gather3A_1434 : vector<16xf32>
      %add3A_1436 = arith.addf %add3A_1426, %mul3A_1435 : vector<16xf32>
      %add3A_1437 = arith.constant 9 : i32
      %add3A_1438 = vector.broadcast %add3A_1437 : i32 to vector<16xi32>
      %add3A_1439 = arith.addi %mul3A_7, %add3A_1438 : vector<16xi32>
      %gather3A_1440 = tpu.vector_load_idx %arg9[%add3A_1439, %and3A_1341] : memref<128x128xf32, #tpu.memory_space<vmem>>[vector<16xi32>, vector<16xi32>], vector<16xf32>,
      %add3A_1441 = arith.constant 9 : i32
      %add3A_1442 = vector.broadcast %add3A_1441 : i32 to vector<16xi32>
      %add3A_1443 = arith.addi %mul3A_7, %add3A_1442 : vector<16xi32>
      %gather3A_1444 = tpu.vector_load_idx %arg10[%add3A_1443, %and3A_1344] : memref<128x128xf32, #tpu.memory_space<vmem>>[vector<16xi32>, vector<16xi32>], vector<16xf32>,
      %mul3A_1445 = arith.mulf %gather3A_1440, %gather3A_1444 : vector<16xf32>
      %add3A_1446 = arith.addf %add3A_1436, %mul3A_1445 : vector<16xf32>
      %add3A_1447 = arith.constant 10 : i32
      %add3A_1448 = vector.broadcast %add3A_1447 : i32 to vector<16xi32>
      %add3A_1449 = arith.addi %mul3A_7, %add3A_1448 : vector<16xi32>
      %gather3A_1450 = tpu.vector_load_idx %arg9[%add3A_1449, %and3A_1341] : memref<128x128xf32, #tpu.memory_space<vmem>>[vector<16xi32>, vector<16xi32>], vector<16xf32>,
      %add3A_1451 = arith.constant 10 : i32
      %add3A_1452 = vector.broadcast %add3A_1451 : i32 to vector<16xi32>
      %add3A_1453 = arith.addi %mul3A_7, %add3A_1452 : vector<16xi32>
      %gather3A_1454 = tpu.vector_load_idx %arg10[%add3A_1453, %and3A_1344] : memref<128x128xf32, #tpu.memory_space<vmem>>[vector<16xi32>, vector<16xi32>], vector<16xf32>,
      %mul3A_1455 = arith.mulf %gather3A_1450, %gather3A_1454 : vector<16xf32>
      %add3A_1456 = arith.addf %add3A_1446, %mul3A_1455 : vector<16xf32>
      %add3A_1457 = arith.constant 11 : i32
      %add3A_1458 = vector.broadcast %add3A_1457 : i32 to vector<16xi32>
      %add3A_1459 = arith.addi %mul3A_7, %add3A_1458 : vector<16xi32>
      %gather3A_1460 = tpu.vector_load_idx %arg9[%add3A_1459, %and3A_1341] : memref<128x128xf32, #tpu.memory_space<vmem>>[vector<16xi32>, vector<16xi32>], vector<16xf32>,
      %add3A_1461 = arith.constant 11 : i32
      %add3A_1462 = vector.broadcast %add3A_1461 : i32 to vector<16xi32>
      %add3A_1463 = arith.addi %mul3A_7, %add3A_1462 : vector<16xi32>
      %gather3A_1464 = tpu.vector_load_idx %arg10[%add3A_1463, %and3A_1344] : memref<128x128xf32, #tpu.memory_space<vmem>>[vector<16xi32>, vector<16xi32>], vector<16xf32>,
      %mul3A_1465 = arith.mulf %gather3A_1460, %gather3A_1464 : vector<16xf32>
      %add3A_1466 = arith.addf %add3A_1456, %mul3A_1465 : vector<16xf32>
      %add3A_1467 = arith.constant 12 : i32
      %add3A_1468 = vector.broadcast %add3A_1467 : i32 to vector<16xi32>
      %add3A_1469 = arith.addi %mul3A_7, %add3A_1468 : vector<16xi32>
      %gather3A_1470 = tpu.vector_load_idx %arg9[%add3A_1469, %and3A_1341] : memref<128x128xf32, #tpu.memory_space<vmem>>[vector<16xi32>, vector<16xi32>], vector<16xf32>,
      %add3A_1471 = arith.constant 12 : i32
      %add3A_1472 = vector.broadcast %add3A_1471 : i32 to vector<16xi32>
      %add3A_1473 = arith.addi %mul3A_7, %add3A_1472 : vector<16xi32>
      %gather3A_1474 = tpu.vector_load_idx %arg10[%add3A_1473, %and3A_1344] : memref<128x128xf32, #tpu.memory_space<vmem>>[vector<16xi32>, vector<16xi32>], vector<16xf32>,
      %mul3A_1475 = arith.mulf %gather3A_1470, %gather3A_1474 : vector<16xf32>
      %add3A_1476 = arith.addf %add3A_1466, %mul3A_1475 : vector<16xf32>
      %add3A_1477 = arith.constant 13 : i32
      %add3A_1478 = vector.broadcast %add3A_1477 : i32 to vector<16xi32>
      %add3A_1479 = arith.addi %mul3A_7, %add3A_1478 : vector<16xi32>
      %gather3A_1480 = tpu.vector_load_idx %arg9[%add3A_1479, %and3A_1341] : memref<128x128xf32, #tpu.memory_space<vmem>>[vector<16xi32>, vector<16xi32>], vector<16xf32>,
      %add3A_1481 = arith.constant 13 : i32
      %add3A_1482 = vector.broadcast %add3A_1481 : i32 to vector<16xi32>
      %add3A_1483 = arith.addi %mul3A_7, %add3A_1482 : vector<16xi32>
      %gather3A_1484 = tpu.vector_load_idx %arg10[%add3A_1483, %and3A_1344] : memref<128x128xf32, #tpu.memory_space<vmem>>[vector<16xi32>, vector<16xi32>], vector<16xf32>,
      %mul3A_1485 = arith.mulf %gather3A_1480, %gather3A_1484 : vector<16xf32>
      %add3A_1486 = arith.addf %add3A_1476, %mul3A_1485 : vector<16xf32>
      %add3A_1487 = arith.constant 14 : i32
      %add3A_1488 = vector.broadcast %add3A_1487 : i32 to vector<16xi32>
      %add3A_1489 = arith.addi %mul3A_7, %add3A_1488 : vector<16xi32>
      %gather3A_1490 = tpu.vector_load_idx %arg9[%add3A_1489, %and3A_1341] : memref<128x128xf32, #tpu.memory_space<vmem>>[vector<16xi32>, vector<16xi32>], vector<16xf32>,
      %add3A_1491 = arith.constant 14 : i32
      %add3A_1492 = vector.broadcast %add3A_1491 : i32 to vector<16xi32>
      %add3A_1493 = arith.addi %mul3A_7, %add3A_1492 : vector<16xi32>
      %gather3A_1494 = tpu.vector_load_idx %arg10[%add3A_1493, %and3A_1344] : memref<128x128xf32, #tpu.memory_space<vmem>>[vector<16xi32>, vector<16xi32>], vector<16xf32>,
      %mul3A_1495 = arith.mulf %gather3A_1490, %gather3A_1494 : vector<16xf32>
      %add3A_1496 = arith.addf %add3A_1486, %mul3A_1495 : vector<16xf32>
      %add3A_1497 = arith.constant 15 : i32
      %add3A_1498 = vector.broadcast %add3A_1497 : i32 to vector<16xi32>
      %add3A_1499 = arith.addi %mul3A_7, %add3A_1498 : vector<16xi32>
      %gather3A_1500 = tpu.vector_load_idx %arg9[%add3A_1499, %and3A_1341] : memref<128x128xf32, #tpu.memory_space<vmem>>[vector<16xi32>, vector<16xi32>], vector<16xf32>,
      %add3A_1501 = arith.constant 15 : i32
      %add3A_1502 = vector.broadcast %add3A_1501 : i32 to vector<16xi32>
      %add3A_1503 = arith.addi %mul3A_7, %add3A_1502 : vector<16xi32>
      %gather3A_1504 = tpu.vector_load_idx %arg10[%add3A_1503, %and3A_1344] : memref<128x128xf32, #tpu.memory_space<vmem>>[vector<16xi32>, vector<16xi32>], vector<16xf32>,
      %mul3A_1505 = arith.mulf %gather3A_1500, %gather3A_1504 : vector<16xf32>
      %add3A_1506 = arith.addf %add3A_1496, %mul3A_1505 : vector<16xf32>
      %add3A_1507 = arith.constant 16 : i32
      %add3A_1508 = vector.broadcast %add3A_1507 : i32 to vector<16xi32>
      %add3A_1509 = arith.addi %mul3A_7, %add3A_1508 : vector<16xi32>
      %gather3A_1510 = tpu.vector_load_idx %arg9[%add3A_1509, %and3A_1341] : memref<128x128xf32, #tpu.memory_space<vmem>>[vector<16xi32>, vector<16xi32>], vector<16xf32>,
      %add3A_1511 = arith.constant 16 : i32
      %add3A_1512 = vector.broadcast %add3A_1511 : i32 to vector<16xi32>
      %add3A_1513 = arith.addi %mul3A_7, %add3A_1512 : vector<16xi32>
      %gather3A_1514 = tpu.vector_load_idx %arg10[%add3A_1513, %and3A_1344] : memref<128x128xf32, #tpu.memory_space<vmem>>[vector<16xi32>, vector<16xi32>], vector<16xf32>,
      %mul3A_1515 = arith.mulf %gather3A_1510, %gather3A_1514 : vector<16xf32>
      %add3A_1516 = arith.addf %add3A_1506, %mul3A_1515 : vector<16xf32>
      %add3A_1517 = arith.constant 17 : i32
      %add3A_1518 = vector.broadcast %add3A_1517 : i32 to vector<16xi32>
      %add3A_1519 = arith.addi %mul3A_7, %add3A_1518 : vector<16xi32>
      %gather3A_1520 = tpu.vector_load_idx %arg9[%add3A_1519, %and3A_1341] : memref<128x128xf32, #tpu.memory_space<vmem>>[vector<16xi32>, vector<16xi32>], vector<16xf32>,
      %add3A_1521 = arith.constant 17 : i32
      %add3A_1522 = vector.broadcast %add3A_1521 : i32 to vector<16xi32>
      %add3A_1523 = arith.addi %mul3A_7, %add3A_1522 : vector<16xi32>
      %gather3A_1524 = tpu.vector_load_idx %arg10[%add3A_1523, %and3A_1344] : memref<128x128xf32, #tpu.memory_space<vmem>>[vector<16xi32>, vector<16xi32>], vector<16xf32>,
      %mul3A_1525 = arith.mulf %gather3A_1520, %gather3A_1524 : vector<16xf32>
      %add3A_1526 = arith.addf %add3A_1516, %mul3A_1525 : vector<16xf32>
      %add3A_1527 = arith.constant 18 : i32
      %add3A_1528 = vector.broadcast %add3A_1527 : i32 to vector<16xi32>
      %add3A_1529 = arith.addi %mul3A_7, %add3A_1528 : vector<16xi32>
      %gather3A_1530 = tpu.vector_load_idx %arg9[%add3A_1529, %and3A_1341] : memref<128x128xf32, #tpu.memory_space<vmem>>[vector<16xi32>, vector<16xi32>], vector<16xf32>,
      %add3A_1531 = arith.constant 18 : i32
      %add3A_1532 = vector.broadcast %add3A_1531 : i32 to vector<16xi32>
      %add3A_1533 = arith.addi %mul3A_7, %add3A_1532 : vector<16xi32>
      %gather3A_1534 = tpu.vector_load_idx %arg10[%add3A_1533, %and3A_1344] : memref<128x128xf32, #tpu.memory_space<vmem>>[vector<16xi32>, vector<16xi32>], vector<16xf32>,
      %mul3A_1535 = arith.mulf %gather3A_1530, %gather3A_1534 : vector<16xf32>
      %add3A_1536 = arith.addf %add3A_1526, %mul3A_1535 : vector<16xf32>
      %add3A_1537 = arith.constant 19 : i32
      %add3A_1538 = vector.broadcast %add3A_1537 : i32 to vector<16xi32>
      %add3A_1539 = arith.addi %mul3A_7, %add3A_1538 : vector<16xi32>
      %gather3A_1540 = tpu.vector_load_idx %arg9[%add3A_1539, %and3A_1341] : memref<128x128xf32, #tpu.memory_space<vmem>>[vector<16xi32>, vector<16xi32>], vector<16xf32>,
      %add3A_1541 = arith.constant 19 : i32
      %add3A_1542 = vector.broadcast %add3A_1541 : i32 to vector<16xi32>
      %add3A_1543 = arith.addi %mul3A_7, %add3A_1542 : vector<16xi32>
      %gather3A_1544 = tpu.vector_load_idx %arg10[%add3A_1543, %and3A_1344] : memref<128x128xf32, #tpu.memory_space<vmem>>[vector<16xi32>, vector<16xi32>], vector<16xf32>,
      %mul3A_1545 = arith.mulf %gather3A_1540, %gather3A_1544 : vector<16xf32>
      %add3A_1546 = arith.addf %add3A_1536, %mul3A_1545 : vector<16xf32>
      %add3A_1547 = arith.constant 20 : i32
      %add3A_1548 = vector.broadcast %add3A_1547 : i32 to vector<16xi32>
      %add3A_1549 = arith.addi %mul3A_7, %add3A_1548 : vector<16xi32>
      %gather3A_1550 = tpu.vector_load_idx %arg9[%add3A_1549, %and3A_1341] : memref<128x128xf32, #tpu.memory_space<vmem>>[vector<16xi32>, vector<16xi32>], vector<16xf32>,
      %add3A_1551 = arith.constant 20 : i32
      %add3A_1552 = vector.broadcast %add3A_1551 : i32 to vector<16xi32>
      %add3A_1553 = arith.addi %mul3A_7, %add3A_1552 : vector<16xi32>
      %gather3A_1554 = tpu.vector_load_idx %arg10[%add3A_1553, %and3A_1344] : memref<128x128xf32, #tpu.memory_space<vmem>>[vector<16xi32>, vector<16xi32>], vector<16xf32>,
      %mul3A_1555 = arith.mulf %gather3A_1550, %gather3A_1554 : vector<16xf32>
      %add3A_1556 = arith.addf %add3A_1546, %mul3A_1555 : vector<16xf32>
      %add3A_1557 = arith.constant 21 : i32
      %add3A_1558 = vector.broadcast %add3A_1557 : i32 to vector<16xi32>
      %add3A_1559 = arith.addi %mul3A_7, %add3A_1558 : vector<16xi32>
      %gather3A_1560 = tpu.vector_load_idx %arg9[%add3A_1559, %and3A_1341] : memref<128x128xf32, #tpu.memory_space<vmem>>[vector<16xi32>, vector<16xi32>], vector<16xf32>,
      %add3A_1561 = arith.constant 21 : i32
      %add3A_1562 = vector.broadcast %add3A_1561 : i32 to vector<16xi32>
      %add3A_1563 = arith.addi %mul3A_7, %add3A_1562 : vector<16xi32>
      %gather3A_1564 = tpu.vector_load_idx %arg10[%add3A_1563, %and3A_1344] : memref<128x128xf32, #tpu.memory_space<vmem>>[vector<16xi32>, vector<16xi32>], vector<16xf32>,
      %mul3A_1565 = arith.mulf %gather3A_1560, %gather3A_1564 : vector<16xf32>
      %add3A_1566 = arith.addf %add3A_1556, %mul3A_1565 : vector<16xf32>
      %add3A_1567 = arith.constant 22 : i32
      %add3A_1568 = vector.broadcast %add3A_1567 : i32 to vector<16xi32>
      %add3A_1569 = arith.addi %mul3A_7, %add3A_1568 : vector<16xi32>
      %gather3A_1570 = tpu.vector_load_idx %arg9[%add3A_1569, %and3A_1341] : memref<128x128xf32, #tpu.memory_space<vmem>>[vector<16xi32>, vector<16xi32>], vector<16xf32>,
      %add3A_1571 = arith.constant 22 : i32
      %add3A_1572 = vector.broadcast %add3A_1571 : i32 to vector<16xi32>
      %add3A_1573 = arith.addi %mul3A_7, %add3A_1572 : vector<16xi32>
      %gather3A_1574 = tpu.vector_load_idx %arg10[%add3A_1573, %and3A_1344] : memref<128x128xf32, #tpu.memory_space<vmem>>[vector<16xi32>, vector<16xi32>], vector<16xf32>,
      %mul3A_1575 = arith.mulf %gather3A_1570, %gather3A_1574 : vector<16xf32>
      %add3A_1576 = arith.addf %add3A_1566, %mul3A_1575 : vector<16xf32>
      %add3A_1577 = arith.constant 23 : i32
      %add3A_1578 = vector.broadcast %add3A_1577 : i32 to vector<16xi32>
      %add3A_1579 = arith.addi %mul3A_7, %add3A_1578 : vector<16xi32>
      %gather3A_1580 = tpu.vector_load_idx %arg9[%add3A_1579, %and3A_1341] : memref<128x128xf32, #tpu.memory_space<vmem>>[vector<16xi32>, vector<16xi32>], vector<16xf32>,
      %add3A_1581 = arith.constant 23 : i32
      %add3A_1582 = vector.broadcast %add3A_1581 : i32 to vector<16xi32>
      %add3A_1583 = arith.addi %mul3A_7, %add3A_1582 : vector<16xi32>
      %gather3A_1584 = tpu.vector_load_idx %arg10[%add3A_1583, %and3A_1344] : memref<128x128xf32, #tpu.memory_space<vmem>>[vector<16xi32>, vector<16xi32>], vector<16xf32>,
      %mul3A_1585 = arith.mulf %gather3A_1580, %gather3A_1584 : vector<16xf32>
      %add3A_1586 = arith.addf %add3A_1576, %mul3A_1585 : vector<16xf32>
      %add3A_1587 = arith.constant 24 : i32
      %add3A_1588 = vector.broadcast %add3A_1587 : i32 to vector<16xi32>
      %add3A_1589 = arith.addi %mul3A_7, %add3A_1588 : vector<16xi32>
      %gather3A_1590 = tpu.vector_load_idx %arg9[%add3A_1589, %and3A_1341] : memref<128x128xf32, #tpu.memory_space<vmem>>[vector<16xi32>, vector<16xi32>], vector<16xf32>,
      %add3A_1591 = arith.constant 24 : i32
      %add3A_1592 = vector.broadcast %add3A_1591 : i32 to vector<16xi32>
      %add3A_1593 = arith.addi %mul3A_7, %add3A_1592 : vector<16xi32>
      %gather3A_1594 = tpu.vector_load_idx %arg10[%add3A_1593, %and3A_1344] : memref<128x128xf32, #tpu.memory_space<vmem>>[vector<16xi32>, vector<16xi32>], vector<16xf32>,
      %mul3A_1595 = arith.mulf %gather3A_1590, %gather3A_1594 : vector<16xf32>
      %add3A_1596 = arith.addf %add3A_1586, %mul3A_1595 : vector<16xf32>
      %add3A_1597 = arith.constant 25 : i32
      %add3A_1598 = vector.broadcast %add3A_1597 : i32 to vector<16xi32>
      %add3A_1599 = arith.addi %mul3A_7, %add3A_1598 : vector<16xi32>
      %gather3A_1600 = tpu.vector_load_idx %arg9[%add3A_1599, %and3A_1341] : memref<128x128xf32, #tpu.memory_space<vmem>>[vector<16xi32>, vector<16xi32>], vector<16xf32>,
      %add3A_1601 = arith.constant 25 : i32
      %add3A_1602 = vector.broadcast %add3A_1601 : i32 to vector<16xi32>
      %add3A_1603 = arith.addi %mul3A_7, %add3A_1602 : vector<16xi32>
      %gather3A_1604 = tpu.vector_load_idx %arg10[%add3A_1603, %and3A_1344] : memref<128x128xf32, #tpu.memory_space<vmem>>[vector<16xi32>, vector<16xi32>], vector<16xf32>,
      %mul3A_1605 = arith.mulf %gather3A_1600, %gather3A_1604 : vector<16xf32>
      %add3A_1606 = arith.addf %add3A_1596, %mul3A_1605 : vector<16xf32>
      %add3A_1607 = arith.constant 26 : i32
      %add3A_1608 = vector.broadcast %add3A_1607 : i32 to vector<16xi32>
      %add3A_1609 = arith.addi %mul3A_7, %add3A_1608 : vector<16xi32>
      %gather3A_1610 = tpu.vector_load_idx %arg9[%add3A_1609, %and3A_1341] : memref<128x128xf32, #tpu.memory_space<vmem>>[vector<16xi32>, vector<16xi32>], vector<16xf32>,
      %add3A_1611 = arith.constant 26 : i32
      %add3A_1612 = vector.broadcast %add3A_1611 : i32 to vector<16xi32>
      %add3A_1613 = arith.addi %mul3A_7, %add3A_1612 : vector<16xi32>
      %gather3A_1614 = tpu.vector_load_idx %arg10[%add3A_1613, %and3A_1344] : memref<128x128xf32, #tpu.memory_space<vmem>>[vector<16xi32>, vector<16xi32>], vector<16xf32>,
      %mul3A_1615 = arith.mulf %gather3A_1610, %gather3A_1614 : vector<16xf32>
      %add3A_1616 = arith.addf %add3A_1606, %mul3A_1615 : vector<16xf32>
      %add3A_1617 = arith.constant 27 : i32
      %add3A_1618 = vector.broadcast %add3A_1617 : i32 to vector<16xi32>
      %add3A_1619 = arith.addi %mul3A_7, %add3A_1618 : vector<16xi32>
      %gather3A_1620 = tpu.vector_load_idx %arg9[%add3A_1619, %and3A_1341] : memref<128x128xf32, #tpu.memory_space<vmem>>[vector<16xi32>, vector<16xi32>], vector<16xf32>,
      %add3A_1621 = arith.constant 27 : i32
      %add3A_1622 = vector.broadcast %add3A_1621 : i32 to vector<16xi32>
      %add3A_1623 = arith.addi %mul3A_7, %add3A_1622 : vector<16xi32>
      %gather3A_1624 = tpu.vector_load_idx %arg10[%add3A_1623, %and3A_1344] : memref<128x128xf32, #tpu.memory_space<vmem>>[vector<16xi32>, vector<16xi32>], vector<16xf32>,
      %mul3A_1625 = arith.mulf %gather3A_1620, %gather3A_1624 : vector<16xf32>
      %add3A_1626 = arith.addf %add3A_1616, %mul3A_1625 : vector<16xf32>
      %add3A_1627 = arith.constant 28 : i32
      %add3A_1628 = vector.broadcast %add3A_1627 : i32 to vector<16xi32>
      %add3A_1629 = arith.addi %mul3A_7, %add3A_1628 : vector<16xi32>
      %gather3A_1630 = tpu.vector_load_idx %arg9[%add3A_1629, %and3A_1341] : memref<128x128xf32, #tpu.memory_space<vmem>>[vector<16xi32>, vector<16xi32>], vector<16xf32>,
      %add3A_1631 = arith.constant 28 : i32
      %add3A_1632 = vector.broadcast %add3A_1631 : i32 to vector<16xi32>
      %add3A_1633 = arith.addi %mul3A_7, %add3A_1632 : vector<16xi32>
      %gather3A_1634 = tpu.vector_load_idx %arg10[%add3A_1633, %and3A_1344] : memref<128x128xf32, #tpu.memory_space<vmem>>[vector<16xi32>, vector<16xi32>], vector<16xf32>,
      %mul3A_1635 = arith.mulf %gather3A_1630, %gather3A_1634 : vector<16xf32>
      %add3A_1636 = arith.addf %add3A_1626, %mul3A_1635 : vector<16xf32>
      %add3A_1637 = arith.constant 29 : i32
      %add3A_1638 = vector.broadcast %add3A_1637 : i32 to vector<16xi32>
      %add3A_1639 = arith.addi %mul3A_7, %add3A_1638 : vector<16xi32>
      %gather3A_1640 = tpu.vector_load_idx %arg9[%add3A_1639, %and3A_1341] : memref<128x128xf32, #tpu.memory_space<vmem>>[vector<16xi32>, vector<16xi32>], vector<16xf32>,
      %add3A_1641 = arith.constant 29 : i32
      %add3A_1642 = vector.broadcast %add3A_1641 : i32 to vector<16xi32>
      %add3A_1643 = arith.addi %mul3A_7, %add3A_1642 : vector<16xi32>
      %gather3A_1644 = tpu.vector_load_idx %arg10[%add3A_1643, %and3A_1344] : memref<128x128xf32, #tpu.memory_space<vmem>>[vector<16xi32>, vector<16xi32>], vector<16xf32>,
      %mul3A_1645 = arith.mulf %gather3A_1640, %gather3A_1644 : vector<16xf32>
      %add3A_1646 = arith.addf %add3A_1636, %mul3A_1645 : vector<16xf32>
      %add3A_1647 = arith.constant 30 : i32
      %add3A_1648 = vector.broadcast %add3A_1647 : i32 to vector<16xi32>
      %add3A_1649 = arith.addi %mul3A_7, %add3A_1648 : vector<16xi32>
      %gather3A_1650 = tpu.vector_load_idx %arg9[%add3A_1649, %and3A_1341] : memref<128x128xf32, #tpu.memory_space<vmem>>[vector<16xi32>, vector<16xi32>], vector<16xf32>,
      %add3A_1651 = arith.constant 30 : i32
      %add3A_1652 = vector.broadcast %add3A_1651 : i32 to vector<16xi32>
      %add3A_1653 = arith.addi %mul3A_7, %add3A_1652 : vector<16xi32>
      %gather3A_1654 = tpu.vector_load_idx %arg10[%add3A_1653, %and3A_1344] : memref<128x128xf32, #tpu.memory_space<vmem>>[vector<16xi32>, vector<16xi32>], vector<16xf32>,
      %mul3A_1655 = arith.mulf %gather3A_1650, %gather3A_1654 : vector<16xf32>
      %add3A_1656 = arith.addf %add3A_1646, %mul3A_1655 : vector<16xf32>
      %add3A_1657 = arith.constant 31 : i32
      %add3A_1658 = vector.broadcast %add3A_1657 : i32 to vector<16xi32>
      %add3A_1659 = arith.addi %mul3A_7, %add3A_1658 : vector<16xi32>
      %gather3A_1660 = tpu.vector_load_idx %arg9[%add3A_1659, %and3A_1341] : memref<128x128xf32, #tpu.memory_space<vmem>>[vector<16xi32>, vector<16xi32>], vector<16xf32>,
      %add3A_1661 = arith.constant 31 : i32
      %add3A_1662 = vector.broadcast %add3A_1661 : i32 to vector<16xi32>
      %add3A_1663 = arith.addi %mul3A_7, %add3A_1662 : vector<16xi32>
      %gather3A_1664 = tpu.vector_load_idx %arg10[%add3A_1663, %and3A_1344] : memref<128x128xf32, #tpu.memory_space<vmem>>[vector<16xi32>, vector<16xi32>], vector<16xf32>,
      %mul3A_1665 = arith.mulf %gather3A_1660, %gather3A_1664 : vector<16xf32>
      %add3A_1666 = arith.addf %add3A_1656, %mul3A_1665 : vector<16xf32>
      %mul3A_1667 = arith.constant 4 : i32
      %mul3A_1668 = arith.muli %mul3A_1108, %mul3A_1667 : i32
      %lt3A_1669 = arith.constant 4 : i32
      %lt3A_1670 = vector.broadcast %lt3A_1669 : i32 to vector<16xi32>
      %lt3A_1671 = arith.cmpi slt, %iota3A, %lt3A_1670 : vector<16xi32>
      %swap3A_1672 = arith.index_cast %mul3A_1668 : i32 to index
      %swap3A_1673 = tpu.vector_load %arg15[%swap3A_1672] masked %lt3A_1671 {strides = array<i32>} : memref<528xf32, #tpu.memory_space<vmem>>, vector<16xf32>, vector<16xi1>
      tpu.vector_store %arg15[%swap3A_1672], %add3A_1666 masked %lt3A_1671 {strides = array<i32>} : memref<528xf32, #tpu.memory_space<vmem>>, vector<16xf32>, vector<16xi1>
      %add3A_1674 = arith.constant 3 : i32
      %add3A_1675 = arith.addi %mul3A_1108, %add3A_1674 : i32
      %mul3A_1676 = arith.constant 4 : i32
      %mul3A_1677 = arith.muli %add3A_1675, %mul3A_1676 : i32
      %get3A_1678 = arith.index_cast %mul3A_1677 : i32 to index
      %get3A_1679 = tpu.vector_load %arg7[%get3A_1678] {strides = array<i32>} : memref<528xi32, #tpu.memory_space<vmem>>, vector<16xi32>,
      %mul3A_1680 = arith.constant 4 : i32
      %mul3A_1681 = arith.muli %add3A_1675, %mul3A_1680 : i32
      %get3A_1682 = arith.index_cast %mul3A_1681 : i32 to index
      %get3A_1683 = tpu.vector_load %arg8[%get3A_1682] {strides = array<i32>} : memref<528xi32, #tpu.memory_space<vmem>>, vector<16xi32>,
      %shift_right_arithmetic3A_1684 = arith.constant 7 : i32
      %shift_right_arithmetic3A_1685 = vector.broadcast %shift_right_arithmetic3A_1684 : i32 to vector<16xi32>
      %shift_right_arithmetic3A_1686 = arith.shrsi %get3A_1679, %shift_right_arithmetic3A_1685 : vector<16xi32>
      %shift_left3A_1687 = arith.constant 7 : i32
      %shift_left3A_1688 = vector.broadcast %shift_left3A_1687 : i32 to vector<16xi32>
      %shift_left3A_1689 = arith.shli %shift_right_arithmetic3A_1686, %shift_left3A_1688 : vector<16xi32>
      %shift_right_arithmetic3A_1690 = arith.constant 7 : i32
      %shift_right_arithmetic3A_1691 = vector.broadcast %shift_right_arithmetic3A_1690 : i32 to vector<16xi32>
      %shift_right_arithmetic3A_1692 = arith.shrsi %get3A_1683, %shift_right_arithmetic3A_1691 : vector<16xi32>
      %shift_left3A_1693 = arith.constant 7 : i32
      %shift_left3A_1694 = vector.broadcast %shift_left3A_1693 : i32 to vector<16xi32>
      %shift_left3A_1695 = arith.shli %shift_right_arithmetic3A_1692, %shift_left3A_1694 : vector<16xi32>
      %slice3A_1696 = vector.extract_strided_slice %shift_left3A_1689 {offsets = [0], sizes = [1], strides = [1]} : vector<16xi32> to vector<1xi32>
      %squeeze3A_1697 = vector.extract %slice3A_1696[0] : i32 from vector<1xi32>
      %slice3A_1698 = vector.extract_strided_slice %shift_left3A_1695 {offsets = [0], sizes = [1], strides = [1]} : vector<16xi32> to vector<1xi32>
      %squeeze3A_1699 = vector.extract %slice3A_1698[0] : i32 from vector<1xi32>
      %multiple_of3A_1700 = tpu.assume_multiple %squeeze3A_1697, 128 : i32
      %dma_start3A_1701 = arith.constant 0 : i32
      %dma_start3A_1702 = arith.constant 0 : i32
      %dma_start3A_1703 = tpu.memref_slice %arg9[%dma_start3A_1701, %dma_start3A_1702] : memref<128x128xf32, #tpu.memory_space<vmem>> -> memref<32x128xf32, #tpu.memory_space<vmem>>
      %dma_start3A_1704 = arith.constant 0 : i32
      %dma_start3A_1705 = tpu.memref_slice %arg4[%dma_start3A_1704, %multiple_of3A_1700] : memref<32x1000000xf32, #tpu.memory_space<hbm>> -> memref<32x128xf32, #tpu.memory_space<hbm>>
      %dma_start3A_1706 = arith.constant 0 : i32
      %dma_start3A_1707 = arith.constant 0 : i32
      %dma_start3A_1708 = tpu.memref_slice %arg9[%dma_start3A_1706, %dma_start3A_1707] : memref<128x128xf32, #tpu.memory_space<vmem>> -> memref<32x128xf32, #tpu.memory_space<vmem>>
      %dma_start3A_1709 = arith.constant 0 : i32
      %dma_start3A_1710 = tpu.memref_slice %arg4[%dma_start3A_1709, %multiple_of3A_1700] : memref<32x1000000xf32, #tpu.memory_space<hbm>> -> memref<32x128xf32, #tpu.memory_space<hbm>>
      tpu.enqueue_dma source(%dma_start3A_1710 : memref<32x128xf32, #tpu.memory_space<hbm>>) target(%dma_start3A_1708 : memref<32x128xf32, #tpu.memory_space<vmem>>) target_semaphore(%arg16 : memref<!tpu.dma_semaphore, #tpu.memory_space<semaphore_mem>>)
      %multiple_of3A_1711 = tpu.assume_multiple %squeeze3A_1699, 128 : i32
      %dma_start3A_1712 = arith.constant 0 : i32
      %dma_start3A_1713 = arith.constant 0 : i32
      %dma_start3A_1714 = tpu.memref_slice %arg10[%dma_start3A_1712, %dma_start3A_1713] : memref<128x128xf32, #tpu.memory_space<vmem>> -> memref<32x128xf32, #tpu.memory_space<vmem>>
      %dma_start3A_1715 = arith.constant 0 : i32
      %dma_start3A_1716 = tpu.memref_slice %arg5[%dma_start3A_1715, %multiple_of3A_1711] : memref<32x1000000xf32, #tpu.memory_space<hbm>> -> memref<32x128xf32, #tpu.memory_space<hbm>>
      %dma_start3A_1717 = arith.constant 0 : i32
      %dma_start3A_1718 = arith.constant 0 : i32
      %dma_start3A_1719 = tpu.memref_slice %arg10[%dma_start3A_1717, %dma_start3A_1718] : memref<128x128xf32, #tpu.memory_space<vmem>> -> memref<32x128xf32, #tpu.memory_space<vmem>>
      %dma_start3A_1720 = arith.constant 0 : i32
      %dma_start3A_1721 = tpu.memref_slice %arg5[%dma_start3A_1720, %multiple_of3A_1711] : memref<32x1000000xf32, #tpu.memory_space<hbm>> -> memref<32x128xf32, #tpu.memory_space<hbm>>
      tpu.enqueue_dma source(%dma_start3A_1721 : memref<32x128xf32, #tpu.memory_space<hbm>>) target(%dma_start3A_1719 : memref<32x128xf32, #tpu.memory_space<vmem>>) target_semaphore(%arg17 : memref<!tpu.dma_semaphore, #tpu.memory_space<semaphore_mem>>)
      %slice3A_1722 = vector.extract_strided_slice %shift_left3A_1689 {offsets = [1], sizes = [1], strides = [1]} : vector<16xi32> to vector<1xi32>
      %squeeze3A_1723 = vector.extract %slice3A_1722[0] : i32 from vector<1xi32>
      %slice3A_1724 = vector.extract_strided_slice %shift_left3A_1695 {offsets = [1], sizes = [1], strides = [1]} : vector<16xi32> to vector<1xi32>
      %squeeze3A_1725 = vector.extract %slice3A_1724[0] : i32 from vector<1xi32>
      %multiple_of3A_1726 = tpu.assume_multiple %squeeze3A_1723, 128 : i32
      %dma_start3A_1727 = arith.constant 32 : i32
      %dma_start3A_1728 = arith.constant 0 : i32
      %dma_start3A_1729 = tpu.memref_slice %arg9[%dma_start3A_1727, %dma_start3A_1728] : memref<128x128xf32, #tpu.memory_space<vmem>> -> memref<32x128xf32, #tpu.memory_space<vmem>>
      %dma_start3A_1730 = arith.constant 0 : i32
      %dma_start3A_1731 = tpu.memref_slice %arg4[%dma_start3A_1730, %multiple_of3A_1726] : memref<32x1000000xf32, #tpu.memory_space<hbm>> -> memref<32x128xf32, #tpu.memory_space<hbm>>
      %dma_start3A_1732 = arith.constant 32 : i32
      %dma_start3A_1733 = arith.constant 0 : i32
      %dma_start3A_1734 = tpu.memref_slice %arg9[%dma_start3A_1732, %dma_start3A_1733] : memref<128x128xf32, #tpu.memory_space<vmem>> -> memref<32x128xf32, #tpu.memory_space<vmem>>
      %dma_start3A_1735 = arith.constant 0 : i32
      %dma_start3A_1736 = tpu.memref_slice %arg4[%dma_start3A_1735, %multiple_of3A_1726] : memref<32x1000000xf32, #tpu.memory_space<hbm>> -> memref<32x128xf32, #tpu.memory_space<hbm>>
      tpu.enqueue_dma source(%dma_start3A_1736 : memref<32x128xf32, #tpu.memory_space<hbm>>) target(%dma_start3A_1734 : memref<32x128xf32, #tpu.memory_space<vmem>>) target_semaphore(%arg16 : memref<!tpu.dma_semaphore, #tpu.memory_space<semaphore_mem>>)
      %multiple_of3A_1737 = tpu.assume_multiple %squeeze3A_1725, 128 : i32
      %dma_start3A_1738 = arith.constant 32 : i32
      %dma_start3A_1739 = arith.constant 0 : i32
      %dma_start3A_1740 = tpu.memref_slice %arg10[%dma_start3A_1738, %dma_start3A_1739] : memref<128x128xf32, #tpu.memory_space<vmem>> -> memref<32x128xf32, #tpu.memory_space<vmem>>
      %dma_start3A_1741 = arith.constant 0 : i32
      %dma_start3A_1742 = tpu.memref_slice %arg5[%dma_start3A_1741, %multiple_of3A_1737] : memref<32x1000000xf32, #tpu.memory_space<hbm>> -> memref<32x128xf32, #tpu.memory_space<hbm>>
      %dma_start3A_1743 = arith.constant 32 : i32
      %dma_start3A_1744 = arith.constant 0 : i32
      %dma_start3A_1745 = tpu.memref_slice %arg10[%dma_start3A_1743, %dma_start3A_1744] : memref<128x128xf32, #tpu.memory_space<vmem>> -> memref<32x128xf32, #tpu.memory_space<vmem>>
      %dma_start3A_1746 = arith.constant 0 : i32
      %dma_start3A_1747 = tpu.memref_slice %arg5[%dma_start3A_1746, %multiple_of3A_1737] : memref<32x1000000xf32, #tpu.memory_space<hbm>> -> memref<32x128xf32, #tpu.memory_space<hbm>>
      tpu.enqueue_dma source(%dma_start3A_1747 : memref<32x128xf32, #tpu.memory_space<hbm>>) target(%dma_start3A_1745 : memref<32x128xf32, #tpu.memory_space<vmem>>) target_semaphore(%arg17 : memref<!tpu.dma_semaphore, #tpu.memory_space<semaphore_mem>>)
      %slice3A_1748 = vector.extract_strided_slice %shift_left3A_1689 {offsets = [2], sizes = [1], strides = [1]} : vector<16xi32> to vector<1xi32>
      %squeeze3A_1749 = vector.extract %slice3A_1748[0] : i32 from vector<1xi32>
      %slice3A_1750 = vector.extract_strided_slice %shift_left3A_1695 {offsets = [2], sizes = [1], strides = [1]} : vector<16xi32> to vector<1xi32>
      %squeeze3A_1751 = vector.extract %slice3A_1750[0] : i32 from vector<1xi32>
      %multiple_of3A_1752 = tpu.assume_multiple %squeeze3A_1749, 128 : i32
      %dma_start3A_1753 = arith.constant 64 : i32
      %dma_start3A_1754 = arith.constant 0 : i32
      %dma_start3A_1755 = tpu.memref_slice %arg9[%dma_start3A_1753, %dma_start3A_1754] : memref<128x128xf32, #tpu.memory_space<vmem>> -> memref<32x128xf32, #tpu.memory_space<vmem>>
      %dma_start3A_1756 = arith.constant 0 : i32
      %dma_start3A_1757 = tpu.memref_slice %arg4[%dma_start3A_1756, %multiple_of3A_1752] : memref<32x1000000xf32, #tpu.memory_space<hbm>> -> memref<32x128xf32, #tpu.memory_space<hbm>>
      %dma_start3A_1758 = arith.constant 64 : i32
      %dma_start3A_1759 = arith.constant 0 : i32
      %dma_start3A_1760 = tpu.memref_slice %arg9[%dma_start3A_1758, %dma_start3A_1759] : memref<128x128xf32, #tpu.memory_space<vmem>> -> memref<32x128xf32, #tpu.memory_space<vmem>>
      %dma_start3A_1761 = arith.constant 0 : i32
      %dma_start3A_1762 = tpu.memref_slice %arg4[%dma_start3A_1761, %multiple_of3A_1752] : memref<32x1000000xf32, #tpu.memory_space<hbm>> -> memref<32x128xf32, #tpu.memory_space<hbm>>
      tpu.enqueue_dma source(%dma_start3A_1762 : memref<32x128xf32, #tpu.memory_space<hbm>>) target(%dma_start3A_1760 : memref<32x128xf32, #tpu.memory_space<vmem>>) target_semaphore(%arg16 : memref<!tpu.dma_semaphore, #tpu.memory_space<semaphore_mem>>)
      %multiple_of3A_1763 = tpu.assume_multiple %squeeze3A_1751, 128 : i32
      %dma_start3A_1764 = arith.constant 64 : i32
      %dma_start3A_1765 = arith.constant 0 : i32
      %dma_start3A_1766 = tpu.memref_slice %arg10[%dma_start3A_1764, %dma_start3A_1765] : memref<128x128xf32, #tpu.memory_space<vmem>> -> memref<32x128xf32, #tpu.memory_space<vmem>>
      %dma_start3A_1767 = arith.constant 0 : i32
      %dma_start3A_1768 = tpu.memref_slice %arg5[%dma_start3A_1767, %multiple_of3A_1763] : memref<32x1000000xf32, #tpu.memory_space<hbm>> -> memref<32x128xf32, #tpu.memory_space<hbm>>
      %dma_start3A_1769 = arith.constant 64 : i32
      %dma_start3A_1770 = arith.constant 0 : i32
      %dma_start3A_1771 = tpu.memref_slice %arg10[%dma_start3A_1769, %dma_start3A_1770] : memref<128x128xf32, #tpu.memory_space<vmem>> -> memref<32x128xf32, #tpu.memory_space<vmem>>
      %dma_start3A_1772 = arith.constant 0 : i32
      %dma_start3A_1773 = tpu.memref_slice %arg5[%dma_start3A_1772, %multiple_of3A_1763] : memref<32x1000000xf32, #tpu.memory_space<hbm>> -> memref<32x128xf32, #tpu.memory_space<hbm>>
      tpu.enqueue_dma source(%dma_start3A_1773 : memref<32x128xf32, #tpu.memory_space<hbm>>) target(%dma_start3A_1771 : memref<32x128xf32, #tpu.memory_space<vmem>>) target_semaphore(%arg17 : memref<!tpu.dma_semaphore, #tpu.memory_space<semaphore_mem>>)
      %slice3A_1774 = vector.extract_strided_slice %shift_left3A_1689 {offsets = [3], sizes = [1], strides = [1]} : vector<16xi32> to vector<1xi32>
      %squeeze3A_1775 = vector.extract %slice3A_1774[0] : i32 from vector<1xi32>
      %slice3A_1776 = vector.extract_strided_slice %shift_left3A_1695 {offsets = [3], sizes = [1], strides = [1]} : vector<16xi32> to vector<1xi32>
      %squeeze3A_1777 = vector.extract %slice3A_1776[0] : i32 from vector<1xi32>
      %multiple_of3A_1778 = tpu.assume_multiple %squeeze3A_1775, 128 : i32
      %dma_start3A_1779 = arith.constant 96 : i32
      %dma_start3A_1780 = arith.constant 0 : i32
      %dma_start3A_1781 = tpu.memref_slice %arg9[%dma_start3A_1779, %dma_start3A_1780] : memref<128x128xf32, #tpu.memory_space<vmem>> -> memref<32x128xf32, #tpu.memory_space<vmem>>
      %dma_start3A_1782 = arith.constant 0 : i32
      %dma_start3A_1783 = tpu.memref_slice %arg4[%dma_start3A_1782, %multiple_of3A_1778] : memref<32x1000000xf32, #tpu.memory_space<hbm>> -> memref<32x128xf32, #tpu.memory_space<hbm>>
      %dma_start3A_1784 = arith.constant 96 : i32
      %dma_start3A_1785 = arith.constant 0 : i32
      %dma_start3A_1786 = tpu.memref_slice %arg9[%dma_start3A_1784, %dma_start3A_1785] : memref<128x128xf32, #tpu.memory_space<vmem>> -> memref<32x128xf32, #tpu.memory_space<vmem>>
      %dma_start3A_1787 = arith.constant 0 : i32
      %dma_start3A_1788 = tpu.memref_slice %arg4[%dma_start3A_1787, %multiple_of3A_1778] : memref<32x1000000xf32, #tpu.memory_space<hbm>> -> memref<32x128xf32, #tpu.memory_space<hbm>>
      tpu.enqueue_dma source(%dma_start3A_1788 : memref<32x128xf32, #tpu.memory_space<hbm>>) target(%dma_start3A_1786 : memref<32x128xf32, #tpu.memory_space<vmem>>) target_semaphore(%arg16 : memref<!tpu.dma_semaphore, #tpu.memory_space<semaphore_mem>>)
      %multiple_of3A_1789 = tpu.assume_multiple %squeeze3A_1777, 128 : i32
      %dma_start3A_1790 = arith.constant 96 : i32
      %dma_start3A_1791 = arith.constant 0 : i32
      %dma_start3A_1792 = tpu.memref_slice %arg10[%dma_start3A_1790, %dma_start3A_1791] : memref<128x128xf32, #tpu.memory_space<vmem>> -> memref<32x128xf32, #tpu.memory_space<vmem>>
      %dma_start3A_1793 = arith.constant 0 : i32
      %dma_start3A_1794 = tpu.memref_slice %arg5[%dma_start3A_1793, %multiple_of3A_1789] : memref<32x1000000xf32, #tpu.memory_space<hbm>> -> memref<32x128xf32, #tpu.memory_space<hbm>>
      %dma_start3A_1795 = arith.constant 96 : i32
      %dma_start3A_1796 = arith.constant 0 : i32
      %dma_start3A_1797 = tpu.memref_slice %arg10[%dma_start3A_1795, %dma_start3A_1796] : memref<128x128xf32, #tpu.memory_space<vmem>> -> memref<32x128xf32, #tpu.memory_space<vmem>>
      %dma_start3A_1798 = arith.constant 0 : i32
      %dma_start3A_1799 = tpu.memref_slice %arg5[%dma_start3A_1798, %multiple_of3A_1789] : memref<32x1000000xf32, #tpu.memory_space<hbm>> -> memref<32x128xf32, #tpu.memory_space<hbm>>
      tpu.enqueue_dma source(%dma_start3A_1799 : memref<32x128xf32, #tpu.memory_space<hbm>>) target(%dma_start3A_1797 : memref<32x128xf32, #tpu.memory_space<vmem>>) target_semaphore(%arg17 : memref<!tpu.dma_semaphore, #tpu.memory_space<semaphore_mem>>)
      %add3A_1800 = arith.constant 1 : i32
      %add3A_1801 = arith.addi %mul3A_1108, %add3A_1800 : i32
      %dma_wait3A_1802 = arith.constant 0 : i32
      %dma_wait3A_1803 = arith.constant 0 : i32
      %dma_wait3A_1804 = tpu.memref_slice %arg11[%dma_wait3A_1802, %dma_wait3A_1803] : memref<128x128xf32, #tpu.memory_space<vmem>> -> memref<32x128xf32, #tpu.memory_space<vmem>>
      %dma_wait3A_1805 = arith.constant 0 : i32
      %dma_wait3A_1806 = arith.constant 0 : i32
      %dma_wait3A_1807 = tpu.memref_slice %arg4[%dma_wait3A_1805, %dma_wait3A_1806] : memref<32x1000000xf32, #tpu.memory_space<hbm>> -> memref<32x128xf32, #tpu.memory_space<hbm>>
      %dma_wait3A_1808 = arith.constant 0 : i32
      %dma_wait3A_1809 = arith.constant 0 : i32
      %dma_wait3A_1810 = tpu.memref_slice %arg11[%dma_wait3A_1808, %dma_wait3A_1809] : memref<128x128xf32, #tpu.memory_space<vmem>> -> memref<32x128xf32, #tpu.memory_space<vmem>>
      %dma_wait3A_1811 = arith.constant 0 : i32
      %dma_wait3A_1812 = arith.constant 0 : i32
      %dma_wait3A_1813 = tpu.memref_slice %arg4[%dma_wait3A_1811, %dma_wait3A_1812] : memref<32x1000000xf32, #tpu.memory_space<hbm>> -> memref<32x128xf32, #tpu.memory_space<hbm>>
      tpu.wait_dma2 semaphore(%arg18 : memref<!tpu.dma_semaphore, #tpu.memory_space<semaphore_mem>>) src(%dma_wait3A_1813 : memref<32x128xf32, #tpu.memory_space<hbm>>) dst(%dma_wait3A_1810 : memref<32x128xf32, #tpu.memory_space<vmem>>)
      %dma_wait3A_1814 = arith.constant 0 : i32
      %dma_wait3A_1815 = arith.constant 0 : i32
      %dma_wait3A_1816 = tpu.memref_slice %arg12[%dma_wait3A_1814, %dma_wait3A_1815] : memref<128x128xf32, #tpu.memory_space<vmem>> -> memref<32x128xf32, #tpu.memory_space<vmem>>
      %dma_wait3A_1817 = arith.constant 0 : i32
      %dma_wait3A_1818 = arith.constant 0 : i32
      %dma_wait3A_1819 = tpu.memref_slice %arg5[%dma_wait3A_1817, %dma_wait3A_1818] : memref<32x1000000xf32, #tpu.memory_space<hbm>> -> memref<32x128xf32, #tpu.memory_space<hbm>>
      %dma_wait3A_1820 = arith.constant 0 : i32
      %dma_wait3A_1821 = arith.constant 0 : i32
      %dma_wait3A_1822 = tpu.memref_slice %arg12[%dma_wait3A_1820, %dma_wait3A_1821] : memref<128x128xf32, #tpu.memory_space<vmem>> -> memref<32x128xf32, #tpu.memory_space<vmem>>
      %dma_wait3A_1823 = arith.constant 0 : i32
      %dma_wait3A_1824 = arith.constant 0 : i32
      %dma_wait3A_1825 = tpu.memref_slice %arg5[%dma_wait3A_1823, %dma_wait3A_1824] : memref<32x1000000xf32, #tpu.memory_space<hbm>> -> memref<32x128xf32, #tpu.memory_space<hbm>>
      tpu.wait_dma2 semaphore(%arg19 : memref<!tpu.dma_semaphore, #tpu.memory_space<semaphore_mem>>) src(%dma_wait3A_1825 : memref<32x128xf32, #tpu.memory_space<hbm>>) dst(%dma_wait3A_1822 : memref<32x128xf32, #tpu.memory_space<vmem>>)
      %dma_wait3A_1826 = arith.constant 32 : i32
      %dma_wait3A_1827 = arith.constant 0 : i32
      %dma_wait3A_1828 = tpu.memref_slice %arg11[%dma_wait3A_1826, %dma_wait3A_1827] : memref<128x128xf32, #tpu.memory_space<vmem>> -> memref<32x128xf32, #tpu.memory_space<vmem>>
      %dma_wait3A_1829 = arith.constant 0 : i32
      %dma_wait3A_1830 = arith.constant 0 : i32
      %dma_wait3A_1831 = tpu.memref_slice %arg4[%dma_wait3A_1829, %dma_wait3A_1830] : memref<32x1000000xf32, #tpu.memory_space<hbm>> -> memref<32x128xf32, #tpu.memory_space<hbm>>
      %dma_wait3A_1832 = arith.constant 32 : i32
      %dma_wait3A_1833 = arith.constant 0 : i32
      %dma_wait3A_1834 = tpu.memref_slice %arg11[%dma_wait3A_1832, %dma_wait3A_1833] : memref<128x128xf32, #tpu.memory_space<vmem>> -> memref<32x128xf32, #tpu.memory_space<vmem>>
      %dma_wait3A_1835 = arith.constant 0 : i32
      %dma_wait3A_1836 = arith.constant 0 : i32
      %dma_wait3A_1837 = tpu.memref_slice %arg4[%dma_wait3A_1835, %dma_wait3A_1836] : memref<32x1000000xf32, #tpu.memory_space<hbm>> -> memref<32x128xf32, #tpu.memory_space<hbm>>
      tpu.wait_dma2 semaphore(%arg18 : memref<!tpu.dma_semaphore, #tpu.memory_space<semaphore_mem>>) src(%dma_wait3A_1837 : memref<32x128xf32, #tpu.memory_space<hbm>>) dst(%dma_wait3A_1834 : memref<32x128xf32, #tpu.memory_space<vmem>>)
      %dma_wait3A_1838 = arith.constant 32 : i32
      %dma_wait3A_1839 = arith.constant 0 : i32
      %dma_wait3A_1840 = tpu.memref_slice %arg12[%dma_wait3A_1838, %dma_wait3A_1839] : memref<128x128xf32, #tpu.memory_space<vmem>> -> memref<32x128xf32, #tpu.memory_space<vmem>>
      %dma_wait3A_1841 = arith.constant 0 : i32
      %dma_wait3A_1842 = arith.constant 0 : i32
      %dma_wait3A_1843 = tpu.memref_slice %arg5[%dma_wait3A_1841, %dma_wait3A_1842] : memref<32x1000000xf32, #tpu.memory_space<hbm>> -> memref<32x128xf32, #tpu.memory_space<hbm>>
      %dma_wait3A_1844 = arith.constant 32 : i32
      %dma_wait3A_1845 = arith.constant 0 : i32
      %dma_wait3A_1846 = tpu.memref_slice %arg12[%dma_wait3A_1844, %dma_wait3A_1845] : memref<128x128xf32, #tpu.memory_space<vmem>> -> memref<32x128xf32, #tpu.memory_space<vmem>>
      %dma_wait3A_1847 = arith.constant 0 : i32
      %dma_wait3A_1848 = arith.constant 0 : i32
      %dma_wait3A_1849 = tpu.memref_slice %arg5[%dma_wait3A_1847, %dma_wait3A_1848] : memref<32x1000000xf32, #tpu.memory_space<hbm>> -> memref<32x128xf32, #tpu.memory_space<hbm>>
      tpu.wait_dma2 semaphore(%arg19 : memref<!tpu.dma_semaphore, #tpu.memory_space<semaphore_mem>>) src(%dma_wait3A_1849 : memref<32x128xf32, #tpu.memory_space<hbm>>) dst(%dma_wait3A_1846 : memref<32x128xf32, #tpu.memory_space<vmem>>)
      %dma_wait3A_1850 = arith.constant 64 : i32
      %dma_wait3A_1851 = arith.constant 0 : i32
      %dma_wait3A_1852 = tpu.memref_slice %arg11[%dma_wait3A_1850, %dma_wait3A_1851] : memref<128x128xf32, #tpu.memory_space<vmem>> -> memref<32x128xf32, #tpu.memory_space<vmem>>
      %dma_wait3A_1853 = arith.constant 0 : i32
      %dma_wait3A_1854 = arith.constant 0 : i32
      %dma_wait3A_1855 = tpu.memref_slice %arg4[%dma_wait3A_1853, %dma_wait3A_1854] : memref<32x1000000xf32, #tpu.memory_space<hbm>> -> memref<32x128xf32, #tpu.memory_space<hbm>>
      %dma_wait3A_1856 = arith.constant 64 : i32
      %dma_wait3A_1857 = arith.constant 0 : i32
      %dma_wait3A_1858 = tpu.memref_slice %arg11[%dma_wait3A_1856, %dma_wait3A_1857] : memref<128x128xf32, #tpu.memory_space<vmem>> -> memref<32x128xf32, #tpu.memory_space<vmem>>
      %dma_wait3A_1859 = arith.constant 0 : i32
      %dma_wait3A_1860 = arith.constant 0 : i32
      %dma_wait3A_1861 = tpu.memref_slice %arg4[%dma_wait3A_1859, %dma_wait3A_1860] : memref<32x1000000xf32, #tpu.memory_space<hbm>> -> memref<32x128xf32, #tpu.memory_space<hbm>>
      tpu.wait_dma2 semaphore(%arg18 : memref<!tpu.dma_semaphore, #tpu.memory_space<semaphore_mem>>) src(%dma_wait3A_1861 : memref<32x128xf32, #tpu.memory_space<hbm>>) dst(%dma_wait3A_1858 : memref<32x128xf32, #tpu.memory_space<vmem>>)
      %dma_wait3A_1862 = arith.constant 64 : i32
      %dma_wait3A_1863 = arith.constant 0 : i32
      %dma_wait3A_1864 = tpu.memref_slice %arg12[%dma_wait3A_1862, %dma_wait3A_1863] : memref<128x128xf32, #tpu.memory_space<vmem>> -> memref<32x128xf32, #tpu.memory_space<vmem>>
      %dma_wait3A_1865 = arith.constant 0 : i32
      %dma_wait3A_1866 = arith.constant 0 : i32
      %dma_wait3A_1867 = tpu.memref_slice %arg5[%dma_wait3A_1865, %dma_wait3A_1866] : memref<32x1000000xf32, #tpu.memory_space<hbm>> -> memref<32x128xf32, #tpu.memory_space<hbm>>
      %dma_wait3A_1868 = arith.constant 64 : i32
      %dma_wait3A_1869 = arith.constant 0 : i32
      %dma_wait3A_1870 = tpu.memref_slice %arg12[%dma_wait3A_1868, %dma_wait3A_1869] : memref<128x128xf32, #tpu.memory_space<vmem>> -> memref<32x128xf32, #tpu.memory_space<vmem>>
      %dma_wait3A_1871 = arith.constant 0 : i32
      %dma_wait3A_1872 = arith.constant 0 : i32
      %dma_wait3A_1873 = tpu.memref_slice %arg5[%dma_wait3A_1871, %dma_wait3A_1872] : memref<32x1000000xf32, #tpu.memory_space<hbm>> -> memref<32x128xf32, #tpu.memory_space<hbm>>
      tpu.wait_dma2 semaphore(%arg19 : memref<!tpu.dma_semaphore, #tpu.memory_space<semaphore_mem>>) src(%dma_wait3A_1873 : memref<32x128xf32, #tpu.memory_space<hbm>>) dst(%dma_wait3A_1870 : memref<32x128xf32, #tpu.memory_space<vmem>>)
      %dma_wait3A_1874 = arith.constant 96 : i32
      %dma_wait3A_1875 = arith.constant 0 : i32
      %dma_wait3A_1876 = tpu.memref_slice %arg11[%dma_wait3A_1874, %dma_wait3A_1875] : memref<128x128xf32, #tpu.memory_space<vmem>> -> memref<32x128xf32, #tpu.memory_space<vmem>>
      %dma_wait3A_1877 = arith.constant 0 : i32
      %dma_wait3A_1878 = arith.constant 0 : i32
      %dma_wait3A_1879 = tpu.memref_slice %arg4[%dma_wait3A_1877, %dma_wait3A_1878] : memref<32x1000000xf32, #tpu.memory_space<hbm>> -> memref<32x128xf32, #tpu.memory_space<hbm>>
      %dma_wait3A_1880 = arith.constant 96 : i32
      %dma_wait3A_1881 = arith.constant 0 : i32
      %dma_wait3A_1882 = tpu.memref_slice %arg11[%dma_wait3A_1880, %dma_wait3A_1881] : memref<128x128xf32, #tpu.memory_space<vmem>> -> memref<32x128xf32, #tpu.memory_space<vmem>>
      %dma_wait3A_1883 = arith.constant 0 : i32
      %dma_wait3A_1884 = arith.constant 0 : i32
      %dma_wait3A_1885 = tpu.memref_slice %arg4[%dma_wait3A_1883, %dma_wait3A_1884] : memref<32x1000000xf32, #tpu.memory_space<hbm>> -> memref<32x128xf32, #tpu.memory_space<hbm>>
      tpu.wait_dma2 semaphore(%arg18 : memref<!tpu.dma_semaphore, #tpu.memory_space<semaphore_mem>>) src(%dma_wait3A_1885 : memref<32x128xf32, #tpu.memory_space<hbm>>) dst(%dma_wait3A_1882 : memref<32x128xf32, #tpu.memory_space<vmem>>)
      %dma_wait3A_1886 = arith.constant 96 : i32
      %dma_wait3A_1887 = arith.constant 0 : i32
      %dma_wait3A_1888 = tpu.memref_slice %arg12[%dma_wait3A_1886, %dma_wait3A_1887] : memref<128x128xf32, #tpu.memory_space<vmem>> -> memref<32x128xf32, #tpu.memory_space<vmem>>
      %dma_wait3A_1889 = arith.constant 0 : i32
      %dma_wait3A_1890 = arith.constant 0 : i32
      %dma_wait3A_1891 = tpu.memref_slice %arg5[%dma_wait3A_1889, %dma_wait3A_1890] : memref<32x1000000xf32, #tpu.memory_space<hbm>> -> memref<32x128xf32, #tpu.memory_space<hbm>>
      %dma_wait3A_1892 = arith.constant 96 : i32
      %dma_wait3A_1893 = arith.constant 0 : i32
      %dma_wait3A_1894 = tpu.memref_slice %arg12[%dma_wait3A_1892, %dma_wait3A_1893] : memref<128x128xf32, #tpu.memory_space<vmem>> -> memref<32x128xf32, #tpu.memory_space<vmem>>
      %dma_wait3A_1895 = arith.constant 0 : i32
      %dma_wait3A_1896 = arith.constant 0 : i32
      %dma_wait3A_1897 = tpu.memref_slice %arg5[%dma_wait3A_1895, %dma_wait3A_1896] : memref<32x1000000xf32, #tpu.memory_space<hbm>> -> memref<32x128xf32, #tpu.memory_space<hbm>>
      tpu.wait_dma2 semaphore(%arg19 : memref<!tpu.dma_semaphore, #tpu.memory_space<semaphore_mem>>) src(%dma_wait3A_1897 : memref<32x128xf32, #tpu.memory_space<hbm>>) dst(%dma_wait3A_1894 : memref<32x128xf32, #tpu.memory_space<vmem>>)
      %mul3A_1898 = arith.constant 4 : i32
      %mul3A_1899 = arith.muli %add3A_1801, %mul3A_1898 : i32
      %get3A_1900 = arith.index_cast %mul3A_1899 : i32 to index
      %get3A_1901 = tpu.vector_load %arg7[%get3A_1900] {strides = array<i32>} : memref<528xi32, #tpu.memory_space<vmem>>, vector<16xi32>,
      %mul3A_1902 = arith.constant 4 : i32
      %mul3A_1903 = arith.muli %add3A_1801, %mul3A_1902 : i32
      %get3A_1904 = arith.index_cast %mul3A_1903 : i32 to index
      %get3A_1905 = tpu.vector_load %arg8[%get3A_1904] {strides = array<i32>} : memref<528xi32, #tpu.memory_space<vmem>>, vector<16xi32>,
      %and3A_1906 = arith.constant 127 : i32
      %and3A_1907 = vector.broadcast %and3A_1906 : i32 to vector<16xi32>
      %and3A_1908 = arith.andi %get3A_1901, %and3A_1907 : vector<16xi32>
      %and3A_1909 = arith.constant 127 : i32
      %and3A_1910 = vector.broadcast %and3A_1909 : i32 to vector<16xi32>
      %and3A_1911 = arith.andi %get3A_1905, %and3A_1910 : vector<16xi32>
      %broadcast_in_dim3A_1912 = arith.constant 0.000000e+00 : f32
      %broadcast_in_dim3A_1913 = vector.broadcast %broadcast_in_dim3A_1912 : f32 to vector<16xf32>
      %add3A_1914 = arith.constant 0 : i32
      %add3A_1915 = vector.broadcast %add3A_1914 : i32 to vector<16xi32>
      %add3A_1916 = arith.addi %mul3A_7, %add3A_1915 : vector<16xi32>
      %gather3A_1917 = tpu.vector_load_idx %arg11[%add3A_1916, %and3A_1908] : memref<128x128xf32, #tpu.memory_space<vmem>>[vector<16xi32>, vector<16xi32>], vector<16xf32>,
      %add3A_1918 = arith.constant 0 : i32
      %add3A_1919 = vector.broadcast %add3A_1918 : i32 to vector<16xi32>
      %add3A_1920 = arith.addi %mul3A_7, %add3A_1919 : vector<16xi32>
      %gather3A_1921 = tpu.vector_load_idx %arg12[%add3A_1920, %and3A_1911] : memref<128x128xf32, #tpu.memory_space<vmem>>[vector<16xi32>, vector<16xi32>], vector<16xf32>,
      %mul3A_1922 = arith.mulf %gather3A_1917, %gather3A_1921 : vector<16xf32>
      %add3A_1923 = arith.addf %broadcast_in_dim3A_1913, %mul3A_1922 : vector<16xf32>
      %add3A_1924 = arith.constant 1 : i32
      %add3A_1925 = vector.broadcast %add3A_1924 : i32 to vector<16xi32>
      %add3A_1926 = arith.addi %mul3A_7, %add3A_1925 : vector<16xi32>
      %gather3A_1927 = tpu.vector_load_idx %arg11[%add3A_1926, %and3A_1908] : memref<128x128xf32, #tpu.memory_space<vmem>>[vector<16xi32>, vector<16xi32>], vector<16xf32>,
      %add3A_1928 = arith.constant 1 : i32
      %add3A_1929 = vector.broadcast %add3A_1928 : i32 to vector<16xi32>
      %add3A_1930 = arith.addi %mul3A_7, %add3A_1929 : vector<16xi32>
      %gather3A_1931 = tpu.vector_load_idx %arg12[%add3A_1930, %and3A_1911] : memref<128x128xf32, #tpu.memory_space<vmem>>[vector<16xi32>, vector<16xi32>], vector<16xf32>,
      %mul3A_1932 = arith.mulf %gather3A_1927, %gather3A_1931 : vector<16xf32>
      %add3A_1933 = arith.addf %add3A_1923, %mul3A_1932 : vector<16xf32>
      %add3A_1934 = arith.constant 2 : i32
      %add3A_1935 = vector.broadcast %add3A_1934 : i32 to vector<16xi32>
      %add3A_1936 = arith.addi %mul3A_7, %add3A_1935 : vector<16xi32>
      %gather3A_1937 = tpu.vector_load_idx %arg11[%add3A_1936, %and3A_1908] : memref<128x128xf32, #tpu.memory_space<vmem>>[vector<16xi32>, vector<16xi32>], vector<16xf32>,
      %add3A_1938 = arith.constant 2 : i32
      %add3A_1939 = vector.broadcast %add3A_1938 : i32 to vector<16xi32>
      %add3A_1940 = arith.addi %mul3A_7, %add3A_1939 : vector<16xi32>
      %gather3A_1941 = tpu.vector_load_idx %arg12[%add3A_1940, %and3A_1911] : memref<128x128xf32, #tpu.memory_space<vmem>>[vector<16xi32>, vector<16xi32>], vector<16xf32>,
      %mul3A_1942 = arith.mulf %gather3A_1937, %gather3A_1941 : vector<16xf32>
      %add3A_1943 = arith.addf %add3A_1933, %mul3A_1942 : vector<16xf32>
      %add3A_1944 = arith.constant 3 : i32
      %add3A_1945 = vector.broadcast %add3A_1944 : i32 to vector<16xi32>
      %add3A_1946 = arith.addi %mul3A_7, %add3A_1945 : vector<16xi32>
      %gather3A_1947 = tpu.vector_load_idx %arg11[%add3A_1946, %and3A_1908] : memref<128x128xf32, #tpu.memory_space<vmem>>[vector<16xi32>, vector<16xi32>], vector<16xf32>,
      %add3A_1948 = arith.constant 3 : i32
      %add3A_1949 = vector.broadcast %add3A_1948 : i32 to vector<16xi32>
      %add3A_1950 = arith.addi %mul3A_7, %add3A_1949 : vector<16xi32>
      %gather3A_1951 = tpu.vector_load_idx %arg12[%add3A_1950, %and3A_1911] : memref<128x128xf32, #tpu.memory_space<vmem>>[vector<16xi32>, vector<16xi32>], vector<16xf32>,
      %mul3A_1952 = arith.mulf %gather3A_1947, %gather3A_1951 : vector<16xf32>
      %add3A_1953 = arith.addf %add3A_1943, %mul3A_1952 : vector<16xf32>
      %add3A_1954 = arith.constant 4 : i32
      %add3A_1955 = vector.broadcast %add3A_1954 : i32 to vector<16xi32>
      %add3A_1956 = arith.addi %mul3A_7, %add3A_1955 : vector<16xi32>
      %gather3A_1957 = tpu.vector_load_idx %arg11[%add3A_1956, %and3A_1908] : memref<128x128xf32, #tpu.memory_space<vmem>>[vector<16xi32>, vector<16xi32>], vector<16xf32>,
      %add3A_1958 = arith.constant 4 : i32
      %add3A_1959 = vector.broadcast %add3A_1958 : i32 to vector<16xi32>
      %add3A_1960 = arith.addi %mul3A_7, %add3A_1959 : vector<16xi32>
      %gather3A_1961 = tpu.vector_load_idx %arg12[%add3A_1960, %and3A_1911] : memref<128x128xf32, #tpu.memory_space<vmem>>[vector<16xi32>, vector<16xi32>], vector<16xf32>,
      %mul3A_1962 = arith.mulf %gather3A_1957, %gather3A_1961 : vector<16xf32>
      %add3A_1963 = arith.addf %add3A_1953, %mul3A_1962 : vector<16xf32>
      %add3A_1964 = arith.constant 5 : i32
      %add3A_1965 = vector.broadcast %add3A_1964 : i32 to vector<16xi32>
      %add3A_1966 = arith.addi %mul3A_7, %add3A_1965 : vector<16xi32>
      %gather3A_1967 = tpu.vector_load_idx %arg11[%add3A_1966, %and3A_1908] : memref<128x128xf32, #tpu.memory_space<vmem>>[vector<16xi32>, vector<16xi32>], vector<16xf32>,
      %add3A_1968 = arith.constant 5 : i32
      %add3A_1969 = vector.broadcast %add3A_1968 : i32 to vector<16xi32>
      %add3A_1970 = arith.addi %mul3A_7, %add3A_1969 : vector<16xi32>
      %gather3A_1971 = tpu.vector_load_idx %arg12[%add3A_1970, %and3A_1911] : memref<128x128xf32, #tpu.memory_space<vmem>>[vector<16xi32>, vector<16xi32>], vector<16xf32>,
      %mul3A_1972 = arith.mulf %gather3A_1967, %gather3A_1971 : vector<16xf32>
      %add3A_1973 = arith.addf %add3A_1963, %mul3A_1972 : vector<16xf32>
      %add3A_1974 = arith.constant 6 : i32
      %add3A_1975 = vector.broadcast %add3A_1974 : i32 to vector<16xi32>
      %add3A_1976 = arith.addi %mul3A_7, %add3A_1975 : vector<16xi32>
      %gather3A_1977 = tpu.vector_load_idx %arg11[%add3A_1976, %and3A_1908] : memref<128x128xf32, #tpu.memory_space<vmem>>[vector<16xi32>, vector<16xi32>], vector<16xf32>,
      %add3A_1978 = arith.constant 6 : i32
      %add3A_1979 = vector.broadcast %add3A_1978 : i32 to vector<16xi32>
      %add3A_1980 = arith.addi %mul3A_7, %add3A_1979 : vector<16xi32>
      %gather3A_1981 = tpu.vector_load_idx %arg12[%add3A_1980, %and3A_1911] : memref<128x128xf32, #tpu.memory_space<vmem>>[vector<16xi32>, vector<16xi32>], vector<16xf32>,
      %mul3A_1982 = arith.mulf %gather3A_1977, %gather3A_1981 : vector<16xf32>
      %add3A_1983 = arith.addf %add3A_1973, %mul3A_1982 : vector<16xf32>
      %add3A_1984 = arith.constant 7 : i32
      %add3A_1985 = vector.broadcast %add3A_1984 : i32 to vector<16xi32>
      %add3A_1986 = arith.addi %mul3A_7, %add3A_1985 : vector<16xi32>
      %gather3A_1987 = tpu.vector_load_idx %arg11[%add3A_1986, %and3A_1908] : memref<128x128xf32, #tpu.memory_space<vmem>>[vector<16xi32>, vector<16xi32>], vector<16xf32>,
      %add3A_1988 = arith.constant 7 : i32
      %add3A_1989 = vector.broadcast %add3A_1988 : i32 to vector<16xi32>
      %add3A_1990 = arith.addi %mul3A_7, %add3A_1989 : vector<16xi32>
      %gather3A_1991 = tpu.vector_load_idx %arg12[%add3A_1990, %and3A_1911] : memref<128x128xf32, #tpu.memory_space<vmem>>[vector<16xi32>, vector<16xi32>], vector<16xf32>,
      %mul3A_1992 = arith.mulf %gather3A_1987, %gather3A_1991 : vector<16xf32>
      %add3A_1993 = arith.addf %add3A_1983, %mul3A_1992 : vector<16xf32>
      %add3A_1994 = arith.constant 8 : i32
      %add3A_1995 = vector.broadcast %add3A_1994 : i32 to vector<16xi32>
      %add3A_1996 = arith.addi %mul3A_7, %add3A_1995 : vector<16xi32>
      %gather3A_1997 = tpu.vector_load_idx %arg11[%add3A_1996, %and3A_1908] : memref<128x128xf32, #tpu.memory_space<vmem>>[vector<16xi32>, vector<16xi32>], vector<16xf32>,
      %add3A_1998 = arith.constant 8 : i32
      %add3A_1999 = vector.broadcast %add3A_1998 : i32 to vector<16xi32>
      %add3A_2000 = arith.addi %mul3A_7, %add3A_1999 : vector<16xi32>
      %gather3A_2001 = tpu.vector_load_idx %arg12[%add3A_2000, %and3A_1911] : memref<128x128xf32, #tpu.memory_space<vmem>>[vector<16xi32>, vector<16xi32>], vector<16xf32>,
      %mul3A_2002 = arith.mulf %gather3A_1997, %gather3A_2001 : vector<16xf32>
      %add3A_2003 = arith.addf %add3A_1993, %mul3A_2002 : vector<16xf32>
      %add3A_2004 = arith.constant 9 : i32
      %add3A_2005 = vector.broadcast %add3A_2004 : i32 to vector<16xi32>
      %add3A_2006 = arith.addi %mul3A_7, %add3A_2005 : vector<16xi32>
      %gather3A_2007 = tpu.vector_load_idx %arg11[%add3A_2006, %and3A_1908] : memref<128x128xf32, #tpu.memory_space<vmem>>[vector<16xi32>, vector<16xi32>], vector<16xf32>,
      %add3A_2008 = arith.constant 9 : i32
      %add3A_2009 = vector.broadcast %add3A_2008 : i32 to vector<16xi32>
      %add3A_2010 = arith.addi %mul3A_7, %add3A_2009 : vector<16xi32>
      %gather3A_2011 = tpu.vector_load_idx %arg12[%add3A_2010, %and3A_1911] : memref<128x128xf32, #tpu.memory_space<vmem>>[vector<16xi32>, vector<16xi32>], vector<16xf32>,
      %mul3A_2012 = arith.mulf %gather3A_2007, %gather3A_2011 : vector<16xf32>
      %add3A_2013 = arith.addf %add3A_2003, %mul3A_2012 : vector<16xf32>
      %add3A_2014 = arith.constant 10 : i32
      %add3A_2015 = vector.broadcast %add3A_2014 : i32 to vector<16xi32>
      %add3A_2016 = arith.addi %mul3A_7, %add3A_2015 : vector<16xi32>
      %gather3A_2017 = tpu.vector_load_idx %arg11[%add3A_2016, %and3A_1908] : memref<128x128xf32, #tpu.memory_space<vmem>>[vector<16xi32>, vector<16xi32>], vector<16xf32>,
      %add3A_2018 = arith.constant 10 : i32
      %add3A_2019 = vector.broadcast %add3A_2018 : i32 to vector<16xi32>
      %add3A_2020 = arith.addi %mul3A_7, %add3A_2019 : vector<16xi32>
      %gather3A_2021 = tpu.vector_load_idx %arg12[%add3A_2020, %and3A_1911] : memref<128x128xf32, #tpu.memory_space<vmem>>[vector<16xi32>, vector<16xi32>], vector<16xf32>,
      %mul3A_2022 = arith.mulf %gather3A_2017, %gather3A_2021 : vector<16xf32>
      %add3A_2023 = arith.addf %add3A_2013, %mul3A_2022 : vector<16xf32>
      %add3A_2024 = arith.constant 11 : i32
      %add3A_2025 = vector.broadcast %add3A_2024 : i32 to vector<16xi32>
      %add3A_2026 = arith.addi %mul3A_7, %add3A_2025 : vector<16xi32>
      %gather3A_2027 = tpu.vector_load_idx %arg11[%add3A_2026, %and3A_1908] : memref<128x128xf32, #tpu.memory_space<vmem>>[vector<16xi32>, vector<16xi32>], vector<16xf32>,
      %add3A_2028 = arith.constant 11 : i32
      %add3A_2029 = vector.broadcast %add3A_2028 : i32 to vector<16xi32>
      %add3A_2030 = arith.addi %mul3A_7, %add3A_2029 : vector<16xi32>
      %gather3A_2031 = tpu.vector_load_idx %arg12[%add3A_2030, %and3A_1911] : memref<128x128xf32, #tpu.memory_space<vmem>>[vector<16xi32>, vector<16xi32>], vector<16xf32>,
      %mul3A_2032 = arith.mulf %gather3A_2027, %gather3A_2031 : vector<16xf32>
      %add3A_2033 = arith.addf %add3A_2023, %mul3A_2032 : vector<16xf32>
      %add3A_2034 = arith.constant 12 : i32
      %add3A_2035 = vector.broadcast %add3A_2034 : i32 to vector<16xi32>
      %add3A_2036 = arith.addi %mul3A_7, %add3A_2035 : vector<16xi32>
      %gather3A_2037 = tpu.vector_load_idx %arg11[%add3A_2036, %and3A_1908] : memref<128x128xf32, #tpu.memory_space<vmem>>[vector<16xi32>, vector<16xi32>], vector<16xf32>,
      %add3A_2038 = arith.constant 12 : i32
      %add3A_2039 = vector.broadcast %add3A_2038 : i32 to vector<16xi32>
      %add3A_2040 = arith.addi %mul3A_7, %add3A_2039 : vector<16xi32>
      %gather3A_2041 = tpu.vector_load_idx %arg12[%add3A_2040, %and3A_1911] : memref<128x128xf32, #tpu.memory_space<vmem>>[vector<16xi32>, vector<16xi32>], vector<16xf32>,
      %mul3A_2042 = arith.mulf %gather3A_2037, %gather3A_2041 : vector<16xf32>
      %add3A_2043 = arith.addf %add3A_2033, %mul3A_2042 : vector<16xf32>
      %add3A_2044 = arith.constant 13 : i32
      %add3A_2045 = vector.broadcast %add3A_2044 : i32 to vector<16xi32>
      %add3A_2046 = arith.addi %mul3A_7, %add3A_2045 : vector<16xi32>
      %gather3A_2047 = tpu.vector_load_idx %arg11[%add3A_2046, %and3A_1908] : memref<128x128xf32, #tpu.memory_space<vmem>>[vector<16xi32>, vector<16xi32>], vector<16xf32>,
      %add3A_2048 = arith.constant 13 : i32
      %add3A_2049 = vector.broadcast %add3A_2048 : i32 to vector<16xi32>
      %add3A_2050 = arith.addi %mul3A_7, %add3A_2049 : vector<16xi32>
      %gather3A_2051 = tpu.vector_load_idx %arg12[%add3A_2050, %and3A_1911] : memref<128x128xf32, #tpu.memory_space<vmem>>[vector<16xi32>, vector<16xi32>], vector<16xf32>,
      %mul3A_2052 = arith.mulf %gather3A_2047, %gather3A_2051 : vector<16xf32>
      %add3A_2053 = arith.addf %add3A_2043, %mul3A_2052 : vector<16xf32>
      %add3A_2054 = arith.constant 14 : i32
      %add3A_2055 = vector.broadcast %add3A_2054 : i32 to vector<16xi32>
      %add3A_2056 = arith.addi %mul3A_7, %add3A_2055 : vector<16xi32>
      %gather3A_2057 = tpu.vector_load_idx %arg11[%add3A_2056, %and3A_1908] : memref<128x128xf32, #tpu.memory_space<vmem>>[vector<16xi32>, vector<16xi32>], vector<16xf32>,
      %add3A_2058 = arith.constant 14 : i32
      %add3A_2059 = vector.broadcast %add3A_2058 : i32 to vector<16xi32>
      %add3A_2060 = arith.addi %mul3A_7, %add3A_2059 : vector<16xi32>
      %gather3A_2061 = tpu.vector_load_idx %arg12[%add3A_2060, %and3A_1911] : memref<128x128xf32, #tpu.memory_space<vmem>>[vector<16xi32>, vector<16xi32>], vector<16xf32>,
      %mul3A_2062 = arith.mulf %gather3A_2057, %gather3A_2061 : vector<16xf32>
      %add3A_2063 = arith.addf %add3A_2053, %mul3A_2062 : vector<16xf32>
      %add3A_2064 = arith.constant 15 : i32
      %add3A_2065 = vector.broadcast %add3A_2064 : i32 to vector<16xi32>
      %add3A_2066 = arith.addi %mul3A_7, %add3A_2065 : vector<16xi32>
      %gather3A_2067 = tpu.vector_load_idx %arg11[%add3A_2066, %and3A_1908] : memref<128x128xf32, #tpu.memory_space<vmem>>[vector<16xi32>, vector<16xi32>], vector<16xf32>,
      %add3A_2068 = arith.constant 15 : i32
      %add3A_2069 = vector.broadcast %add3A_2068 : i32 to vector<16xi32>
      %add3A_2070 = arith.addi %mul3A_7, %add3A_2069 : vector<16xi32>
      %gather3A_2071 = tpu.vector_load_idx %arg12[%add3A_2070, %and3A_1911] : memref<128x128xf32, #tpu.memory_space<vmem>>[vector<16xi32>, vector<16xi32>], vector<16xf32>,
      %mul3A_2072 = arith.mulf %gather3A_2067, %gather3A_2071 : vector<16xf32>
      %add3A_2073 = arith.addf %add3A_2063, %mul3A_2072 : vector<16xf32>
      %add3A_2074 = arith.constant 16 : i32
      %add3A_2075 = vector.broadcast %add3A_2074 : i32 to vector<16xi32>
      %add3A_2076 = arith.addi %mul3A_7, %add3A_2075 : vector<16xi32>
      %gather3A_2077 = tpu.vector_load_idx %arg11[%add3A_2076, %and3A_1908] : memref<128x128xf32, #tpu.memory_space<vmem>>[vector<16xi32>, vector<16xi32>], vector<16xf32>,
      %add3A_2078 = arith.constant 16 : i32
      %add3A_2079 = vector.broadcast %add3A_2078 : i32 to vector<16xi32>
      %add3A_2080 = arith.addi %mul3A_7, %add3A_2079 : vector<16xi32>
      %gather3A_2081 = tpu.vector_load_idx %arg12[%add3A_2080, %and3A_1911] : memref<128x128xf32, #tpu.memory_space<vmem>>[vector<16xi32>, vector<16xi32>], vector<16xf32>,
      %mul3A_2082 = arith.mulf %gather3A_2077, %gather3A_2081 : vector<16xf32>
      %add3A_2083 = arith.addf %add3A_2073, %mul3A_2082 : vector<16xf32>
      %add3A_2084 = arith.constant 17 : i32
      %add3A_2085 = vector.broadcast %add3A_2084 : i32 to vector<16xi32>
      %add3A_2086 = arith.addi %mul3A_7, %add3A_2085 : vector<16xi32>
      %gather3A_2087 = tpu.vector_load_idx %arg11[%add3A_2086, %and3A_1908] : memref<128x128xf32, #tpu.memory_space<vmem>>[vector<16xi32>, vector<16xi32>], vector<16xf32>,
      %add3A_2088 = arith.constant 17 : i32
      %add3A_2089 = vector.broadcast %add3A_2088 : i32 to vector<16xi32>
      %add3A_2090 = arith.addi %mul3A_7, %add3A_2089 : vector<16xi32>
      %gather3A_2091 = tpu.vector_load_idx %arg12[%add3A_2090, %and3A_1911] : memref<128x128xf32, #tpu.memory_space<vmem>>[vector<16xi32>, vector<16xi32>], vector<16xf32>,
      %mul3A_2092 = arith.mulf %gather3A_2087, %gather3A_2091 : vector<16xf32>
      %add3A_2093 = arith.addf %add3A_2083, %mul3A_2092 : vector<16xf32>
      %add3A_2094 = arith.constant 18 : i32
      %add3A_2095 = vector.broadcast %add3A_2094 : i32 to vector<16xi32>
      %add3A_2096 = arith.addi %mul3A_7, %add3A_2095 : vector<16xi32>
      %gather3A_2097 = tpu.vector_load_idx %arg11[%add3A_2096, %and3A_1908] : memref<128x128xf32, #tpu.memory_space<vmem>>[vector<16xi32>, vector<16xi32>], vector<16xf32>,
      %add3A_2098 = arith.constant 18 : i32
      %add3A_2099 = vector.broadcast %add3A_2098 : i32 to vector<16xi32>
      %add3A_2100 = arith.addi %mul3A_7, %add3A_2099 : vector<16xi32>
      %gather3A_2101 = tpu.vector_load_idx %arg12[%add3A_2100, %and3A_1911] : memref<128x128xf32, #tpu.memory_space<vmem>>[vector<16xi32>, vector<16xi32>], vector<16xf32>,
      %mul3A_2102 = arith.mulf %gather3A_2097, %gather3A_2101 : vector<16xf32>
      %add3A_2103 = arith.addf %add3A_2093, %mul3A_2102 : vector<16xf32>
      %add3A_2104 = arith.constant 19 : i32
      %add3A_2105 = vector.broadcast %add3A_2104 : i32 to vector<16xi32>
      %add3A_2106 = arith.addi %mul3A_7, %add3A_2105 : vector<16xi32>
      %gather3A_2107 = tpu.vector_load_idx %arg11[%add3A_2106, %and3A_1908] : memref<128x128xf32, #tpu.memory_space<vmem>>[vector<16xi32>, vector<16xi32>], vector<16xf32>,
      %add3A_2108 = arith.constant 19 : i32
      %add3A_2109 = vector.broadcast %add3A_2108 : i32 to vector<16xi32>
      %add3A_2110 = arith.addi %mul3A_7, %add3A_2109 : vector<16xi32>
      %gather3A_2111 = tpu.vector_load_idx %arg12[%add3A_2110, %and3A_1911] : memref<128x128xf32, #tpu.memory_space<vmem>>[vector<16xi32>, vector<16xi32>], vector<16xf32>,
      %mul3A_2112 = arith.mulf %gather3A_2107, %gather3A_2111 : vector<16xf32>
      %add3A_2113 = arith.addf %add3A_2103, %mul3A_2112 : vector<16xf32>
      %add3A_2114 = arith.constant 20 : i32
      %add3A_2115 = vector.broadcast %add3A_2114 : i32 to vector<16xi32>
      %add3A_2116 = arith.addi %mul3A_7, %add3A_2115 : vector<16xi32>
      %gather3A_2117 = tpu.vector_load_idx %arg11[%add3A_2116, %and3A_1908] : memref<128x128xf32, #tpu.memory_space<vmem>>[vector<16xi32>, vector<16xi32>], vector<16xf32>,
      %add3A_2118 = arith.constant 20 : i32
      %add3A_2119 = vector.broadcast %add3A_2118 : i32 to vector<16xi32>
      %add3A_2120 = arith.addi %mul3A_7, %add3A_2119 : vector<16xi32>
      %gather3A_2121 = tpu.vector_load_idx %arg12[%add3A_2120, %and3A_1911] : memref<128x128xf32, #tpu.memory_space<vmem>>[vector<16xi32>, vector<16xi32>], vector<16xf32>,
      %mul3A_2122 = arith.mulf %gather3A_2117, %gather3A_2121 : vector<16xf32>
      %add3A_2123 = arith.addf %add3A_2113, %mul3A_2122 : vector<16xf32>
      %add3A_2124 = arith.constant 21 : i32
      %add3A_2125 = vector.broadcast %add3A_2124 : i32 to vector<16xi32>
      %add3A_2126 = arith.addi %mul3A_7, %add3A_2125 : vector<16xi32>
      %gather3A_2127 = tpu.vector_load_idx %arg11[%add3A_2126, %and3A_1908] : memref<128x128xf32, #tpu.memory_space<vmem>>[vector<16xi32>, vector<16xi32>], vector<16xf32>,
      %add3A_2128 = arith.constant 21 : i32
      %add3A_2129 = vector.broadcast %add3A_2128 : i32 to vector<16xi32>
      %add3A_2130 = arith.addi %mul3A_7, %add3A_2129 : vector<16xi32>
      %gather3A_2131 = tpu.vector_load_idx %arg12[%add3A_2130, %and3A_1911] : memref<128x128xf32, #tpu.memory_space<vmem>>[vector<16xi32>, vector<16xi32>], vector<16xf32>,
      %mul3A_2132 = arith.mulf %gather3A_2127, %gather3A_2131 : vector<16xf32>
      %add3A_2133 = arith.addf %add3A_2123, %mul3A_2132 : vector<16xf32>
      %add3A_2134 = arith.constant 22 : i32
      %add3A_2135 = vector.broadcast %add3A_2134 : i32 to vector<16xi32>
      %add3A_2136 = arith.addi %mul3A_7, %add3A_2135 : vector<16xi32>
      %gather3A_2137 = tpu.vector_load_idx %arg11[%add3A_2136, %and3A_1908] : memref<128x128xf32, #tpu.memory_space<vmem>>[vector<16xi32>, vector<16xi32>], vector<16xf32>,
      %add3A_2138 = arith.constant 22 : i32
      %add3A_2139 = vector.broadcast %add3A_2138 : i32 to vector<16xi32>
      %add3A_2140 = arith.addi %mul3A_7, %add3A_2139 : vector<16xi32>
      %gather3A_2141 = tpu.vector_load_idx %arg12[%add3A_2140, %and3A_1911] : memref<128x128xf32, #tpu.memory_space<vmem>>[vector<16xi32>, vector<16xi32>], vector<16xf32>,
      %mul3A_2142 = arith.mulf %gather3A_2137, %gather3A_2141 : vector<16xf32>
      %add3A_2143 = arith.addf %add3A_2133, %mul3A_2142 : vector<16xf32>
      %add3A_2144 = arith.constant 23 : i32
      %add3A_2145 = vector.broadcast %add3A_2144 : i32 to vector<16xi32>
      %add3A_2146 = arith.addi %mul3A_7, %add3A_2145 : vector<16xi32>
      %gather3A_2147 = tpu.vector_load_idx %arg11[%add3A_2146, %and3A_1908] : memref<128x128xf32, #tpu.memory_space<vmem>>[vector<16xi32>, vector<16xi32>], vector<16xf32>,
      %add3A_2148 = arith.constant 23 : i32
      %add3A_2149 = vector.broadcast %add3A_2148 : i32 to vector<16xi32>
      %add3A_2150 = arith.addi %mul3A_7, %add3A_2149 : vector<16xi32>
      %gather3A_2151 = tpu.vector_load_idx %arg12[%add3A_2150, %and3A_1911] : memref<128x128xf32, #tpu.memory_space<vmem>>[vector<16xi32>, vector<16xi32>], vector<16xf32>,
      %mul3A_2152 = arith.mulf %gather3A_2147, %gather3A_2151 : vector<16xf32>
      %add3A_2153 = arith.addf %add3A_2143, %mul3A_2152 : vector<16xf32>
      %add3A_2154 = arith.constant 24 : i32
      %add3A_2155 = vector.broadcast %add3A_2154 : i32 to vector<16xi32>
      %add3A_2156 = arith.addi %mul3A_7, %add3A_2155 : vector<16xi32>
      %gather3A_2157 = tpu.vector_load_idx %arg11[%add3A_2156, %and3A_1908] : memref<128x128xf32, #tpu.memory_space<vmem>>[vector<16xi32>, vector<16xi32>], vector<16xf32>,
      %add3A_2158 = arith.constant 24 : i32
      %add3A_2159 = vector.broadcast %add3A_2158 : i32 to vector<16xi32>
      %add3A_2160 = arith.addi %mul3A_7, %add3A_2159 : vector<16xi32>
      %gather3A_2161 = tpu.vector_load_idx %arg12[%add3A_2160, %and3A_1911] : memref<128x128xf32, #tpu.memory_space<vmem>>[vector<16xi32>, vector<16xi32>], vector<16xf32>,
      %mul3A_2162 = arith.mulf %gather3A_2157, %gather3A_2161 : vector<16xf32>
      %add3A_2163 = arith.addf %add3A_2153, %mul3A_2162 : vector<16xf32>
      %add3A_2164 = arith.constant 25 : i32
      %add3A_2165 = vector.broadcast %add3A_2164 : i32 to vector<16xi32>
      %add3A_2166 = arith.addi %mul3A_7, %add3A_2165 : vector<16xi32>
      %gather3A_2167 = tpu.vector_load_idx %arg11[%add3A_2166, %and3A_1908] : memref<128x128xf32, #tpu.memory_space<vmem>>[vector<16xi32>, vector<16xi32>], vector<16xf32>,
      %add3A_2168 = arith.constant 25 : i32
      %add3A_2169 = vector.broadcast %add3A_2168 : i32 to vector<16xi32>
      %add3A_2170 = arith.addi %mul3A_7, %add3A_2169 : vector<16xi32>
      %gather3A_2171 = tpu.vector_load_idx %arg12[%add3A_2170, %and3A_1911] : memref<128x128xf32, #tpu.memory_space<vmem>>[vector<16xi32>, vector<16xi32>], vector<16xf32>,
      %mul3A_2172 = arith.mulf %gather3A_2167, %gather3A_2171 : vector<16xf32>
      %add3A_2173 = arith.addf %add3A_2163, %mul3A_2172 : vector<16xf32>
      %add3A_2174 = arith.constant 26 : i32
      %add3A_2175 = vector.broadcast %add3A_2174 : i32 to vector<16xi32>
      %add3A_2176 = arith.addi %mul3A_7, %add3A_2175 : vector<16xi32>
      %gather3A_2177 = tpu.vector_load_idx %arg11[%add3A_2176, %and3A_1908] : memref<128x128xf32, #tpu.memory_space<vmem>>[vector<16xi32>, vector<16xi32>], vector<16xf32>,
      %add3A_2178 = arith.constant 26 : i32
      %add3A_2179 = vector.broadcast %add3A_2178 : i32 to vector<16xi32>
      %add3A_2180 = arith.addi %mul3A_7, %add3A_2179 : vector<16xi32>
      %gather3A_2181 = tpu.vector_load_idx %arg12[%add3A_2180, %and3A_1911] : memref<128x128xf32, #tpu.memory_space<vmem>>[vector<16xi32>, vector<16xi32>], vector<16xf32>,
      %mul3A_2182 = arith.mulf %gather3A_2177, %gather3A_2181 : vector<16xf32>
      %add3A_2183 = arith.addf %add3A_2173, %mul3A_2182 : vector<16xf32>
      %add3A_2184 = arith.constant 27 : i32
      %add3A_2185 = vector.broadcast %add3A_2184 : i32 to vector<16xi32>
      %add3A_2186 = arith.addi %mul3A_7, %add3A_2185 : vector<16xi32>
      %gather3A_2187 = tpu.vector_load_idx %arg11[%add3A_2186, %and3A_1908] : memref<128x128xf32, #tpu.memory_space<vmem>>[vector<16xi32>, vector<16xi32>], vector<16xf32>,
      %add3A_2188 = arith.constant 27 : i32
      %add3A_2189 = vector.broadcast %add3A_2188 : i32 to vector<16xi32>
      %add3A_2190 = arith.addi %mul3A_7, %add3A_2189 : vector<16xi32>
      %gather3A_2191 = tpu.vector_load_idx %arg12[%add3A_2190, %and3A_1911] : memref<128x128xf32, #tpu.memory_space<vmem>>[vector<16xi32>, vector<16xi32>], vector<16xf32>,
      %mul3A_2192 = arith.mulf %gather3A_2187, %gather3A_2191 : vector<16xf32>
      %add3A_2193 = arith.addf %add3A_2183, %mul3A_2192 : vector<16xf32>
      %add3A_2194 = arith.constant 28 : i32
      %add3A_2195 = vector.broadcast %add3A_2194 : i32 to vector<16xi32>
      %add3A_2196 = arith.addi %mul3A_7, %add3A_2195 : vector<16xi32>
      %gather3A_2197 = tpu.vector_load_idx %arg11[%add3A_2196, %and3A_1908] : memref<128x128xf32, #tpu.memory_space<vmem>>[vector<16xi32>, vector<16xi32>], vector<16xf32>,
      %add3A_2198 = arith.constant 28 : i32
      %add3A_2199 = vector.broadcast %add3A_2198 : i32 to vector<16xi32>
      %add3A_2200 = arith.addi %mul3A_7, %add3A_2199 : vector<16xi32>
      %gather3A_2201 = tpu.vector_load_idx %arg12[%add3A_2200, %and3A_1911] : memref<128x128xf32, #tpu.memory_space<vmem>>[vector<16xi32>, vector<16xi32>], vector<16xf32>,
      %mul3A_2202 = arith.mulf %gather3A_2197, %gather3A_2201 : vector<16xf32>
      %add3A_2203 = arith.addf %add3A_2193, %mul3A_2202 : vector<16xf32>
      %add3A_2204 = arith.constant 29 : i32
      %add3A_2205 = vector.broadcast %add3A_2204 : i32 to vector<16xi32>
      %add3A_2206 = arith.addi %mul3A_7, %add3A_2205 : vector<16xi32>
      %gather3A_2207 = tpu.vector_load_idx %arg11[%add3A_2206, %and3A_1908] : memref<128x128xf32, #tpu.memory_space<vmem>>[vector<16xi32>, vector<16xi32>], vector<16xf32>,
      %add3A_2208 = arith.constant 29 : i32
      %add3A_2209 = vector.broadcast %add3A_2208 : i32 to vector<16xi32>
      %add3A_2210 = arith.addi %mul3A_7, %add3A_2209 : vector<16xi32>
      %gather3A_2211 = tpu.vector_load_idx %arg12[%add3A_2210, %and3A_1911] : memref<128x128xf32, #tpu.memory_space<vmem>>[vector<16xi32>, vector<16xi32>], vector<16xf32>,
      %mul3A_2212 = arith.mulf %gather3A_2207, %gather3A_2211 : vector<16xf32>
      %add3A_2213 = arith.addf %add3A_2203, %mul3A_2212 : vector<16xf32>
      %add3A_2214 = arith.constant 30 : i32
      %add3A_2215 = vector.broadcast %add3A_2214 : i32 to vector<16xi32>
      %add3A_2216 = arith.addi %mul3A_7, %add3A_2215 : vector<16xi32>
      %gather3A_2217 = tpu.vector_load_idx %arg11[%add3A_2216, %and3A_1908] : memref<128x128xf32, #tpu.memory_space<vmem>>[vector<16xi32>, vector<16xi32>], vector<16xf32>,
      %add3A_2218 = arith.constant 30 : i32
      %add3A_2219 = vector.broadcast %add3A_2218 : i32 to vector<16xi32>
      %add3A_2220 = arith.addi %mul3A_7, %add3A_2219 : vector<16xi32>
      %gather3A_2221 = tpu.vector_load_idx %arg12[%add3A_2220, %and3A_1911] : memref<128x128xf32, #tpu.memory_space<vmem>>[vector<16xi32>, vector<16xi32>], vector<16xf32>,
      %mul3A_2222 = arith.mulf %gather3A_2217, %gather3A_2221 : vector<16xf32>
      %add3A_2223 = arith.addf %add3A_2213, %mul3A_2222 : vector<16xf32>
      %add3A_2224 = arith.constant 31 : i32
      %add3A_2225 = vector.broadcast %add3A_2224 : i32 to vector<16xi32>
      %add3A_2226 = arith.addi %mul3A_7, %add3A_2225 : vector<16xi32>
      %gather3A_2227 = tpu.vector_load_idx %arg11[%add3A_2226, %and3A_1908] : memref<128x128xf32, #tpu.memory_space<vmem>>[vector<16xi32>, vector<16xi32>], vector<16xf32>,
      %add3A_2228 = arith.constant 31 : i32
      %add3A_2229 = vector.broadcast %add3A_2228 : i32 to vector<16xi32>
      %add3A_2230 = arith.addi %mul3A_7, %add3A_2229 : vector<16xi32>
      %gather3A_2231 = tpu.vector_load_idx %arg12[%add3A_2230, %and3A_1911] : memref<128x128xf32, #tpu.memory_space<vmem>>[vector<16xi32>, vector<16xi32>], vector<16xf32>,
      %mul3A_2232 = arith.mulf %gather3A_2227, %gather3A_2231 : vector<16xf32>
      %add3A_2233 = arith.addf %add3A_2223, %mul3A_2232 : vector<16xf32>
      %mul3A_2234 = arith.constant 4 : i32
      %mul3A_2235 = arith.muli %add3A_1801, %mul3A_2234 : i32
      %lt3A_2236 = arith.constant 4 : i32
      %lt3A_2237 = vector.broadcast %lt3A_2236 : i32 to vector<16xi32>
      %lt3A_2238 = arith.cmpi slt, %iota3A, %lt3A_2237 : vector<16xi32>
      %swap3A_2239 = arith.index_cast %mul3A_2235 : i32 to index
      %swap3A_2240 = tpu.vector_load %arg15[%swap3A_2239] masked %lt3A_2238 {strides = array<i32>} : memref<528xf32, #tpu.memory_space<vmem>>, vector<16xf32>, vector<16xi1>
      tpu.vector_store %arg15[%swap3A_2239], %add3A_2233 masked %lt3A_2238 {strides = array<i32>} : memref<528xf32, #tpu.memory_space<vmem>>, vector<16xf32>, vector<16xi1>
      %add3A_2241 = arith.constant 4 : i32
      %add3A_2242 = arith.addi %mul3A_1108, %add3A_2241 : i32
      %mul3A_2243 = arith.constant 4 : i32
      %mul3A_2244 = arith.muli %add3A_2242, %mul3A_2243 : i32
      %get3A_2245 = arith.index_cast %mul3A_2244 : i32 to index
      %get3A_2246 = tpu.vector_load %arg7[%get3A_2245] {strides = array<i32>} : memref<528xi32, #tpu.memory_space<vmem>>, vector<16xi32>,
      %mul3A_2247 = arith.constant 4 : i32
      %mul3A_2248 = arith.muli %add3A_2242, %mul3A_2247 : i32
      %get3A_2249 = arith.index_cast %mul3A_2248 : i32 to index
      %get3A_2250 = tpu.vector_load %arg8[%get3A_2249] {strides = array<i32>} : memref<528xi32, #tpu.memory_space<vmem>>, vector<16xi32>,
      %shift_right_arithmetic3A_2251 = arith.constant 7 : i32
      %shift_right_arithmetic3A_2252 = vector.broadcast %shift_right_arithmetic3A_2251 : i32 to vector<16xi32>
      %shift_right_arithmetic3A_2253 = arith.shrsi %get3A_2246, %shift_right_arithmetic3A_2252 : vector<16xi32>
      %shift_left3A_2254 = arith.constant 7 : i32
      %shift_left3A_2255 = vector.broadcast %shift_left3A_2254 : i32 to vector<16xi32>
      %shift_left3A_2256 = arith.shli %shift_right_arithmetic3A_2253, %shift_left3A_2255 : vector<16xi32>
      %shift_right_arithmetic3A_2257 = arith.constant 7 : i32
      %shift_right_arithmetic3A_2258 = vector.broadcast %shift_right_arithmetic3A_2257 : i32 to vector<16xi32>
      %shift_right_arithmetic3A_2259 = arith.shrsi %get3A_2250, %shift_right_arithmetic3A_2258 : vector<16xi32>
      %shift_left3A_2260 = arith.constant 7 : i32
      %shift_left3A_2261 = vector.broadcast %shift_left3A_2260 : i32 to vector<16xi32>
      %shift_left3A_2262 = arith.shli %shift_right_arithmetic3A_2259, %shift_left3A_2261 : vector<16xi32>
      %slice3A_2263 = vector.extract_strided_slice %shift_left3A_2256 {offsets = [0], sizes = [1], strides = [1]} : vector<16xi32> to vector<1xi32>
      %squeeze3A_2264 = vector.extract %slice3A_2263[0] : i32 from vector<1xi32>
      %slice3A_2265 = vector.extract_strided_slice %shift_left3A_2262 {offsets = [0], sizes = [1], strides = [1]} : vector<16xi32> to vector<1xi32>
      %squeeze3A_2266 = vector.extract %slice3A_2265[0] : i32 from vector<1xi32>
      %multiple_of3A_2267 = tpu.assume_multiple %squeeze3A_2264, 128 : i32
      %dma_start3A_2268 = arith.constant 0 : i32
      %dma_start3A_2269 = arith.constant 0 : i32
      %dma_start3A_2270 = tpu.memref_slice %arg11[%dma_start3A_2268, %dma_start3A_2269] : memref<128x128xf32, #tpu.memory_space<vmem>> -> memref<32x128xf32, #tpu.memory_space<vmem>>
      %dma_start3A_2271 = arith.constant 0 : i32
      %dma_start3A_2272 = tpu.memref_slice %arg4[%dma_start3A_2271, %multiple_of3A_2267] : memref<32x1000000xf32, #tpu.memory_space<hbm>> -> memref<32x128xf32, #tpu.memory_space<hbm>>
      %dma_start3A_2273 = arith.constant 0 : i32
      %dma_start3A_2274 = arith.constant 0 : i32
      %dma_start3A_2275 = tpu.memref_slice %arg11[%dma_start3A_2273, %dma_start3A_2274] : memref<128x128xf32, #tpu.memory_space<vmem>> -> memref<32x128xf32, #tpu.memory_space<vmem>>
      %dma_start3A_2276 = arith.constant 0 : i32
      %dma_start3A_2277 = tpu.memref_slice %arg4[%dma_start3A_2276, %multiple_of3A_2267] : memref<32x1000000xf32, #tpu.memory_space<hbm>> -> memref<32x128xf32, #tpu.memory_space<hbm>>
      tpu.enqueue_dma source(%dma_start3A_2277 : memref<32x128xf32, #tpu.memory_space<hbm>>) target(%dma_start3A_2275 : memref<32x128xf32, #tpu.memory_space<vmem>>) target_semaphore(%arg18 : memref<!tpu.dma_semaphore, #tpu.memory_space<semaphore_mem>>)
      %multiple_of3A_2278 = tpu.assume_multiple %squeeze3A_2266, 128 : i32
      %dma_start3A_2279 = arith.constant 0 : i32
      %dma_start3A_2280 = arith.constant 0 : i32
      %dma_start3A_2281 = tpu.memref_slice %arg12[%dma_start3A_2279, %dma_start3A_2280] : memref<128x128xf32, #tpu.memory_space<vmem>> -> memref<32x128xf32, #tpu.memory_space<vmem>>
      %dma_start3A_2282 = arith.constant 0 : i32
      %dma_start3A_2283 = tpu.memref_slice %arg5[%dma_start3A_2282, %multiple_of3A_2278] : memref<32x1000000xf32, #tpu.memory_space<hbm>> -> memref<32x128xf32, #tpu.memory_space<hbm>>
      %dma_start3A_2284 = arith.constant 0 : i32
      %dma_start3A_2285 = arith.constant 0 : i32
      %dma_start3A_2286 = tpu.memref_slice %arg12[%dma_start3A_2284, %dma_start3A_2285] : memref<128x128xf32, #tpu.memory_space<vmem>> -> memref<32x128xf32, #tpu.memory_space<vmem>>
      %dma_start3A_2287 = arith.constant 0 : i32
      %dma_start3A_2288 = tpu.memref_slice %arg5[%dma_start3A_2287, %multiple_of3A_2278] : memref<32x1000000xf32, #tpu.memory_space<hbm>> -> memref<32x128xf32, #tpu.memory_space<hbm>>
      tpu.enqueue_dma source(%dma_start3A_2288 : memref<32x128xf32, #tpu.memory_space<hbm>>) target(%dma_start3A_2286 : memref<32x128xf32, #tpu.memory_space<vmem>>) target_semaphore(%arg19 : memref<!tpu.dma_semaphore, #tpu.memory_space<semaphore_mem>>)
      %slice3A_2289 = vector.extract_strided_slice %shift_left3A_2256 {offsets = [1], sizes = [1], strides = [1]} : vector<16xi32> to vector<1xi32>
      %squeeze3A_2290 = vector.extract %slice3A_2289[0] : i32 from vector<1xi32>
      %slice3A_2291 = vector.extract_strided_slice %shift_left3A_2262 {offsets = [1], sizes = [1], strides = [1]} : vector<16xi32> to vector<1xi32>
      %squeeze3A_2292 = vector.extract %slice3A_2291[0] : i32 from vector<1xi32>
      %multiple_of3A_2293 = tpu.assume_multiple %squeeze3A_2290, 128 : i32
      %dma_start3A_2294 = arith.constant 32 : i32
      %dma_start3A_2295 = arith.constant 0 : i32
      %dma_start3A_2296 = tpu.memref_slice %arg11[%dma_start3A_2294, %dma_start3A_2295] : memref<128x128xf32, #tpu.memory_space<vmem>> -> memref<32x128xf32, #tpu.memory_space<vmem>>
      %dma_start3A_2297 = arith.constant 0 : i32
      %dma_start3A_2298 = tpu.memref_slice %arg4[%dma_start3A_2297, %multiple_of3A_2293] : memref<32x1000000xf32, #tpu.memory_space<hbm>> -> memref<32x128xf32, #tpu.memory_space<hbm>>
      %dma_start3A_2299 = arith.constant 32 : i32
      %dma_start3A_2300 = arith.constant 0 : i32
      %dma_start3A_2301 = tpu.memref_slice %arg11[%dma_start3A_2299, %dma_start3A_2300] : memref<128x128xf32, #tpu.memory_space<vmem>> -> memref<32x128xf32, #tpu.memory_space<vmem>>
      %dma_start3A_2302 = arith.constant 0 : i32
      %dma_start3A_2303 = tpu.memref_slice %arg4[%dma_start3A_2302, %multiple_of3A_2293] : memref<32x1000000xf32, #tpu.memory_space<hbm>> -> memref<32x128xf32, #tpu.memory_space<hbm>>
      tpu.enqueue_dma source(%dma_start3A_2303 : memref<32x128xf32, #tpu.memory_space<hbm>>) target(%dma_start3A_2301 : memref<32x128xf32, #tpu.memory_space<vmem>>) target_semaphore(%arg18 : memref<!tpu.dma_semaphore, #tpu.memory_space<semaphore_mem>>)
      %multiple_of3A_2304 = tpu.assume_multiple %squeeze3A_2292, 128 : i32
      %dma_start3A_2305 = arith.constant 32 : i32
      %dma_start3A_2306 = arith.constant 0 : i32
      %dma_start3A_2307 = tpu.memref_slice %arg12[%dma_start3A_2305, %dma_start3A_2306] : memref<128x128xf32, #tpu.memory_space<vmem>> -> memref<32x128xf32, #tpu.memory_space<vmem>>
      %dma_start3A_2308 = arith.constant 0 : i32
      %dma_start3A_2309 = tpu.memref_slice %arg5[%dma_start3A_2308, %multiple_of3A_2304] : memref<32x1000000xf32, #tpu.memory_space<hbm>> -> memref<32x128xf32, #tpu.memory_space<hbm>>
      %dma_start3A_2310 = arith.constant 32 : i32
      %dma_start3A_2311 = arith.constant 0 : i32
      %dma_start3A_2312 = tpu.memref_slice %arg12[%dma_start3A_2310, %dma_start3A_2311] : memref<128x128xf32, #tpu.memory_space<vmem>> -> memref<32x128xf32, #tpu.memory_space<vmem>>
      %dma_start3A_2313 = arith.constant 0 : i32
      %dma_start3A_2314 = tpu.memref_slice %arg5[%dma_start3A_2313, %multiple_of3A_2304] : memref<32x1000000xf32, #tpu.memory_space<hbm>> -> memref<32x128xf32, #tpu.memory_space<hbm>>
      tpu.enqueue_dma source(%dma_start3A_2314 : memref<32x128xf32, #tpu.memory_space<hbm>>) target(%dma_start3A_2312 : memref<32x128xf32, #tpu.memory_space<vmem>>) target_semaphore(%arg19 : memref<!tpu.dma_semaphore, #tpu.memory_space<semaphore_mem>>)
      %slice3A_2315 = vector.extract_strided_slice %shift_left3A_2256 {offsets = [2], sizes = [1], strides = [1]} : vector<16xi32> to vector<1xi32>
      %squeeze3A_2316 = vector.extract %slice3A_2315[0] : i32 from vector<1xi32>
      %slice3A_2317 = vector.extract_strided_slice %shift_left3A_2262 {offsets = [2], sizes = [1], strides = [1]} : vector<16xi32> to vector<1xi32>
      %squeeze3A_2318 = vector.extract %slice3A_2317[0] : i32 from vector<1xi32>
      %multiple_of3A_2319 = tpu.assume_multiple %squeeze3A_2316, 128 : i32
      %dma_start3A_2320 = arith.constant 64 : i32
      %dma_start3A_2321 = arith.constant 0 : i32
      %dma_start3A_2322 = tpu.memref_slice %arg11[%dma_start3A_2320, %dma_start3A_2321] : memref<128x128xf32, #tpu.memory_space<vmem>> -> memref<32x128xf32, #tpu.memory_space<vmem>>
      %dma_start3A_2323 = arith.constant 0 : i32
      %dma_start3A_2324 = tpu.memref_slice %arg4[%dma_start3A_2323, %multiple_of3A_2319] : memref<32x1000000xf32, #tpu.memory_space<hbm>> -> memref<32x128xf32, #tpu.memory_space<hbm>>
      %dma_start3A_2325 = arith.constant 64 : i32
      %dma_start3A_2326 = arith.constant 0 : i32
      %dma_start3A_2327 = tpu.memref_slice %arg11[%dma_start3A_2325, %dma_start3A_2326] : memref<128x128xf32, #tpu.memory_space<vmem>> -> memref<32x128xf32, #tpu.memory_space<vmem>>
      %dma_start3A_2328 = arith.constant 0 : i32
      %dma_start3A_2329 = tpu.memref_slice %arg4[%dma_start3A_2328, %multiple_of3A_2319] : memref<32x1000000xf32, #tpu.memory_space<hbm>> -> memref<32x128xf32, #tpu.memory_space<hbm>>
      tpu.enqueue_dma source(%dma_start3A_2329 : memref<32x128xf32, #tpu.memory_space<hbm>>) target(%dma_start3A_2327 : memref<32x128xf32, #tpu.memory_space<vmem>>) target_semaphore(%arg18 : memref<!tpu.dma_semaphore, #tpu.memory_space<semaphore_mem>>)
      %multiple_of3A_2330 = tpu.assume_multiple %squeeze3A_2318, 128 : i32
      %dma_start3A_2331 = arith.constant 64 : i32
      %dma_start3A_2332 = arith.constant 0 : i32
      %dma_start3A_2333 = tpu.memref_slice %arg12[%dma_start3A_2331, %dma_start3A_2332] : memref<128x128xf32, #tpu.memory_space<vmem>> -> memref<32x128xf32, #tpu.memory_space<vmem>>
      %dma_start3A_2334 = arith.constant 0 : i32
      %dma_start3A_2335 = tpu.memref_slice %arg5[%dma_start3A_2334, %multiple_of3A_2330] : memref<32x1000000xf32, #tpu.memory_space<hbm>> -> memref<32x128xf32, #tpu.memory_space<hbm>>
      %dma_start3A_2336 = arith.constant 64 : i32
      %dma_start3A_2337 = arith.constant 0 : i32
      %dma_start3A_2338 = tpu.memref_slice %arg12[%dma_start3A_2336, %dma_start3A_2337] : memref<128x128xf32, #tpu.memory_space<vmem>> -> memref<32x128xf32, #tpu.memory_space<vmem>>
      %dma_start3A_2339 = arith.constant 0 : i32
      %dma_start3A_2340 = tpu.memref_slice %arg5[%dma_start3A_2339, %multiple_of3A_2330] : memref<32x1000000xf32, #tpu.memory_space<hbm>> -> memref<32x128xf32, #tpu.memory_space<hbm>>
      tpu.enqueue_dma source(%dma_start3A_2340 : memref<32x128xf32, #tpu.memory_space<hbm>>) target(%dma_start3A_2338 : memref<32x128xf32, #tpu.memory_space<vmem>>) target_semaphore(%arg19 : memref<!tpu.dma_semaphore, #tpu.memory_space<semaphore_mem>>)
      %slice3A_2341 = vector.extract_strided_slice %shift_left3A_2256 {offsets = [3], sizes = [1], strides = [1]} : vector<16xi32> to vector<1xi32>
      %squeeze3A_2342 = vector.extract %slice3A_2341[0] : i32 from vector<1xi32>
      %slice3A_2343 = vector.extract_strided_slice %shift_left3A_2262 {offsets = [3], sizes = [1], strides = [1]} : vector<16xi32> to vector<1xi32>
      %squeeze3A_2344 = vector.extract %slice3A_2343[0] : i32 from vector<1xi32>
      %multiple_of3A_2345 = tpu.assume_multiple %squeeze3A_2342, 128 : i32
      %dma_start3A_2346 = arith.constant 96 : i32
      %dma_start3A_2347 = arith.constant 0 : i32
      %dma_start3A_2348 = tpu.memref_slice %arg11[%dma_start3A_2346, %dma_start3A_2347] : memref<128x128xf32, #tpu.memory_space<vmem>> -> memref<32x128xf32, #tpu.memory_space<vmem>>
      %dma_start3A_2349 = arith.constant 0 : i32
      %dma_start3A_2350 = tpu.memref_slice %arg4[%dma_start3A_2349, %multiple_of3A_2345] : memref<32x1000000xf32, #tpu.memory_space<hbm>> -> memref<32x128xf32, #tpu.memory_space<hbm>>
      %dma_start3A_2351 = arith.constant 96 : i32
      %dma_start3A_2352 = arith.constant 0 : i32
      %dma_start3A_2353 = tpu.memref_slice %arg11[%dma_start3A_2351, %dma_start3A_2352] : memref<128x128xf32, #tpu.memory_space<vmem>> -> memref<32x128xf32, #tpu.memory_space<vmem>>
      %dma_start3A_2354 = arith.constant 0 : i32
      %dma_start3A_2355 = tpu.memref_slice %arg4[%dma_start3A_2354, %multiple_of3A_2345] : memref<32x1000000xf32, #tpu.memory_space<hbm>> -> memref<32x128xf32, #tpu.memory_space<hbm>>
      tpu.enqueue_dma source(%dma_start3A_2355 : memref<32x128xf32, #tpu.memory_space<hbm>>) target(%dma_start3A_2353 : memref<32x128xf32, #tpu.memory_space<vmem>>) target_semaphore(%arg18 : memref<!tpu.dma_semaphore, #tpu.memory_space<semaphore_mem>>)
      %multiple_of3A_2356 = tpu.assume_multiple %squeeze3A_2344, 128 : i32
      %dma_start3A_2357 = arith.constant 96 : i32
      %dma_start3A_2358 = arith.constant 0 : i32
      %dma_start3A_2359 = tpu.memref_slice %arg12[%dma_start3A_2357, %dma_start3A_2358] : memref<128x128xf32, #tpu.memory_space<vmem>> -> memref<32x128xf32, #tpu.memory_space<vmem>>
      %dma_start3A_2360 = arith.constant 0 : i32
      %dma_start3A_2361 = tpu.memref_slice %arg5[%dma_start3A_2360, %multiple_of3A_2356] : memref<32x1000000xf32, #tpu.memory_space<hbm>> -> memref<32x128xf32, #tpu.memory_space<hbm>>
      %dma_start3A_2362 = arith.constant 96 : i32
      %dma_start3A_2363 = arith.constant 0 : i32
      %dma_start3A_2364 = tpu.memref_slice %arg12[%dma_start3A_2362, %dma_start3A_2363] : memref<128x128xf32, #tpu.memory_space<vmem>> -> memref<32x128xf32, #tpu.memory_space<vmem>>
      %dma_start3A_2365 = arith.constant 0 : i32
      %dma_start3A_2366 = tpu.memref_slice %arg5[%dma_start3A_2365, %multiple_of3A_2356] : memref<32x1000000xf32, #tpu.memory_space<hbm>> -> memref<32x128xf32, #tpu.memory_space<hbm>>
      tpu.enqueue_dma source(%dma_start3A_2366 : memref<32x128xf32, #tpu.memory_space<hbm>>) target(%dma_start3A_2364 : memref<32x128xf32, #tpu.memory_space<vmem>>) target_semaphore(%arg19 : memref<!tpu.dma_semaphore, #tpu.memory_space<semaphore_mem>>)
      %add3A_2367 = arith.constant 2 : i32
      %add3A_2368 = arith.addi %mul3A_1108, %add3A_2367 : i32
      %dma_wait3A_2369 = arith.constant 0 : i32
      %dma_wait3A_2370 = arith.constant 0 : i32
      %dma_wait3A_2371 = tpu.memref_slice %arg13[%dma_wait3A_2369, %dma_wait3A_2370] : memref<128x128xf32, #tpu.memory_space<vmem>> -> memref<32x128xf32, #tpu.memory_space<vmem>>
      %dma_wait3A_2372 = arith.constant 0 : i32
      %dma_wait3A_2373 = arith.constant 0 : i32
      %dma_wait3A_2374 = tpu.memref_slice %arg4[%dma_wait3A_2372, %dma_wait3A_2373] : memref<32x1000000xf32, #tpu.memory_space<hbm>> -> memref<32x128xf32, #tpu.memory_space<hbm>>
      %dma_wait3A_2375 = arith.constant 0 : i32
      %dma_wait3A_2376 = arith.constant 0 : i32
      %dma_wait3A_2377 = tpu.memref_slice %arg13[%dma_wait3A_2375, %dma_wait3A_2376] : memref<128x128xf32, #tpu.memory_space<vmem>> -> memref<32x128xf32, #tpu.memory_space<vmem>>
      %dma_wait3A_2378 = arith.constant 0 : i32
      %dma_wait3A_2379 = arith.constant 0 : i32
      %dma_wait3A_2380 = tpu.memref_slice %arg4[%dma_wait3A_2378, %dma_wait3A_2379] : memref<32x1000000xf32, #tpu.memory_space<hbm>> -> memref<32x128xf32, #tpu.memory_space<hbm>>
      tpu.wait_dma2 semaphore(%arg20 : memref<!tpu.dma_semaphore, #tpu.memory_space<semaphore_mem>>) src(%dma_wait3A_2380 : memref<32x128xf32, #tpu.memory_space<hbm>>) dst(%dma_wait3A_2377 : memref<32x128xf32, #tpu.memory_space<vmem>>)
      %dma_wait3A_2381 = arith.constant 0 : i32
      %dma_wait3A_2382 = arith.constant 0 : i32
      %dma_wait3A_2383 = tpu.memref_slice %arg14[%dma_wait3A_2381, %dma_wait3A_2382] : memref<128x128xf32, #tpu.memory_space<vmem>> -> memref<32x128xf32, #tpu.memory_space<vmem>>
      %dma_wait3A_2384 = arith.constant 0 : i32
      %dma_wait3A_2385 = arith.constant 0 : i32
      %dma_wait3A_2386 = tpu.memref_slice %arg5[%dma_wait3A_2384, %dma_wait3A_2385] : memref<32x1000000xf32, #tpu.memory_space<hbm>> -> memref<32x128xf32, #tpu.memory_space<hbm>>
      %dma_wait3A_2387 = arith.constant 0 : i32
      %dma_wait3A_2388 = arith.constant 0 : i32
      %dma_wait3A_2389 = tpu.memref_slice %arg14[%dma_wait3A_2387, %dma_wait3A_2388] : memref<128x128xf32, #tpu.memory_space<vmem>> -> memref<32x128xf32, #tpu.memory_space<vmem>>
      %dma_wait3A_2390 = arith.constant 0 : i32
      %dma_wait3A_2391 = arith.constant 0 : i32
      %dma_wait3A_2392 = tpu.memref_slice %arg5[%dma_wait3A_2390, %dma_wait3A_2391] : memref<32x1000000xf32, #tpu.memory_space<hbm>> -> memref<32x128xf32, #tpu.memory_space<hbm>>
      tpu.wait_dma2 semaphore(%arg21 : memref<!tpu.dma_semaphore, #tpu.memory_space<semaphore_mem>>) src(%dma_wait3A_2392 : memref<32x128xf32, #tpu.memory_space<hbm>>) dst(%dma_wait3A_2389 : memref<32x128xf32, #tpu.memory_space<vmem>>)
      %dma_wait3A_2393 = arith.constant 32 : i32
      %dma_wait3A_2394 = arith.constant 0 : i32
      %dma_wait3A_2395 = tpu.memref_slice %arg13[%dma_wait3A_2393, %dma_wait3A_2394] : memref<128x128xf32, #tpu.memory_space<vmem>> -> memref<32x128xf32, #tpu.memory_space<vmem>>
      %dma_wait3A_2396 = arith.constant 0 : i32
      %dma_wait3A_2397 = arith.constant 0 : i32
      %dma_wait3A_2398 = tpu.memref_slice %arg4[%dma_wait3A_2396, %dma_wait3A_2397] : memref<32x1000000xf32, #tpu.memory_space<hbm>> -> memref<32x128xf32, #tpu.memory_space<hbm>>
      %dma_wait3A_2399 = arith.constant 32 : i32
      %dma_wait3A_2400 = arith.constant 0 : i32
      %dma_wait3A_2401 = tpu.memref_slice %arg13[%dma_wait3A_2399, %dma_wait3A_2400] : memref<128x128xf32, #tpu.memory_space<vmem>> -> memref<32x128xf32, #tpu.memory_space<vmem>>
      %dma_wait3A_2402 = arith.constant 0 : i32
      %dma_wait3A_2403 = arith.constant 0 : i32
      %dma_wait3A_2404 = tpu.memref_slice %arg4[%dma_wait3A_2402, %dma_wait3A_2403] : memref<32x1000000xf32, #tpu.memory_space<hbm>> -> memref<32x128xf32, #tpu.memory_space<hbm>>
      tpu.wait_dma2 semaphore(%arg20 : memref<!tpu.dma_semaphore, #tpu.memory_space<semaphore_mem>>) src(%dma_wait3A_2404 : memref<32x128xf32, #tpu.memory_space<hbm>>) dst(%dma_wait3A_2401 : memref<32x128xf32, #tpu.memory_space<vmem>>)
      %dma_wait3A_2405 = arith.constant 32 : i32
      %dma_wait3A_2406 = arith.constant 0 : i32
      %dma_wait3A_2407 = tpu.memref_slice %arg14[%dma_wait3A_2405, %dma_wait3A_2406] : memref<128x128xf32, #tpu.memory_space<vmem>> -> memref<32x128xf32, #tpu.memory_space<vmem>>
      %dma_wait3A_2408 = arith.constant 0 : i32
      %dma_wait3A_2409 = arith.constant 0 : i32
      %dma_wait3A_2410 = tpu.memref_slice %arg5[%dma_wait3A_2408, %dma_wait3A_2409] : memref<32x1000000xf32, #tpu.memory_space<hbm>> -> memref<32x128xf32, #tpu.memory_space<hbm>>
      %dma_wait3A_2411 = arith.constant 32 : i32
      %dma_wait3A_2412 = arith.constant 0 : i32
      %dma_wait3A_2413 = tpu.memref_slice %arg14[%dma_wait3A_2411, %dma_wait3A_2412] : memref<128x128xf32, #tpu.memory_space<vmem>> -> memref<32x128xf32, #tpu.memory_space<vmem>>
      %dma_wait3A_2414 = arith.constant 0 : i32
      %dma_wait3A_2415 = arith.constant 0 : i32
      %dma_wait3A_2416 = tpu.memref_slice %arg5[%dma_wait3A_2414, %dma_wait3A_2415] : memref<32x1000000xf32, #tpu.memory_space<hbm>> -> memref<32x128xf32, #tpu.memory_space<hbm>>
      tpu.wait_dma2 semaphore(%arg21 : memref<!tpu.dma_semaphore, #tpu.memory_space<semaphore_mem>>) src(%dma_wait3A_2416 : memref<32x128xf32, #tpu.memory_space<hbm>>) dst(%dma_wait3A_2413 : memref<32x128xf32, #tpu.memory_space<vmem>>)
      %dma_wait3A_2417 = arith.constant 64 : i32
      %dma_wait3A_2418 = arith.constant 0 : i32
      %dma_wait3A_2419 = tpu.memref_slice %arg13[%dma_wait3A_2417, %dma_wait3A_2418] : memref<128x128xf32, #tpu.memory_space<vmem>> -> memref<32x128xf32, #tpu.memory_space<vmem>>
      %dma_wait3A_2420 = arith.constant 0 : i32
      %dma_wait3A_2421 = arith.constant 0 : i32
      %dma_wait3A_2422 = tpu.memref_slice %arg4[%dma_wait3A_2420, %dma_wait3A_2421] : memref<32x1000000xf32, #tpu.memory_space<hbm>> -> memref<32x128xf32, #tpu.memory_space<hbm>>
      %dma_wait3A_2423 = arith.constant 64 : i32
      %dma_wait3A_2424 = arith.constant 0 : i32
      %dma_wait3A_2425 = tpu.memref_slice %arg13[%dma_wait3A_2423, %dma_wait3A_2424] : memref<128x128xf32, #tpu.memory_space<vmem>> -> memref<32x128xf32, #tpu.memory_space<vmem>>
      %dma_wait3A_2426 = arith.constant 0 : i32
      %dma_wait3A_2427 = arith.constant 0 : i32
      %dma_wait3A_2428 = tpu.memref_slice %arg4[%dma_wait3A_2426, %dma_wait3A_2427] : memref<32x1000000xf32, #tpu.memory_space<hbm>> -> memref<32x128xf32, #tpu.memory_space<hbm>>
      tpu.wait_dma2 semaphore(%arg20 : memref<!tpu.dma_semaphore, #tpu.memory_space<semaphore_mem>>) src(%dma_wait3A_2428 : memref<32x128xf32, #tpu.memory_space<hbm>>) dst(%dma_wait3A_2425 : memref<32x128xf32, #tpu.memory_space<vmem>>)
      %dma_wait3A_2429 = arith.constant 64 : i32
      %dma_wait3A_2430 = arith.constant 0 : i32
      %dma_wait3A_2431 = tpu.memref_slice %arg14[%dma_wait3A_2429, %dma_wait3A_2430] : memref<128x128xf32, #tpu.memory_space<vmem>> -> memref<32x128xf32, #tpu.memory_space<vmem>>
      %dma_wait3A_2432 = arith.constant 0 : i32
      %dma_wait3A_2433 = arith.constant 0 : i32
      %dma_wait3A_2434 = tpu.memref_slice %arg5[%dma_wait3A_2432, %dma_wait3A_2433] : memref<32x1000000xf32, #tpu.memory_space<hbm>> -> memref<32x128xf32, #tpu.memory_space<hbm>>
      %dma_wait3A_2435 = arith.constant 64 : i32
      %dma_wait3A_2436 = arith.constant 0 : i32
      %dma_wait3A_2437 = tpu.memref_slice %arg14[%dma_wait3A_2435, %dma_wait3A_2436] : memref<128x128xf32, #tpu.memory_space<vmem>> -> memref<32x128xf32, #tpu.memory_space<vmem>>
      %dma_wait3A_2438 = arith.constant 0 : i32
      %dma_wait3A_2439 = arith.constant 0 : i32
      %dma_wait3A_2440 = tpu.memref_slice %arg5[%dma_wait3A_2438, %dma_wait3A_2439] : memref<32x1000000xf32, #tpu.memory_space<hbm>> -> memref<32x128xf32, #tpu.memory_space<hbm>>
      tpu.wait_dma2 semaphore(%arg21 : memref<!tpu.dma_semaphore, #tpu.memory_space<semaphore_mem>>) src(%dma_wait3A_2440 : memref<32x128xf32, #tpu.memory_space<hbm>>) dst(%dma_wait3A_2437 : memref<32x128xf32, #tpu.memory_space<vmem>>)
      %dma_wait3A_2441 = arith.constant 96 : i32
      %dma_wait3A_2442 = arith.constant 0 : i32
      %dma_wait3A_2443 = tpu.memref_slice %arg13[%dma_wait3A_2441, %dma_wait3A_2442] : memref<128x128xf32, #tpu.memory_space<vmem>> -> memref<32x128xf32, #tpu.memory_space<vmem>>
      %dma_wait3A_2444 = arith.constant 0 : i32
      %dma_wait3A_2445 = arith.constant 0 : i32
      %dma_wait3A_2446 = tpu.memref_slice %arg4[%dma_wait3A_2444, %dma_wait3A_2445] : memref<32x1000000xf32, #tpu.memory_space<hbm>> -> memref<32x128xf32, #tpu.memory_space<hbm>>
      %dma_wait3A_2447 = arith.constant 96 : i32
      %dma_wait3A_2448 = arith.constant 0 : i32
      %dma_wait3A_2449 = tpu.memref_slice %arg13[%dma_wait3A_2447, %dma_wait3A_2448] : memref<128x128xf32, #tpu.memory_space<vmem>> -> memref<32x128xf32, #tpu.memory_space<vmem>>
      %dma_wait3A_2450 = arith.constant 0 : i32
      %dma_wait3A_2451 = arith.constant 0 : i32
      %dma_wait3A_2452 = tpu.memref_slice %arg4[%dma_wait3A_2450, %dma_wait3A_2451] : memref<32x1000000xf32, #tpu.memory_space<hbm>> -> memref<32x128xf32, #tpu.memory_space<hbm>>
      tpu.wait_dma2 semaphore(%arg20 : memref<!tpu.dma_semaphore, #tpu.memory_space<semaphore_mem>>) src(%dma_wait3A_2452 : memref<32x128xf32, #tpu.memory_space<hbm>>) dst(%dma_wait3A_2449 : memref<32x128xf32, #tpu.memory_space<vmem>>)
      %dma_wait3A_2453 = arith.constant 96 : i32
      %dma_wait3A_2454 = arith.constant 0 : i32
      %dma_wait3A_2455 = tpu.memref_slice %arg14[%dma_wait3A_2453, %dma_wait3A_2454] : memref<128x128xf32, #tpu.memory_space<vmem>> -> memref<32x128xf32, #tpu.memory_space<vmem>>
      %dma_wait3A_2456 = arith.constant 0 : i32
      %dma_wait3A_2457 = arith.constant 0 : i32
      %dma_wait3A_2458 = tpu.memref_slice %arg5[%dma_wait3A_2456, %dma_wait3A_2457] : memref<32x1000000xf32, #tpu.memory_space<hbm>> -> memref<32x128xf32, #tpu.memory_space<hbm>>
      %dma_wait3A_2459 = arith.constant 96 : i32
      %dma_wait3A_2460 = arith.constant 0 : i32
      %dma_wait3A_2461 = tpu.memref_slice %arg14[%dma_wait3A_2459, %dma_wait3A_2460] : memref<128x128xf32, #tpu.memory_space<vmem>> -> memref<32x128xf32, #tpu.memory_space<vmem>>
      %dma_wait3A_2462 = arith.constant 0 : i32
      %dma_wait3A_2463 = arith.constant 0 : i32
      %dma_wait3A_2464 = tpu.memref_slice %arg5[%dma_wait3A_2462, %dma_wait3A_2463] : memref<32x1000000xf32, #tpu.memory_space<hbm>> -> memref<32x128xf32, #tpu.memory_space<hbm>>
      tpu.wait_dma2 semaphore(%arg21 : memref<!tpu.dma_semaphore, #tpu.memory_space<semaphore_mem>>) src(%dma_wait3A_2464 : memref<32x128xf32, #tpu.memory_space<hbm>>) dst(%dma_wait3A_2461 : memref<32x128xf32, #tpu.memory_space<vmem>>)
      %mul3A_2465 = arith.constant 4 : i32
      %mul3A_2466 = arith.muli %add3A_2368, %mul3A_2465 : i32
      %get3A_2467 = arith.index_cast %mul3A_2466 : i32 to index
      %get3A_2468 = tpu.vector_load %arg7[%get3A_2467] {strides = array<i32>} : memref<528xi32, #tpu.memory_space<vmem>>, vector<16xi32>,
      %mul3A_2469 = arith.constant 4 : i32
      %mul3A_2470 = arith.muli %add3A_2368, %mul3A_2469 : i32
      %get3A_2471 = arith.index_cast %mul3A_2470 : i32 to index
      %get3A_2472 = tpu.vector_load %arg8[%get3A_2471] {strides = array<i32>} : memref<528xi32, #tpu.memory_space<vmem>>, vector<16xi32>,
      %and3A_2473 = arith.constant 127 : i32
      %and3A_2474 = vector.broadcast %and3A_2473 : i32 to vector<16xi32>
      %and3A_2475 = arith.andi %get3A_2468, %and3A_2474 : vector<16xi32>
      %and3A_2476 = arith.constant 127 : i32
      %and3A_2477 = vector.broadcast %and3A_2476 : i32 to vector<16xi32>
      %and3A_2478 = arith.andi %get3A_2472, %and3A_2477 : vector<16xi32>
      %broadcast_in_dim3A_2479 = arith.constant 0.000000e+00 : f32
      %broadcast_in_dim3A_2480 = vector.broadcast %broadcast_in_dim3A_2479 : f32 to vector<16xf32>
      %add3A_2481 = arith.constant 0 : i32
      %add3A_2482 = vector.broadcast %add3A_2481 : i32 to vector<16xi32>
      %add3A_2483 = arith.addi %mul3A_7, %add3A_2482 : vector<16xi32>
      %gather3A_2484 = tpu.vector_load_idx %arg13[%add3A_2483, %and3A_2475] : memref<128x128xf32, #tpu.memory_space<vmem>>[vector<16xi32>, vector<16xi32>], vector<16xf32>,
      %add3A_2485 = arith.constant 0 : i32
      %add3A_2486 = vector.broadcast %add3A_2485 : i32 to vector<16xi32>
      %add3A_2487 = arith.addi %mul3A_7, %add3A_2486 : vector<16xi32>
      %gather3A_2488 = tpu.vector_load_idx %arg14[%add3A_2487, %and3A_2478] : memref<128x128xf32, #tpu.memory_space<vmem>>[vector<16xi32>, vector<16xi32>], vector<16xf32>,
      %mul3A_2489 = arith.mulf %gather3A_2484, %gather3A_2488 : vector<16xf32>
      %add3A_2490 = arith.addf %broadcast_in_dim3A_2480, %mul3A_2489 : vector<16xf32>
      %add3A_2491 = arith.constant 1 : i32
      %add3A_2492 = vector.broadcast %add3A_2491 : i32 to vector<16xi32>
      %add3A_2493 = arith.addi %mul3A_7, %add3A_2492 : vector<16xi32>
      %gather3A_2494 = tpu.vector_load_idx %arg13[%add3A_2493, %and3A_2475] : memref<128x128xf32, #tpu.memory_space<vmem>>[vector<16xi32>, vector<16xi32>], vector<16xf32>,
      %add3A_2495 = arith.constant 1 : i32
      %add3A_2496 = vector.broadcast %add3A_2495 : i32 to vector<16xi32>
      %add3A_2497 = arith.addi %mul3A_7, %add3A_2496 : vector<16xi32>
      %gather3A_2498 = tpu.vector_load_idx %arg14[%add3A_2497, %and3A_2478] : memref<128x128xf32, #tpu.memory_space<vmem>>[vector<16xi32>, vector<16xi32>], vector<16xf32>,
      %mul3A_2499 = arith.mulf %gather3A_2494, %gather3A_2498 : vector<16xf32>
      %add3A_2500 = arith.addf %add3A_2490, %mul3A_2499 : vector<16xf32>
      %add3A_2501 = arith.constant 2 : i32
      %add3A_2502 = vector.broadcast %add3A_2501 : i32 to vector<16xi32>
      %add3A_2503 = arith.addi %mul3A_7, %add3A_2502 : vector<16xi32>
      %gather3A_2504 = tpu.vector_load_idx %arg13[%add3A_2503, %and3A_2475] : memref<128x128xf32, #tpu.memory_space<vmem>>[vector<16xi32>, vector<16xi32>], vector<16xf32>,
      %add3A_2505 = arith.constant 2 : i32
      %add3A_2506 = vector.broadcast %add3A_2505 : i32 to vector<16xi32>
      %add3A_2507 = arith.addi %mul3A_7, %add3A_2506 : vector<16xi32>
      %gather3A_2508 = tpu.vector_load_idx %arg14[%add3A_2507, %and3A_2478] : memref<128x128xf32, #tpu.memory_space<vmem>>[vector<16xi32>, vector<16xi32>], vector<16xf32>,
      %mul3A_2509 = arith.mulf %gather3A_2504, %gather3A_2508 : vector<16xf32>
      %add3A_2510 = arith.addf %add3A_2500, %mul3A_2509 : vector<16xf32>
      %add3A_2511 = arith.constant 3 : i32
      %add3A_2512 = vector.broadcast %add3A_2511 : i32 to vector<16xi32>
      %add3A_2513 = arith.addi %mul3A_7, %add3A_2512 : vector<16xi32>
      %gather3A_2514 = tpu.vector_load_idx %arg13[%add3A_2513, %and3A_2475] : memref<128x128xf32, #tpu.memory_space<vmem>>[vector<16xi32>, vector<16xi32>], vector<16xf32>,
      %add3A_2515 = arith.constant 3 : i32
      %add3A_2516 = vector.broadcast %add3A_2515 : i32 to vector<16xi32>
      %add3A_2517 = arith.addi %mul3A_7, %add3A_2516 : vector<16xi32>
      %gather3A_2518 = tpu.vector_load_idx %arg14[%add3A_2517, %and3A_2478] : memref<128x128xf32, #tpu.memory_space<vmem>>[vector<16xi32>, vector<16xi32>], vector<16xf32>,
      %mul3A_2519 = arith.mulf %gather3A_2514, %gather3A_2518 : vector<16xf32>
      %add3A_2520 = arith.addf %add3A_2510, %mul3A_2519 : vector<16xf32>
      %add3A_2521 = arith.constant 4 : i32
      %add3A_2522 = vector.broadcast %add3A_2521 : i32 to vector<16xi32>
      %add3A_2523 = arith.addi %mul3A_7, %add3A_2522 : vector<16xi32>
      %gather3A_2524 = tpu.vector_load_idx %arg13[%add3A_2523, %and3A_2475] : memref<128x128xf32, #tpu.memory_space<vmem>>[vector<16xi32>, vector<16xi32>], vector<16xf32>,
      %add3A_2525 = arith.constant 4 : i32
      %add3A_2526 = vector.broadcast %add3A_2525 : i32 to vector<16xi32>
      %add3A_2527 = arith.addi %mul3A_7, %add3A_2526 : vector<16xi32>
      %gather3A_2528 = tpu.vector_load_idx %arg14[%add3A_2527, %and3A_2478] : memref<128x128xf32, #tpu.memory_space<vmem>>[vector<16xi32>, vector<16xi32>], vector<16xf32>,
      %mul3A_2529 = arith.mulf %gather3A_2524, %gather3A_2528 : vector<16xf32>
      %add3A_2530 = arith.addf %add3A_2520, %mul3A_2529 : vector<16xf32>
      %add3A_2531 = arith.constant 5 : i32
      %add3A_2532 = vector.broadcast %add3A_2531 : i32 to vector<16xi32>
      %add3A_2533 = arith.addi %mul3A_7, %add3A_2532 : vector<16xi32>
      %gather3A_2534 = tpu.vector_load_idx %arg13[%add3A_2533, %and3A_2475] : memref<128x128xf32, #tpu.memory_space<vmem>>[vector<16xi32>, vector<16xi32>], vector<16xf32>,
      %add3A_2535 = arith.constant 5 : i32
      %add3A_2536 = vector.broadcast %add3A_2535 : i32 to vector<16xi32>
      %add3A_2537 = arith.addi %mul3A_7, %add3A_2536 : vector<16xi32>
      %gather3A_2538 = tpu.vector_load_idx %arg14[%add3A_2537, %and3A_2478] : memref<128x128xf32, #tpu.memory_space<vmem>>[vector<16xi32>, vector<16xi32>], vector<16xf32>,
      %mul3A_2539 = arith.mulf %gather3A_2534, %gather3A_2538 : vector<16xf32>
      %add3A_2540 = arith.addf %add3A_2530, %mul3A_2539 : vector<16xf32>
      %add3A_2541 = arith.constant 6 : i32
      %add3A_2542 = vector.broadcast %add3A_2541 : i32 to vector<16xi32>
      %add3A_2543 = arith.addi %mul3A_7, %add3A_2542 : vector<16xi32>
      %gather3A_2544 = tpu.vector_load_idx %arg13[%add3A_2543, %and3A_2475] : memref<128x128xf32, #tpu.memory_space<vmem>>[vector<16xi32>, vector<16xi32>], vector<16xf32>,
      %add3A_2545 = arith.constant 6 : i32
      %add3A_2546 = vector.broadcast %add3A_2545 : i32 to vector<16xi32>
      %add3A_2547 = arith.addi %mul3A_7, %add3A_2546 : vector<16xi32>
      %gather3A_2548 = tpu.vector_load_idx %arg14[%add3A_2547, %and3A_2478] : memref<128x128xf32, #tpu.memory_space<vmem>>[vector<16xi32>, vector<16xi32>], vector<16xf32>,
      %mul3A_2549 = arith.mulf %gather3A_2544, %gather3A_2548 : vector<16xf32>
      %add3A_2550 = arith.addf %add3A_2540, %mul3A_2549 : vector<16xf32>
      %add3A_2551 = arith.constant 7 : i32
      %add3A_2552 = vector.broadcast %add3A_2551 : i32 to vector<16xi32>
      %add3A_2553 = arith.addi %mul3A_7, %add3A_2552 : vector<16xi32>
      %gather3A_2554 = tpu.vector_load_idx %arg13[%add3A_2553, %and3A_2475] : memref<128x128xf32, #tpu.memory_space<vmem>>[vector<16xi32>, vector<16xi32>], vector<16xf32>,
      %add3A_2555 = arith.constant 7 : i32
      %add3A_2556 = vector.broadcast %add3A_2555 : i32 to vector<16xi32>
      %add3A_2557 = arith.addi %mul3A_7, %add3A_2556 : vector<16xi32>
      %gather3A_2558 = tpu.vector_load_idx %arg14[%add3A_2557, %and3A_2478] : memref<128x128xf32, #tpu.memory_space<vmem>>[vector<16xi32>, vector<16xi32>], vector<16xf32>,
      %mul3A_2559 = arith.mulf %gather3A_2554, %gather3A_2558 : vector<16xf32>
      %add3A_2560 = arith.addf %add3A_2550, %mul3A_2559 : vector<16xf32>
      %add3A_2561 = arith.constant 8 : i32
      %add3A_2562 = vector.broadcast %add3A_2561 : i32 to vector<16xi32>
      %add3A_2563 = arith.addi %mul3A_7, %add3A_2562 : vector<16xi32>
      %gather3A_2564 = tpu.vector_load_idx %arg13[%add3A_2563, %and3A_2475] : memref<128x128xf32, #tpu.memory_space<vmem>>[vector<16xi32>, vector<16xi32>], vector<16xf32>,
      %add3A_2565 = arith.constant 8 : i32
      %add3A_2566 = vector.broadcast %add3A_2565 : i32 to vector<16xi32>
      %add3A_2567 = arith.addi %mul3A_7, %add3A_2566 : vector<16xi32>
      %gather3A_2568 = tpu.vector_load_idx %arg14[%add3A_2567, %and3A_2478] : memref<128x128xf32, #tpu.memory_space<vmem>>[vector<16xi32>, vector<16xi32>], vector<16xf32>,
      %mul3A_2569 = arith.mulf %gather3A_2564, %gather3A_2568 : vector<16xf32>
      %add3A_2570 = arith.addf %add3A_2560, %mul3A_2569 : vector<16xf32>
      %add3A_2571 = arith.constant 9 : i32
      %add3A_2572 = vector.broadcast %add3A_2571 : i32 to vector<16xi32>
      %add3A_2573 = arith.addi %mul3A_7, %add3A_2572 : vector<16xi32>
      %gather3A_2574 = tpu.vector_load_idx %arg13[%add3A_2573, %and3A_2475] : memref<128x128xf32, #tpu.memory_space<vmem>>[vector<16xi32>, vector<16xi32>], vector<16xf32>,
      %add3A_2575 = arith.constant 9 : i32
      %add3A_2576 = vector.broadcast %add3A_2575 : i32 to vector<16xi32>
      %add3A_2577 = arith.addi %mul3A_7, %add3A_2576 : vector<16xi32>
      %gather3A_2578 = tpu.vector_load_idx %arg14[%add3A_2577, %and3A_2478] : memref<128x128xf32, #tpu.memory_space<vmem>>[vector<16xi32>, vector<16xi32>], vector<16xf32>,
      %mul3A_2579 = arith.mulf %gather3A_2574, %gather3A_2578 : vector<16xf32>
      %add3A_2580 = arith.addf %add3A_2570, %mul3A_2579 : vector<16xf32>
      %add3A_2581 = arith.constant 10 : i32
      %add3A_2582 = vector.broadcast %add3A_2581 : i32 to vector<16xi32>
      %add3A_2583 = arith.addi %mul3A_7, %add3A_2582 : vector<16xi32>
      %gather3A_2584 = tpu.vector_load_idx %arg13[%add3A_2583, %and3A_2475] : memref<128x128xf32, #tpu.memory_space<vmem>>[vector<16xi32>, vector<16xi32>], vector<16xf32>,
      %add3A_2585 = arith.constant 10 : i32
      %add3A_2586 = vector.broadcast %add3A_2585 : i32 to vector<16xi32>
      %add3A_2587 = arith.addi %mul3A_7, %add3A_2586 : vector<16xi32>
      %gather3A_2588 = tpu.vector_load_idx %arg14[%add3A_2587, %and3A_2478] : memref<128x128xf32, #tpu.memory_space<vmem>>[vector<16xi32>, vector<16xi32>], vector<16xf32>,
      %mul3A_2589 = arith.mulf %gather3A_2584, %gather3A_2588 : vector<16xf32>
      %add3A_2590 = arith.addf %add3A_2580, %mul3A_2589 : vector<16xf32>
      %add3A_2591 = arith.constant 11 : i32
      %add3A_2592 = vector.broadcast %add3A_2591 : i32 to vector<16xi32>
      %add3A_2593 = arith.addi %mul3A_7, %add3A_2592 : vector<16xi32>
      %gather3A_2594 = tpu.vector_load_idx %arg13[%add3A_2593, %and3A_2475] : memref<128x128xf32, #tpu.memory_space<vmem>>[vector<16xi32>, vector<16xi32>], vector<16xf32>,
      %add3A_2595 = arith.constant 11 : i32
      %add3A_2596 = vector.broadcast %add3A_2595 : i32 to vector<16xi32>
      %add3A_2597 = arith.addi %mul3A_7, %add3A_2596 : vector<16xi32>
      %gather3A_2598 = tpu.vector_load_idx %arg14[%add3A_2597, %and3A_2478] : memref<128x128xf32, #tpu.memory_space<vmem>>[vector<16xi32>, vector<16xi32>], vector<16xf32>,
      %mul3A_2599 = arith.mulf %gather3A_2594, %gather3A_2598 : vector<16xf32>
      %add3A_2600 = arith.addf %add3A_2590, %mul3A_2599 : vector<16xf32>
      %add3A_2601 = arith.constant 12 : i32
      %add3A_2602 = vector.broadcast %add3A_2601 : i32 to vector<16xi32>
      %add3A_2603 = arith.addi %mul3A_7, %add3A_2602 : vector<16xi32>
      %gather3A_2604 = tpu.vector_load_idx %arg13[%add3A_2603, %and3A_2475] : memref<128x128xf32, #tpu.memory_space<vmem>>[vector<16xi32>, vector<16xi32>], vector<16xf32>,
      %add3A_2605 = arith.constant 12 : i32
      %add3A_2606 = vector.broadcast %add3A_2605 : i32 to vector<16xi32>
      %add3A_2607 = arith.addi %mul3A_7, %add3A_2606 : vector<16xi32>
      %gather3A_2608 = tpu.vector_load_idx %arg14[%add3A_2607, %and3A_2478] : memref<128x128xf32, #tpu.memory_space<vmem>>[vector<16xi32>, vector<16xi32>], vector<16xf32>,
      %mul3A_2609 = arith.mulf %gather3A_2604, %gather3A_2608 : vector<16xf32>
      %add3A_2610 = arith.addf %add3A_2600, %mul3A_2609 : vector<16xf32>
      %add3A_2611 = arith.constant 13 : i32
      %add3A_2612 = vector.broadcast %add3A_2611 : i32 to vector<16xi32>
      %add3A_2613 = arith.addi %mul3A_7, %add3A_2612 : vector<16xi32>
      %gather3A_2614 = tpu.vector_load_idx %arg13[%add3A_2613, %and3A_2475] : memref<128x128xf32, #tpu.memory_space<vmem>>[vector<16xi32>, vector<16xi32>], vector<16xf32>,
      %add3A_2615 = arith.constant 13 : i32
      %add3A_2616 = vector.broadcast %add3A_2615 : i32 to vector<16xi32>
      %add3A_2617 = arith.addi %mul3A_7, %add3A_2616 : vector<16xi32>
      %gather3A_2618 = tpu.vector_load_idx %arg14[%add3A_2617, %and3A_2478] : memref<128x128xf32, #tpu.memory_space<vmem>>[vector<16xi32>, vector<16xi32>], vector<16xf32>,
      %mul3A_2619 = arith.mulf %gather3A_2614, %gather3A_2618 : vector<16xf32>
      %add3A_2620 = arith.addf %add3A_2610, %mul3A_2619 : vector<16xf32>
      %add3A_2621 = arith.constant 14 : i32
      %add3A_2622 = vector.broadcast %add3A_2621 : i32 to vector<16xi32>
      %add3A_2623 = arith.addi %mul3A_7, %add3A_2622 : vector<16xi32>
      %gather3A_2624 = tpu.vector_load_idx %arg13[%add3A_2623, %and3A_2475] : memref<128x128xf32, #tpu.memory_space<vmem>>[vector<16xi32>, vector<16xi32>], vector<16xf32>,
      %add3A_2625 = arith.constant 14 : i32
      %add3A_2626 = vector.broadcast %add3A_2625 : i32 to vector<16xi32>
      %add3A_2627 = arith.addi %mul3A_7, %add3A_2626 : vector<16xi32>
      %gather3A_2628 = tpu.vector_load_idx %arg14[%add3A_2627, %and3A_2478] : memref<128x128xf32, #tpu.memory_space<vmem>>[vector<16xi32>, vector<16xi32>], vector<16xf32>,
      %mul3A_2629 = arith.mulf %gather3A_2624, %gather3A_2628 : vector<16xf32>
      %add3A_2630 = arith.addf %add3A_2620, %mul3A_2629 : vector<16xf32>
      %add3A_2631 = arith.constant 15 : i32
      %add3A_2632 = vector.broadcast %add3A_2631 : i32 to vector<16xi32>
      %add3A_2633 = arith.addi %mul3A_7, %add3A_2632 : vector<16xi32>
      %gather3A_2634 = tpu.vector_load_idx %arg13[%add3A_2633, %and3A_2475] : memref<128x128xf32, #tpu.memory_space<vmem>>[vector<16xi32>, vector<16xi32>], vector<16xf32>,
      %add3A_2635 = arith.constant 15 : i32
      %add3A_2636 = vector.broadcast %add3A_2635 : i32 to vector<16xi32>
      %add3A_2637 = arith.addi %mul3A_7, %add3A_2636 : vector<16xi32>
      %gather3A_2638 = tpu.vector_load_idx %arg14[%add3A_2637, %and3A_2478] : memref<128x128xf32, #tpu.memory_space<vmem>>[vector<16xi32>, vector<16xi32>], vector<16xf32>,
      %mul3A_2639 = arith.mulf %gather3A_2634, %gather3A_2638 : vector<16xf32>
      %add3A_2640 = arith.addf %add3A_2630, %mul3A_2639 : vector<16xf32>
      %add3A_2641 = arith.constant 16 : i32
      %add3A_2642 = vector.broadcast %add3A_2641 : i32 to vector<16xi32>
      %add3A_2643 = arith.addi %mul3A_7, %add3A_2642 : vector<16xi32>
      %gather3A_2644 = tpu.vector_load_idx %arg13[%add3A_2643, %and3A_2475] : memref<128x128xf32, #tpu.memory_space<vmem>>[vector<16xi32>, vector<16xi32>], vector<16xf32>,
      %add3A_2645 = arith.constant 16 : i32
      %add3A_2646 = vector.broadcast %add3A_2645 : i32 to vector<16xi32>
      %add3A_2647 = arith.addi %mul3A_7, %add3A_2646 : vector<16xi32>
      %gather3A_2648 = tpu.vector_load_idx %arg14[%add3A_2647, %and3A_2478] : memref<128x128xf32, #tpu.memory_space<vmem>>[vector<16xi32>, vector<16xi32>], vector<16xf32>,
      %mul3A_2649 = arith.mulf %gather3A_2644, %gather3A_2648 : vector<16xf32>
      %add3A_2650 = arith.addf %add3A_2640, %mul3A_2649 : vector<16xf32>
      %add3A_2651 = arith.constant 17 : i32
      %add3A_2652 = vector.broadcast %add3A_2651 : i32 to vector<16xi32>
      %add3A_2653 = arith.addi %mul3A_7, %add3A_2652 : vector<16xi32>
      %gather3A_2654 = tpu.vector_load_idx %arg13[%add3A_2653, %and3A_2475] : memref<128x128xf32, #tpu.memory_space<vmem>>[vector<16xi32>, vector<16xi32>], vector<16xf32>,
      %add3A_2655 = arith.constant 17 : i32
      %add3A_2656 = vector.broadcast %add3A_2655 : i32 to vector<16xi32>
      %add3A_2657 = arith.addi %mul3A_7, %add3A_2656 : vector<16xi32>
      %gather3A_2658 = tpu.vector_load_idx %arg14[%add3A_2657, %and3A_2478] : memref<128x128xf32, #tpu.memory_space<vmem>>[vector<16xi32>, vector<16xi32>], vector<16xf32>,
      %mul3A_2659 = arith.mulf %gather3A_2654, %gather3A_2658 : vector<16xf32>
      %add3A_2660 = arith.addf %add3A_2650, %mul3A_2659 : vector<16xf32>
      %add3A_2661 = arith.constant 18 : i32
      %add3A_2662 = vector.broadcast %add3A_2661 : i32 to vector<16xi32>
      %add3A_2663 = arith.addi %mul3A_7, %add3A_2662 : vector<16xi32>
      %gather3A_2664 = tpu.vector_load_idx %arg13[%add3A_2663, %and3A_2475] : memref<128x128xf32, #tpu.memory_space<vmem>>[vector<16xi32>, vector<16xi32>], vector<16xf32>,
      %add3A_2665 = arith.constant 18 : i32
      %add3A_2666 = vector.broadcast %add3A_2665 : i32 to vector<16xi32>
      %add3A_2667 = arith.addi %mul3A_7, %add3A_2666 : vector<16xi32>
      %gather3A_2668 = tpu.vector_load_idx %arg14[%add3A_2667, %and3A_2478] : memref<128x128xf32, #tpu.memory_space<vmem>>[vector<16xi32>, vector<16xi32>], vector<16xf32>,
      %mul3A_2669 = arith.mulf %gather3A_2664, %gather3A_2668 : vector<16xf32>
      %add3A_2670 = arith.addf %add3A_2660, %mul3A_2669 : vector<16xf32>
      %add3A_2671 = arith.constant 19 : i32
      %add3A_2672 = vector.broadcast %add3A_2671 : i32 to vector<16xi32>
      %add3A_2673 = arith.addi %mul3A_7, %add3A_2672 : vector<16xi32>
      %gather3A_2674 = tpu.vector_load_idx %arg13[%add3A_2673, %and3A_2475] : memref<128x128xf32, #tpu.memory_space<vmem>>[vector<16xi32>, vector<16xi32>], vector<16xf32>,
      %add3A_2675 = arith.constant 19 : i32
      %add3A_2676 = vector.broadcast %add3A_2675 : i32 to vector<16xi32>
      %add3A_2677 = arith.addi %mul3A_7, %add3A_2676 : vector<16xi32>
      %gather3A_2678 = tpu.vector_load_idx %arg14[%add3A_2677, %and3A_2478] : memref<128x128xf32, #tpu.memory_space<vmem>>[vector<16xi32>, vector<16xi32>], vector<16xf32>,
      %mul3A_2679 = arith.mulf %gather3A_2674, %gather3A_2678 : vector<16xf32>
      %add3A_2680 = arith.addf %add3A_2670, %mul3A_2679 : vector<16xf32>
      %add3A_2681 = arith.constant 20 : i32
      %add3A_2682 = vector.broadcast %add3A_2681 : i32 to vector<16xi32>
      %add3A_2683 = arith.addi %mul3A_7, %add3A_2682 : vector<16xi32>
      %gather3A_2684 = tpu.vector_load_idx %arg13[%add3A_2683, %and3A_2475] : memref<128x128xf32, #tpu.memory_space<vmem>>[vector<16xi32>, vector<16xi32>], vector<16xf32>,
      %add3A_2685 = arith.constant 20 : i32
      %add3A_2686 = vector.broadcast %add3A_2685 : i32 to vector<16xi32>
      %add3A_2687 = arith.addi %mul3A_7, %add3A_2686 : vector<16xi32>
      %gather3A_2688 = tpu.vector_load_idx %arg14[%add3A_2687, %and3A_2478] : memref<128x128xf32, #tpu.memory_space<vmem>>[vector<16xi32>, vector<16xi32>], vector<16xf32>,
      %mul3A_2689 = arith.mulf %gather3A_2684, %gather3A_2688 : vector<16xf32>
      %add3A_2690 = arith.addf %add3A_2680, %mul3A_2689 : vector<16xf32>
      %add3A_2691 = arith.constant 21 : i32
      %add3A_2692 = vector.broadcast %add3A_2691 : i32 to vector<16xi32>
      %add3A_2693 = arith.addi %mul3A_7, %add3A_2692 : vector<16xi32>
      %gather3A_2694 = tpu.vector_load_idx %arg13[%add3A_2693, %and3A_2475] : memref<128x128xf32, #tpu.memory_space<vmem>>[vector<16xi32>, vector<16xi32>], vector<16xf32>,
      %add3A_2695 = arith.constant 21 : i32
      %add3A_2696 = vector.broadcast %add3A_2695 : i32 to vector<16xi32>
      %add3A_2697 = arith.addi %mul3A_7, %add3A_2696 : vector<16xi32>
      %gather3A_2698 = tpu.vector_load_idx %arg14[%add3A_2697, %and3A_2478] : memref<128x128xf32, #tpu.memory_space<vmem>>[vector<16xi32>, vector<16xi32>], vector<16xf32>,
      %mul3A_2699 = arith.mulf %gather3A_2694, %gather3A_2698 : vector<16xf32>
      %add3A_2700 = arith.addf %add3A_2690, %mul3A_2699 : vector<16xf32>
      %add3A_2701 = arith.constant 22 : i32
      %add3A_2702 = vector.broadcast %add3A_2701 : i32 to vector<16xi32>
      %add3A_2703 = arith.addi %mul3A_7, %add3A_2702 : vector<16xi32>
      %gather3A_2704 = tpu.vector_load_idx %arg13[%add3A_2703, %and3A_2475] : memref<128x128xf32, #tpu.memory_space<vmem>>[vector<16xi32>, vector<16xi32>], vector<16xf32>,
      %add3A_2705 = arith.constant 22 : i32
      %add3A_2706 = vector.broadcast %add3A_2705 : i32 to vector<16xi32>
      %add3A_2707 = arith.addi %mul3A_7, %add3A_2706 : vector<16xi32>
      %gather3A_2708 = tpu.vector_load_idx %arg14[%add3A_2707, %and3A_2478] : memref<128x128xf32, #tpu.memory_space<vmem>>[vector<16xi32>, vector<16xi32>], vector<16xf32>,
      %mul3A_2709 = arith.mulf %gather3A_2704, %gather3A_2708 : vector<16xf32>
      %add3A_2710 = arith.addf %add3A_2700, %mul3A_2709 : vector<16xf32>
      %add3A_2711 = arith.constant 23 : i32
      %add3A_2712 = vector.broadcast %add3A_2711 : i32 to vector<16xi32>
      %add3A_2713 = arith.addi %mul3A_7, %add3A_2712 : vector<16xi32>
      %gather3A_2714 = tpu.vector_load_idx %arg13[%add3A_2713, %and3A_2475] : memref<128x128xf32, #tpu.memory_space<vmem>>[vector<16xi32>, vector<16xi32>], vector<16xf32>,
      %add3A_2715 = arith.constant 23 : i32
      %add3A_2716 = vector.broadcast %add3A_2715 : i32 to vector<16xi32>
      %add3A_2717 = arith.addi %mul3A_7, %add3A_2716 : vector<16xi32>
      %gather3A_2718 = tpu.vector_load_idx %arg14[%add3A_2717, %and3A_2478] : memref<128x128xf32, #tpu.memory_space<vmem>>[vector<16xi32>, vector<16xi32>], vector<16xf32>,
      %mul3A_2719 = arith.mulf %gather3A_2714, %gather3A_2718 : vector<16xf32>
      %add3A_2720 = arith.addf %add3A_2710, %mul3A_2719 : vector<16xf32>
      %add3A_2721 = arith.constant 24 : i32
      %add3A_2722 = vector.broadcast %add3A_2721 : i32 to vector<16xi32>
      %add3A_2723 = arith.addi %mul3A_7, %add3A_2722 : vector<16xi32>
      %gather3A_2724 = tpu.vector_load_idx %arg13[%add3A_2723, %and3A_2475] : memref<128x128xf32, #tpu.memory_space<vmem>>[vector<16xi32>, vector<16xi32>], vector<16xf32>,
      %add3A_2725 = arith.constant 24 : i32
      %add3A_2726 = vector.broadcast %add3A_2725 : i32 to vector<16xi32>
      %add3A_2727 = arith.addi %mul3A_7, %add3A_2726 : vector<16xi32>
      %gather3A_2728 = tpu.vector_load_idx %arg14[%add3A_2727, %and3A_2478] : memref<128x128xf32, #tpu.memory_space<vmem>>[vector<16xi32>, vector<16xi32>], vector<16xf32>,
      %mul3A_2729 = arith.mulf %gather3A_2724, %gather3A_2728 : vector<16xf32>
      %add3A_2730 = arith.addf %add3A_2720, %mul3A_2729 : vector<16xf32>
      %add3A_2731 = arith.constant 25 : i32
      %add3A_2732 = vector.broadcast %add3A_2731 : i32 to vector<16xi32>
      %add3A_2733 = arith.addi %mul3A_7, %add3A_2732 : vector<16xi32>
      %gather3A_2734 = tpu.vector_load_idx %arg13[%add3A_2733, %and3A_2475] : memref<128x128xf32, #tpu.memory_space<vmem>>[vector<16xi32>, vector<16xi32>], vector<16xf32>,
      %add3A_2735 = arith.constant 25 : i32
      %add3A_2736 = vector.broadcast %add3A_2735 : i32 to vector<16xi32>
      %add3A_2737 = arith.addi %mul3A_7, %add3A_2736 : vector<16xi32>
      %gather3A_2738 = tpu.vector_load_idx %arg14[%add3A_2737, %and3A_2478] : memref<128x128xf32, #tpu.memory_space<vmem>>[vector<16xi32>, vector<16xi32>], vector<16xf32>,
      %mul3A_2739 = arith.mulf %gather3A_2734, %gather3A_2738 : vector<16xf32>
      %add3A_2740 = arith.addf %add3A_2730, %mul3A_2739 : vector<16xf32>
      %add3A_2741 = arith.constant 26 : i32
      %add3A_2742 = vector.broadcast %add3A_2741 : i32 to vector<16xi32>
      %add3A_2743 = arith.addi %mul3A_7, %add3A_2742 : vector<16xi32>
      %gather3A_2744 = tpu.vector_load_idx %arg13[%add3A_2743, %and3A_2475] : memref<128x128xf32, #tpu.memory_space<vmem>>[vector<16xi32>, vector<16xi32>], vector<16xf32>,
      %add3A_2745 = arith.constant 26 : i32
      %add3A_2746 = vector.broadcast %add3A_2745 : i32 to vector<16xi32>
      %add3A_2747 = arith.addi %mul3A_7, %add3A_2746 : vector<16xi32>
      %gather3A_2748 = tpu.vector_load_idx %arg14[%add3A_2747, %and3A_2478] : memref<128x128xf32, #tpu.memory_space<vmem>>[vector<16xi32>, vector<16xi32>], vector<16xf32>,
      %mul3A_2749 = arith.mulf %gather3A_2744, %gather3A_2748 : vector<16xf32>
      %add3A_2750 = arith.addf %add3A_2740, %mul3A_2749 : vector<16xf32>
      %add3A_2751 = arith.constant 27 : i32
      %add3A_2752 = vector.broadcast %add3A_2751 : i32 to vector<16xi32>
      %add3A_2753 = arith.addi %mul3A_7, %add3A_2752 : vector<16xi32>
      %gather3A_2754 = tpu.vector_load_idx %arg13[%add3A_2753, %and3A_2475] : memref<128x128xf32, #tpu.memory_space<vmem>>[vector<16xi32>, vector<16xi32>], vector<16xf32>,
      %add3A_2755 = arith.constant 27 : i32
      %add3A_2756 = vector.broadcast %add3A_2755 : i32 to vector<16xi32>
      %add3A_2757 = arith.addi %mul3A_7, %add3A_2756 : vector<16xi32>
      %gather3A_2758 = tpu.vector_load_idx %arg14[%add3A_2757, %and3A_2478] : memref<128x128xf32, #tpu.memory_space<vmem>>[vector<16xi32>, vector<16xi32>], vector<16xf32>,
      %mul3A_2759 = arith.mulf %gather3A_2754, %gather3A_2758 : vector<16xf32>
      %add3A_2760 = arith.addf %add3A_2750, %mul3A_2759 : vector<16xf32>
      %add3A_2761 = arith.constant 28 : i32
      %add3A_2762 = vector.broadcast %add3A_2761 : i32 to vector<16xi32>
      %add3A_2763 = arith.addi %mul3A_7, %add3A_2762 : vector<16xi32>
      %gather3A_2764 = tpu.vector_load_idx %arg13[%add3A_2763, %and3A_2475] : memref<128x128xf32, #tpu.memory_space<vmem>>[vector<16xi32>, vector<16xi32>], vector<16xf32>,
      %add3A_2765 = arith.constant 28 : i32
      %add3A_2766 = vector.broadcast %add3A_2765 : i32 to vector<16xi32>
      %add3A_2767 = arith.addi %mul3A_7, %add3A_2766 : vector<16xi32>
      %gather3A_2768 = tpu.vector_load_idx %arg14[%add3A_2767, %and3A_2478] : memref<128x128xf32, #tpu.memory_space<vmem>>[vector<16xi32>, vector<16xi32>], vector<16xf32>,
      %mul3A_2769 = arith.mulf %gather3A_2764, %gather3A_2768 : vector<16xf32>
      %add3A_2770 = arith.addf %add3A_2760, %mul3A_2769 : vector<16xf32>
      %add3A_2771 = arith.constant 29 : i32
      %add3A_2772 = vector.broadcast %add3A_2771 : i32 to vector<16xi32>
      %add3A_2773 = arith.addi %mul3A_7, %add3A_2772 : vector<16xi32>
      %gather3A_2774 = tpu.vector_load_idx %arg13[%add3A_2773, %and3A_2475] : memref<128x128xf32, #tpu.memory_space<vmem>>[vector<16xi32>, vector<16xi32>], vector<16xf32>,
      %add3A_2775 = arith.constant 29 : i32
      %add3A_2776 = vector.broadcast %add3A_2775 : i32 to vector<16xi32>
      %add3A_2777 = arith.addi %mul3A_7, %add3A_2776 : vector<16xi32>
      %gather3A_2778 = tpu.vector_load_idx %arg14[%add3A_2777, %and3A_2478] : memref<128x128xf32, #tpu.memory_space<vmem>>[vector<16xi32>, vector<16xi32>], vector<16xf32>,
      %mul3A_2779 = arith.mulf %gather3A_2774, %gather3A_2778 : vector<16xf32>
      %add3A_2780 = arith.addf %add3A_2770, %mul3A_2779 : vector<16xf32>
      %add3A_2781 = arith.constant 30 : i32
      %add3A_2782 = vector.broadcast %add3A_2781 : i32 to vector<16xi32>
      %add3A_2783 = arith.addi %mul3A_7, %add3A_2782 : vector<16xi32>
      %gather3A_2784 = tpu.vector_load_idx %arg13[%add3A_2783, %and3A_2475] : memref<128x128xf32, #tpu.memory_space<vmem>>[vector<16xi32>, vector<16xi32>], vector<16xf32>,
      %add3A_2785 = arith.constant 30 : i32
      %add3A_2786 = vector.broadcast %add3A_2785 : i32 to vector<16xi32>
      %add3A_2787 = arith.addi %mul3A_7, %add3A_2786 : vector<16xi32>
      %gather3A_2788 = tpu.vector_load_idx %arg14[%add3A_2787, %and3A_2478] : memref<128x128xf32, #tpu.memory_space<vmem>>[vector<16xi32>, vector<16xi32>], vector<16xf32>,
      %mul3A_2789 = arith.mulf %gather3A_2784, %gather3A_2788 : vector<16xf32>
      %add3A_2790 = arith.addf %add3A_2780, %mul3A_2789 : vector<16xf32>
      %add3A_2791 = arith.constant 31 : i32
      %add3A_2792 = vector.broadcast %add3A_2791 : i32 to vector<16xi32>
      %add3A_2793 = arith.addi %mul3A_7, %add3A_2792 : vector<16xi32>
      %gather3A_2794 = tpu.vector_load_idx %arg13[%add3A_2793, %and3A_2475] : memref<128x128xf32, #tpu.memory_space<vmem>>[vector<16xi32>, vector<16xi32>], vector<16xf32>,
      %add3A_2795 = arith.constant 31 : i32
      %add3A_2796 = vector.broadcast %add3A_2795 : i32 to vector<16xi32>
      %add3A_2797 = arith.addi %mul3A_7, %add3A_2796 : vector<16xi32>
      %gather3A_2798 = tpu.vector_load_idx %arg14[%add3A_2797, %and3A_2478] : memref<128x128xf32, #tpu.memory_space<vmem>>[vector<16xi32>, vector<16xi32>], vector<16xf32>,
      %mul3A_2799 = arith.mulf %gather3A_2794, %gather3A_2798 : vector<16xf32>
      %add3A_2800 = arith.addf %add3A_2790, %mul3A_2799 : vector<16xf32>
      %mul3A_2801 = arith.constant 4 : i32
      %mul3A_2802 = arith.muli %add3A_2368, %mul3A_2801 : i32
      %lt3A_2803 = arith.constant 4 : i32
      %lt3A_2804 = vector.broadcast %lt3A_2803 : i32 to vector<16xi32>
      %lt3A_2805 = arith.cmpi slt, %iota3A, %lt3A_2804 : vector<16xi32>
      %swap3A_2806 = arith.index_cast %mul3A_2802 : i32 to index
      %swap3A_2807 = tpu.vector_load %arg15[%swap3A_2806] masked %lt3A_2805 {strides = array<i32>} : memref<528xf32, #tpu.memory_space<vmem>>, vector<16xf32>, vector<16xi1>
      tpu.vector_store %arg15[%swap3A_2806], %add3A_2800 masked %lt3A_2805 {strides = array<i32>} : memref<528xf32, #tpu.memory_space<vmem>>, vector<16xf32>, vector<16xi1>
    }
    %scan3A_244 = arith.constant 42 : i32
    %dma_wait3A = arith.constant 0 : i32
    %dma_wait3A_245 = arith.constant 0 : i32
    %dma_wait3A_246 = tpu.memref_slice %arg9[%dma_wait3A, %dma_wait3A_245] : memref<128x128xf32, #tpu.memory_space<vmem>> -> memref<32x128xf32, #tpu.memory_space<vmem>>
    %dma_wait3A_247 = arith.constant 0 : i32
    %dma_wait3A_248 = arith.constant 0 : i32
    %dma_wait3A_249 = tpu.memref_slice %arg4[%dma_wait3A_247, %dma_wait3A_248] : memref<32x1000000xf32, #tpu.memory_space<hbm>> -> memref<32x128xf32, #tpu.memory_space<hbm>>
    %dma_wait3A_250 = arith.constant 0 : i32
    %dma_wait3A_251 = arith.constant 0 : i32
    %dma_wait3A_252 = tpu.memref_slice %arg9[%dma_wait3A_250, %dma_wait3A_251] : memref<128x128xf32, #tpu.memory_space<vmem>> -> memref<32x128xf32, #tpu.memory_space<vmem>>
    %dma_wait3A_253 = arith.constant 0 : i32
    %dma_wait3A_254 = arith.constant 0 : i32
    %dma_wait3A_255 = tpu.memref_slice %arg4[%dma_wait3A_253, %dma_wait3A_254] : memref<32x1000000xf32, #tpu.memory_space<hbm>> -> memref<32x128xf32, #tpu.memory_space<hbm>>
    tpu.wait_dma2 semaphore(%arg16 : memref<!tpu.dma_semaphore, #tpu.memory_space<semaphore_mem>>) src(%dma_wait3A_255 : memref<32x128xf32, #tpu.memory_space<hbm>>) dst(%dma_wait3A_252 : memref<32x128xf32, #tpu.memory_space<vmem>>)
    %dma_wait3A_256 = arith.constant 0 : i32
    %dma_wait3A_257 = arith.constant 0 : i32
    %dma_wait3A_258 = tpu.memref_slice %arg10[%dma_wait3A_256, %dma_wait3A_257] : memref<128x128xf32, #tpu.memory_space<vmem>> -> memref<32x128xf32, #tpu.memory_space<vmem>>
    %dma_wait3A_259 = arith.constant 0 : i32
    %dma_wait3A_260 = arith.constant 0 : i32
    %dma_wait3A_261 = tpu.memref_slice %arg5[%dma_wait3A_259, %dma_wait3A_260] : memref<32x1000000xf32, #tpu.memory_space<hbm>> -> memref<32x128xf32, #tpu.memory_space<hbm>>
    %dma_wait3A_262 = arith.constant 0 : i32
    %dma_wait3A_263 = arith.constant 0 : i32
    %dma_wait3A_264 = tpu.memref_slice %arg10[%dma_wait3A_262, %dma_wait3A_263] : memref<128x128xf32, #tpu.memory_space<vmem>> -> memref<32x128xf32, #tpu.memory_space<vmem>>
    %dma_wait3A_265 = arith.constant 0 : i32
    %dma_wait3A_266 = arith.constant 0 : i32
    %dma_wait3A_267 = tpu.memref_slice %arg5[%dma_wait3A_265, %dma_wait3A_266] : memref<32x1000000xf32, #tpu.memory_space<hbm>> -> memref<32x128xf32, #tpu.memory_space<hbm>>
    tpu.wait_dma2 semaphore(%arg17 : memref<!tpu.dma_semaphore, #tpu.memory_space<semaphore_mem>>) src(%dma_wait3A_267 : memref<32x128xf32, #tpu.memory_space<hbm>>) dst(%dma_wait3A_264 : memref<32x128xf32, #tpu.memory_space<vmem>>)
    %dma_wait3A_268 = arith.constant 32 : i32
    %dma_wait3A_269 = arith.constant 0 : i32
    %dma_wait3A_270 = tpu.memref_slice %arg9[%dma_wait3A_268, %dma_wait3A_269] : memref<128x128xf32, #tpu.memory_space<vmem>> -> memref<32x128xf32, #tpu.memory_space<vmem>>
    %dma_wait3A_271 = arith.constant 0 : i32
    %dma_wait3A_272 = arith.constant 0 : i32
    %dma_wait3A_273 = tpu.memref_slice %arg4[%dma_wait3A_271, %dma_wait3A_272] : memref<32x1000000xf32, #tpu.memory_space<hbm>> -> memref<32x128xf32, #tpu.memory_space<hbm>>
    %dma_wait3A_274 = arith.constant 32 : i32
    %dma_wait3A_275 = arith.constant 0 : i32
    %dma_wait3A_276 = tpu.memref_slice %arg9[%dma_wait3A_274, %dma_wait3A_275] : memref<128x128xf32, #tpu.memory_space<vmem>> -> memref<32x128xf32, #tpu.memory_space<vmem>>
    %dma_wait3A_277 = arith.constant 0 : i32
    %dma_wait3A_278 = arith.constant 0 : i32
    %dma_wait3A_279 = tpu.memref_slice %arg4[%dma_wait3A_277, %dma_wait3A_278] : memref<32x1000000xf32, #tpu.memory_space<hbm>> -> memref<32x128xf32, #tpu.memory_space<hbm>>
    tpu.wait_dma2 semaphore(%arg16 : memref<!tpu.dma_semaphore, #tpu.memory_space<semaphore_mem>>) src(%dma_wait3A_279 : memref<32x128xf32, #tpu.memory_space<hbm>>) dst(%dma_wait3A_276 : memref<32x128xf32, #tpu.memory_space<vmem>>)
    %dma_wait3A_280 = arith.constant 32 : i32
    %dma_wait3A_281 = arith.constant 0 : i32
    %dma_wait3A_282 = tpu.memref_slice %arg10[%dma_wait3A_280, %dma_wait3A_281] : memref<128x128xf32, #tpu.memory_space<vmem>> -> memref<32x128xf32, #tpu.memory_space<vmem>>
    %dma_wait3A_283 = arith.constant 0 : i32
    %dma_wait3A_284 = arith.constant 0 : i32
    %dma_wait3A_285 = tpu.memref_slice %arg5[%dma_wait3A_283, %dma_wait3A_284] : memref<32x1000000xf32, #tpu.memory_space<hbm>> -> memref<32x128xf32, #tpu.memory_space<hbm>>
    %dma_wait3A_286 = arith.constant 32 : i32
    %dma_wait3A_287 = arith.constant 0 : i32
    %dma_wait3A_288 = tpu.memref_slice %arg10[%dma_wait3A_286, %dma_wait3A_287] : memref<128x128xf32, #tpu.memory_space<vmem>> -> memref<32x128xf32, #tpu.memory_space<vmem>>
    %dma_wait3A_289 = arith.constant 0 : i32
    %dma_wait3A_290 = arith.constant 0 : i32
    %dma_wait3A_291 = tpu.memref_slice %arg5[%dma_wait3A_289, %dma_wait3A_290] : memref<32x1000000xf32, #tpu.memory_space<hbm>> -> memref<32x128xf32, #tpu.memory_space<hbm>>
    tpu.wait_dma2 semaphore(%arg17 : memref<!tpu.dma_semaphore, #tpu.memory_space<semaphore_mem>>) src(%dma_wait3A_291 : memref<32x128xf32, #tpu.memory_space<hbm>>) dst(%dma_wait3A_288 : memref<32x128xf32, #tpu.memory_space<vmem>>)
    %dma_wait3A_292 = arith.constant 64 : i32
    %dma_wait3A_293 = arith.constant 0 : i32
    %dma_wait3A_294 = tpu.memref_slice %arg9[%dma_wait3A_292, %dma_wait3A_293] : memref<128x128xf32, #tpu.memory_space<vmem>> -> memref<32x128xf32, #tpu.memory_space<vmem>>
    %dma_wait3A_295 = arith.constant 0 : i32
    %dma_wait3A_296 = arith.constant 0 : i32
    %dma_wait3A_297 = tpu.memref_slice %arg4[%dma_wait3A_295, %dma_wait3A_296] : memref<32x1000000xf32, #tpu.memory_space<hbm>> -> memref<32x128xf32, #tpu.memory_space<hbm>>
    %dma_wait3A_298 = arith.constant 64 : i32
    %dma_wait3A_299 = arith.constant 0 : i32
    %dma_wait3A_300 = tpu.memref_slice %arg9[%dma_wait3A_298, %dma_wait3A_299] : memref<128x128xf32, #tpu.memory_space<vmem>> -> memref<32x128xf32, #tpu.memory_space<vmem>>
    %dma_wait3A_301 = arith.constant 0 : i32
    %dma_wait3A_302 = arith.constant 0 : i32
    %dma_wait3A_303 = tpu.memref_slice %arg4[%dma_wait3A_301, %dma_wait3A_302] : memref<32x1000000xf32, #tpu.memory_space<hbm>> -> memref<32x128xf32, #tpu.memory_space<hbm>>
    tpu.wait_dma2 semaphore(%arg16 : memref<!tpu.dma_semaphore, #tpu.memory_space<semaphore_mem>>) src(%dma_wait3A_303 : memref<32x128xf32, #tpu.memory_space<hbm>>) dst(%dma_wait3A_300 : memref<32x128xf32, #tpu.memory_space<vmem>>)
    %dma_wait3A_304 = arith.constant 64 : i32
    %dma_wait3A_305 = arith.constant 0 : i32
    %dma_wait3A_306 = tpu.memref_slice %arg10[%dma_wait3A_304, %dma_wait3A_305] : memref<128x128xf32, #tpu.memory_space<vmem>> -> memref<32x128xf32, #tpu.memory_space<vmem>>
    %dma_wait3A_307 = arith.constant 0 : i32
    %dma_wait3A_308 = arith.constant 0 : i32
    %dma_wait3A_309 = tpu.memref_slice %arg5[%dma_wait3A_307, %dma_wait3A_308] : memref<32x1000000xf32, #tpu.memory_space<hbm>> -> memref<32x128xf32, #tpu.memory_space<hbm>>
    %dma_wait3A_310 = arith.constant 64 : i32
    %dma_wait3A_311 = arith.constant 0 : i32
    %dma_wait3A_312 = tpu.memref_slice %arg10[%dma_wait3A_310, %dma_wait3A_311] : memref<128x128xf32, #tpu.memory_space<vmem>> -> memref<32x128xf32, #tpu.memory_space<vmem>>
    %dma_wait3A_313 = arith.constant 0 : i32
    %dma_wait3A_314 = arith.constant 0 : i32
    %dma_wait3A_315 = tpu.memref_slice %arg5[%dma_wait3A_313, %dma_wait3A_314] : memref<32x1000000xf32, #tpu.memory_space<hbm>> -> memref<32x128xf32, #tpu.memory_space<hbm>>
    tpu.wait_dma2 semaphore(%arg17 : memref<!tpu.dma_semaphore, #tpu.memory_space<semaphore_mem>>) src(%dma_wait3A_315 : memref<32x128xf32, #tpu.memory_space<hbm>>) dst(%dma_wait3A_312 : memref<32x128xf32, #tpu.memory_space<vmem>>)
    %dma_wait3A_316 = arith.constant 96 : i32
    %dma_wait3A_317 = arith.constant 0 : i32
    %dma_wait3A_318 = tpu.memref_slice %arg9[%dma_wait3A_316, %dma_wait3A_317] : memref<128x128xf32, #tpu.memory_space<vmem>> -> memref<32x128xf32, #tpu.memory_space<vmem>>
    %dma_wait3A_319 = arith.constant 0 : i32
    %dma_wait3A_320 = arith.constant 0 : i32
    %dma_wait3A_321 = tpu.memref_slice %arg4[%dma_wait3A_319, %dma_wait3A_320] : memref<32x1000000xf32, #tpu.memory_space<hbm>> -> memref<32x128xf32, #tpu.memory_space<hbm>>
    %dma_wait3A_322 = arith.constant 96 : i32
    %dma_wait3A_323 = arith.constant 0 : i32
    %dma_wait3A_324 = tpu.memref_slice %arg9[%dma_wait3A_322, %dma_wait3A_323] : memref<128x128xf32, #tpu.memory_space<vmem>> -> memref<32x128xf32, #tpu.memory_space<vmem>>
    %dma_wait3A_325 = arith.constant 0 : i32
    %dma_wait3A_326 = arith.constant 0 : i32
    %dma_wait3A_327 = tpu.memref_slice %arg4[%dma_wait3A_325, %dma_wait3A_326] : memref<32x1000000xf32, #tpu.memory_space<hbm>> -> memref<32x128xf32, #tpu.memory_space<hbm>>
    tpu.wait_dma2 semaphore(%arg16 : memref<!tpu.dma_semaphore, #tpu.memory_space<semaphore_mem>>) src(%dma_wait3A_327 : memref<32x128xf32, #tpu.memory_space<hbm>>) dst(%dma_wait3A_324 : memref<32x128xf32, #tpu.memory_space<vmem>>)
    %dma_wait3A_328 = arith.constant 96 : i32
    %dma_wait3A_329 = arith.constant 0 : i32
    %dma_wait3A_330 = tpu.memref_slice %arg10[%dma_wait3A_328, %dma_wait3A_329] : memref<128x128xf32, #tpu.memory_space<vmem>> -> memref<32x128xf32, #tpu.memory_space<vmem>>
    %dma_wait3A_331 = arith.constant 0 : i32
    %dma_wait3A_332 = arith.constant 0 : i32
    %dma_wait3A_333 = tpu.memref_slice %arg5[%dma_wait3A_331, %dma_wait3A_332] : memref<32x1000000xf32, #tpu.memory_space<hbm>> -> memref<32x128xf32, #tpu.memory_space<hbm>>
    %dma_wait3A_334 = arith.constant 96 : i32
    %dma_wait3A_335 = arith.constant 0 : i32
    %dma_wait3A_336 = tpu.memref_slice %arg10[%dma_wait3A_334, %dma_wait3A_335] : memref<128x128xf32, #tpu.memory_space<vmem>> -> memref<32x128xf32, #tpu.memory_space<vmem>>
    %dma_wait3A_337 = arith.constant 0 : i32
    %dma_wait3A_338 = arith.constant 0 : i32
    %dma_wait3A_339 = tpu.memref_slice %arg5[%dma_wait3A_337, %dma_wait3A_338] : memref<32x1000000xf32, #tpu.memory_space<hbm>> -> memref<32x128xf32, #tpu.memory_space<hbm>>
    tpu.wait_dma2 semaphore(%arg17 : memref<!tpu.dma_semaphore, #tpu.memory_space<semaphore_mem>>) src(%dma_wait3A_339 : memref<32x128xf32, #tpu.memory_space<hbm>>) dst(%dma_wait3A_336 : memref<32x128xf32, #tpu.memory_space<vmem>>)
    %get3A_340 = arith.constant 504 : index
    %get3A_341 = tpu.vector_load %arg7[%get3A_340] {strides = array<i32>} : memref<528xi32, #tpu.memory_space<vmem>>, vector<16xi32>,
    %get3A_342 = arith.constant 504 : index
    %get3A_343 = tpu.vector_load %arg8[%get3A_342] {strides = array<i32>} : memref<528xi32, #tpu.memory_space<vmem>>, vector<16xi32>,
    %and3A_344 = arith.constant 127 : i32
    %and3A_345 = vector.broadcast %and3A_344 : i32 to vector<16xi32>
    %and3A_346 = arith.andi %get3A_341, %and3A_345 : vector<16xi32>
    %and3A_347 = arith.constant 127 : i32
    %and3A_348 = vector.broadcast %and3A_347 : i32 to vector<16xi32>
    %and3A_349 = arith.andi %get3A_343, %and3A_348 : vector<16xi32>
    %broadcast_in_dim3A = arith.constant 0.000000e+00 : f32
    %broadcast_in_dim3A_350 = vector.broadcast %broadcast_in_dim3A : f32 to vector<16xf32>
    %add3A_351 = arith.constant 0 : i32
    %add3A_352 = vector.broadcast %add3A_351 : i32 to vector<16xi32>
    %add3A_353 = arith.addi %mul3A_7, %add3A_352 : vector<16xi32>
    %gather3A = tpu.vector_load_idx %arg9[%add3A_353, %and3A_346] : memref<128x128xf32, #tpu.memory_space<vmem>>[vector<16xi32>, vector<16xi32>], vector<16xf32>,
    %add3A_354 = arith.constant 0 : i32
    %add3A_355 = vector.broadcast %add3A_354 : i32 to vector<16xi32>
    %add3A_356 = arith.addi %mul3A_7, %add3A_355 : vector<16xi32>
    %gather3A_357 = tpu.vector_load_idx %arg10[%add3A_356, %and3A_349] : memref<128x128xf32, #tpu.memory_space<vmem>>[vector<16xi32>, vector<16xi32>], vector<16xf32>,
    %mul3A_358 = arith.mulf %gather3A, %gather3A_357 : vector<16xf32>
    %add3A_359 = arith.addf %broadcast_in_dim3A_350, %mul3A_358 : vector<16xf32>
    %add3A_360 = arith.constant 1 : i32
    %add3A_361 = vector.broadcast %add3A_360 : i32 to vector<16xi32>
    %add3A_362 = arith.addi %mul3A_7, %add3A_361 : vector<16xi32>
    %gather3A_363 = tpu.vector_load_idx %arg9[%add3A_362, %and3A_346] : memref<128x128xf32, #tpu.memory_space<vmem>>[vector<16xi32>, vector<16xi32>], vector<16xf32>,
    %add3A_364 = arith.constant 1 : i32
    %add3A_365 = vector.broadcast %add3A_364 : i32 to vector<16xi32>
    %add3A_366 = arith.addi %mul3A_7, %add3A_365 : vector<16xi32>
    %gather3A_367 = tpu.vector_load_idx %arg10[%add3A_366, %and3A_349] : memref<128x128xf32, #tpu.memory_space<vmem>>[vector<16xi32>, vector<16xi32>], vector<16xf32>,
    %mul3A_368 = arith.mulf %gather3A_363, %gather3A_367 : vector<16xf32>
    %add3A_369 = arith.addf %add3A_359, %mul3A_368 : vector<16xf32>
    %add3A_370 = arith.constant 2 : i32
    %add3A_371 = vector.broadcast %add3A_370 : i32 to vector<16xi32>
    %add3A_372 = arith.addi %mul3A_7, %add3A_371 : vector<16xi32>
    %gather3A_373 = tpu.vector_load_idx %arg9[%add3A_372, %and3A_346] : memref<128x128xf32, #tpu.memory_space<vmem>>[vector<16xi32>, vector<16xi32>], vector<16xf32>,
    %add3A_374 = arith.constant 2 : i32
    %add3A_375 = vector.broadcast %add3A_374 : i32 to vector<16xi32>
    %add3A_376 = arith.addi %mul3A_7, %add3A_375 : vector<16xi32>
    %gather3A_377 = tpu.vector_load_idx %arg10[%add3A_376, %and3A_349] : memref<128x128xf32, #tpu.memory_space<vmem>>[vector<16xi32>, vector<16xi32>], vector<16xf32>,
    %mul3A_378 = arith.mulf %gather3A_373, %gather3A_377 : vector<16xf32>
    %add3A_379 = arith.addf %add3A_369, %mul3A_378 : vector<16xf32>
    %add3A_380 = arith.constant 3 : i32
    %add3A_381 = vector.broadcast %add3A_380 : i32 to vector<16xi32>
    %add3A_382 = arith.addi %mul3A_7, %add3A_381 : vector<16xi32>
    %gather3A_383 = tpu.vector_load_idx %arg9[%add3A_382, %and3A_346] : memref<128x128xf32, #tpu.memory_space<vmem>>[vector<16xi32>, vector<16xi32>], vector<16xf32>,
    %add3A_384 = arith.constant 3 : i32
    %add3A_385 = vector.broadcast %add3A_384 : i32 to vector<16xi32>
    %add3A_386 = arith.addi %mul3A_7, %add3A_385 : vector<16xi32>
    %gather3A_387 = tpu.vector_load_idx %arg10[%add3A_386, %and3A_349] : memref<128x128xf32, #tpu.memory_space<vmem>>[vector<16xi32>, vector<16xi32>], vector<16xf32>,
    %mul3A_388 = arith.mulf %gather3A_383, %gather3A_387 : vector<16xf32>
    %add3A_389 = arith.addf %add3A_379, %mul3A_388 : vector<16xf32>
    %add3A_390 = arith.constant 4 : i32
    %add3A_391 = vector.broadcast %add3A_390 : i32 to vector<16xi32>
    %add3A_392 = arith.addi %mul3A_7, %add3A_391 : vector<16xi32>
    %gather3A_393 = tpu.vector_load_idx %arg9[%add3A_392, %and3A_346] : memref<128x128xf32, #tpu.memory_space<vmem>>[vector<16xi32>, vector<16xi32>], vector<16xf32>,
    %add3A_394 = arith.constant 4 : i32
    %add3A_395 = vector.broadcast %add3A_394 : i32 to vector<16xi32>
    %add3A_396 = arith.addi %mul3A_7, %add3A_395 : vector<16xi32>
    %gather3A_397 = tpu.vector_load_idx %arg10[%add3A_396, %and3A_349] : memref<128x128xf32, #tpu.memory_space<vmem>>[vector<16xi32>, vector<16xi32>], vector<16xf32>,
    %mul3A_398 = arith.mulf %gather3A_393, %gather3A_397 : vector<16xf32>
    %add3A_399 = arith.addf %add3A_389, %mul3A_398 : vector<16xf32>
    %add3A_400 = arith.constant 5 : i32
    %add3A_401 = vector.broadcast %add3A_400 : i32 to vector<16xi32>
    %add3A_402 = arith.addi %mul3A_7, %add3A_401 : vector<16xi32>
    %gather3A_403 = tpu.vector_load_idx %arg9[%add3A_402, %and3A_346] : memref<128x128xf32, #tpu.memory_space<vmem>>[vector<16xi32>, vector<16xi32>], vector<16xf32>,
    %add3A_404 = arith.constant 5 : i32
    %add3A_405 = vector.broadcast %add3A_404 : i32 to vector<16xi32>
    %add3A_406 = arith.addi %mul3A_7, %add3A_405 : vector<16xi32>
    %gather3A_407 = tpu.vector_load_idx %arg10[%add3A_406, %and3A_349] : memref<128x128xf32, #tpu.memory_space<vmem>>[vector<16xi32>, vector<16xi32>], vector<16xf32>,
    %mul3A_408 = arith.mulf %gather3A_403, %gather3A_407 : vector<16xf32>
    %add3A_409 = arith.addf %add3A_399, %mul3A_408 : vector<16xf32>
    %add3A_410 = arith.constant 6 : i32
    %add3A_411 = vector.broadcast %add3A_410 : i32 to vector<16xi32>
    %add3A_412 = arith.addi %mul3A_7, %add3A_411 : vector<16xi32>
    %gather3A_413 = tpu.vector_load_idx %arg9[%add3A_412, %and3A_346] : memref<128x128xf32, #tpu.memory_space<vmem>>[vector<16xi32>, vector<16xi32>], vector<16xf32>,
    %add3A_414 = arith.constant 6 : i32
    %add3A_415 = vector.broadcast %add3A_414 : i32 to vector<16xi32>
    %add3A_416 = arith.addi %mul3A_7, %add3A_415 : vector<16xi32>
    %gather3A_417 = tpu.vector_load_idx %arg10[%add3A_416, %and3A_349] : memref<128x128xf32, #tpu.memory_space<vmem>>[vector<16xi32>, vector<16xi32>], vector<16xf32>,
    %mul3A_418 = arith.mulf %gather3A_413, %gather3A_417 : vector<16xf32>
    %add3A_419 = arith.addf %add3A_409, %mul3A_418 : vector<16xf32>
    %add3A_420 = arith.constant 7 : i32
    %add3A_421 = vector.broadcast %add3A_420 : i32 to vector<16xi32>
    %add3A_422 = arith.addi %mul3A_7, %add3A_421 : vector<16xi32>
    %gather3A_423 = tpu.vector_load_idx %arg9[%add3A_422, %and3A_346] : memref<128x128xf32, #tpu.memory_space<vmem>>[vector<16xi32>, vector<16xi32>], vector<16xf32>,
    %add3A_424 = arith.constant 7 : i32
    %add3A_425 = vector.broadcast %add3A_424 : i32 to vector<16xi32>
    %add3A_426 = arith.addi %mul3A_7, %add3A_425 : vector<16xi32>
    %gather3A_427 = tpu.vector_load_idx %arg10[%add3A_426, %and3A_349] : memref<128x128xf32, #tpu.memory_space<vmem>>[vector<16xi32>, vector<16xi32>], vector<16xf32>,
    %mul3A_428 = arith.mulf %gather3A_423, %gather3A_427 : vector<16xf32>
    %add3A_429 = arith.addf %add3A_419, %mul3A_428 : vector<16xf32>
    %add3A_430 = arith.constant 8 : i32
    %add3A_431 = vector.broadcast %add3A_430 : i32 to vector<16xi32>
    %add3A_432 = arith.addi %mul3A_7, %add3A_431 : vector<16xi32>
    %gather3A_433 = tpu.vector_load_idx %arg9[%add3A_432, %and3A_346] : memref<128x128xf32, #tpu.memory_space<vmem>>[vector<16xi32>, vector<16xi32>], vector<16xf32>,
    %add3A_434 = arith.constant 8 : i32
    %add3A_435 = vector.broadcast %add3A_434 : i32 to vector<16xi32>
    %add3A_436 = arith.addi %mul3A_7, %add3A_435 : vector<16xi32>
    %gather3A_437 = tpu.vector_load_idx %arg10[%add3A_436, %and3A_349] : memref<128x128xf32, #tpu.memory_space<vmem>>[vector<16xi32>, vector<16xi32>], vector<16xf32>,
    %mul3A_438 = arith.mulf %gather3A_433, %gather3A_437 : vector<16xf32>
    %add3A_439 = arith.addf %add3A_429, %mul3A_438 : vector<16xf32>
    %add3A_440 = arith.constant 9 : i32
    %add3A_441 = vector.broadcast %add3A_440 : i32 to vector<16xi32>
    %add3A_442 = arith.addi %mul3A_7, %add3A_441 : vector<16xi32>
    %gather3A_443 = tpu.vector_load_idx %arg9[%add3A_442, %and3A_346] : memref<128x128xf32, #tpu.memory_space<vmem>>[vector<16xi32>, vector<16xi32>], vector<16xf32>,
    %add3A_444 = arith.constant 9 : i32
    %add3A_445 = vector.broadcast %add3A_444 : i32 to vector<16xi32>
    %add3A_446 = arith.addi %mul3A_7, %add3A_445 : vector<16xi32>
    %gather3A_447 = tpu.vector_load_idx %arg10[%add3A_446, %and3A_349] : memref<128x128xf32, #tpu.memory_space<vmem>>[vector<16xi32>, vector<16xi32>], vector<16xf32>,
    %mul3A_448 = arith.mulf %gather3A_443, %gather3A_447 : vector<16xf32>
    %add3A_449 = arith.addf %add3A_439, %mul3A_448 : vector<16xf32>
    %add3A_450 = arith.constant 10 : i32
    %add3A_451 = vector.broadcast %add3A_450 : i32 to vector<16xi32>
    %add3A_452 = arith.addi %mul3A_7, %add3A_451 : vector<16xi32>
    %gather3A_453 = tpu.vector_load_idx %arg9[%add3A_452, %and3A_346] : memref<128x128xf32, #tpu.memory_space<vmem>>[vector<16xi32>, vector<16xi32>], vector<16xf32>,
    %add3A_454 = arith.constant 10 : i32
    %add3A_455 = vector.broadcast %add3A_454 : i32 to vector<16xi32>
    %add3A_456 = arith.addi %mul3A_7, %add3A_455 : vector<16xi32>
    %gather3A_457 = tpu.vector_load_idx %arg10[%add3A_456, %and3A_349] : memref<128x128xf32, #tpu.memory_space<vmem>>[vector<16xi32>, vector<16xi32>], vector<16xf32>,
    %mul3A_458 = arith.mulf %gather3A_453, %gather3A_457 : vector<16xf32>
    %add3A_459 = arith.addf %add3A_449, %mul3A_458 : vector<16xf32>
    %add3A_460 = arith.constant 11 : i32
    %add3A_461 = vector.broadcast %add3A_460 : i32 to vector<16xi32>
    %add3A_462 = arith.addi %mul3A_7, %add3A_461 : vector<16xi32>
    %gather3A_463 = tpu.vector_load_idx %arg9[%add3A_462, %and3A_346] : memref<128x128xf32, #tpu.memory_space<vmem>>[vector<16xi32>, vector<16xi32>], vector<16xf32>,
    %add3A_464 = arith.constant 11 : i32
    %add3A_465 = vector.broadcast %add3A_464 : i32 to vector<16xi32>
    %add3A_466 = arith.addi %mul3A_7, %add3A_465 : vector<16xi32>
    %gather3A_467 = tpu.vector_load_idx %arg10[%add3A_466, %and3A_349] : memref<128x128xf32, #tpu.memory_space<vmem>>[vector<16xi32>, vector<16xi32>], vector<16xf32>,
    %mul3A_468 = arith.mulf %gather3A_463, %gather3A_467 : vector<16xf32>
    %add3A_469 = arith.addf %add3A_459, %mul3A_468 : vector<16xf32>
    %add3A_470 = arith.constant 12 : i32
    %add3A_471 = vector.broadcast %add3A_470 : i32 to vector<16xi32>
    %add3A_472 = arith.addi %mul3A_7, %add3A_471 : vector<16xi32>
    %gather3A_473 = tpu.vector_load_idx %arg9[%add3A_472, %and3A_346] : memref<128x128xf32, #tpu.memory_space<vmem>>[vector<16xi32>, vector<16xi32>], vector<16xf32>,
    %add3A_474 = arith.constant 12 : i32
    %add3A_475 = vector.broadcast %add3A_474 : i32 to vector<16xi32>
    %add3A_476 = arith.addi %mul3A_7, %add3A_475 : vector<16xi32>
    %gather3A_477 = tpu.vector_load_idx %arg10[%add3A_476, %and3A_349] : memref<128x128xf32, #tpu.memory_space<vmem>>[vector<16xi32>, vector<16xi32>], vector<16xf32>,
    %mul3A_478 = arith.mulf %gather3A_473, %gather3A_477 : vector<16xf32>
    %add3A_479 = arith.addf %add3A_469, %mul3A_478 : vector<16xf32>
    %add3A_480 = arith.constant 13 : i32
    %add3A_481 = vector.broadcast %add3A_480 : i32 to vector<16xi32>
    %add3A_482 = arith.addi %mul3A_7, %add3A_481 : vector<16xi32>
    %gather3A_483 = tpu.vector_load_idx %arg9[%add3A_482, %and3A_346] : memref<128x128xf32, #tpu.memory_space<vmem>>[vector<16xi32>, vector<16xi32>], vector<16xf32>,
    %add3A_484 = arith.constant 13 : i32
    %add3A_485 = vector.broadcast %add3A_484 : i32 to vector<16xi32>
    %add3A_486 = arith.addi %mul3A_7, %add3A_485 : vector<16xi32>
    %gather3A_487 = tpu.vector_load_idx %arg10[%add3A_486, %and3A_349] : memref<128x128xf32, #tpu.memory_space<vmem>>[vector<16xi32>, vector<16xi32>], vector<16xf32>,
    %mul3A_488 = arith.mulf %gather3A_483, %gather3A_487 : vector<16xf32>
    %add3A_489 = arith.addf %add3A_479, %mul3A_488 : vector<16xf32>
    %add3A_490 = arith.constant 14 : i32
    %add3A_491 = vector.broadcast %add3A_490 : i32 to vector<16xi32>
    %add3A_492 = arith.addi %mul3A_7, %add3A_491 : vector<16xi32>
    %gather3A_493 = tpu.vector_load_idx %arg9[%add3A_492, %and3A_346] : memref<128x128xf32, #tpu.memory_space<vmem>>[vector<16xi32>, vector<16xi32>], vector<16xf32>,
    %add3A_494 = arith.constant 14 : i32
    %add3A_495 = vector.broadcast %add3A_494 : i32 to vector<16xi32>
    %add3A_496 = arith.addi %mul3A_7, %add3A_495 : vector<16xi32>
    %gather3A_497 = tpu.vector_load_idx %arg10[%add3A_496, %and3A_349] : memref<128x128xf32, #tpu.memory_space<vmem>>[vector<16xi32>, vector<16xi32>], vector<16xf32>,
    %mul3A_498 = arith.mulf %gather3A_493, %gather3A_497 : vector<16xf32>
    %add3A_499 = arith.addf %add3A_489, %mul3A_498 : vector<16xf32>
    %add3A_500 = arith.constant 15 : i32
    %add3A_501 = vector.broadcast %add3A_500 : i32 to vector<16xi32>
    %add3A_502 = arith.addi %mul3A_7, %add3A_501 : vector<16xi32>
    %gather3A_503 = tpu.vector_load_idx %arg9[%add3A_502, %and3A_346] : memref<128x128xf32, #tpu.memory_space<vmem>>[vector<16xi32>, vector<16xi32>], vector<16xf32>,
    %add3A_504 = arith.constant 15 : i32
    %add3A_505 = vector.broadcast %add3A_504 : i32 to vector<16xi32>
    %add3A_506 = arith.addi %mul3A_7, %add3A_505 : vector<16xi32>
    %gather3A_507 = tpu.vector_load_idx %arg10[%add3A_506, %and3A_349] : memref<128x128xf32, #tpu.memory_space<vmem>>[vector<16xi32>, vector<16xi32>], vector<16xf32>,
    %mul3A_508 = arith.mulf %gather3A_503, %gather3A_507 : vector<16xf32>
    %add3A_509 = arith.addf %add3A_499, %mul3A_508 : vector<16xf32>
    %add3A_510 = arith.constant 16 : i32
    %add3A_511 = vector.broadcast %add3A_510 : i32 to vector<16xi32>
    %add3A_512 = arith.addi %mul3A_7, %add3A_511 : vector<16xi32>
    %gather3A_513 = tpu.vector_load_idx %arg9[%add3A_512, %and3A_346] : memref<128x128xf32, #tpu.memory_space<vmem>>[vector<16xi32>, vector<16xi32>], vector<16xf32>,
    %add3A_514 = arith.constant 16 : i32
    %add3A_515 = vector.broadcast %add3A_514 : i32 to vector<16xi32>
    %add3A_516 = arith.addi %mul3A_7, %add3A_515 : vector<16xi32>
    %gather3A_517 = tpu.vector_load_idx %arg10[%add3A_516, %and3A_349] : memref<128x128xf32, #tpu.memory_space<vmem>>[vector<16xi32>, vector<16xi32>], vector<16xf32>,
    %mul3A_518 = arith.mulf %gather3A_513, %gather3A_517 : vector<16xf32>
    %add3A_519 = arith.addf %add3A_509, %mul3A_518 : vector<16xf32>
    %add3A_520 = arith.constant 17 : i32
    %add3A_521 = vector.broadcast %add3A_520 : i32 to vector<16xi32>
    %add3A_522 = arith.addi %mul3A_7, %add3A_521 : vector<16xi32>
    %gather3A_523 = tpu.vector_load_idx %arg9[%add3A_522, %and3A_346] : memref<128x128xf32, #tpu.memory_space<vmem>>[vector<16xi32>, vector<16xi32>], vector<16xf32>,
    %add3A_524 = arith.constant 17 : i32
    %add3A_525 = vector.broadcast %add3A_524 : i32 to vector<16xi32>
    %add3A_526 = arith.addi %mul3A_7, %add3A_525 : vector<16xi32>
    %gather3A_527 = tpu.vector_load_idx %arg10[%add3A_526, %and3A_349] : memref<128x128xf32, #tpu.memory_space<vmem>>[vector<16xi32>, vector<16xi32>], vector<16xf32>,
    %mul3A_528 = arith.mulf %gather3A_523, %gather3A_527 : vector<16xf32>
    %add3A_529 = arith.addf %add3A_519, %mul3A_528 : vector<16xf32>
    %add3A_530 = arith.constant 18 : i32
    %add3A_531 = vector.broadcast %add3A_530 : i32 to vector<16xi32>
    %add3A_532 = arith.addi %mul3A_7, %add3A_531 : vector<16xi32>
    %gather3A_533 = tpu.vector_load_idx %arg9[%add3A_532, %and3A_346] : memref<128x128xf32, #tpu.memory_space<vmem>>[vector<16xi32>, vector<16xi32>], vector<16xf32>,
    %add3A_534 = arith.constant 18 : i32
    %add3A_535 = vector.broadcast %add3A_534 : i32 to vector<16xi32>
    %add3A_536 = arith.addi %mul3A_7, %add3A_535 : vector<16xi32>
    %gather3A_537 = tpu.vector_load_idx %arg10[%add3A_536, %and3A_349] : memref<128x128xf32, #tpu.memory_space<vmem>>[vector<16xi32>, vector<16xi32>], vector<16xf32>,
    %mul3A_538 = arith.mulf %gather3A_533, %gather3A_537 : vector<16xf32>
    %add3A_539 = arith.addf %add3A_529, %mul3A_538 : vector<16xf32>
    %add3A_540 = arith.constant 19 : i32
    %add3A_541 = vector.broadcast %add3A_540 : i32 to vector<16xi32>
    %add3A_542 = arith.addi %mul3A_7, %add3A_541 : vector<16xi32>
    %gather3A_543 = tpu.vector_load_idx %arg9[%add3A_542, %and3A_346] : memref<128x128xf32, #tpu.memory_space<vmem>>[vector<16xi32>, vector<16xi32>], vector<16xf32>,
    %add3A_544 = arith.constant 19 : i32
    %add3A_545 = vector.broadcast %add3A_544 : i32 to vector<16xi32>
    %add3A_546 = arith.addi %mul3A_7, %add3A_545 : vector<16xi32>
    %gather3A_547 = tpu.vector_load_idx %arg10[%add3A_546, %and3A_349] : memref<128x128xf32, #tpu.memory_space<vmem>>[vector<16xi32>, vector<16xi32>], vector<16xf32>,
    %mul3A_548 = arith.mulf %gather3A_543, %gather3A_547 : vector<16xf32>
    %add3A_549 = arith.addf %add3A_539, %mul3A_548 : vector<16xf32>
    %add3A_550 = arith.constant 20 : i32
    %add3A_551 = vector.broadcast %add3A_550 : i32 to vector<16xi32>
    %add3A_552 = arith.addi %mul3A_7, %add3A_551 : vector<16xi32>
    %gather3A_553 = tpu.vector_load_idx %arg9[%add3A_552, %and3A_346] : memref<128x128xf32, #tpu.memory_space<vmem>>[vector<16xi32>, vector<16xi32>], vector<16xf32>,
    %add3A_554 = arith.constant 20 : i32
    %add3A_555 = vector.broadcast %add3A_554 : i32 to vector<16xi32>
    %add3A_556 = arith.addi %mul3A_7, %add3A_555 : vector<16xi32>
    %gather3A_557 = tpu.vector_load_idx %arg10[%add3A_556, %and3A_349] : memref<128x128xf32, #tpu.memory_space<vmem>>[vector<16xi32>, vector<16xi32>], vector<16xf32>,
    %mul3A_558 = arith.mulf %gather3A_553, %gather3A_557 : vector<16xf32>
    %add3A_559 = arith.addf %add3A_549, %mul3A_558 : vector<16xf32>
    %add3A_560 = arith.constant 21 : i32
    %add3A_561 = vector.broadcast %add3A_560 : i32 to vector<16xi32>
    %add3A_562 = arith.addi %mul3A_7, %add3A_561 : vector<16xi32>
    %gather3A_563 = tpu.vector_load_idx %arg9[%add3A_562, %and3A_346] : memref<128x128xf32, #tpu.memory_space<vmem>>[vector<16xi32>, vector<16xi32>], vector<16xf32>,
    %add3A_564 = arith.constant 21 : i32
    %add3A_565 = vector.broadcast %add3A_564 : i32 to vector<16xi32>
    %add3A_566 = arith.addi %mul3A_7, %add3A_565 : vector<16xi32>
    %gather3A_567 = tpu.vector_load_idx %arg10[%add3A_566, %and3A_349] : memref<128x128xf32, #tpu.memory_space<vmem>>[vector<16xi32>, vector<16xi32>], vector<16xf32>,
    %mul3A_568 = arith.mulf %gather3A_563, %gather3A_567 : vector<16xf32>
    %add3A_569 = arith.addf %add3A_559, %mul3A_568 : vector<16xf32>
    %add3A_570 = arith.constant 22 : i32
    %add3A_571 = vector.broadcast %add3A_570 : i32 to vector<16xi32>
    %add3A_572 = arith.addi %mul3A_7, %add3A_571 : vector<16xi32>
    %gather3A_573 = tpu.vector_load_idx %arg9[%add3A_572, %and3A_346] : memref<128x128xf32, #tpu.memory_space<vmem>>[vector<16xi32>, vector<16xi32>], vector<16xf32>,
    %add3A_574 = arith.constant 22 : i32
    %add3A_575 = vector.broadcast %add3A_574 : i32 to vector<16xi32>
    %add3A_576 = arith.addi %mul3A_7, %add3A_575 : vector<16xi32>
    %gather3A_577 = tpu.vector_load_idx %arg10[%add3A_576, %and3A_349] : memref<128x128xf32, #tpu.memory_space<vmem>>[vector<16xi32>, vector<16xi32>], vector<16xf32>,
    %mul3A_578 = arith.mulf %gather3A_573, %gather3A_577 : vector<16xf32>
    %add3A_579 = arith.addf %add3A_569, %mul3A_578 : vector<16xf32>
    %add3A_580 = arith.constant 23 : i32
    %add3A_581 = vector.broadcast %add3A_580 : i32 to vector<16xi32>
    %add3A_582 = arith.addi %mul3A_7, %add3A_581 : vector<16xi32>
    %gather3A_583 = tpu.vector_load_idx %arg9[%add3A_582, %and3A_346] : memref<128x128xf32, #tpu.memory_space<vmem>>[vector<16xi32>, vector<16xi32>], vector<16xf32>,
    %add3A_584 = arith.constant 23 : i32
    %add3A_585 = vector.broadcast %add3A_584 : i32 to vector<16xi32>
    %add3A_586 = arith.addi %mul3A_7, %add3A_585 : vector<16xi32>
    %gather3A_587 = tpu.vector_load_idx %arg10[%add3A_586, %and3A_349] : memref<128x128xf32, #tpu.memory_space<vmem>>[vector<16xi32>, vector<16xi32>], vector<16xf32>,
    %mul3A_588 = arith.mulf %gather3A_583, %gather3A_587 : vector<16xf32>
    %add3A_589 = arith.addf %add3A_579, %mul3A_588 : vector<16xf32>
    %add3A_590 = arith.constant 24 : i32
    %add3A_591 = vector.broadcast %add3A_590 : i32 to vector<16xi32>
    %add3A_592 = arith.addi %mul3A_7, %add3A_591 : vector<16xi32>
    %gather3A_593 = tpu.vector_load_idx %arg9[%add3A_592, %and3A_346] : memref<128x128xf32, #tpu.memory_space<vmem>>[vector<16xi32>, vector<16xi32>], vector<16xf32>,
    %add3A_594 = arith.constant 24 : i32
    %add3A_595 = vector.broadcast %add3A_594 : i32 to vector<16xi32>
    %add3A_596 = arith.addi %mul3A_7, %add3A_595 : vector<16xi32>
    %gather3A_597 = tpu.vector_load_idx %arg10[%add3A_596, %and3A_349] : memref<128x128xf32, #tpu.memory_space<vmem>>[vector<16xi32>, vector<16xi32>], vector<16xf32>,
    %mul3A_598 = arith.mulf %gather3A_593, %gather3A_597 : vector<16xf32>
    %add3A_599 = arith.addf %add3A_589, %mul3A_598 : vector<16xf32>
    %add3A_600 = arith.constant 25 : i32
    %add3A_601 = vector.broadcast %add3A_600 : i32 to vector<16xi32>
    %add3A_602 = arith.addi %mul3A_7, %add3A_601 : vector<16xi32>
    %gather3A_603 = tpu.vector_load_idx %arg9[%add3A_602, %and3A_346] : memref<128x128xf32, #tpu.memory_space<vmem>>[vector<16xi32>, vector<16xi32>], vector<16xf32>,
    %add3A_604 = arith.constant 25 : i32
    %add3A_605 = vector.broadcast %add3A_604 : i32 to vector<16xi32>
    %add3A_606 = arith.addi %mul3A_7, %add3A_605 : vector<16xi32>
    %gather3A_607 = tpu.vector_load_idx %arg10[%add3A_606, %and3A_349] : memref<128x128xf32, #tpu.memory_space<vmem>>[vector<16xi32>, vector<16xi32>], vector<16xf32>,
    %mul3A_608 = arith.mulf %gather3A_603, %gather3A_607 : vector<16xf32>
    %add3A_609 = arith.addf %add3A_599, %mul3A_608 : vector<16xf32>
    %add3A_610 = arith.constant 26 : i32
    %add3A_611 = vector.broadcast %add3A_610 : i32 to vector<16xi32>
    %add3A_612 = arith.addi %mul3A_7, %add3A_611 : vector<16xi32>
    %gather3A_613 = tpu.vector_load_idx %arg9[%add3A_612, %and3A_346] : memref<128x128xf32, #tpu.memory_space<vmem>>[vector<16xi32>, vector<16xi32>], vector<16xf32>,
    %add3A_614 = arith.constant 26 : i32
    %add3A_615 = vector.broadcast %add3A_614 : i32 to vector<16xi32>
    %add3A_616 = arith.addi %mul3A_7, %add3A_615 : vector<16xi32>
    %gather3A_617 = tpu.vector_load_idx %arg10[%add3A_616, %and3A_349] : memref<128x128xf32, #tpu.memory_space<vmem>>[vector<16xi32>, vector<16xi32>], vector<16xf32>,
    %mul3A_618 = arith.mulf %gather3A_613, %gather3A_617 : vector<16xf32>
    %add3A_619 = arith.addf %add3A_609, %mul3A_618 : vector<16xf32>
    %add3A_620 = arith.constant 27 : i32
    %add3A_621 = vector.broadcast %add3A_620 : i32 to vector<16xi32>
    %add3A_622 = arith.addi %mul3A_7, %add3A_621 : vector<16xi32>
    %gather3A_623 = tpu.vector_load_idx %arg9[%add3A_622, %and3A_346] : memref<128x128xf32, #tpu.memory_space<vmem>>[vector<16xi32>, vector<16xi32>], vector<16xf32>,
    %add3A_624 = arith.constant 27 : i32
    %add3A_625 = vector.broadcast %add3A_624 : i32 to vector<16xi32>
    %add3A_626 = arith.addi %mul3A_7, %add3A_625 : vector<16xi32>
    %gather3A_627 = tpu.vector_load_idx %arg10[%add3A_626, %and3A_349] : memref<128x128xf32, #tpu.memory_space<vmem>>[vector<16xi32>, vector<16xi32>], vector<16xf32>,
    %mul3A_628 = arith.mulf %gather3A_623, %gather3A_627 : vector<16xf32>
    %add3A_629 = arith.addf %add3A_619, %mul3A_628 : vector<16xf32>
    %add3A_630 = arith.constant 28 : i32
    %add3A_631 = vector.broadcast %add3A_630 : i32 to vector<16xi32>
    %add3A_632 = arith.addi %mul3A_7, %add3A_631 : vector<16xi32>
    %gather3A_633 = tpu.vector_load_idx %arg9[%add3A_632, %and3A_346] : memref<128x128xf32, #tpu.memory_space<vmem>>[vector<16xi32>, vector<16xi32>], vector<16xf32>,
    %add3A_634 = arith.constant 28 : i32
    %add3A_635 = vector.broadcast %add3A_634 : i32 to vector<16xi32>
    %add3A_636 = arith.addi %mul3A_7, %add3A_635 : vector<16xi32>
    %gather3A_637 = tpu.vector_load_idx %arg10[%add3A_636, %and3A_349] : memref<128x128xf32, #tpu.memory_space<vmem>>[vector<16xi32>, vector<16xi32>], vector<16xf32>,
    %mul3A_638 = arith.mulf %gather3A_633, %gather3A_637 : vector<16xf32>
    %add3A_639 = arith.addf %add3A_629, %mul3A_638 : vector<16xf32>
    %add3A_640 = arith.constant 29 : i32
    %add3A_641 = vector.broadcast %add3A_640 : i32 to vector<16xi32>
    %add3A_642 = arith.addi %mul3A_7, %add3A_641 : vector<16xi32>
    %gather3A_643 = tpu.vector_load_idx %arg9[%add3A_642, %and3A_346] : memref<128x128xf32, #tpu.memory_space<vmem>>[vector<16xi32>, vector<16xi32>], vector<16xf32>,
    %add3A_644 = arith.constant 29 : i32
    %add3A_645 = vector.broadcast %add3A_644 : i32 to vector<16xi32>
    %add3A_646 = arith.addi %mul3A_7, %add3A_645 : vector<16xi32>
    %gather3A_647 = tpu.vector_load_idx %arg10[%add3A_646, %and3A_349] : memref<128x128xf32, #tpu.memory_space<vmem>>[vector<16xi32>, vector<16xi32>], vector<16xf32>,
    %mul3A_648 = arith.mulf %gather3A_643, %gather3A_647 : vector<16xf32>
    %add3A_649 = arith.addf %add3A_639, %mul3A_648 : vector<16xf32>
    %add3A_650 = arith.constant 30 : i32
    %add3A_651 = vector.broadcast %add3A_650 : i32 to vector<16xi32>
    %add3A_652 = arith.addi %mul3A_7, %add3A_651 : vector<16xi32>
    %gather3A_653 = tpu.vector_load_idx %arg9[%add3A_652, %and3A_346] : memref<128x128xf32, #tpu.memory_space<vmem>>[vector<16xi32>, vector<16xi32>], vector<16xf32>,
    %add3A_654 = arith.constant 30 : i32
    %add3A_655 = vector.broadcast %add3A_654 : i32 to vector<16xi32>
    %add3A_656 = arith.addi %mul3A_7, %add3A_655 : vector<16xi32>
    %gather3A_657 = tpu.vector_load_idx %arg10[%add3A_656, %and3A_349] : memref<128x128xf32, #tpu.memory_space<vmem>>[vector<16xi32>, vector<16xi32>], vector<16xf32>,
    %mul3A_658 = arith.mulf %gather3A_653, %gather3A_657 : vector<16xf32>
    %add3A_659 = arith.addf %add3A_649, %mul3A_658 : vector<16xf32>
    %add3A_660 = arith.constant 31 : i32
    %add3A_661 = vector.broadcast %add3A_660 : i32 to vector<16xi32>
    %add3A_662 = arith.addi %mul3A_7, %add3A_661 : vector<16xi32>
    %gather3A_663 = tpu.vector_load_idx %arg9[%add3A_662, %and3A_346] : memref<128x128xf32, #tpu.memory_space<vmem>>[vector<16xi32>, vector<16xi32>], vector<16xf32>,
    %add3A_664 = arith.constant 31 : i32
    %add3A_665 = vector.broadcast %add3A_664 : i32 to vector<16xi32>
    %add3A_666 = arith.addi %mul3A_7, %add3A_665 : vector<16xi32>
    %gather3A_667 = tpu.vector_load_idx %arg10[%add3A_666, %and3A_349] : memref<128x128xf32, #tpu.memory_space<vmem>>[vector<16xi32>, vector<16xi32>], vector<16xf32>,
    %mul3A_668 = arith.mulf %gather3A_663, %gather3A_667 : vector<16xf32>
    %add3A_669 = arith.addf %add3A_659, %mul3A_668 : vector<16xf32>
    %lt3A = arith.constant 4 : i32
    %lt3A_670 = vector.broadcast %lt3A : i32 to vector<16xi32>
    %lt3A_671 = arith.cmpi slt, %iota3A, %lt3A_670 : vector<16xi32>
    %swap3A = arith.constant 504 : index
    %swap3A_672 = tpu.vector_load %arg15[%swap3A] masked %lt3A_671 {strides = array<i32>} : memref<528xf32, #tpu.memory_space<vmem>>, vector<16xf32>, vector<16xi1>
    tpu.vector_store %arg15[%swap3A], %add3A_669 masked %lt3A_671 {strides = array<i32>} : memref<528xf32, #tpu.memory_space<vmem>>, vector<16xf32>, vector<16xi1>
    %dma_wait3A_673 = arith.constant 0 : i32
    %dma_wait3A_674 = arith.constant 0 : i32
    %dma_wait3A_675 = tpu.memref_slice %arg11[%dma_wait3A_673, %dma_wait3A_674] : memref<128x128xf32, #tpu.memory_space<vmem>> -> memref<32x128xf32, #tpu.memory_space<vmem>>
    %dma_wait3A_676 = arith.constant 0 : i32
    %dma_wait3A_677 = arith.constant 0 : i32
    %dma_wait3A_678 = tpu.memref_slice %arg4[%dma_wait3A_676, %dma_wait3A_677] : memref<32x1000000xf32, #tpu.memory_space<hbm>> -> memref<32x128xf32, #tpu.memory_space<hbm>>
    %dma_wait3A_679 = arith.constant 0 : i32
    %dma_wait3A_680 = arith.constant 0 : i32
    %dma_wait3A_681 = tpu.memref_slice %arg11[%dma_wait3A_679, %dma_wait3A_680] : memref<128x128xf32, #tpu.memory_space<vmem>> -> memref<32x128xf32, #tpu.memory_space<vmem>>
    %dma_wait3A_682 = arith.constant 0 : i32
    %dma_wait3A_683 = arith.constant 0 : i32
    %dma_wait3A_684 = tpu.memref_slice %arg4[%dma_wait3A_682, %dma_wait3A_683] : memref<32x1000000xf32, #tpu.memory_space<hbm>> -> memref<32x128xf32, #tpu.memory_space<hbm>>
    tpu.wait_dma2 semaphore(%arg18 : memref<!tpu.dma_semaphore, #tpu.memory_space<semaphore_mem>>) src(%dma_wait3A_684 : memref<32x128xf32, #tpu.memory_space<hbm>>) dst(%dma_wait3A_681 : memref<32x128xf32, #tpu.memory_space<vmem>>)
    %dma_wait3A_685 = arith.constant 0 : i32
    %dma_wait3A_686 = arith.constant 0 : i32
    %dma_wait3A_687 = tpu.memref_slice %arg12[%dma_wait3A_685, %dma_wait3A_686] : memref<128x128xf32, #tpu.memory_space<vmem>> -> memref<32x128xf32, #tpu.memory_space<vmem>>
    %dma_wait3A_688 = arith.constant 0 : i32
    %dma_wait3A_689 = arith.constant 0 : i32
    %dma_wait3A_690 = tpu.memref_slice %arg5[%dma_wait3A_688, %dma_wait3A_689] : memref<32x1000000xf32, #tpu.memory_space<hbm>> -> memref<32x128xf32, #tpu.memory_space<hbm>>
    %dma_wait3A_691 = arith.constant 0 : i32
    %dma_wait3A_692 = arith.constant 0 : i32
    %dma_wait3A_693 = tpu.memref_slice %arg12[%dma_wait3A_691, %dma_wait3A_692] : memref<128x128xf32, #tpu.memory_space<vmem>> -> memref<32x128xf32, #tpu.memory_space<vmem>>
    %dma_wait3A_694 = arith.constant 0 : i32
    %dma_wait3A_695 = arith.constant 0 : i32
    %dma_wait3A_696 = tpu.memref_slice %arg5[%dma_wait3A_694, %dma_wait3A_695] : memref<32x1000000xf32, #tpu.memory_space<hbm>> -> memref<32x128xf32, #tpu.memory_space<hbm>>
    tpu.wait_dma2 semaphore(%arg19 : memref<!tpu.dma_semaphore, #tpu.memory_space<semaphore_mem>>) src(%dma_wait3A_696 : memref<32x128xf32, #tpu.memory_space<hbm>>) dst(%dma_wait3A_693 : memref<32x128xf32, #tpu.memory_space<vmem>>)
    %dma_wait3A_697 = arith.constant 32 : i32
    %dma_wait3A_698 = arith.constant 0 : i32
    %dma_wait3A_699 = tpu.memref_slice %arg11[%dma_wait3A_697, %dma_wait3A_698] : memref<128x128xf32, #tpu.memory_space<vmem>> -> memref<32x128xf32, #tpu.memory_space<vmem>>
    %dma_wait3A_700 = arith.constant 0 : i32
    %dma_wait3A_701 = arith.constant 0 : i32
    %dma_wait3A_702 = tpu.memref_slice %arg4[%dma_wait3A_700, %dma_wait3A_701] : memref<32x1000000xf32, #tpu.memory_space<hbm>> -> memref<32x128xf32, #tpu.memory_space<hbm>>
    %dma_wait3A_703 = arith.constant 32 : i32
    %dma_wait3A_704 = arith.constant 0 : i32
    %dma_wait3A_705 = tpu.memref_slice %arg11[%dma_wait3A_703, %dma_wait3A_704] : memref<128x128xf32, #tpu.memory_space<vmem>> -> memref<32x128xf32, #tpu.memory_space<vmem>>
    %dma_wait3A_706 = arith.constant 0 : i32
    %dma_wait3A_707 = arith.constant 0 : i32
    %dma_wait3A_708 = tpu.memref_slice %arg4[%dma_wait3A_706, %dma_wait3A_707] : memref<32x1000000xf32, #tpu.memory_space<hbm>> -> memref<32x128xf32, #tpu.memory_space<hbm>>
    tpu.wait_dma2 semaphore(%arg18 : memref<!tpu.dma_semaphore, #tpu.memory_space<semaphore_mem>>) src(%dma_wait3A_708 : memref<32x128xf32, #tpu.memory_space<hbm>>) dst(%dma_wait3A_705 : memref<32x128xf32, #tpu.memory_space<vmem>>)
    %dma_wait3A_709 = arith.constant 32 : i32
    %dma_wait3A_710 = arith.constant 0 : i32
    %dma_wait3A_711 = tpu.memref_slice %arg12[%dma_wait3A_709, %dma_wait3A_710] : memref<128x128xf32, #tpu.memory_space<vmem>> -> memref<32x128xf32, #tpu.memory_space<vmem>>
    %dma_wait3A_712 = arith.constant 0 : i32
    %dma_wait3A_713 = arith.constant 0 : i32
    %dma_wait3A_714 = tpu.memref_slice %arg5[%dma_wait3A_712, %dma_wait3A_713] : memref<32x1000000xf32, #tpu.memory_space<hbm>> -> memref<32x128xf32, #tpu.memory_space<hbm>>
    %dma_wait3A_715 = arith.constant 32 : i32
    %dma_wait3A_716 = arith.constant 0 : i32
    %dma_wait3A_717 = tpu.memref_slice %arg12[%dma_wait3A_715, %dma_wait3A_716] : memref<128x128xf32, #tpu.memory_space<vmem>> -> memref<32x128xf32, #tpu.memory_space<vmem>>
    %dma_wait3A_718 = arith.constant 0 : i32
    %dma_wait3A_719 = arith.constant 0 : i32
    %dma_wait3A_720 = tpu.memref_slice %arg5[%dma_wait3A_718, %dma_wait3A_719] : memref<32x1000000xf32, #tpu.memory_space<hbm>> -> memref<32x128xf32, #tpu.memory_space<hbm>>
    tpu.wait_dma2 semaphore(%arg19 : memref<!tpu.dma_semaphore, #tpu.memory_space<semaphore_mem>>) src(%dma_wait3A_720 : memref<32x128xf32, #tpu.memory_space<hbm>>) dst(%dma_wait3A_717 : memref<32x128xf32, #tpu.memory_space<vmem>>)
    %dma_wait3A_721 = arith.constant 64 : i32
    %dma_wait3A_722 = arith.constant 0 : i32
    %dma_wait3A_723 = tpu.memref_slice %arg11[%dma_wait3A_721, %dma_wait3A_722] : memref<128x128xf32, #tpu.memory_space<vmem>> -> memref<32x128xf32, #tpu.memory_space<vmem>>
    %dma_wait3A_724 = arith.constant 0 : i32
    %dma_wait3A_725 = arith.constant 0 : i32
    %dma_wait3A_726 = tpu.memref_slice %arg4[%dma_wait3A_724, %dma_wait3A_725] : memref<32x1000000xf32, #tpu.memory_space<hbm>> -> memref<32x128xf32, #tpu.memory_space<hbm>>
    %dma_wait3A_727 = arith.constant 64 : i32
    %dma_wait3A_728 = arith.constant 0 : i32
    %dma_wait3A_729 = tpu.memref_slice %arg11[%dma_wait3A_727, %dma_wait3A_728] : memref<128x128xf32, #tpu.memory_space<vmem>> -> memref<32x128xf32, #tpu.memory_space<vmem>>
    %dma_wait3A_730 = arith.constant 0 : i32
    %dma_wait3A_731 = arith.constant 0 : i32
    %dma_wait3A_732 = tpu.memref_slice %arg4[%dma_wait3A_730, %dma_wait3A_731] : memref<32x1000000xf32, #tpu.memory_space<hbm>> -> memref<32x128xf32, #tpu.memory_space<hbm>>
    tpu.wait_dma2 semaphore(%arg18 : memref<!tpu.dma_semaphore, #tpu.memory_space<semaphore_mem>>) src(%dma_wait3A_732 : memref<32x128xf32, #tpu.memory_space<hbm>>) dst(%dma_wait3A_729 : memref<32x128xf32, #tpu.memory_space<vmem>>)
    %dma_wait3A_733 = arith.constant 64 : i32
    %dma_wait3A_734 = arith.constant 0 : i32
    %dma_wait3A_735 = tpu.memref_slice %arg12[%dma_wait3A_733, %dma_wait3A_734] : memref<128x128xf32, #tpu.memory_space<vmem>> -> memref<32x128xf32, #tpu.memory_space<vmem>>
    %dma_wait3A_736 = arith.constant 0 : i32
    %dma_wait3A_737 = arith.constant 0 : i32
    %dma_wait3A_738 = tpu.memref_slice %arg5[%dma_wait3A_736, %dma_wait3A_737] : memref<32x1000000xf32, #tpu.memory_space<hbm>> -> memref<32x128xf32, #tpu.memory_space<hbm>>
    %dma_wait3A_739 = arith.constant 64 : i32
    %dma_wait3A_740 = arith.constant 0 : i32
    %dma_wait3A_741 = tpu.memref_slice %arg12[%dma_wait3A_739, %dma_wait3A_740] : memref<128x128xf32, #tpu.memory_space<vmem>> -> memref<32x128xf32, #tpu.memory_space<vmem>>
    %dma_wait3A_742 = arith.constant 0 : i32
    %dma_wait3A_743 = arith.constant 0 : i32
    %dma_wait3A_744 = tpu.memref_slice %arg5[%dma_wait3A_742, %dma_wait3A_743] : memref<32x1000000xf32, #tpu.memory_space<hbm>> -> memref<32x128xf32, #tpu.memory_space<hbm>>
    tpu.wait_dma2 semaphore(%arg19 : memref<!tpu.dma_semaphore, #tpu.memory_space<semaphore_mem>>) src(%dma_wait3A_744 : memref<32x128xf32, #tpu.memory_space<hbm>>) dst(%dma_wait3A_741 : memref<32x128xf32, #tpu.memory_space<vmem>>)
    %dma_wait3A_745 = arith.constant 96 : i32
    %dma_wait3A_746 = arith.constant 0 : i32
    %dma_wait3A_747 = tpu.memref_slice %arg11[%dma_wait3A_745, %dma_wait3A_746] : memref<128x128xf32, #tpu.memory_space<vmem>> -> memref<32x128xf32, #tpu.memory_space<vmem>>
    %dma_wait3A_748 = arith.constant 0 : i32
    %dma_wait3A_749 = arith.constant 0 : i32
    %dma_wait3A_750 = tpu.memref_slice %arg4[%dma_wait3A_748, %dma_wait3A_749] : memref<32x1000000xf32, #tpu.memory_space<hbm>> -> memref<32x128xf32, #tpu.memory_space<hbm>>
    %dma_wait3A_751 = arith.constant 96 : i32
    %dma_wait3A_752 = arith.constant 0 : i32
    %dma_wait3A_753 = tpu.memref_slice %arg11[%dma_wait3A_751, %dma_wait3A_752] : memref<128x128xf32, #tpu.memory_space<vmem>> -> memref<32x128xf32, #tpu.memory_space<vmem>>
    %dma_wait3A_754 = arith.constant 0 : i32
    %dma_wait3A_755 = arith.constant 0 : i32
    %dma_wait3A_756 = tpu.memref_slice %arg4[%dma_wait3A_754, %dma_wait3A_755] : memref<32x1000000xf32, #tpu.memory_space<hbm>> -> memref<32x128xf32, #tpu.memory_space<hbm>>
    tpu.wait_dma2 semaphore(%arg18 : memref<!tpu.dma_semaphore, #tpu.memory_space<semaphore_mem>>) src(%dma_wait3A_756 : memref<32x128xf32, #tpu.memory_space<hbm>>) dst(%dma_wait3A_753 : memref<32x128xf32, #tpu.memory_space<vmem>>)
    %dma_wait3A_757 = arith.constant 96 : i32
    %dma_wait3A_758 = arith.constant 0 : i32
    %dma_wait3A_759 = tpu.memref_slice %arg12[%dma_wait3A_757, %dma_wait3A_758] : memref<128x128xf32, #tpu.memory_space<vmem>> -> memref<32x128xf32, #tpu.memory_space<vmem>>
    %dma_wait3A_760 = arith.constant 0 : i32
    %dma_wait3A_761 = arith.constant 0 : i32
    %dma_wait3A_762 = tpu.memref_slice %arg5[%dma_wait3A_760, %dma_wait3A_761] : memref<32x1000000xf32, #tpu.memory_space<hbm>> -> memref<32x128xf32, #tpu.memory_space<hbm>>
    %dma_wait3A_763 = arith.constant 96 : i32
    %dma_wait3A_764 = arith.constant 0 : i32
    %dma_wait3A_765 = tpu.memref_slice %arg12[%dma_wait3A_763, %dma_wait3A_764] : memref<128x128xf32, #tpu.memory_space<vmem>> -> memref<32x128xf32, #tpu.memory_space<vmem>>
    %dma_wait3A_766 = arith.constant 0 : i32
    %dma_wait3A_767 = arith.constant 0 : i32
    %dma_wait3A_768 = tpu.memref_slice %arg5[%dma_wait3A_766, %dma_wait3A_767] : memref<32x1000000xf32, #tpu.memory_space<hbm>> -> memref<32x128xf32, #tpu.memory_space<hbm>>
    tpu.wait_dma2 semaphore(%arg19 : memref<!tpu.dma_semaphore, #tpu.memory_space<semaphore_mem>>) src(%dma_wait3A_768 : memref<32x128xf32, #tpu.memory_space<hbm>>) dst(%dma_wait3A_765 : memref<32x128xf32, #tpu.memory_space<vmem>>)
    %get3A_769 = arith.constant 508 : index
    %get3A_770 = tpu.vector_load %arg7[%get3A_769] {strides = array<i32>} : memref<528xi32, #tpu.memory_space<vmem>>, vector<16xi32>,
    %get3A_771 = arith.constant 508 : index
    %get3A_772 = tpu.vector_load %arg8[%get3A_771] {strides = array<i32>} : memref<528xi32, #tpu.memory_space<vmem>>, vector<16xi32>,
    %and3A_773 = arith.constant 127 : i32
    %and3A_774 = vector.broadcast %and3A_773 : i32 to vector<16xi32>
    %and3A_775 = arith.andi %get3A_770, %and3A_774 : vector<16xi32>
    %and3A_776 = arith.constant 127 : i32
    %and3A_777 = vector.broadcast %and3A_776 : i32 to vector<16xi32>
    %and3A_778 = arith.andi %get3A_772, %and3A_777 : vector<16xi32>
    %broadcast_in_dim3A_779 = arith.constant 0.000000e+00 : f32
    %broadcast_in_dim3A_780 = vector.broadcast %broadcast_in_dim3A_779 : f32 to vector<16xf32>
    %add3A_781 = arith.constant 0 : i32
    %add3A_782 = vector.broadcast %add3A_781 : i32 to vector<16xi32>
    %add3A_783 = arith.addi %mul3A_7, %add3A_782 : vector<16xi32>
    %gather3A_784 = tpu.vector_load_idx %arg11[%add3A_783, %and3A_775] : memref<128x128xf32, #tpu.memory_space<vmem>>[vector<16xi32>, vector<16xi32>], vector<16xf32>,
    %add3A_785 = arith.constant 0 : i32
    %add3A_786 = vector.broadcast %add3A_785 : i32 to vector<16xi32>
    %add3A_787 = arith.addi %mul3A_7, %add3A_786 : vector<16xi32>
    %gather3A_788 = tpu.vector_load_idx %arg12[%add3A_787, %and3A_778] : memref<128x128xf32, #tpu.memory_space<vmem>>[vector<16xi32>, vector<16xi32>], vector<16xf32>,
    %mul3A_789 = arith.mulf %gather3A_784, %gather3A_788 : vector<16xf32>
    %add3A_790 = arith.addf %broadcast_in_dim3A_780, %mul3A_789 : vector<16xf32>
    %add3A_791 = arith.constant 1 : i32
    %add3A_792 = vector.broadcast %add3A_791 : i32 to vector<16xi32>
    %add3A_793 = arith.addi %mul3A_7, %add3A_792 : vector<16xi32>
    %gather3A_794 = tpu.vector_load_idx %arg11[%add3A_793, %and3A_775] : memref<128x128xf32, #tpu.memory_space<vmem>>[vector<16xi32>, vector<16xi32>], vector<16xf32>,
    %add3A_795 = arith.constant 1 : i32
    %add3A_796 = vector.broadcast %add3A_795 : i32 to vector<16xi32>
    %add3A_797 = arith.addi %mul3A_7, %add3A_796 : vector<16xi32>
    %gather3A_798 = tpu.vector_load_idx %arg12[%add3A_797, %and3A_778] : memref<128x128xf32, #tpu.memory_space<vmem>>[vector<16xi32>, vector<16xi32>], vector<16xf32>,
    %mul3A_799 = arith.mulf %gather3A_794, %gather3A_798 : vector<16xf32>
    %add3A_800 = arith.addf %add3A_790, %mul3A_799 : vector<16xf32>
    %add3A_801 = arith.constant 2 : i32
    %add3A_802 = vector.broadcast %add3A_801 : i32 to vector<16xi32>
    %add3A_803 = arith.addi %mul3A_7, %add3A_802 : vector<16xi32>
    %gather3A_804 = tpu.vector_load_idx %arg11[%add3A_803, %and3A_775] : memref<128x128xf32, #tpu.memory_space<vmem>>[vector<16xi32>, vector<16xi32>], vector<16xf32>,
    %add3A_805 = arith.constant 2 : i32
    %add3A_806 = vector.broadcast %add3A_805 : i32 to vector<16xi32>
    %add3A_807 = arith.addi %mul3A_7, %add3A_806 : vector<16xi32>
    %gather3A_808 = tpu.vector_load_idx %arg12[%add3A_807, %and3A_778] : memref<128x128xf32, #tpu.memory_space<vmem>>[vector<16xi32>, vector<16xi32>], vector<16xf32>,
    %mul3A_809 = arith.mulf %gather3A_804, %gather3A_808 : vector<16xf32>
    %add3A_810 = arith.addf %add3A_800, %mul3A_809 : vector<16xf32>
    %add3A_811 = arith.constant 3 : i32
    %add3A_812 = vector.broadcast %add3A_811 : i32 to vector<16xi32>
    %add3A_813 = arith.addi %mul3A_7, %add3A_812 : vector<16xi32>
    %gather3A_814 = tpu.vector_load_idx %arg11[%add3A_813, %and3A_775] : memref<128x128xf32, #tpu.memory_space<vmem>>[vector<16xi32>, vector<16xi32>], vector<16xf32>,
    %add3A_815 = arith.constant 3 : i32
    %add3A_816 = vector.broadcast %add3A_815 : i32 to vector<16xi32>
    %add3A_817 = arith.addi %mul3A_7, %add3A_816 : vector<16xi32>
    %gather3A_818 = tpu.vector_load_idx %arg12[%add3A_817, %and3A_778] : memref<128x128xf32, #tpu.memory_space<vmem>>[vector<16xi32>, vector<16xi32>], vector<16xf32>,
    %mul3A_819 = arith.mulf %gather3A_814, %gather3A_818 : vector<16xf32>
    %add3A_820 = arith.addf %add3A_810, %mul3A_819 : vector<16xf32>
    %add3A_821 = arith.constant 4 : i32
    %add3A_822 = vector.broadcast %add3A_821 : i32 to vector<16xi32>
    %add3A_823 = arith.addi %mul3A_7, %add3A_822 : vector<16xi32>
    %gather3A_824 = tpu.vector_load_idx %arg11[%add3A_823, %and3A_775] : memref<128x128xf32, #tpu.memory_space<vmem>>[vector<16xi32>, vector<16xi32>], vector<16xf32>,
    %add3A_825 = arith.constant 4 : i32
    %add3A_826 = vector.broadcast %add3A_825 : i32 to vector<16xi32>
    %add3A_827 = arith.addi %mul3A_7, %add3A_826 : vector<16xi32>
    %gather3A_828 = tpu.vector_load_idx %arg12[%add3A_827, %and3A_778] : memref<128x128xf32, #tpu.memory_space<vmem>>[vector<16xi32>, vector<16xi32>], vector<16xf32>,
    %mul3A_829 = arith.mulf %gather3A_824, %gather3A_828 : vector<16xf32>
    %add3A_830 = arith.addf %add3A_820, %mul3A_829 : vector<16xf32>
    %add3A_831 = arith.constant 5 : i32
    %add3A_832 = vector.broadcast %add3A_831 : i32 to vector<16xi32>
    %add3A_833 = arith.addi %mul3A_7, %add3A_832 : vector<16xi32>
    %gather3A_834 = tpu.vector_load_idx %arg11[%add3A_833, %and3A_775] : memref<128x128xf32, #tpu.memory_space<vmem>>[vector<16xi32>, vector<16xi32>], vector<16xf32>,
    %add3A_835 = arith.constant 5 : i32
    %add3A_836 = vector.broadcast %add3A_835 : i32 to vector<16xi32>
    %add3A_837 = arith.addi %mul3A_7, %add3A_836 : vector<16xi32>
    %gather3A_838 = tpu.vector_load_idx %arg12[%add3A_837, %and3A_778] : memref<128x128xf32, #tpu.memory_space<vmem>>[vector<16xi32>, vector<16xi32>], vector<16xf32>,
    %mul3A_839 = arith.mulf %gather3A_834, %gather3A_838 : vector<16xf32>
    %add3A_840 = arith.addf %add3A_830, %mul3A_839 : vector<16xf32>
    %add3A_841 = arith.constant 6 : i32
    %add3A_842 = vector.broadcast %add3A_841 : i32 to vector<16xi32>
    %add3A_843 = arith.addi %mul3A_7, %add3A_842 : vector<16xi32>
    %gather3A_844 = tpu.vector_load_idx %arg11[%add3A_843, %and3A_775] : memref<128x128xf32, #tpu.memory_space<vmem>>[vector<16xi32>, vector<16xi32>], vector<16xf32>,
    %add3A_845 = arith.constant 6 : i32
    %add3A_846 = vector.broadcast %add3A_845 : i32 to vector<16xi32>
    %add3A_847 = arith.addi %mul3A_7, %add3A_846 : vector<16xi32>
    %gather3A_848 = tpu.vector_load_idx %arg12[%add3A_847, %and3A_778] : memref<128x128xf32, #tpu.memory_space<vmem>>[vector<16xi32>, vector<16xi32>], vector<16xf32>,
    %mul3A_849 = arith.mulf %gather3A_844, %gather3A_848 : vector<16xf32>
    %add3A_850 = arith.addf %add3A_840, %mul3A_849 : vector<16xf32>
    %add3A_851 = arith.constant 7 : i32
    %add3A_852 = vector.broadcast %add3A_851 : i32 to vector<16xi32>
    %add3A_853 = arith.addi %mul3A_7, %add3A_852 : vector<16xi32>
    %gather3A_854 = tpu.vector_load_idx %arg11[%add3A_853, %and3A_775] : memref<128x128xf32, #tpu.memory_space<vmem>>[vector<16xi32>, vector<16xi32>], vector<16xf32>,
    %add3A_855 = arith.constant 7 : i32
    %add3A_856 = vector.broadcast %add3A_855 : i32 to vector<16xi32>
    %add3A_857 = arith.addi %mul3A_7, %add3A_856 : vector<16xi32>
    %gather3A_858 = tpu.vector_load_idx %arg12[%add3A_857, %and3A_778] : memref<128x128xf32, #tpu.memory_space<vmem>>[vector<16xi32>, vector<16xi32>], vector<16xf32>,
    %mul3A_859 = arith.mulf %gather3A_854, %gather3A_858 : vector<16xf32>
    %add3A_860 = arith.addf %add3A_850, %mul3A_859 : vector<16xf32>
    %add3A_861 = arith.constant 8 : i32
    %add3A_862 = vector.broadcast %add3A_861 : i32 to vector<16xi32>
    %add3A_863 = arith.addi %mul3A_7, %add3A_862 : vector<16xi32>
    %gather3A_864 = tpu.vector_load_idx %arg11[%add3A_863, %and3A_775] : memref<128x128xf32, #tpu.memory_space<vmem>>[vector<16xi32>, vector<16xi32>], vector<16xf32>,
    %add3A_865 = arith.constant 8 : i32
    %add3A_866 = vector.broadcast %add3A_865 : i32 to vector<16xi32>
    %add3A_867 = arith.addi %mul3A_7, %add3A_866 : vector<16xi32>
    %gather3A_868 = tpu.vector_load_idx %arg12[%add3A_867, %and3A_778] : memref<128x128xf32, #tpu.memory_space<vmem>>[vector<16xi32>, vector<16xi32>], vector<16xf32>,
    %mul3A_869 = arith.mulf %gather3A_864, %gather3A_868 : vector<16xf32>
    %add3A_870 = arith.addf %add3A_860, %mul3A_869 : vector<16xf32>
    %add3A_871 = arith.constant 9 : i32
    %add3A_872 = vector.broadcast %add3A_871 : i32 to vector<16xi32>
    %add3A_873 = arith.addi %mul3A_7, %add3A_872 : vector<16xi32>
    %gather3A_874 = tpu.vector_load_idx %arg11[%add3A_873, %and3A_775] : memref<128x128xf32, #tpu.memory_space<vmem>>[vector<16xi32>, vector<16xi32>], vector<16xf32>,
    %add3A_875 = arith.constant 9 : i32
    %add3A_876 = vector.broadcast %add3A_875 : i32 to vector<16xi32>
    %add3A_877 = arith.addi %mul3A_7, %add3A_876 : vector<16xi32>
    %gather3A_878 = tpu.vector_load_idx %arg12[%add3A_877, %and3A_778] : memref<128x128xf32, #tpu.memory_space<vmem>>[vector<16xi32>, vector<16xi32>], vector<16xf32>,
    %mul3A_879 = arith.mulf %gather3A_874, %gather3A_878 : vector<16xf32>
    %add3A_880 = arith.addf %add3A_870, %mul3A_879 : vector<16xf32>
    %add3A_881 = arith.constant 10 : i32
    %add3A_882 = vector.broadcast %add3A_881 : i32 to vector<16xi32>
    %add3A_883 = arith.addi %mul3A_7, %add3A_882 : vector<16xi32>
    %gather3A_884 = tpu.vector_load_idx %arg11[%add3A_883, %and3A_775] : memref<128x128xf32, #tpu.memory_space<vmem>>[vector<16xi32>, vector<16xi32>], vector<16xf32>,
    %add3A_885 = arith.constant 10 : i32
    %add3A_886 = vector.broadcast %add3A_885 : i32 to vector<16xi32>
    %add3A_887 = arith.addi %mul3A_7, %add3A_886 : vector<16xi32>
    %gather3A_888 = tpu.vector_load_idx %arg12[%add3A_887, %and3A_778] : memref<128x128xf32, #tpu.memory_space<vmem>>[vector<16xi32>, vector<16xi32>], vector<16xf32>,
    %mul3A_889 = arith.mulf %gather3A_884, %gather3A_888 : vector<16xf32>
    %add3A_890 = arith.addf %add3A_880, %mul3A_889 : vector<16xf32>
    %add3A_891 = arith.constant 11 : i32
    %add3A_892 = vector.broadcast %add3A_891 : i32 to vector<16xi32>
    %add3A_893 = arith.addi %mul3A_7, %add3A_892 : vector<16xi32>
    %gather3A_894 = tpu.vector_load_idx %arg11[%add3A_893, %and3A_775] : memref<128x128xf32, #tpu.memory_space<vmem>>[vector<16xi32>, vector<16xi32>], vector<16xf32>,
    %add3A_895 = arith.constant 11 : i32
    %add3A_896 = vector.broadcast %add3A_895 : i32 to vector<16xi32>
    %add3A_897 = arith.addi %mul3A_7, %add3A_896 : vector<16xi32>
    %gather3A_898 = tpu.vector_load_idx %arg12[%add3A_897, %and3A_778] : memref<128x128xf32, #tpu.memory_space<vmem>>[vector<16xi32>, vector<16xi32>], vector<16xf32>,
    %mul3A_899 = arith.mulf %gather3A_894, %gather3A_898 : vector<16xf32>
    %add3A_900 = arith.addf %add3A_890, %mul3A_899 : vector<16xf32>
    %add3A_901 = arith.constant 12 : i32
    %add3A_902 = vector.broadcast %add3A_901 : i32 to vector<16xi32>
    %add3A_903 = arith.addi %mul3A_7, %add3A_902 : vector<16xi32>
    %gather3A_904 = tpu.vector_load_idx %arg11[%add3A_903, %and3A_775] : memref<128x128xf32, #tpu.memory_space<vmem>>[vector<16xi32>, vector<16xi32>], vector<16xf32>,
    %add3A_905 = arith.constant 12 : i32
    %add3A_906 = vector.broadcast %add3A_905 : i32 to vector<16xi32>
    %add3A_907 = arith.addi %mul3A_7, %add3A_906 : vector<16xi32>
    %gather3A_908 = tpu.vector_load_idx %arg12[%add3A_907, %and3A_778] : memref<128x128xf32, #tpu.memory_space<vmem>>[vector<16xi32>, vector<16xi32>], vector<16xf32>,
    %mul3A_909 = arith.mulf %gather3A_904, %gather3A_908 : vector<16xf32>
    %add3A_910 = arith.addf %add3A_900, %mul3A_909 : vector<16xf32>
    %add3A_911 = arith.constant 13 : i32
    %add3A_912 = vector.broadcast %add3A_911 : i32 to vector<16xi32>
    %add3A_913 = arith.addi %mul3A_7, %add3A_912 : vector<16xi32>
    %gather3A_914 = tpu.vector_load_idx %arg11[%add3A_913, %and3A_775] : memref<128x128xf32, #tpu.memory_space<vmem>>[vector<16xi32>, vector<16xi32>], vector<16xf32>,
    %add3A_915 = arith.constant 13 : i32
    %add3A_916 = vector.broadcast %add3A_915 : i32 to vector<16xi32>
    %add3A_917 = arith.addi %mul3A_7, %add3A_916 : vector<16xi32>
    %gather3A_918 = tpu.vector_load_idx %arg12[%add3A_917, %and3A_778] : memref<128x128xf32, #tpu.memory_space<vmem>>[vector<16xi32>, vector<16xi32>], vector<16xf32>,
    %mul3A_919 = arith.mulf %gather3A_914, %gather3A_918 : vector<16xf32>
    %add3A_920 = arith.addf %add3A_910, %mul3A_919 : vector<16xf32>
    %add3A_921 = arith.constant 14 : i32
    %add3A_922 = vector.broadcast %add3A_921 : i32 to vector<16xi32>
    %add3A_923 = arith.addi %mul3A_7, %add3A_922 : vector<16xi32>
    %gather3A_924 = tpu.vector_load_idx %arg11[%add3A_923, %and3A_775] : memref<128x128xf32, #tpu.memory_space<vmem>>[vector<16xi32>, vector<16xi32>], vector<16xf32>,
    %add3A_925 = arith.constant 14 : i32
    %add3A_926 = vector.broadcast %add3A_925 : i32 to vector<16xi32>
    %add3A_927 = arith.addi %mul3A_7, %add3A_926 : vector<16xi32>
    %gather3A_928 = tpu.vector_load_idx %arg12[%add3A_927, %and3A_778] : memref<128x128xf32, #tpu.memory_space<vmem>>[vector<16xi32>, vector<16xi32>], vector<16xf32>,
    %mul3A_929 = arith.mulf %gather3A_924, %gather3A_928 : vector<16xf32>
    %add3A_930 = arith.addf %add3A_920, %mul3A_929 : vector<16xf32>
    %add3A_931 = arith.constant 15 : i32
    %add3A_932 = vector.broadcast %add3A_931 : i32 to vector<16xi32>
    %add3A_933 = arith.addi %mul3A_7, %add3A_932 : vector<16xi32>
    %gather3A_934 = tpu.vector_load_idx %arg11[%add3A_933, %and3A_775] : memref<128x128xf32, #tpu.memory_space<vmem>>[vector<16xi32>, vector<16xi32>], vector<16xf32>,
    %add3A_935 = arith.constant 15 : i32
    %add3A_936 = vector.broadcast %add3A_935 : i32 to vector<16xi32>
    %add3A_937 = arith.addi %mul3A_7, %add3A_936 : vector<16xi32>
    %gather3A_938 = tpu.vector_load_idx %arg12[%add3A_937, %and3A_778] : memref<128x128xf32, #tpu.memory_space<vmem>>[vector<16xi32>, vector<16xi32>], vector<16xf32>,
    %mul3A_939 = arith.mulf %gather3A_934, %gather3A_938 : vector<16xf32>
    %add3A_940 = arith.addf %add3A_930, %mul3A_939 : vector<16xf32>
    %add3A_941 = arith.constant 16 : i32
    %add3A_942 = vector.broadcast %add3A_941 : i32 to vector<16xi32>
    %add3A_943 = arith.addi %mul3A_7, %add3A_942 : vector<16xi32>
    %gather3A_944 = tpu.vector_load_idx %arg11[%add3A_943, %and3A_775] : memref<128x128xf32, #tpu.memory_space<vmem>>[vector<16xi32>, vector<16xi32>], vector<16xf32>,
    %add3A_945 = arith.constant 16 : i32
    %add3A_946 = vector.broadcast %add3A_945 : i32 to vector<16xi32>
    %add3A_947 = arith.addi %mul3A_7, %add3A_946 : vector<16xi32>
    %gather3A_948 = tpu.vector_load_idx %arg12[%add3A_947, %and3A_778] : memref<128x128xf32, #tpu.memory_space<vmem>>[vector<16xi32>, vector<16xi32>], vector<16xf32>,
    %mul3A_949 = arith.mulf %gather3A_944, %gather3A_948 : vector<16xf32>
    %add3A_950 = arith.addf %add3A_940, %mul3A_949 : vector<16xf32>
    %add3A_951 = arith.constant 17 : i32
    %add3A_952 = vector.broadcast %add3A_951 : i32 to vector<16xi32>
    %add3A_953 = arith.addi %mul3A_7, %add3A_952 : vector<16xi32>
    %gather3A_954 = tpu.vector_load_idx %arg11[%add3A_953, %and3A_775] : memref<128x128xf32, #tpu.memory_space<vmem>>[vector<16xi32>, vector<16xi32>], vector<16xf32>,
    %add3A_955 = arith.constant 17 : i32
    %add3A_956 = vector.broadcast %add3A_955 : i32 to vector<16xi32>
    %add3A_957 = arith.addi %mul3A_7, %add3A_956 : vector<16xi32>
    %gather3A_958 = tpu.vector_load_idx %arg12[%add3A_957, %and3A_778] : memref<128x128xf32, #tpu.memory_space<vmem>>[vector<16xi32>, vector<16xi32>], vector<16xf32>,
    %mul3A_959 = arith.mulf %gather3A_954, %gather3A_958 : vector<16xf32>
    %add3A_960 = arith.addf %add3A_950, %mul3A_959 : vector<16xf32>
    %add3A_961 = arith.constant 18 : i32
    %add3A_962 = vector.broadcast %add3A_961 : i32 to vector<16xi32>
    %add3A_963 = arith.addi %mul3A_7, %add3A_962 : vector<16xi32>
    %gather3A_964 = tpu.vector_load_idx %arg11[%add3A_963, %and3A_775] : memref<128x128xf32, #tpu.memory_space<vmem>>[vector<16xi32>, vector<16xi32>], vector<16xf32>,
    %add3A_965 = arith.constant 18 : i32
    %add3A_966 = vector.broadcast %add3A_965 : i32 to vector<16xi32>
    %add3A_967 = arith.addi %mul3A_7, %add3A_966 : vector<16xi32>
    %gather3A_968 = tpu.vector_load_idx %arg12[%add3A_967, %and3A_778] : memref<128x128xf32, #tpu.memory_space<vmem>>[vector<16xi32>, vector<16xi32>], vector<16xf32>,
    %mul3A_969 = arith.mulf %gather3A_964, %gather3A_968 : vector<16xf32>
    %add3A_970 = arith.addf %add3A_960, %mul3A_969 : vector<16xf32>
    %add3A_971 = arith.constant 19 : i32
    %add3A_972 = vector.broadcast %add3A_971 : i32 to vector<16xi32>
    %add3A_973 = arith.addi %mul3A_7, %add3A_972 : vector<16xi32>
    %gather3A_974 = tpu.vector_load_idx %arg11[%add3A_973, %and3A_775] : memref<128x128xf32, #tpu.memory_space<vmem>>[vector<16xi32>, vector<16xi32>], vector<16xf32>,
    %add3A_975 = arith.constant 19 : i32
    %add3A_976 = vector.broadcast %add3A_975 : i32 to vector<16xi32>
    %add3A_977 = arith.addi %mul3A_7, %add3A_976 : vector<16xi32>
    %gather3A_978 = tpu.vector_load_idx %arg12[%add3A_977, %and3A_778] : memref<128x128xf32, #tpu.memory_space<vmem>>[vector<16xi32>, vector<16xi32>], vector<16xf32>,
    %mul3A_979 = arith.mulf %gather3A_974, %gather3A_978 : vector<16xf32>
    %add3A_980 = arith.addf %add3A_970, %mul3A_979 : vector<16xf32>
    %add3A_981 = arith.constant 20 : i32
    %add3A_982 = vector.broadcast %add3A_981 : i32 to vector<16xi32>
    %add3A_983 = arith.addi %mul3A_7, %add3A_982 : vector<16xi32>
    %gather3A_984 = tpu.vector_load_idx %arg11[%add3A_983, %and3A_775] : memref<128x128xf32, #tpu.memory_space<vmem>>[vector<16xi32>, vector<16xi32>], vector<16xf32>,
    %add3A_985 = arith.constant 20 : i32
    %add3A_986 = vector.broadcast %add3A_985 : i32 to vector<16xi32>
    %add3A_987 = arith.addi %mul3A_7, %add3A_986 : vector<16xi32>
    %gather3A_988 = tpu.vector_load_idx %arg12[%add3A_987, %and3A_778] : memref<128x128xf32, #tpu.memory_space<vmem>>[vector<16xi32>, vector<16xi32>], vector<16xf32>,
    %mul3A_989 = arith.mulf %gather3A_984, %gather3A_988 : vector<16xf32>
    %add3A_990 = arith.addf %add3A_980, %mul3A_989 : vector<16xf32>
    %add3A_991 = arith.constant 21 : i32
    %add3A_992 = vector.broadcast %add3A_991 : i32 to vector<16xi32>
    %add3A_993 = arith.addi %mul3A_7, %add3A_992 : vector<16xi32>
    %gather3A_994 = tpu.vector_load_idx %arg11[%add3A_993, %and3A_775] : memref<128x128xf32, #tpu.memory_space<vmem>>[vector<16xi32>, vector<16xi32>], vector<16xf32>,
    %add3A_995 = arith.constant 21 : i32
    %add3A_996 = vector.broadcast %add3A_995 : i32 to vector<16xi32>
    %add3A_997 = arith.addi %mul3A_7, %add3A_996 : vector<16xi32>
    %gather3A_998 = tpu.vector_load_idx %arg12[%add3A_997, %and3A_778] : memref<128x128xf32, #tpu.memory_space<vmem>>[vector<16xi32>, vector<16xi32>], vector<16xf32>,
    %mul3A_999 = arith.mulf %gather3A_994, %gather3A_998 : vector<16xf32>
    %add3A_1000 = arith.addf %add3A_990, %mul3A_999 : vector<16xf32>
    %add3A_1001 = arith.constant 22 : i32
    %add3A_1002 = vector.broadcast %add3A_1001 : i32 to vector<16xi32>
    %add3A_1003 = arith.addi %mul3A_7, %add3A_1002 : vector<16xi32>
    %gather3A_1004 = tpu.vector_load_idx %arg11[%add3A_1003, %and3A_775] : memref<128x128xf32, #tpu.memory_space<vmem>>[vector<16xi32>, vector<16xi32>], vector<16xf32>,
    %add3A_1005 = arith.constant 22 : i32
    %add3A_1006 = vector.broadcast %add3A_1005 : i32 to vector<16xi32>
    %add3A_1007 = arith.addi %mul3A_7, %add3A_1006 : vector<16xi32>
    %gather3A_1008 = tpu.vector_load_idx %arg12[%add3A_1007, %and3A_778] : memref<128x128xf32, #tpu.memory_space<vmem>>[vector<16xi32>, vector<16xi32>], vector<16xf32>,
    %mul3A_1009 = arith.mulf %gather3A_1004, %gather3A_1008 : vector<16xf32>
    %add3A_1010 = arith.addf %add3A_1000, %mul3A_1009 : vector<16xf32>
    %add3A_1011 = arith.constant 23 : i32
    %add3A_1012 = vector.broadcast %add3A_1011 : i32 to vector<16xi32>
    %add3A_1013 = arith.addi %mul3A_7, %add3A_1012 : vector<16xi32>
    %gather3A_1014 = tpu.vector_load_idx %arg11[%add3A_1013, %and3A_775] : memref<128x128xf32, #tpu.memory_space<vmem>>[vector<16xi32>, vector<16xi32>], vector<16xf32>,
    %add3A_1015 = arith.constant 23 : i32
    %add3A_1016 = vector.broadcast %add3A_1015 : i32 to vector<16xi32>
    %add3A_1017 = arith.addi %mul3A_7, %add3A_1016 : vector<16xi32>
    %gather3A_1018 = tpu.vector_load_idx %arg12[%add3A_1017, %and3A_778] : memref<128x128xf32, #tpu.memory_space<vmem>>[vector<16xi32>, vector<16xi32>], vector<16xf32>,
    %mul3A_1019 = arith.mulf %gather3A_1014, %gather3A_1018 : vector<16xf32>
    %add3A_1020 = arith.addf %add3A_1010, %mul3A_1019 : vector<16xf32>
    %add3A_1021 = arith.constant 24 : i32
    %add3A_1022 = vector.broadcast %add3A_1021 : i32 to vector<16xi32>
    %add3A_1023 = arith.addi %mul3A_7, %add3A_1022 : vector<16xi32>
    %gather3A_1024 = tpu.vector_load_idx %arg11[%add3A_1023, %and3A_775] : memref<128x128xf32, #tpu.memory_space<vmem>>[vector<16xi32>, vector<16xi32>], vector<16xf32>,
    %add3A_1025 = arith.constant 24 : i32
    %add3A_1026 = vector.broadcast %add3A_1025 : i32 to vector<16xi32>
    %add3A_1027 = arith.addi %mul3A_7, %add3A_1026 : vector<16xi32>
    %gather3A_1028 = tpu.vector_load_idx %arg12[%add3A_1027, %and3A_778] : memref<128x128xf32, #tpu.memory_space<vmem>>[vector<16xi32>, vector<16xi32>], vector<16xf32>,
    %mul3A_1029 = arith.mulf %gather3A_1024, %gather3A_1028 : vector<16xf32>
    %add3A_1030 = arith.addf %add3A_1020, %mul3A_1029 : vector<16xf32>
    %add3A_1031 = arith.constant 25 : i32
    %add3A_1032 = vector.broadcast %add3A_1031 : i32 to vector<16xi32>
    %add3A_1033 = arith.addi %mul3A_7, %add3A_1032 : vector<16xi32>
    %gather3A_1034 = tpu.vector_load_idx %arg11[%add3A_1033, %and3A_775] : memref<128x128xf32, #tpu.memory_space<vmem>>[vector<16xi32>, vector<16xi32>], vector<16xf32>,
    %add3A_1035 = arith.constant 25 : i32
    %add3A_1036 = vector.broadcast %add3A_1035 : i32 to vector<16xi32>
    %add3A_1037 = arith.addi %mul3A_7, %add3A_1036 : vector<16xi32>
    %gather3A_1038 = tpu.vector_load_idx %arg12[%add3A_1037, %and3A_778] : memref<128x128xf32, #tpu.memory_space<vmem>>[vector<16xi32>, vector<16xi32>], vector<16xf32>,
    %mul3A_1039 = arith.mulf %gather3A_1034, %gather3A_1038 : vector<16xf32>
    %add3A_1040 = arith.addf %add3A_1030, %mul3A_1039 : vector<16xf32>
    %add3A_1041 = arith.constant 26 : i32
    %add3A_1042 = vector.broadcast %add3A_1041 : i32 to vector<16xi32>
    %add3A_1043 = arith.addi %mul3A_7, %add3A_1042 : vector<16xi32>
    %gather3A_1044 = tpu.vector_load_idx %arg11[%add3A_1043, %and3A_775] : memref<128x128xf32, #tpu.memory_space<vmem>>[vector<16xi32>, vector<16xi32>], vector<16xf32>,
    %add3A_1045 = arith.constant 26 : i32
    %add3A_1046 = vector.broadcast %add3A_1045 : i32 to vector<16xi32>
    %add3A_1047 = arith.addi %mul3A_7, %add3A_1046 : vector<16xi32>
    %gather3A_1048 = tpu.vector_load_idx %arg12[%add3A_1047, %and3A_778] : memref<128x128xf32, #tpu.memory_space<vmem>>[vector<16xi32>, vector<16xi32>], vector<16xf32>,
    %mul3A_1049 = arith.mulf %gather3A_1044, %gather3A_1048 : vector<16xf32>
    %add3A_1050 = arith.addf %add3A_1040, %mul3A_1049 : vector<16xf32>
    %add3A_1051 = arith.constant 27 : i32
    %add3A_1052 = vector.broadcast %add3A_1051 : i32 to vector<16xi32>
    %add3A_1053 = arith.addi %mul3A_7, %add3A_1052 : vector<16xi32>
    %gather3A_1054 = tpu.vector_load_idx %arg11[%add3A_1053, %and3A_775] : memref<128x128xf32, #tpu.memory_space<vmem>>[vector<16xi32>, vector<16xi32>], vector<16xf32>,
    %add3A_1055 = arith.constant 27 : i32
    %add3A_1056 = vector.broadcast %add3A_1055 : i32 to vector<16xi32>
    %add3A_1057 = arith.addi %mul3A_7, %add3A_1056 : vector<16xi32>
    %gather3A_1058 = tpu.vector_load_idx %arg12[%add3A_1057, %and3A_778] : memref<128x128xf32, #tpu.memory_space<vmem>>[vector<16xi32>, vector<16xi32>], vector<16xf32>,
    %mul3A_1059 = arith.mulf %gather3A_1054, %gather3A_1058 : vector<16xf32>
    %add3A_1060 = arith.addf %add3A_1050, %mul3A_1059 : vector<16xf32>
    %add3A_1061 = arith.constant 28 : i32
    %add3A_1062 = vector.broadcast %add3A_1061 : i32 to vector<16xi32>
    %add3A_1063 = arith.addi %mul3A_7, %add3A_1062 : vector<16xi32>
    %gather3A_1064 = tpu.vector_load_idx %arg11[%add3A_1063, %and3A_775] : memref<128x128xf32, #tpu.memory_space<vmem>>[vector<16xi32>, vector<16xi32>], vector<16xf32>,
    %add3A_1065 = arith.constant 28 : i32
    %add3A_1066 = vector.broadcast %add3A_1065 : i32 to vector<16xi32>
    %add3A_1067 = arith.addi %mul3A_7, %add3A_1066 : vector<16xi32>
    %gather3A_1068 = tpu.vector_load_idx %arg12[%add3A_1067, %and3A_778] : memref<128x128xf32, #tpu.memory_space<vmem>>[vector<16xi32>, vector<16xi32>], vector<16xf32>,
    %mul3A_1069 = arith.mulf %gather3A_1064, %gather3A_1068 : vector<16xf32>
    %add3A_1070 = arith.addf %add3A_1060, %mul3A_1069 : vector<16xf32>
    %add3A_1071 = arith.constant 29 : i32
    %add3A_1072 = vector.broadcast %add3A_1071 : i32 to vector<16xi32>
    %add3A_1073 = arith.addi %mul3A_7, %add3A_1072 : vector<16xi32>
    %gather3A_1074 = tpu.vector_load_idx %arg11[%add3A_1073, %and3A_775] : memref<128x128xf32, #tpu.memory_space<vmem>>[vector<16xi32>, vector<16xi32>], vector<16xf32>,
    %add3A_1075 = arith.constant 29 : i32
    %add3A_1076 = vector.broadcast %add3A_1075 : i32 to vector<16xi32>
    %add3A_1077 = arith.addi %mul3A_7, %add3A_1076 : vector<16xi32>
    %gather3A_1078 = tpu.vector_load_idx %arg12[%add3A_1077, %and3A_778] : memref<128x128xf32, #tpu.memory_space<vmem>>[vector<16xi32>, vector<16xi32>], vector<16xf32>,
    %mul3A_1079 = arith.mulf %gather3A_1074, %gather3A_1078 : vector<16xf32>
    %add3A_1080 = arith.addf %add3A_1070, %mul3A_1079 : vector<16xf32>
    %add3A_1081 = arith.constant 30 : i32
    %add3A_1082 = vector.broadcast %add3A_1081 : i32 to vector<16xi32>
    %add3A_1083 = arith.addi %mul3A_7, %add3A_1082 : vector<16xi32>
    %gather3A_1084 = tpu.vector_load_idx %arg11[%add3A_1083, %and3A_775] : memref<128x128xf32, #tpu.memory_space<vmem>>[vector<16xi32>, vector<16xi32>], vector<16xf32>,
    %add3A_1085 = arith.constant 30 : i32
    %add3A_1086 = vector.broadcast %add3A_1085 : i32 to vector<16xi32>
    %add3A_1087 = arith.addi %mul3A_7, %add3A_1086 : vector<16xi32>
    %gather3A_1088 = tpu.vector_load_idx %arg12[%add3A_1087, %and3A_778] : memref<128x128xf32, #tpu.memory_space<vmem>>[vector<16xi32>, vector<16xi32>], vector<16xf32>,
    %mul3A_1089 = arith.mulf %gather3A_1084, %gather3A_1088 : vector<16xf32>
    %add3A_1090 = arith.addf %add3A_1080, %mul3A_1089 : vector<16xf32>
    %add3A_1091 = arith.constant 31 : i32
    %add3A_1092 = vector.broadcast %add3A_1091 : i32 to vector<16xi32>
    %add3A_1093 = arith.addi %mul3A_7, %add3A_1092 : vector<16xi32>
    %gather3A_1094 = tpu.vector_load_idx %arg11[%add3A_1093, %and3A_775] : memref<128x128xf32, #tpu.memory_space<vmem>>[vector<16xi32>, vector<16xi32>], vector<16xf32>,
    %add3A_1095 = arith.constant 31 : i32
    %add3A_1096 = vector.broadcast %add3A_1095 : i32 to vector<16xi32>
    %add3A_1097 = arith.addi %mul3A_7, %add3A_1096 : vector<16xi32>
    %gather3A_1098 = tpu.vector_load_idx %arg12[%add3A_1097, %and3A_778] : memref<128x128xf32, #tpu.memory_space<vmem>>[vector<16xi32>, vector<16xi32>], vector<16xf32>,
    %mul3A_1099 = arith.mulf %gather3A_1094, %gather3A_1098 : vector<16xf32>
    %add3A_1100 = arith.addf %add3A_1090, %mul3A_1099 : vector<16xf32>
    %lt3A_1101 = arith.constant 4 : i32
    %lt3A_1102 = vector.broadcast %lt3A_1101 : i32 to vector<16xi32>
    %lt3A_1103 = arith.cmpi slt, %iota3A, %lt3A_1102 : vector<16xi32>
    %swap3A_1104 = arith.constant 508 : index
    %swap3A_1105 = tpu.vector_load %arg15[%swap3A_1104] masked %lt3A_1103 {strides = array<i32>} : memref<528xf32, #tpu.memory_space<vmem>>, vector<16xf32>, vector<16xi1>
    tpu.vector_store %arg15[%swap3A_1104], %add3A_1100 masked %lt3A_1103 {strides = array<i32>} : memref<528xf32, #tpu.memory_space<vmem>>, vector<16xf32>, vector<16xi1>
    "tpu.region"() ({
      %run_scoped3A = tpu.sem_alloc : memref<!tpu.dma_semaphore, #tpu.memory_space<semaphore_mem>>
      %dma_start3A_1106 = arith.constant 0 : i32
      %dma_start3A_1107 = tpu.memref_slice %arg15[%dma_start3A_1106] : memref<528xf32, #tpu.memory_space<vmem>> -> memref<512xf32, #tpu.memory_space<vmem>>
      %dma_start3A_1108 = tpu.memref_slice %arg6[%mul3A_2] : memref<16384xf32, #tpu.memory_space<hbm>> -> memref<512xf32, #tpu.memory_space<hbm>>
      %dma_start3A_1109 = tpu.memref_slice %arg6[%mul3A_2] : memref<16384xf32, #tpu.memory_space<hbm>> -> memref<512xf32, #tpu.memory_space<hbm>>
      %dma_start3A_1110 = arith.constant 0 : i32
      %dma_start3A_1111 = tpu.memref_slice %arg15[%dma_start3A_1110] : memref<528xf32, #tpu.memory_space<vmem>> -> memref<512xf32, #tpu.memory_space<vmem>>
      tpu.enqueue_dma source(%dma_start3A_1111 : memref<512xf32, #tpu.memory_space<vmem>>) target(%dma_start3A_1109 : memref<512xf32, #tpu.memory_space<hbm>>) target_semaphore(%run_scoped3A : memref<!tpu.dma_semaphore, #tpu.memory_space<semaphore_mem>>)
      %dma_wait3A_1112 = arith.constant 0 : i32
      %dma_wait3A_1113 = tpu.memref_slice %arg15[%dma_wait3A_1112] : memref<528xf32, #tpu.memory_space<vmem>> -> memref<512xf32, #tpu.memory_space<vmem>>
      %dma_wait3A_1114 = tpu.memref_slice %arg6[%mul3A_2] : memref<16384xf32, #tpu.memory_space<hbm>> -> memref<512xf32, #tpu.memory_space<hbm>>
      %dma_wait3A_1115 = tpu.memref_slice %arg6[%mul3A_2] : memref<16384xf32, #tpu.memory_space<hbm>> -> memref<512xf32, #tpu.memory_space<hbm>>
      %dma_wait3A_1116 = arith.constant 0 : i32
      %dma_wait3A_1117 = tpu.memref_slice %arg15[%dma_wait3A_1116] : memref<528xf32, #tpu.memory_space<vmem>> -> memref<512xf32, #tpu.memory_space<vmem>>
      tpu.wait_dma2 semaphore(%run_scoped3A : memref<!tpu.dma_semaphore, #tpu.memory_space<semaphore_mem>>) src(%dma_wait3A_1117 : memref<512xf32, #tpu.memory_space<vmem>>) dst(%dma_wait3A_1115 : memref<512xf32, #tpu.memory_space<hbm>>)
      tpu.yield
    }) : () -> ()
    return
  }
}

</mosaic_0001>

<sc_bundles>
// kernel: _mf.3.cloned.1.call-start
scs
__scs_entry_jumppad:
0x0: {  	(pc) =	sbr.rel $0x88, $3  }
0x1: {  	(tag) =	ssettag $0x0;
	lr =	simm.s32 $0x1  }
0x2: {  	[smem:$0x3F9D] =	sst lr;
	_ =	strace $0xD0000000  }
0x3: {  	_ = 	snop  }
0x4: {  	_ = 	snop  }
0x5: {  	_ = 	snop  }
0x6: {  	_ = 	snop  }
0x7: {  	_ = 	snop  }
__scs_overlays_trampoline_lowered:
0x8: {  	[smem:$0x3FAC] =	sst s0  }
0x9: {  	[smem:$0x3FAD] =	sst s1  }
0xa: {  	[smem:$0x3FAE] =	sst s2  }
0xb: {  	[smem:$0x3FAF] =	sst s3  }
0xc: {  	[smem:$0x3FB0] =	sst s4  }
0xd: {  	[smem:$0x3FB1] =	sst s5  }
0xe: {  	[smem:$0x3FB2] =	sst s6  }
0xf: {  	[smem:$0x3FB3] =	sst s7  }
0x10: {  	[smem:$0x3FB4] =	sst s8  }
0x11: {  	[smem:$0x3FB5] =	sst s9;
	s0 =	simm.s32 @!p0 $0x0  }
0x12: {  	s1 =	sld [smem:$0x3F9B];
	s0 =	simm.s32 @p0 $0x1  }
0x13: {  	[smem:$0x3FB6] =	sst s0;
	s0 =	simm.s32 @!p1 $0x0  }
0x14: {  	s2 =	sld [smem:$0x3F9A];
	s0 =	simm.s32 @p1 $0x1  }
0x15: {  	[smem:$0x3FB7] =	sst s0;
	s0 =	simm.s32 @!p2 $0x0  }
0x16: {  	s3 =	sld [smem:$0x3FDB];
	s0 =	simm.s32 @p2 $0x1  }
0x17: {  	s4 =	simm.s32 $0x1BF5;
	[smem:$0x3FB9] =	sst s0  }
0x18: {  	s0 =	sld [smem:$0x3F9C];
	_ =	swait.ge [sflag:s4], $0x0  }
0x19: {  	s7 =	sld [smem:$0x3F9D]  }
0x1a: {  	s8 =	sadd.s32 $0xFFFFE003, lr  }
0x1b: {  	s9 =	sadd.s32 $0xFFFFFEF7, lr;
	s5 =	simm.s32 $0xFFFFFFFF;
	p2 =	slt.u32 s8, $0xFFFFF086  }
0x1c: {  	p1 =	slt.u32 s9, $0xF7A;
	s5 =	simm.s32 @!p2 $0x0  }
0x1d: {  	s5 =	simm.s32 @p1 $0x1;
	p0 =	seq.s32 s7, s2  }
0x1e: {  	s7 =	smul.u32 @!p0 $0xF7A, s2;
	p2 =	seq.s32 @!p0 s5, $0x0  }
0x1f: {  	s9 =	smul.u32 $0xF7A, s1;
	s8 =	simm.s32 @!p0 $0x1BF5;
	p2 =	por !p2, p0  }
0x20: {  	[sflag:s8] =	ssyncset.s32 @!p0 $0xFFFFF086;
	s6 =	sadd.s32 @!p0 s3, s7;
	s7 =	simm.s32 @!p0 $0x108  }
0x21: {  	s3 =	sadd.s32 s3, s9;
	s6 =	sadd.s32 @!p0 $0x88, s6;
	s7 =	simm.s32 @p2 $0x1082  }
0x22: {  	[simem:s7], [sflag:s8] =	dma.local @!p0 [hbm:s6], $0xF7A  }
0x23: {  	s9 =	sor.u32 $0xD0000000, s2;
	s6 =	simm.s32 $0x108;
	_ =	swait.ge @!p0 [sflag:s8], $0x0  }
0x24: {  	s3 =	sadd.s32 $0x88, s3;
	s6 =	simm.s32 @!p1 $0x1082;
	[sflag:s4] =	ssyncset.s32 $0xFFFFF086  }
0x25: {  	[simem:s6], [sflag:s4] =	dma.local [hbm:s3], $0xF7A  }
0x26: {  	[smem:$0x3F9D] =	sst s1;
	(tag) =	ssettag s2;
	_ =	strace s9  }
0x27: {  	s1 =	sld [smem:$0x3FAD]  }
0x28: {  	s2 =	sld [smem:$0x3FAE]  }
0x29: {  	s4 =	sld [smem:$0x3FB0]  }
0x2a: {  	p0 =	seq.s32 s5, $0x0;
	s5 =	sld [smem:$0x3FB1]  }
0x2b: {  	s6 =	sld [smem:$0x3FB2]  }
0x2c: {  	s7 =	sld [smem:$0x3FB3]  }
0x2d: {  	s3 =	simm.s32 $0x108;
	s8 =	sld [smem:$0x3FB4]  }
0x2e: {  	s3 =	simm.s32 @!p0 $0x1082;
	s9 =	sld [smem:$0x3FB5]  }
0x2f: {  	lr =	sadd.s32 s0, s3;
	s0 =	sld [smem:$0x3FAC]  }
0x30: {  	s3 =	sld [smem:$0x3FAF]  }
0x31: {  	[smem:$0x3FB8] =	sst s10  }
0x32: {  	s10 =	sld [smem:$0x3FB6];
	_ =	sdelay $0x3  }
0x33: {  	p0 =	seq.s32 s10, $0x1;
	s10 =	sld [smem:$0x3FB8];
	_ =	sdelay $0x3  }
0x34: {  	[smem:$0x3FB8] =	sst s10  }
0x35: {  	s10 =	sld [smem:$0x3FB7];
	_ =	sdelay $0x3  }
0x36: {  	p1 =	seq.s32 s10, $0x1;
	s10 =	sld [smem:$0x3FB8];
	_ =	sdelay $0x3  }
0x37: {  	[smem:$0x3FB8] =	sst s10  }
0x38: {  	s10 =	sld [smem:$0x3FB9]  }
0x39: {  	_ = 	snop;
	(pc) =	sbr.ind lr, $3  }
0x3a: {  	_ = 	snop  }
0x3b: {  	_ = 	snop  }
0x3c: {  	p2 =	seq.s32 s10, $0x1;
	s10 =	sld [smem:$0x3FB8]  }
0x3d: {  	_ =	shalt  }
0x3e: {  	_ =	shalt  }
0x3f: {  	_ =	shalt  }
0x40: {  	_ =	shalt  }
0x41: {  	_ =	shalt  }
0x42: {  	_ =	shalt  }
0x43: {  	_ =	shalt  }
0x44: {  	_ =	shalt  }
0x45: {  	_ =	shalt  }
0x46: {  	_ =	shalt  }
0x47: {  	_ =	shalt  }
0x48: {  	_ =	shalt  }
0x49: {  	_ =	shalt  }
0x4a: {  	_ =	shalt  }
0x4b: {  	_ =	shalt  }
0x4c: {  	_ =	shalt  }
0x4d: {  	_ =	shalt  }
0x4e: {  	_ =	shalt  }
0x4f: {  	_ =	shalt  }
0x50: {  	_ =	shalt  }
0x51: {  	_ =	shalt  }
0x52: {  	_ =	shalt  }
0x53: {  	_ =	shalt  }
0x54: {  	_ =	shalt  }
0x55: {  	_ =	shalt  }
0x56: {  	_ =	shalt  }
0x57: {  	_ =	shalt  }
0x58: {  	_ =	shalt  }
0x59: {  	_ =	shalt  }
0x5a: {  	_ =	shalt  }
0x5b: {  	_ =	shalt  }
0x5c: {  	_ =	shalt  }
0x5d: {  	_ =	shalt  }
0x5e: {  	_ =	shalt  }
0x5f: {  	_ =	shalt  }
0x60: {  	_ =	shalt  }
0x61: {  	_ =	shalt  }
0x62: {  	_ =	shalt  }
0x63: {  	_ =	shalt  }
0x64: {  	_ =	shalt  }
0x65: {  	_ =	shalt  }
0x66: {  	_ =	shalt  }
0x67: {  	_ =	shalt  }
0x68: {  	_ =	shalt  }
0x69: {  	_ =	shalt  }
0x6a: {  	_ =	shalt  }
0x6b: {  	_ =	shalt  }
0x6c: {  	_ =	shalt  }
0x6d: {  	_ =	shalt  }
0x6e: {  	_ =	shalt  }
0x6f: {  	_ =	shalt  }
0x70: {  	_ =	shalt  }
0x71: {  	_ =	shalt  }
0x72: {  	_ =	shalt  }
0x73: {  	_ =	shalt  }
0x74: {  	_ =	shalt  }
0x75: {  	_ =	shalt  }
0x76: {  	_ =	shalt  }
0x77: {  	_ =	shalt  }
0x78: {  	_ =	shalt  }
0x79: {  	_ =	shalt  }
0x7a: {  	_ =	shalt  }
0x7b: {  	_ =	shalt  }
0x7c: {  	_ =	shalt  }
0x7d: {  	_ =	shalt  }
0x7e: {  	_ =	shalt  }
0x7f: {  	_ =	shalt  }
0x80: {  	_ =	shalt  }
0x81: {  	_ =	shalt  }
0x82: {  	_ =	shalt  }
0x83: {  	_ =	shalt  }
0x84: {  	_ =	shalt  }
0x85: {  	_ =	shalt  }
0x86: {  	_ =	shalt  }
0x87: {  	_ =	shalt  }
.Lfunc_end0:
.L_simem_size_0:
called_computation_lowered:
.L_overlay_start_0:
0x88: {  	s2 =	sld [smem:$0x3FD9]  }
0x89: {  	s3 =	sld [smem:$0x3FFE];
	_ =	sdelay $0x1  }
0x8a: {  	s1 =	srdreg.scid  }
0x8b: {  	s0 =	sand.u32 $0x1, s1  }
0x8c: {  	s18 =	sshll.u32 s0, $0xA;
	s2 =	sadd.s32 s3, s2  }
0x8d: {  	s2 =	sadd.s32 s2, s18  }
0x8e: {  	[smem:$0x3FC4] =	sst s2  }
0x8f: {  	_ = 	snop  }
0x90: {  	s2 =	sld [smem:$0x3FC9]  }
0x91: {  	s19 =	sld [smem:$0x3FC8]  }
0x92: {  	s4 =	sld [smem:$0x3FC7]  }
0x93: {  	s5 =	sld [smem:$0x3FC6]  }
0x94: {  	s6 =	sld [smem:$0x3FD0];
	(tm) =	ssettm $0x1  }
0x95: {  	s7 =	sld [smem:$0x3FFB];
	_ =	sdelay $0x3  }
0x96: {  	_ =	strace s7  }
0x97: {  	s7 =	sld [smem:$0x3FFC];
	_ =	sdelay $0x3  }
0x98: {  	_ =	strace s7  }
0x99: {  	s7 =	sld [smem:$0x3FFD];
	_ =	sdelay $0x3  }
0x9a: {  	_ =	strace s7  }
0x9b: {  	_ =	strace $0x8FFFFFFF  }
0x9c: {  	s20 =	sld [smem:$0x3FDB];
	_ =	sdelay $0x1  }
0x9d: {  	s8 =	simm.s32 $_scs_section_size  }
0x9e: {  	s9 =	simm.s32 $_size__tile_overlayer_lowered;
	s10 =	simm.s32 $_tile_overlayer_lowered  }
0x9f: {  	s23 =	simm.s32 $0x1BFF;
	s22 =	sshll.u32 s10, $0x1;
	s7 =	sadd.s32 s8, s20  }
0xa0: {  	s11 =	simm.s32 $0x0;
	s21 =	sshll.u32 s9, $0x1;
	s9 =	sadd.s32 s22, s7  }
0xa1: {  	[timem:s11], [sflag:s23] =	dma.local [hbm:s9], s21  }
0xa2: {  	_ =	swait.ge [sflag:s23], s21  }
0xa3: {  	s8 =	ssub.s32 $0x0, s21;
	[sflag:s23] =	ssyncset.done $0x0  }
0xa4: {  	[sflag:s23] =	ssyncadd.s32 s8;
	_ =	sdelay $0x1  }
0xa5: {  	s24 =	simm.s32 $0x1B8B  }
0xa6: {  	_ =	swait.ge [sflag:s24], $0x1  }
0xa7: {  	[sflag:s24] =	ssyncset.done $0x0  }
0xa8: {  	s25 =	simm.s32 $0x1B8E;
	[sflag:s24] =	ssyncadd.s32 $0xFFFFFFFF  }
0xa9: {  	s26 =	simm.s32 $execute0_lowered;
	[smem:$0x3FD2] =	sst s25  }
0xaa: {  	s8 =	sshll.u32 s26, $0x1;
	_ =	strace $0x80000046;
	[dreg:$0x1] =	wrdreg $0xFFFFFFFF  }
0xab: {  	s28 =	simm.s32 $_size_execute0_lowered;
	s7 =	sadd.s32 s7, s8;
	[dreg:$0x0] =	wrdreg $0x0  }
0xac: {  	s8 =	sshll.u32 s28, $0x1;
	[dreg:$0x2] =	wrdreg s7  }
0xad: {  	[dreg:$0x3] =	wrdreg s8  }
0xae: {  	[dreg:$0x4] =	wrdreg $0xC0  }
0xaf: {  	_ =	task [dreg:s11], $0x5FFFF  }
0xb0: {  	[dreg:$0x1] =	wrdreg $0xFFFFFFFF  }
0xb1: {  	[dreg:$0x0] =	wrdreg $0x60  }
0xb2: {  	[dreg:$0x2] =	wrdreg s2  }
0xb3: {  	[dreg:$0x3] =	wrdreg s19  }
0xb4: {  	[dreg:$0x4] =	wrdreg s4  }
0xb5: {  	[dreg:$0x5] =	wrdreg s5  }
0xb6: {  	[dreg:$0x6] =	wrdreg s6  }
0xb7: {  	[dreg:$0x7] =	wrdreg $0x9  }
0xb8: {  	_ =	task.clear_ibuf [dreg:s11], $0x8FFFF;
	_ =	strace $0x90000046  }
0xb9: {  	s29 =	simm.s32 $0x9;
	_ =	strace $0x80000048  }
0xba: {  	_ =	swait.ge [sflag:s29], $0x1  }
0xbb: {  	[sflag:s29] =	ssyncadd.s32 $0xFFFFFFFF  }
0xbc: {  	_ =	strace $0x90000048  }
0xbd: {  	_ =	sfence  }
0xbe: {  	s30 =	sld [smem:$0x0];
	_ =	sdelay $0x2  }
0xbf: {  	s31 =	sshll.u32 s1, $0xD;
	s1 =	sshrl.u32 s1, $0x2  }
0xc0: {  	s3 =	sand.u32 $0x4000, s31;
	s1 =	sadd.s32 s1, s30  }
0xc1: {  	s0 =	sor.u32 s3, s0;
	s1 =	sshll.u32 s1, $0x11  }
0xc2: {  	s0 =	sor.u32 s1, s0  }
0xc3: {  	s0 =	sadd.s32 $0x8F2B, s0  }
0xc4: {  	[sflag:s0] =	ssyncadd.remote.s32 $0x1  }
0xc5: {  	_ =	sfence.sel $0xFFFF  }
0xc6: {  	[dreg:$0x0] =	wrdreg $0xFFFFFFFF;
	(pc) =	sbr.abs _section_cstart, $3  }
0xc7: {  	[dreg:$0x1] =	wrdreg $0xFFFFFFFF  }
0xc8: {  	_ =	task.clear_ibuf [dreg:s11], $0x2FFFF;
	_ =	strace $0x9FFFFFFF  }
0xc9: {  	(tm) =	ssettm $0x7FFFFFFF  }
tec
execute0_lowered:
.L_overlay_start_1:
0x0: {  	(tag) =	ssettag $0x1  }
0x1: {  	s0 =	rddreg [dreg:$0x0]  }
0x2: {  	s3 =	rddreg [dreg:$0x1]  }
0x3: {  	s1 =	rddreg [dreg:$0x2]  }
0x4: {  	s2 =	rddreg [dreg:$0x3]  }
0x5: {  	s4 =	rddreg [dreg:$0x4];
	s5 =	srdreg.scid;
	s9 =	simm.s32 $0x0  }
0x6: {  	s8 =	stileid.u32;
	s11 =	simm.s32 $0x400;
	s12 =	simm.s32 $0x7A1400  }
0x7: {  	s13 =	simm.s32 $0x500;
	s14 =	simm.s32 $0x4500;
	s16 =	simm.s32 $0x1500  }
0x8: {  	s21 =	simm.s32 $0x11500;
	s22 =	simm.s32 $0x15500;
	s23 =	simm.s32 $0x12500  }
0x9: {  	s24 =	simm.s32 $0x16500;
	s25 =	simm.s32 $0x13500;
	s26 =	simm.s32 $0x17500  }
0xa: {  	v0 =	vlaneseq.u32;
	s30 =	simm.s32 $0x10500;
	s31 =	simm.s32 $0x14500;
	[smem:$0x7FF] =	sst s9  }
0xb: {  	s10 =	simm.s32 $0x3;
	v0 =	vand.u32 $0x3, v0;
	_ =	strace $0x80000047;
	[dreg:$0x6] =	wrdreg s21  }
0xc: {  	s15 =	simm.s32 $0x0;
	s28 =	simm.s32 $0xE500;
	v0 =	vmul.u32 $0x1000, v0;
	[dreg:$0x7] =	wrdreg s22  }
0xd: {  	s29 =	simm.s32 $0xB500;
	s17 =	simm.s32 $0xF500;
	[dreg:$0x8] =	wrdreg s23  }
0xe: {  	s5 =	sand.u32 $0x1, s5;
	s8 =	sshll.u32 s8, $0x7;
	[dreg:$0x9] =	wrdreg s24;
	v1 =	vor.u32 $0x80, v0  }
0xf: {  	s6 =	ssub.s32 $0x2, s5;
	s5 =	sshll.u32 s5, $0x6;
	[dreg:$0xa] =	wrdreg s25;
	v2 =	vor.u32 $0x100, v0;
	v3 =	vor.u32 $0x180, v0;
	v4 =	vor.u32 $0x200, v0  }
0x10: {  	s21 =	simm.s32 $0x8500;
	s22 =	simm.s32 $0xC500;
	[dreg:$0xb] =	wrdreg s26;
	v5 =	vor.u32 $0x280, v0;
	v6 =	vor.u32 $0x300, v0;
	v7 =	vor.u32 $0x380, v0  }
0x11: {  	s23 =	simm.s32 $0x7500;
	s24 =	simm.s32 $0x9500;
	s25 =	simm.s32 $0xD500;
	v8 =	vor.u32 $0x400, v0;
	v9 =	vor.u32 $0x480, v0;
	v10 =	vor.u32 $0x500, v0  }
0x12: {  	s26 =	simm.s32 $0xA500;
	s7 =	sshrl.u32 s6, $0x1;
	s5 =	sor.u32 s5, s8;
	v11 =	vor.u32 $0x580, v0;
	v12 =	vor.u32 $0x600, v0;
	v13 =	vor.u32 $0x680, v0  }
0x13: {  	s8 =	simm.s32 $0x7;
	s6 =	ssub.s32 s6, s7;
	s0 =	sadd.s32 s0, s5;
	v14 =	vor.u32 $0x700, v0;
	v15 =	vor.u32 $0x780, v0;
	v16 =	vor.u32 $0x800, v0  }
0x14: {  	s18 =	sadd.s32 s3, s5;
	s19 =	sadd.s32 s4, s5;
	v17 =	vor.u32 $0x880, v0;
	v18 =	vor.u32 $0x900, v0;
	v19 =	vor.u32 $0x980, v0;
	[dreg:$0xc] =	wrdreg s0  }
0x15: {  	v20 =	vor.u32 $0xA00, v0;
	v21 =	vor.u32 $0xA80, v0;
	v22 =	vor.u32 $0xB00, v0;
	s3 =	simm.s32 $0x2;
	s5 =	simm.s32 $0x4;
	[dreg:$0xd] =	wrdreg s18  }
0x16: {  	v23 =	vor.u32 $0xB80, v0;
	v24 =	vor.u32 $0xC00, v0;
	v25 =	vor.u32 $0xC80, v0;
	s7 =	simm.s32 $0x6;
	[dreg:$0xe] =	wrdreg s19;
	s20 =	smax.u32 s6, $0x1  }
0x17: {  	v26 =	vor.u32 $0xD00, v0;
	v27 =	vor.u32 $0xD80, v0;
	v28 =	vor.u32 $0xE00, v0;
	s0 =	simm.s32 $0x1;
	s6 =	simm.s32 $0x5;
	s18 =	simm.s32 $0x2500  }
0x18: {  	v29 =	vor.u32 $0xE80, v0;
	v30 =	vor.u32 $0xF00, v0;
	v31 =	vor.u32 $0xF80, v0;
	s19 =	simm.s32 $0x6500;
	[dreg:$0xf] =	wrdreg s20;
	s20 =	simm.s32 $0x3500  }
.LBB2_1:
0x19: {  	[dreg:$0x10] =	wrdreg s15  }
0x1a: {  	s4 =	rddreg [dreg:$0xc]  }
0x1b: {  	[tilespmem:s9], [sflag:$0x7] =	stream.linear.gather [hbm4b:s4+s9], $0x200, $0x38;
	[tilespmem:$0x18780] =	vst v63  }
0x1c: {  	_ =	swait.ge [sflag:s8], $0x200  }
0x1d: {  	[sflag:s8] =	ssyncset.done $0x0  }
0x1e: {  	s15 =	simm.s32 $0x280;
	s4 =	rddreg [dreg:$0xd];
	[sflag:s8] =	ssyncadd.s32 $0xFFFFFE00  }
0x1f: {  	[tilespmem:s15], [sflag:$0x7] =	stream.linear.gather [hbm4b:s4+s9], $0x200, $0x38;
	[tilespmem:$0x18780] =	vst v63  }
0x20: {  	_ =	swait.ge [sflag:s8], $0x200  }
0x21: {  	[sflag:s8] =	ssyncset.done $0x0  }
0x22: {  	[sflag:s8] =	ssyncadd.s32 $0xFFFFFE00  }
0x23: {  	v32 =	vld [tilespmem:$0x0];
	_ =	sdelay $0x1  }
0x24: {  	v33 =	vld [tilespmem:$0x280];
	_ =	sdelay $0x2  }
0x25: {  	v32 =	vand.u32 $0xFFFFFF80, v32  }
0x26: {  	v32 =	vadd.s32 s1, v32  }
0x27: {  	v33 =	vand.u32 $0xFFFFFF80, v33;
	(v2sf) =	vpush v32, $0x0  }
0x28: {  	v33 =	vadd.s32 s2, v33  }
0x29: {  	(v2sf) =	vpush v33, $0x0;
	_ =	sdelay $0x1  }
0x2a: {  	(v2sf) =	vpush v32, $0x1;
	_ =	sdelay $0x1  }
0x2b: {  	(v2sf) =	vpush v33, $0x1;
	_ =	sdelay $0x1  }
0x2c: {  	(v2sf) =	vpush v32, $0x2;
	_ =	sdelay $0x1  }
0x2d: {  	(v2sf) =	vpush v33, $0x2;
	_ =	sdelay $0x1  }
0x2e: {  	(v2sf) =	vpush v32, $0x3;
	_ =	sdelay $0x1  }
0x2f: {  	(v2sf) =	vpush v33, $0x3  }
0x30: {  	s15 =	spop (v2sf)  }
0x31: {  	[tilespmem:s13], [sflag:$0x1] =	stream.strided.gather [hbm4b:s15+s11], $0x1000, s12, s11, $0x38;
	[tilespmem:$0x18780] =	vst v63  }
0x32: {  	s8 =	spop (v2sf)  }
0x33: {  	[tilespmem:s14], [sflag:$0x2] =	stream.strided.gather [hbm4b:s8+s11], $0x1000, s12, s11, $0x38;
	[tilespmem:$0x18780] =	vst v63  }
0x34: {  	s9 =	spop (v2sf)  }
0x35: {  	[tilespmem:s16], [sflag:$0x1] =	stream.strided.gather [hbm4b:s9+s11], $0x1000, s12, s11, $0x38;
	[tilespmem:$0x18780] =	vst v63  }
0x36: {  	s15 =	spop (v2sf);
	s16 =	simm.s32 $0x5500  }
0x37: {  	[tilespmem:s16], [sflag:$0x2] =	stream.strided.gather [hbm4b:s15+s11], $0x1000, s12, s11, $0x38;
	[tilespmem:$0x18780] =	vst v63  }
0x38: {  	s8 =	spop (v2sf)  }
0x39: {  	[tilespmem:s18], [sflag:$0x1] =	stream.strided.gather [hbm4b:s8+s11], $0x1000, s12, s11, $0x38;
	[tilespmem:$0x18780] =	vst v63  }
0x3a: {  	s9 =	spop (v2sf)  }
0x3b: {  	[tilespmem:s19], [sflag:$0x2] =	stream.strided.gather [hbm4b:s9+s11], $0x1000, s12, s11, $0x38;
	[tilespmem:$0x18780] =	vst v63  }
0x3c: {  	s15 =	spop (v2sf)  }
0x3d: {  	[tilespmem:s20], [sflag:$0x1] =	stream.strided.gather [hbm4b:s15+s11], $0x1000, s12, s11, $0x38;
	[tilespmem:$0x18780] =	vst v63  }
0x3e: {  	s16 =	spop (v2sf)  }
0x3f: {  	[tilespmem:s23], [sflag:$0x2] =	stream.strided.gather [hbm4b:s16+s11], $0x1000, s12, s11, $0x38;
	[tilespmem:$0x18780] =	vst v63  }
0x40: {  	v62 =	vld [tilespmem:$0x4];
	_ =	sdelay $0x1  }
0x41: {  	v63 =	vld [tilespmem:$0x284];
	_ =	sdelay $0x2  }
0x42: {  	v32 =	vand.u32 $0xFFFFFF80, v62  }
0x43: {  	v32 =	vadd.s32 s1, v32  }
0x44: {  	v33 =	vand.u32 $0xFFFFFF80, v63;
	(v2sf) =	vpush v32, $0x0  }
0x45: {  	v33 =	vadd.s32 s2, v33  }
0x46: {  	(v2sf) =	vpush v33, $0x0;
	_ =	sdelay $0x1  }
0x47: {  	(v2sf) =	vpush v32, $0x1;
	_ =	sdelay $0x1  }
0x48: {  	(v2sf) =	vpush v33, $0x1;
	_ =	sdelay $0x1  }
0x49: {  	(v2sf) =	vpush v32, $0x2;
	_ =	sdelay $0x1  }
0x4a: {  	(v2sf) =	vpush v33, $0x2;
	_ =	sdelay $0x1  }
0x4b: {  	(v2sf) =	vpush v32, $0x3;
	_ =	sdelay $0x1  }
0x4c: {  	(v2sf) =	vpush v33, $0x3  }
0x4d: {  	s8 =	spop (v2sf)  }
0x4e: {  	[tilespmem:s21], [sflag:$0x3] =	stream.strided.gather [hbm4b:s8+s11], $0x1000, s12, s11, $0x38;
	[tilespmem:$0x18780] =	vst v63  }
0x4f: {  	s9 =	spop (v2sf)  }
0x50: {  	[tilespmem:s22], [sflag:$0x4] =	stream.strided.gather [hbm4b:s9+s11], $0x1000, s12, s11, $0x38;
	[tilespmem:$0x18780] =	vst v63  }
0x51: {  	s15 =	spop (v2sf)  }
0x52: {  	[tilespmem:s24], [sflag:$0x3] =	stream.strided.gather [hbm4b:s15+s11], $0x1000, s12, s11, $0x38;
	[tilespmem:$0x18780] =	vst v63  }
0x53: {  	s16 =	spop (v2sf)  }
0x54: {  	[tilespmem:s25], [sflag:$0x4] =	stream.strided.gather [hbm4b:s16+s11], $0x1000, s12, s11, $0x38;
	[tilespmem:$0x18780] =	vst v63  }
0x55: {  	s8 =	spop (v2sf)  }
0x56: {  	[tilespmem:s26], [sflag:$0x3] =	stream.strided.gather [hbm4b:s8+s11], $0x1000, s12, s11, $0x38;
	[tilespmem:$0x18780] =	vst v63  }
0x57: {  	s9 =	spop (v2sf)  }
0x58: {  	[tilespmem:s28], [sflag:$0x4] =	stream.strided.gather [hbm4b:s9+s11], $0x1000, s12, s11, $0x38;
	[tilespmem:$0x18780] =	vst v63  }
0x59: {  	s15 =	spop (v2sf)  }
0x5a: {  	[tilespmem:s29], [sflag:$0x3] =	stream.strided.gather [hbm4b:s15+s11], $0x1000, s12, s11, $0x38;
	[tilespmem:$0x18780] =	vst v63  }
0x5b: {  	s4 =	simm.s32 $0x0;
	s16 =	spop (v2sf)  }
0x5c: {  	[tilespmem:s17], [sflag:$0x4] =	stream.strided.gather [hbm4b:s16+s11], $0x1000, s12, s11, $0x38;
	[tilespmem:$0x18780] =	vst v63  }
.LBB2_2:
0x5d: {  	s9 =	sshra.s32 s4, $0x2  }
0x5e: {  	v32 =	vld [tilespmem:s9+$0x8];
	_ =	sdelay $0x1  }
0x5f: {  	v33 =	vld [tilespmem:s9+$0x288];
	_ =	sdelay $0x2  }
0x60: {  	v32 =	vand.u32 $0xFFFFFF80, v32  }
0x61: {  	v32 =	vadd.s32 s1, v32  }
0x62: {  	v33 =	vand.u32 $0xFFFFFF80, v33;
	(v2sf) =	vpush v32, $0x0  }
0x63: {  	v33 =	vadd.s32 s2, v33  }
0x64: {  	(v2sf) =	vpush v33, $0x0;
	_ =	sdelay $0x1  }
0x65: {  	(v2sf) =	vpush v32, $0x1;
	_ =	sdelay $0x1  }
0x66: {  	(v2sf) =	vpush v33, $0x1;
	_ =	sdelay $0x1  }
0x67: {  	(v2sf) =	vpush v32, $0x2;
	_ =	sdelay $0x1  }
0x68: {  	(v2sf) =	vpush v33, $0x2;
	_ =	sdelay $0x1  }
0x69: {  	(v2sf) =	vpush v32, $0x3;
	_ =	sdelay $0x1  }
0x6a: {  	(v2sf) =	vpush v33, $0x3  }
0x6b: {  	s8 =	spop (v2sf)  }
0x6c: {  	[tilespmem:s30], [sflag:$0x5] =	stream.strided.gather [hbm4b:s8+s11], $0x1000, s12, s11, $0x38;
	[tilespmem:$0x18780] =	vst v63  }
0x6d: {  	s16 =	spop (v2sf)  }
0x6e: {  	[tilespmem:s31], [sflag:$0x6] =	stream.strided.gather [hbm4b:s16+s11], $0x1000, s12, s11, $0x38;
	[tilespmem:$0x18780] =	vst v63  }
0x6f: {  	s15 =	rddreg [dreg:$0x6];
	s8 =	spop (v2sf)  }
0x70: {  	[tilespmem:s15], [sflag:$0x5] =	stream.strided.gather [hbm4b:s8+s11], $0x1000, s12, s11, $0x38;
	[tilespmem:$0x18780] =	vst v63  }
0x71: {  	s16 =	rddreg [dreg:$0x7];
	s8 =	spop (v2sf)  }
0x72: {  	[tilespmem:s16], [sflag:$0x6] =	stream.strided.gather [hbm4b:s8+s11], $0x1000, s12, s11, $0x38;
	[tilespmem:$0x18780] =	vst v63  }
0x73: {  	s15 =	rddreg [dreg:$0x8];
	s8 =	spop (v2sf)  }
0x74: {  	[tilespmem:s15], [sflag:$0x5] =	stream.strided.gather [hbm4b:s8+s11], $0x1000, s12, s11, $0x38;
	[tilespmem:$0x18780] =	vst v63  }
0x75: {  	s16 =	rddreg [dreg:$0x9];
	s8 =	spop (v2sf)  }
0x76: {  	[tilespmem:s16], [sflag:$0x6] =	stream.strided.gather [hbm4b:s8+s11], $0x1000, s12, s11, $0x38;
	[tilespmem:$0x18780] =	vst v63  }
0x77: {  	s15 =	rddreg [dreg:$0xa];
	s8 =	spop (v2sf)  }
0x78: {  	[tilespmem:s15], [sflag:$0x5] =	stream.strided.gather [hbm4b:s8+s11], $0x1000, s12, s11, $0x38;
	[tilespmem:$0x18780] =	vst v63  }
0x79: {  	s16 =	rddreg [dreg:$0xb];
	s15 =	spop (v2sf)  }
0x7a: {  	[tilespmem:s16], [sflag:$0x6] =	stream.strided.gather [hbm4b:s15+s11], $0x1000, s12, s11, $0x38;
	[tilespmem:$0x18780] =	vst v63  }
0x7b: {  	_ =	swait.ge [sflag:s0], $0x1000  }
0x7c: {  	[sflag:s0] =	ssyncset.done $0x0  }
0x7d: {  	[sflag:s0] =	ssyncadd.s32 $0xFFFFF000  }
0x7e: {  	_ =	swait.ge [sflag:s3], $0x1000  }
0x7f: {  	[sflag:s3] =	ssyncset.done $0x0  }
0x80: {  	[sflag:s3] =	ssyncadd.s32 $0xFFFFF000  }
0x81: {  	_ =	swait.ge [sflag:s0], $0x1000  }
0x82: {  	[sflag:s0] =	ssyncset.done $0x0  }
0x83: {  	[sflag:s0] =	ssyncadd.s32 $0xFFFFF000  }
0x84: {  	_ =	swait.ge [sflag:s3], $0x1000  }
0x85: {  	[sflag:s3] =	ssyncset.done $0x0  }
0x86: {  	[sflag:s3] =	ssyncadd.s32 $0xFFFFF000  }
0x87: {  	_ =	swait.ge [sflag:s0], $0x1000  }
0x88: {  	[sflag:s0] =	ssyncset.done $0x0  }
0x89: {  	[sflag:s0] =	ssyncadd.s32 $0xFFFFF000  }
0x8a: {  	_ =	swait.ge [sflag:s3], $0x1000  }
0x8b: {  	[sflag:s3] =	ssyncset.done $0x0  }
0x8c: {  	[sflag:s3] =	ssyncadd.s32 $0xFFFFF000  }
0x8d: {  	_ =	swait.ge [sflag:s0], $0x1000  }
0x8e: {  	[sflag:s0] =	ssyncset.done $0x0  }
0x8f: {  	[sflag:s0] =	ssyncadd.s32 $0xFFFFF000  }
0x90: {  	_ =	swait.ge [sflag:s3], $0x1000  }
0x91: {  	[sflag:s3] =	ssyncset.done $0x0  }
0x92: {  	[sflag:s3] =	ssyncadd.s32 $0xFFFFF000  }
0x93: {  	v57 =	vld [tilespmem:s9+$0x0]  }
0x94: {  	v34 =	vld [tilespmem:s9+$0x280];
	_ =	sdelay $0x3  }
0x95: {  	v33 =	vand.u32 $0x7F, v57  }
0x96: {  	v32 =	vand.u32 $0x7F, v34;
	v58 =	vor.u32 v0, v33  }
0x97: {  	v35 =	vor.u32 v0, v32  }
0x98: {  	v36 =	vor.u32 v1, v33  }
0x99: {  	v37 =	vor.u32 v1, v32  }
0x9a: {  	v38 =	vor.u32 v2, v33  }
0x9b: {  	v39 =	vor.u32 v2, v32;
	v34 =	vld.idx.msk [tilespmem:v58+s13+$0x0], $0xffff  }
0x9c: {  	v40 =	vor.u32 v3, v33;
	v35 =	vld.idx.msk [tilespmem:v35+s14+$0x0], $0xffff  }
0x9d: {  	v41 =	vor.u32 v3, v32;
	v36 =	vld.idx.msk [tilespmem:v36+s13+$0x0], $0xffff  }
0x9e: {  	v42 =	vor.u32 v4, v33;
	v37 =	vld.idx.msk [tilespmem:v37+s14+$0x0], $0xffff  }
0x9f: {  	v43 =	vor.u32 v4, v32;
	v38 =	vld.idx.msk [tilespmem:v38+s13+$0x0], $0xffff  }
0xa0: {  	v44 =	vor.u32 v5, v33;
	v39 =	vld.idx.msk [tilespmem:v39+s14+$0x0], $0xffff  }
0xa1: {  	v60 =	vor.u32 v5, v32;
	v59 =	vld.idx.msk [tilespmem:v40+s13+$0x0], $0xffff  }
0xa2: {  	v45 =	vor.u32 v6, v33;
	v41 =	vld.idx.msk [tilespmem:v41+s14+$0x0], $0xffff  }
0xa3: {  	v62 =	vor.u32 v6, v32;
	v61 =	vld.idx.msk [tilespmem:v42+s13+$0x0], $0xffff;
	v34 =	vmul.f32 v35, v34  }
0xa4: {  	v46 =	vor.u32 v7, v33;
	v43 =	vld.idx.msk [tilespmem:v43+s14+$0x0], $0xffff  }
0xa5: {  	v49 =	vor.u32 v7, v32;
	v48 =	vld.idx.msk [tilespmem:v44+s13+$0x0], $0xffff;
	v36 =	vmul.f32 v37, v36;
	v34 =	vadd.f32 $0.0e+00, v34  }
0xa6: {  	v50 =	vor.u32 v8, v33;
	v40 =	vld.idx.msk [tilespmem:v60+s14+$0x0], $0xffff  }
0xa7: {  	v52 =	vor.u32 v8, v32;
	v51 =	vld.idx.msk [tilespmem:v45+s13+$0x0], $0xffff;
	v63 =	vmul.f32 v39, v38;
	v34 =	vadd.f32 v36, v34  }
0xa8: {  	v56 =	vor.u32 v9, v32;
	v42 =	vld.idx.msk [tilespmem:v62+s14+$0x0], $0xffff  }
0xa9: {  	v57 =	vor.u32 v10, v33;
	v55 =	vld.idx.msk [tilespmem:v46+s13+$0x0], $0xffff;
	v35 =	vmul.f32 v41, v59;
	v34 =	vadd.f32 v63, v34  }
0xaa: {  	v60 =	vor.u32 v10, v32;
	v39 =	vld.idx.msk [tilespmem:v49+s14+$0x0], $0xffff  }
0xab: {  	v53 =	vor.u32 v9, v33;
	v54 =	vmul.f32 v43, v61;
	v59 =	vld.idx.msk [tilespmem:v50+s13+$0x0], $0xffff;
	v34 =	vadd.f32 v35, v34  }
0xac: {  	v41 =	vld.idx.msk [tilespmem:v52+s14+$0x0], $0xffff;
	v61 =	vor.u32 v11, v33  }
0xad: {  	v58 =	vmul.f32 v40, v48;
	v48 =	vor.u32 v11, v32;
	v43 =	vld.idx.msk [tilespmem:v56+s14+$0x0], $0xffff;
	v34 =	vadd.f32 v54, v34  }
0xae: {  	v62 =	vmul.f32 v42, v51;
	v51 =	vld.idx.msk [tilespmem:v57+s13+$0x0], $0xffff;
	v52 =	vor.u32 v12, v32  }
0xaf: {  	v49 =	vor.u32 v12, v33;
	v40 =	vld.idx.msk [tilespmem:v60+s14+$0x0], $0xffff;
	v34 =	vadd.f32 v58, v34  }
0xb0: {  	v56 =	vor.u32 v13, v32;
	v63 =	vld.idx.msk [tilespmem:v53+s13+$0x0], $0xffff  }
0xb1: {  	v50 =	vmul.f32 v39, v55;
	v55 =	vld.idx.msk [tilespmem:v61+s13+$0x0], $0xffff;
	v53 =	vor.u32 v13, v33;
	v34 =	vadd.f32 v62, v34  }
0xb2: {  	v60 =	vor.u32 v14, v32;
	v42 =	vld.idx.msk [tilespmem:v48+s14+$0x0], $0xffff  }
0xb3: {  	v57 =	vor.u32 v14, v33;
	v39 =	vld.idx.msk [tilespmem:v52+s14+$0x0], $0xffff;
	v54 =	vmul.f32 v41, v59;
	v34 =	vadd.f32 v50, v34  }
0xb4: {  	v48 =	vor.u32 v15, v32;
	v59 =	vld.idx.msk [tilespmem:v49+s13+$0x0], $0xffff  }
0xb5: {  	v61 =	vor.u32 v15, v33;
	v41 =	vld.idx.msk [tilespmem:v56+s14+$0x0], $0xffff;
	v58 =	vmul.f32 v43, v63;
	v34 =	vadd.f32 v54, v34  }
0xb6: {  	v52 =	vor.u32 v16, v32;
	v63 =	vld.idx.msk [tilespmem:v53+s13+$0x0], $0xffff  }
0xb7: {  	v49 =	vor.u32 v16, v33;
	v43 =	vld.idx.msk [tilespmem:v60+s14+$0x0], $0xffff;
	v62 =	vmul.f32 v40, v51;
	v34 =	vadd.f32 v58, v34  }
0xb8: {  	v56 =	vor.u32 v17, v32;
	v51 =	vld.idx.msk [tilespmem:v57+s13+$0x0], $0xffff  }
0xb9: {  	v53 =	vor.u32 v17, v33;
	v40 =	vld.idx.msk [tilespmem:v48+s14+$0x0], $0xffff;
	v50 =	vmul.f32 v42, v55;
	v34 =	vadd.f32 v62, v34  }
0xba: {  	v60 =	vor.u32 v18, v32;
	v55 =	vld.idx.msk [tilespmem:v61+s13+$0x0], $0xffff  }
0xbb: {  	v57 =	vor.u32 v18, v33;
	v42 =	vld.idx.msk [tilespmem:v52+s14+$0x0], $0xffff;
	v54 =	vmul.f32 v39, v59;
	v34 =	vadd.f32 v50, v34  }
0xbc: {  	v48 =	vor.u32 v19, v32;
	v59 =	vld.idx.msk [tilespmem:v49+s13+$0x0], $0xffff  }
0xbd: {  	v61 =	vor.u32 v19, v33;
	v39 =	vld.idx.msk [tilespmem:v56+s14+$0x0], $0xffff;
	v58 =	vmul.f32 v41, v63;
	v34 =	vadd.f32 v54, v34  }
0xbe: {  	v52 =	vor.u32 v20, v32;
	v63 =	vld.idx.msk [tilespmem:v53+s13+$0x0], $0xffff  }
0xbf: {  	v49 =	vor.u32 v20, v33;
	v41 =	vld.idx.msk [tilespmem:v60+s14+$0x0], $0xffff;
	v62 =	vmul.f32 v43, v51;
	v34 =	vadd.f32 v58, v34  }
0xc0: {  	v56 =	vor.u32 v21, v32;
	v51 =	vld.idx.msk [tilespmem:v57+s13+$0x0], $0xffff  }
0xc1: {  	v53 =	vor.u32 v21, v33;
	v43 =	vld.idx.msk [tilespmem:v48+s14+$0x0], $0xffff;
	v50 =	vmul.f32 v40, v55;
	v34 =	vadd.f32 v62, v34  }
0xc2: {  	v60 =	vor.u32 v22, v32;
	v55 =	vld.idx.msk [tilespmem:v61+s13+$0x0], $0xffff  }
0xc3: {  	v57 =	vor.u32 v22, v33;
	v40 =	vld.idx.msk [tilespmem:v52+s14+$0x0], $0xffff;
	v54 =	vmul.f32 v42, v59;
	v34 =	vadd.f32 v50, v34  }
0xc4: {  	v48 =	vor.u32 v23, v32;
	v59 =	vld.idx.msk [tilespmem:v49+s13+$0x0], $0xffff  }
0xc5: {  	v61 =	vor.u32 v23, v33;
	v42 =	vld.idx.msk [tilespmem:v56+s14+$0x0], $0xffff;
	v58 =	vmul.f32 v39, v63;
	v34 =	vadd.f32 v54, v34  }
0xc6: {  	v52 =	vor.u32 v24, v32;
	v63 =	vld.idx.msk [tilespmem:v53+s13+$0x0], $0xffff  }
0xc7: {  	v39 =	vld.idx.msk [tilespmem:v60+s14+$0x0], $0xffff;
	v53 =	vor.u32 v25, v33;
	v62 =	vmul.f32 v41, v51;
	v34 =	vadd.f32 v58, v34  }
0xc8: {  	v56 =	vor.u32 v25, v32;
	v51 =	vld.idx.msk [tilespmem:v57+s13+$0x0], $0xffff  }
0xc9: {  	v49 =	vor.u32 v24, v33;
	v41 =	vld.idx.msk [tilespmem:v48+s14+$0x0], $0xffff;
	v50 =	vmul.f32 v43, v55;
	v34 =	vadd.f32 v62, v34  }
0xca: {  	v55 =	vld.idx.msk [tilespmem:v61+s13+$0x0], $0xffff  }
0xcb: {  	v43 =	vld.idx.msk [tilespmem:v52+s14+$0x0], $0xffff;
	v54 =	vmul.f32 v40, v59;
	v59 =	vor.u32 v26, v33;
	v34 =	vadd.f32 v50, v34  }
0xcc: {  	v61 =	vld.idx.msk [tilespmem:v53+s13+$0x0], $0xffff  }
0xcd: {  	v57 =	vmul.f32 v42, v63;
	v40 =	vld.idx.msk [tilespmem:v56+s14+$0x0], $0xffff;
	v62 =	vor.u32 v26, v32;
	v34 =	vadd.f32 v54, v34  }
0xce: {  	v58 =	vld.idx.msk [tilespmem:v49+s13+$0x0], $0xffff;
	v49 =	vor.u32 v27, v32  }
0xcf: {  	v63 =	vor.u32 v27, v33;
	v60 =	vmul.f32 v39, v51;
	v50 =	vld [tilespmem:s9+$0xC];
	v34 =	vadd.f32 v57, v34  }
0xd0: {  	v53 =	vor.u32 v28, v32;
	v42 =	vld.idx.msk [tilespmem:v59+s13+$0x0], $0xffff  }
0xd1: {  	v51 =	vor.u32 v28, v33;
	v48 =	vmul.f32 v41, v55;
	v54 =	vld [tilespmem:s9+$0x28C];
	v34 =	vadd.f32 v60, v34  }
0xd2: {  	v55 =	vor.u32 v29, v33;
	v56 =	vmul.f32 v40, v61;
	v39 =	vld.idx.msk [tilespmem:v62+s14+$0x0], $0xffff  }
0xd3: {  	v52 =	vmul.f32 v43, v58;
	v58 =	vor.u32 v29, v32;
	v38 =	vld.idx.msk [tilespmem:v49+s14+$0x0], $0xffff;
	v34 =	vadd.f32 v48, v34  }
0xd4: {  	v59 =	vor.u32 v30, v33;
	v61 =	vor.u32 v30, v32;
	v57 =	vld.idx.msk [tilespmem:v63+s13+$0x0], $0xffff;
	v41 =	vand.u32 $0xFFFFFF80, v50  }
0xd5: {  	v36 =	vld.idx.msk [tilespmem:v53+s14+$0x0], $0xffff;
	v33 =	vor.u32 v31, v33;
	v41 =	vadd.s32 s1, v41;
	v34 =	vadd.f32 v52, v34  }
0xd6: {  	v32 =	vor.u32 v31, v32;
	v60 =	vld.idx.msk [tilespmem:v51+s13+$0x0], $0xffff;
	v43 =	vand.u32 $0xFFFFFF80, v54;
	(v2sf) =	vpush v41, $0x0  }
0xd7: {  	v62 =	vld.idx.msk [tilespmem:v55+s13+$0x0], $0xffff;
	v39 =	vmul.f32 v39, v42;
	v43 =	vadd.s32 s2, v43;
	v34 =	vadd.f32 v56, v34  }
0xd8: {  	v40 =	vld.idx.msk [tilespmem:v58+s14+$0x0], $0xffff;
	(v2sf) =	vpush v43, $0x0  }
0xd9: {  	v63 =	vld.idx.msk [tilespmem:v59+s13+$0x0], $0xffff;
	v37 =	vmul.f32 v38, v57;
	v34 =	vadd.f32 v39, v34  }
0xda: {  	v44 =	vld.idx.msk [tilespmem:v61+s14+$0x0], $0xffff;
	(v2sf) =	vpush v41, $0x1  }
0xdb: {  	v33 =	vld.idx.msk [tilespmem:v33+s13+$0x0], $0xffff;
	v35 =	vmul.f32 v36, v60;
	v34 =	vadd.f32 v37, v34  }
0xdc: {  	v32 =	vld.idx.msk [tilespmem:v32+s14+$0x0], $0xffff;
	(v2sf) =	vpush v43, $0x1  }
0xdd: {  	v45 =	vmul.f32 v40, v62;
	v34 =	vadd.f32 v35, v34  }
0xde: {  	(v2sf) =	vpush v41, $0x2  }
0xdf: {  	v46 =	vmul.f32 v44, v63;
	v34 =	vadd.f32 v45, v34  }
0xe0: {  	(v2sf) =	vpush v43, $0x2  }
0xe1: {  	v32 =	vmul.f32 v32, v33;
	v34 =	vadd.f32 v46, v34  }
0xe2: {  	(v2sf) =	vpush v41, $0x3  }
0xe3: {  	v32 =	vadd.f32 v32, v34  }
0xe4: {  	(v2sf) =	vpush v43, $0x3  }
0xe5: {  	s15 =	spop (v2sf);
	[tilespmem:s9+$0x18500] =	vst.msk $0xf, v32  }
0xe6: {  	[tilespmem:s13], [sflag:$0x1] =	stream.strided.gather [hbm4b:s15+s11], $0x1000, s12, s11, $0x38;
	[tilespmem:$0x18780] =	vst v63  }
0xe7: {  	s15 =	spop (v2sf)  }
0xe8: {  	[tilespmem:s14], [sflag:$0x2] =	stream.strided.gather [hbm4b:s15+s11], $0x1000, s12, s11, $0x38;
	[tilespmem:$0x18780] =	vst v63  }
0xe9: {  	s16 =	simm.s32 $0x1500;
	s15 =	spop (v2sf)  }
0xea: {  	[tilespmem:s16], [sflag:$0x1] =	stream.strided.gather [hbm4b:s15+s11], $0x1000, s12, s11, $0x38;
	[tilespmem:$0x18780] =	vst v63  }
0xeb: {  	s8 =	spop (v2sf);
	s15 =	simm.s32 $0x5500  }
0xec: {  	[tilespmem:s15], [sflag:$0x2] =	stream.strided.gather [hbm4b:s8+s11], $0x1000, s12, s11, $0x38;
	[tilespmem:$0x18780] =	vst v63  }
0xed: {  	s15 =	spop (v2sf)  }
0xee: {  	[tilespmem:s18], [sflag:$0x1] =	stream.strided.gather [hbm4b:s15+s11], $0x1000, s12, s11, $0x38;
	[tilespmem:$0x18780] =	vst v63  }
0xef: {  	s15 =	spop (v2sf)  }
0xf0: {  	[tilespmem:s19], [sflag:$0x2] =	stream.strided.gather [hbm4b:s15+s11], $0x1000, s12, s11, $0x38;
	[tilespmem:$0x18780] =	vst v63  }
0xf1: {  	s15 =	spop (v2sf)  }
0xf2: {  	[tilespmem:s20], [sflag:$0x1] =	stream.strided.gather [hbm4b:s15+s11], $0x1000, s12, s11, $0x38;
	[tilespmem:$0x18780] =	vst v63  }
0xf3: {  	s15 =	spop (v2sf)  }
0xf4: {  	[tilespmem:s23], [sflag:$0x2] =	stream.strided.gather [hbm4b:s15+s11], $0x1000, s12, s11, $0x38;
	[tilespmem:$0x18780] =	vst v63  }
0xf5: {  	_ =	swait.ge [sflag:s10], $0x1000  }
0xf6: {  	[sflag:s10] =	ssyncset.done $0x0  }
0xf7: {  	[sflag:s10] =	ssyncadd.s32 $0xFFFFF000  }
0xf8: {  	_ =	swait.ge [sflag:s5], $0x1000  }
0xf9: {  	[sflag:s5] =	ssyncset.done $0x0  }
0xfa: {  	[sflag:s5] =	ssyncadd.s32 $0xFFFFF000  }
0xfb: {  	_ =	swait.ge [sflag:s10], $0x1000  }
0xfc: {  	[sflag:s10] =	ssyncset.done $0x0  }
0xfd: {  	[sflag:s10] =	ssyncadd.s32 $0xFFFFF000  }
0xfe: {  	_ =	swait.ge [sflag:s5], $0x1000  }
0xff: {  	[sflag:s5] =	ssyncset.done $0x0  }
0x100: {  	[sflag:s5] =	ssyncadd.s32 $0xFFFFF000  }
0x101: {  	_ =	swait.ge [sflag:s10], $0x1000  }
0x102: {  	[sflag:s10] =	ssyncset.done $0x0  }
0x103: {  	[sflag:s10] =	ssyncadd.s32 $0xFFFFF000  }
0x104: {  	_ =	swait.ge [sflag:s5], $0x1000  }
0x105: {  	[sflag:s5] =	ssyncset.done $0x0  }
0x106: {  	[sflag:s5] =	ssyncadd.s32 $0xFFFFF000  }
0x107: {  	_ =	swait.ge [sflag:s10], $0x1000  }
0x108: {  	[sflag:s10] =	ssyncset.done $0x0  }
0x109: {  	[sflag:s10] =	ssyncadd.s32 $0xFFFFF000  }
0x10a: {  	_ =	swait.ge [sflag:s5], $0x1000  }
0x10b: {  	[sflag:s5] =	ssyncset.done $0x0  }
0x10c: {  	[sflag:s5] =	ssyncadd.s32 $0xFFFFF000  }
0x10d: {  	v47 =	vld [tilespmem:s9+$0x4]  }
0x10e: {  	v48 =	vld [tilespmem:s9+$0x284];
	_ =	sdelay $0x3  }
0x10f: {  	v33 =	vand.u32 $0x7F, v47  }
0x110: {  	v32 =	vand.u32 $0x7F, v48;
	v49 =	vor.u32 v0, v33  }
0x111: {  	v50 =	vor.u32 v0, v32  }
0x112: {  	v51 =	vor.u32 v1, v33  }
0x113: {  	v52 =	vor.u32 v1, v32  }
0x114: {  	v53 =	vor.u32 v2, v33  }
0x115: {  	v54 =	vor.u32 v2, v32;
	v34 =	vld.idx.msk [tilespmem:v49+s21+$0x0], $0xffff  }
0x116: {  	v55 =	vor.u32 v3, v33;
	v35 =	vld.idx.msk [tilespmem:v50+s22+$0x0], $0xffff  }
0x117: {  	v56 =	vor.u32 v3, v32;
	v36 =	vld.idx.msk [tilespmem:v51+s21+$0x0], $0xffff  }
0x118: {  	v57 =	vor.u32 v4, v33;
	v37 =	vld.idx.msk [tilespmem:v52+s22+$0x0], $0xffff  }
0x119: {  	v58 =	vor.u32 v4, v32;
	v38 =	vld.idx.msk [tilespmem:v53+s21+$0x0], $0xffff  }
0x11a: {  	v59 =	vor.u32 v5, v33;
	v39 =	vld.idx.msk [tilespmem:v54+s22+$0x0], $0xffff  }
0x11b: {  	v61 =	vor.u32 v5, v32;
	v60 =	vld.idx.msk [tilespmem:v55+s21+$0x0], $0xffff  }
0x11c: {  	v62 =	vor.u32 v6, v33;
	v41 =	vld.idx.msk [tilespmem:v56+s22+$0x0], $0xffff  }
0x11d: {  	v48 =	vor.u32 v6, v32;
	v63 =	vld.idx.msk [tilespmem:v57+s21+$0x0], $0xffff;
	v34 =	vmul.f32 v35, v34  }
0x11e: {  	v43 =	vld.idx.msk [tilespmem:v58+s22+$0x0], $0xffff;
	v49 =	vor.u32 v7, v33  }
0x11f: {  	v51 =	vld.idx.msk [tilespmem:v59+s21+$0x0], $0xffff;
	v52 =	vor.u32 v7, v32;
	v36 =	vmul.f32 v37, v36;
	v34 =	vadd.f32 $0.0e+00, v34  }
0x120: {  	v40 =	vld.idx.msk [tilespmem:v61+s22+$0x0], $0xffff;
	v53 =	vor.u32 v8, v33  }
0x121: {  	v54 =	vld.idx.msk [tilespmem:v62+s21+$0x0], $0xffff;
	v55 =	vor.u32 v8, v32;
	v50 =	vmul.f32 v39, v38;
	v34 =	vadd.f32 v36, v34  }
0x122: {  	v42 =	vld.idx.msk [tilespmem:v48+s22+$0x0], $0xffff;
	v59 =	vor.u32 v9, v32  }
0x123: {  	v35 =	vmul.f32 v41, v60;
	v58 =	vld.idx.msk [tilespmem:v49+s21+$0x0], $0xffff;
	v60 =	vor.u32 v10, v33;
	v34 =	vadd.f32 v50, v34  }
0x124: {  	v57 =	vmul.f32 v43, v63;
	v39 =	vld.idx.msk [tilespmem:v52+s22+$0x0], $0xffff;
	v63 =	vor.u32 v10, v32  }
0x125: {  	v56 =	vor.u32 v9, v33;
	v62 =	vld.idx.msk [tilespmem:v53+s21+$0x0], $0xffff;
	v34 =	vadd.f32 v35, v34  }
0x126: {  	v48 =	vor.u32 v11, v33;
	v41 =	vld.idx.msk [tilespmem:v55+s22+$0x0], $0xffff  }
0x127: {  	v61 =	vmul.f32 v40, v51;
	v51 =	vor.u32 v11, v32;
	v43 =	vld.idx.msk [tilespmem:v59+s22+$0x0], $0xffff;
	v34 =	vadd.f32 v57, v34  }
0x128: {  	v49 =	vmul.f32 v42, v54;
	v55 =	vor.u32 v12, v32;
	v54 =	vld.idx.msk [tilespmem:v60+s21+$0x0], $0xffff  }
0x129: {  	v52 =	vor.u32 v12, v33;
	v40 =	vld.idx.msk [tilespmem:v63+s22+$0x0], $0xffff;
	v34 =	vadd.f32 v61, v34  }
0x12a: {  	v59 =	vor.u32 v13, v32;
	v50 =	vld.idx.msk [tilespmem:v56+s21+$0x0], $0xffff  }
0x12b: {  	v53 =	vmul.f32 v39, v58;
	v58 =	vld.idx.msk [tilespmem:v48+s21+$0x0], $0xffff;
	v56 =	vor.u32 v13, v33;
	v34 =	vadd.f32 v49, v34  }
0x12c: {  	v42 =	vld.idx.msk [tilespmem:v51+s22+$0x0], $0xffff;
	v63 =	vor.u32 v14, v32  }
0x12d: {  	v60 =	vor.u32 v14, v33;
	v39 =	vld.idx.msk [tilespmem:v55+s22+$0x0], $0xffff;
	v57 =	vmul.f32 v41, v62;
	v34 =	vadd.f32 v53, v34  }
0x12e: {  	v51 =	vor.u32 v15, v32;
	v62 =	vld.idx.msk [tilespmem:v52+s21+$0x0], $0xffff  }
0x12f: {  	v48 =	vor.u32 v15, v33;
	v41 =	vld.idx.msk [tilespmem:v59+s22+$0x0], $0xffff;
	v61 =	vmul.f32 v43, v50;
	v34 =	vadd.f32 v57, v34  }
0x130: {  	v55 =	vor.u32 v16, v32;
	v50 =	vld.idx.msk [tilespmem:v56+s21+$0x0], $0xffff  }
0x131: {  	v52 =	vor.u32 v16, v33;
	v43 =	vld.idx.msk [tilespmem:v63+s22+$0x0], $0xffff;
	v49 =	vmul.f32 v40, v54;
	v34 =	vadd.f32 v61, v34  }
0x132: {  	v59 =	vor.u32 v17, v32;
	v54 =	vld.idx.msk [tilespmem:v60+s21+$0x0], $0xffff  }
0x133: {  	v56 =	vor.u32 v17, v33;
	v40 =	vld.idx.msk [tilespmem:v51+s22+$0x0], $0xffff;
	v53 =	vmul.f32 v42, v58;
	v34 =	vadd.f32 v49, v34  }
0x134: {  	v63 =	vor.u32 v18, v32;
	v58 =	vld.idx.msk [tilespmem:v48+s21+$0x0], $0xffff  }
0x135: {  	v60 =	vor.u32 v18, v33;
	v42 =	vld.idx.msk [tilespmem:v55+s22+$0x0], $0xffff;
	v57 =	vmul.f32 v39, v62;
	v34 =	vadd.f32 v53, v34  }
0x136: {  	v51 =	vor.u32 v19, v32;
	v62 =	vld.idx.msk [tilespmem:v52+s21+$0x0], $0xffff  }
0x137: {  	v48 =	vor.u32 v19, v33;
	v39 =	vld.idx.msk [tilespmem:v59+s22+$0x0], $0xffff;
	v61 =	vmul.f32 v41, v50;
	v34 =	vadd.f32 v57, v34  }
0x138: {  	v55 =	vor.u32 v20, v32;
	v50 =	vld.idx.msk [tilespmem:v56+s21+$0x0], $0xffff  }
0x139: {  	v52 =	vor.u32 v20, v33;
	v41 =	vld.idx.msk [tilespmem:v63+s22+$0x0], $0xffff;
	v49 =	vmul.f32 v43, v54;
	v34 =	vadd.f32 v61, v34  }
0x13a: {  	v59 =	vor.u32 v21, v32;
	v54 =	vld.idx.msk [tilespmem:v60+s21+$0x0], $0xffff  }
0x13b: {  	v56 =	vor.u32 v21, v33;
	v43 =	vld.idx.msk [tilespmem:v51+s22+$0x0], $0xffff;
	v53 =	vmul.f32 v40, v58;
	v34 =	vadd.f32 v49, v34  }
0x13c: {  	v63 =	vor.u32 v22, v32;
	v58 =	vld.idx.msk [tilespmem:v48+s21+$0x0], $0xffff  }
0x13d: {  	v60 =	vor.u32 v22, v33;
	v40 =	vld.idx.msk [tilespmem:v55+s22+$0x0], $0xffff;
	v57 =	vmul.f32 v42, v62;
	v34 =	vadd.f32 v53, v34  }
0x13e: {  	v51 =	vor.u32 v23, v32;
	v62 =	vld.idx.msk [tilespmem:v52+s21+$0x0], $0xffff  }
0x13f: {  	v48 =	vor.u32 v23, v33;
	v42 =	vld.idx.msk [tilespmem:v59+s22+$0x0], $0xffff;
	v61 =	vmul.f32 v39, v50;
	v34 =	vadd.f32 v57, v34  }
0x140: {  	v55 =	vor.u32 v24, v32;
	v50 =	vld.idx.msk [tilespmem:v56+s21+$0x0], $0xffff  }
0x141: {  	v39 =	vld.idx.msk [tilespmem:v63+s22+$0x0], $0xffff;
	v56 =	vor.u32 v25, v33;
	v49 =	vmul.f32 v41, v54;
	v34 =	vadd.f32 v61, v34  }
0x142: {  	v59 =	vor.u32 v25, v32;
	v54 =	vld.idx.msk [tilespmem:v60+s21+$0x0], $0xffff  }
0x143: {  	v52 =	vor.u32 v24, v33;
	v41 =	vld.idx.msk [tilespmem:v51+s22+$0x0], $0xffff;
	v53 =	vmul.f32 v43, v58;
	v34 =	vadd.f32 v49, v34  }
0x144: {  	v58 =	vld.idx.msk [tilespmem:v48+s21+$0x0], $0xffff  }
0x145: {  	v43 =	vld.idx.msk [tilespmem:v55+s22+$0x0], $0xffff;
	v57 =	vmul.f32 v40, v62;
	v62 =	vor.u32 v26, v33;
	v34 =	vadd.f32 v53, v34  }
0x146: {  	v48 =	vld.idx.msk [tilespmem:v56+s21+$0x0], $0xffff  }
0x147: {  	v60 =	vmul.f32 v42, v50;
	v40 =	vld.idx.msk [tilespmem:v59+s22+$0x0], $0xffff;
	v49 =	vor.u32 v26, v32;
	v34 =	vadd.f32 v57, v34  }
0x148: {  	v61 =	vld.idx.msk [tilespmem:v52+s21+$0x0], $0xffff;
	v52 =	vor.u32 v27, v32  }
0x149: {  	v50 =	vor.u32 v27, v33;
	v63 =	vmul.f32 v39, v54;
	v53 =	vld [tilespmem:s9+$0x10];
	v34 =	vadd.f32 v60, v34  }
0x14a: {  	v56 =	vor.u32 v28, v32;
	v42 =	vld.idx.msk [tilespmem:v62+s21+$0x0], $0xffff  }
0x14b: {  	v54 =	vor.u32 v28, v33;
	v51 =	vmul.f32 v41, v58;
	v57 =	vld [tilespmem:s9+$0x290];
	v34 =	vadd.f32 v63, v34  }
0x14c: {  	v58 =	vor.u32 v29, v33;
	v59 =	vmul.f32 v40, v48;
	v39 =	vld.idx.msk [tilespmem:v49+s22+$0x0], $0xffff  }
0x14d: {  	v55 =	vmul.f32 v43, v61;
	v61 =	vor.u32 v29, v32;
	v38 =	vld.idx.msk [tilespmem:v52+s22+$0x0], $0xffff;
	v34 =	vadd.f32 v51, v34  }
0x14e: {  	v62 =	vor.u32 v30, v33;
	v48 =	vor.u32 v30, v32;
	v60 =	vld.idx.msk [tilespmem:v50+s21+$0x0], $0xffff;
	v41 =	vand.u32 $0xFFFFFF80, v53  }
0x14f: {  	v36 =	vld.idx.msk [tilespmem:v56+s22+$0x0], $0xffff;
	v33 =	vor.u32 v31, v33;
	v41 =	vadd.s32 s1, v41;
	v34 =	vadd.f32 v55, v34  }
0x150: {  	v32 =	vor.u32 v31, v32;
	v63 =	vld.idx.msk [tilespmem:v54+s21+$0x0], $0xffff;
	v43 =	vand.u32 $0xFFFFFF80, v57;
	(v2sf) =	vpush v41, $0x0  }
0x151: {  	v49 =	vld.idx.msk [tilespmem:v58+s21+$0x0], $0xffff;
	v39 =	vmul.f32 v39, v42;
	v43 =	vadd.s32 s2, v43;
	v34 =	vadd.f32 v59, v34  }
0x152: {  	v40 =	vld.idx.msk [tilespmem:v61+s22+$0x0], $0xffff;
	(v2sf) =	vpush v43, $0x0  }
0x153: {  	v50 =	vld.idx.msk [tilespmem:v62+s21+$0x0], $0xffff;
	v37 =	vmul.f32 v38, v60;
	v34 =	vadd.f32 v39, v34  }
0x154: {  	v51 =	vld.idx.msk [tilespmem:v48+s22+$0x0], $0xffff;
	(v2sf) =	vpush v41, $0x1  }
0x155: {  	v33 =	vld.idx.msk [tilespmem:v33+s21+$0x0], $0xffff;
	v35 =	vmul.f32 v36, v63;
	v34 =	vadd.f32 v37, v34  }
0x156: {  	v32 =	vld.idx.msk [tilespmem:v32+s22+$0x0], $0xffff;
	(v2sf) =	vpush v43, $0x1  }
0x157: {  	v52 =	vmul.f32 v40, v49;
	v34 =	vadd.f32 v35, v34  }
0x158: {  	(v2sf) =	vpush v41, $0x2  }
0x159: {  	v53 =	vmul.f32 v51, v50;
	v34 =	vadd.f32 v52, v34  }
0x15a: {  	(v2sf) =	vpush v43, $0x2  }
0x15b: {  	v32 =	vmul.f32 v32, v33;
	v34 =	vadd.f32 v53, v34  }
0x15c: {  	(v2sf) =	vpush v41, $0x3  }
0x15d: {  	v32 =	vadd.f32 v32, v34  }
0x15e: {  	(v2sf) =	vpush v43, $0x3  }
0x15f: {  	s15 =	spop (v2sf);
	[tilespmem:s9+$0x18504] =	vst.msk $0xf, v32  }
0x160: {  	[tilespmem:s21], [sflag:$0x3] =	stream.strided.gather [hbm4b:s15+s11], $0x1000, s12, s11, $0x38;
	[tilespmem:$0x18780] =	vst v63  }
0x161: {  	s15 =	spop (v2sf)  }
0x162: {  	[tilespmem:s22], [sflag:$0x4] =	stream.strided.gather [hbm4b:s15+s11], $0x1000, s12, s11, $0x38;
	[tilespmem:$0x18780] =	vst v63  }
0x163: {  	s15 =	spop (v2sf)  }
0x164: {  	[tilespmem:s24], [sflag:$0x3] =	stream.strided.gather [hbm4b:s15+s11], $0x1000, s12, s11, $0x38;
	[tilespmem:$0x18780] =	vst v63  }
0x165: {  	s15 =	spop (v2sf)  }
0x166: {  	[tilespmem:s25], [sflag:$0x4] =	stream.strided.gather [hbm4b:s15+s11], $0x1000, s12, s11, $0x38;
	[tilespmem:$0x18780] =	vst v63  }
0x167: {  	s15 =	spop (v2sf)  }
0x168: {  	[tilespmem:s26], [sflag:$0x3] =	stream.strided.gather [hbm4b:s15+s11], $0x1000, s12, s11, $0x38;
	[tilespmem:$0x18780] =	vst v63  }
0x169: {  	s15 =	spop (v2sf)  }
0x16a: {  	[tilespmem:s28], [sflag:$0x4] =	stream.strided.gather [hbm4b:s15+s11], $0x1000, s12, s11, $0x38;
	[tilespmem:$0x18780] =	vst v63  }
0x16b: {  	s15 =	spop (v2sf)  }
0x16c: {  	[tilespmem:s29], [sflag:$0x3] =	stream.strided.gather [hbm4b:s15+s11], $0x1000, s12, s11, $0x38;
	[tilespmem:$0x18780] =	vst v63  }
0x16d: {  	s15 =	spop (v2sf)  }
0x16e: {  	[tilespmem:s17], [sflag:$0x4] =	stream.strided.gather [hbm4b:s15+s11], $0x1000, s12, s11, $0x38;
	[tilespmem:$0x18780] =	vst v63  }
0x16f: {  	_ =	swait.ge [sflag:s6], $0x1000  }
0x170: {  	[sflag:s6] =	ssyncset.done $0x0  }
0x171: {  	[sflag:s6] =	ssyncadd.s32 $0xFFFFF000  }
0x172: {  	_ =	swait.ge [sflag:s7], $0x1000  }
0x173: {  	[sflag:s7] =	ssyncset.done $0x0  }
0x174: {  	[sflag:s7] =	ssyncadd.s32 $0xFFFFF000  }
0x175: {  	_ =	swait.ge [sflag:s6], $0x1000  }
0x176: {  	[sflag:s6] =	ssyncset.done $0x0  }
0x177: {  	[sflag:s6] =	ssyncadd.s32 $0xFFFFF000  }
0x178: {  	_ =	swait.ge [sflag:s7], $0x1000  }
0x179: {  	[sflag:s7] =	ssyncset.done $0x0  }
0x17a: {  	[sflag:s7] =	ssyncadd.s32 $0xFFFFF000  }
0x17b: {  	_ =	swait.ge [sflag:s6], $0x1000  }
0x17c: {  	[sflag:s6] =	ssyncset.done $0x0  }
0x17d: {  	[sflag:s6] =	ssyncadd.s32 $0xFFFFF000  }
0x17e: {  	_ =	swait.ge [sflag:s7], $0x1000  }
0x17f: {  	[sflag:s7] =	ssyncset.done $0x0  }
0x180: {  	[sflag:s7] =	ssyncadd.s32 $0xFFFFF000  }
0x181: {  	_ =	swait.ge [sflag:s6], $0x1000  }
0x182: {  	[sflag:s6] =	ssyncset.done $0x0  }
0x183: {  	[sflag:s6] =	ssyncadd.s32 $0xFFFFF000  }
0x184: {  	_ =	swait.ge [sflag:s7], $0x1000  }
0x185: {  	[sflag:s7] =	ssyncset.done $0x0  }
0x186: {  	[sflag:s7] =	ssyncadd.s32 $0xFFFFF000  }
0x187: {  	v54 =	vld [tilespmem:s9+$0x8]  }
0x188: {  	v55 =	vld [tilespmem:s9+$0x288];
	_ =	sdelay $0x3  }
0x189: {  	v33 =	vand.u32 $0x7F, v54  }
0x18a: {  	v32 =	vand.u32 $0x7F, v55;
	v56 =	vor.u32 v0, v33  }
0x18b: {  	v57 =	vor.u32 v0, v32  }
0x18c: {  	v58 =	vor.u32 v1, v33  }
0x18d: {  	v59 =	vor.u32 v1, v32  }
0x18e: {  	v60 =	vor.u32 v2, v33  }
0x18f: {  	v61 =	vor.u32 v2, v32;
	v34 =	vld.idx.msk [tilespmem:v56+s30+$0x0], $0xffff  }
0x190: {  	v62 =	vor.u32 v3, v33;
	v35 =	vld.idx.msk [tilespmem:v57+s31+$0x0], $0xffff  }
0x191: {  	v63 =	vor.u32 v3, v32;
	v36 =	vld.idx.msk [tilespmem:v58+s30+$0x0], $0xffff  }
0x192: {  	v48 =	vor.u32 v4, v33;
	v37 =	vld.idx.msk [tilespmem:v59+s31+$0x0], $0xffff  }
0x193: {  	v49 =	vor.u32 v4, v32;
	v38 =	vld.idx.msk [tilespmem:v60+s30+$0x0], $0xffff  }
0x194: {  	v50 =	vor.u32 v5, v33;
	v39 =	vld.idx.msk [tilespmem:v61+s31+$0x0], $0xffff  }
0x195: {  	v52 =	vor.u32 v5, v32;
	v51 =	vld.idx.msk [tilespmem:v62+s30+$0x0], $0xffff;
	v34 =	vmul.f32 v35, v34  }
0x196: {  	v53 =	vor.u32 v6, v33;
	v41 =	vld.idx.msk [tilespmem:v63+s31+$0x0], $0xffff  }
0x197: {  	v55 =	vor.u32 v6, v32;
	v54 =	vld.idx.msk [tilespmem:v48+s30+$0x0], $0xffff;
	v36 =	vmul.f32 v37, v36;
	v34 =	vadd.f32 $0.0e+00, v34  }
0x198: {  	v43 =	vld.idx.msk [tilespmem:v49+s31+$0x0], $0xffff;
	v56 =	vor.u32 v7, v33  }
0x199: {  	v58 =	vld.idx.msk [tilespmem:v50+s30+$0x0], $0xffff;
	v59 =	vor.u32 v7, v32;
	v57 =	vmul.f32 v39, v38;
	v34 =	vadd.f32 v36, v34  }
0x19a: {  	v40 =	vld.idx.msk [tilespmem:v52+s31+$0x0], $0xffff;
	v60 =	vor.u32 v8, v33  }
0x19b: {  	v61 =	vld.idx.msk [tilespmem:v53+s30+$0x0], $0xffff;
	v62 =	vor.u32 v8, v32;
	v35 =	vmul.f32 v41, v51;
	v34 =	vadd.f32 v57, v34  }
0x19c: {  	v42 =	vld.idx.msk [tilespmem:v55+s31+$0x0], $0xffff;
	v50 =	vor.u32 v9, v32  }
0x19d: {  	v63 =	vor.u32 v9, v33;
	v48 =	vmul.f32 v43, v54;
	v49 =	vld.idx.msk [tilespmem:v56+s30+$0x0], $0xffff;
	v34 =	vadd.f32 v35, v34  }
0x19e: {  	v39 =	vld.idx.msk [tilespmem:v59+s31+$0x0], $0xffff;
	v51 =	vor.u32 v10, v33  }
0x19f: {  	v52 =	vmul.f32 v40, v58;
	v53 =	vld.idx.msk [tilespmem:v60+s30+$0x0], $0xffff;
	v54 =	vor.u32 v10, v32;
	v34 =	vadd.f32 v48, v34  }
0x1a0: {  	v55 =	vor.u32 v11, v33;
	v41 =	vld.idx.msk [tilespmem:v62+s31+$0x0], $0xffff  }
0x1a1: {  	v56 =	vmul.f32 v42, v61;
	v58 =	vor.u32 v11, v32;
	v43 =	vld.idx.msk [tilespmem:v50+s31+$0x0], $0xffff;
	v34 =	vadd.f32 v52, v34  }
0x1a2: {  	v62 =	vor.u32 v12, v32;
	v57 =	vld.idx.msk [tilespmem:v63+s30+$0x0], $0xffff  }
0x1a3: {  	v59 =	vor.u32 v12, v33;
	v60 =	vmul.f32 v39, v49;
	v61 =	vld.idx.msk [tilespmem:v51+s30+$0x0], $0xffff;
	v34 =	vadd.f32 v56, v34  }
0x1a4: {  	v50 =	vor.u32 v13, v32;
	v40 =	vld.idx.msk [tilespmem:v54+s31+$0x0], $0xffff  }
0x1a5: {  	v49 =	vld.idx.msk [tilespmem:v55+s30+$0x0], $0xffff;
	v63 =	vor.u32 v13, v33;
	v48 =	vmul.f32 v41, v53;
	v34 =	vadd.f32 v60, v34  }
0x1a6: {  	v42 =	vld.idx.msk [tilespmem:v58+s31+$0x0], $0xffff;
	v54 =	vor.u32 v14, v32  }
0x1a7: {  	v51 =	vor.u32 v14, v33;
	v39 =	vld.idx.msk [tilespmem:v62+s31+$0x0], $0xffff;
	v52 =	vmul.f32 v43, v57;
	v34 =	vadd.f32 v48, v34  }
0x1a8: {  	v58 =	vor.u32 v15, v32;
	v53 =	vld.idx.msk [tilespmem:v59+s30+$0x0], $0xffff  }
0x1a9: {  	v55 =	vor.u32 v15, v33;
	v41 =	vld.idx.msk [tilespmem:v50+s31+$0x0], $0xffff;
	v56 =	vmul.f32 v40, v61;
	v34 =	vadd.f32 v52, v34  }
0x1aa: {  	v62 =	vor.u32 v16, v32;
	v57 =	vld.idx.msk [tilespmem:v63+s30+$0x0], $0xffff  }
0x1ab: {  	v59 =	vor.u32 v16, v33;
	v43 =	vld.idx.msk [tilespmem:v54+s31+$0x0], $0xffff;
	v60 =	vmul.f32 v42, v49;
	v34 =	vadd.f32 v56, v34  }
0x1ac: {  	v50 =	vor.u32 v17, v32;
	v61 =	vld.idx.msk [tilespmem:v51+s30+$0x0], $0xffff  }
0x1ad: {  	v63 =	vor.u32 v17, v33;
	v40 =	vld.idx.msk [tilespmem:v58+s31+$0x0], $0xffff;
	v48 =	vmul.f32 v39, v53;
	v34 =	vadd.f32 v60, v34  }
0x1ae: {  	v54 =	vor.u32 v18, v32;
	v49 =	vld.idx.msk [tilespmem:v55+s30+$0x0], $0xffff  }
0x1af: {  	v51 =	vor.u32 v18, v33;
	v42 =	vld.idx.msk [tilespmem:v62+s31+$0x0], $0xffff;
	v52 =	vmul.f32 v41, v57;
	v34 =	vadd.f32 v48, v34  }
0x1b0: {  	v58 =	vor.u32 v19, v32;
	v53 =	vld.idx.msk [tilespmem:v59+s30+$0x0], $0xffff  }
0x1b1: {  	v55 =	vor.u32 v19, v33;
	v39 =	vld.idx.msk [tilespmem:v50+s31+$0x0], $0xffff;
	v56 =	vmul.f32 v43, v61;
	v34 =	vadd.f32 v52, v34  }
0x1b2: {  	v62 =	vor.u32 v20, v32;
	v57 =	vld.idx.msk [tilespmem:v63+s30+$0x0], $0xffff  }
0x1b3: {  	v59 =	vor.u32 v20, v33;
	v41 =	vld.idx.msk [tilespmem:v54+s31+$0x0], $0xffff;
	v60 =	vmul.f32 v40, v49;
	v34 =	vadd.f32 v56, v34  }
0x1b4: {  	v50 =	vor.u32 v21, v32;
	v61 =	vld.idx.msk [tilespmem:v51+s30+$0x0], $0xffff  }
0x1b5: {  	v63 =	vor.u32 v21, v33;
	v43 =	vld.idx.msk [tilespmem:v58+s31+$0x0], $0xffff;
	v48 =	vmul.f32 v42, v53;
	v34 =	vadd.f32 v60, v34  }
0x1b6: {  	v54 =	vor.u32 v22, v32;
	v49 =	vld.idx.msk [tilespmem:v55+s30+$0x0], $0xffff  }
0x1b7: {  	v51 =	vor.u32 v22, v33;
	v40 =	vld.idx.msk [tilespmem:v62+s31+$0x0], $0xffff;
	v52 =	vmul.f32 v39, v57;
	v34 =	vadd.f32 v48, v34  }
0x1b8: {  	v58 =	vor.u32 v23, v32;
	v53 =	vld.idx.msk [tilespmem:v59+s30+$0x0], $0xffff  }
0x1b9: {  	v55 =	vor.u32 v23, v33;
	v42 =	vld.idx.msk [tilespmem:v50+s31+$0x0], $0xffff;
	v56 =	vmul.f32 v41, v61;
	v34 =	vadd.f32 v52, v34  }
0x1ba: {  	v62 =	vor.u32 v24, v32;
	v57 =	vld.idx.msk [tilespmem:v63+s30+$0x0], $0xffff  }
0x1bb: {  	v59 =	vor.u32 v24, v33;
	v39 =	vld.idx.msk [tilespmem:v54+s31+$0x0], $0xffff;
	v60 =	vmul.f32 v43, v49;
	v34 =	vadd.f32 v56, v34  }
0x1bc: {  	v50 =	vor.u32 v25, v32;
	v61 =	vld.idx.msk [tilespmem:v51+s30+$0x0], $0xffff  }
0x1bd: {  	v63 =	vor.u32 v25, v33;
	v41 =	vld.idx.msk [tilespmem:v58+s31+$0x0], $0xffff;
	v48 =	vmul.f32 v40, v53;
	v34 =	vadd.f32 v60, v34  }
0x1be: {  	v54 =	vor.u32 v26, v32;
	v49 =	vld.idx.msk [tilespmem:v55+s30+$0x0], $0xffff  }
0x1bf: {  	v51 =	vor.u32 v26, v33;
	v43 =	vld.idx.msk [tilespmem:v62+s31+$0x0], $0xffff;
	v52 =	vmul.f32 v42, v57;
	v34 =	vadd.f32 v48, v34  }
0x1c0: {  	v58 =	vor.u32 v27, v32;
	v53 =	vld.idx.msk [tilespmem:v59+s30+$0x0], $0xffff  }
0x1c1: {  	v55 =	vor.u32 v27, v33;
	v40 =	vld.idx.msk [tilespmem:v50+s31+$0x0], $0xffff;
	v56 =	vmul.f32 v39, v61;
	v34 =	vadd.f32 v52, v34  }
0x1c2: {  	v62 =	vor.u32 v28, v32;
	v57 =	vld.idx.msk [tilespmem:v63+s30+$0x0], $0xffff  }
0x1c3: {  	v59 =	vor.u32 v28, v33;
	v42 =	vld.idx.msk [tilespmem:v54+s31+$0x0], $0xffff;
	v60 =	vmul.f32 v41, v49;
	v34 =	vadd.f32 v56, v34  }
0x1c4: {  	v50 =	vor.u32 v29, v32;
	v61 =	vld.idx.msk [tilespmem:v51+s30+$0x0], $0xffff  }
0x1c5: {  	v63 =	vor.u32 v29, v33;
	v39 =	vld.idx.msk [tilespmem:v58+s31+$0x0], $0xffff;
	v48 =	vmul.f32 v43, v53;
	v34 =	vadd.f32 v60, v34  }
0x1c6: {  	v51 =	vor.u32 v30, v33;
	v49 =	vld.idx.msk [tilespmem:v55+s30+$0x0], $0xffff  }
0x1c7: {  	v54 =	vor.u32 v30, v32;
	v41 =	vld.idx.msk [tilespmem:v62+s31+$0x0], $0xffff;
	v52 =	vmul.f32 v40, v57;
	v34 =	vadd.f32 v48, v34  }
0x1c8: {  	v32 =	vor.u32 v31, v32;
	v53 =	vld.idx.msk [tilespmem:v59+s30+$0x0], $0xffff  }
0x1c9: {  	v33 =	vor.u32 v31, v33;
	v55 =	vmul.f32 v42, v61;
	v57 =	vld.idx.msk [tilespmem:v50+s31+$0x0], $0xffff;
	v34 =	vadd.f32 v52, v34  }
0x1ca: {  	v56 =	vld.idx.msk [tilespmem:v63+s30+$0x0], $0xffff  }
0x1cb: {  	v59 =	vld.idx.msk [tilespmem:v51+s30+$0x0], $0xffff;
	v58 =	vmul.f32 v39, v49;
	v34 =	vadd.f32 v55, v34  }
0x1cc: {  	v60 =	vld.idx.msk [tilespmem:v54+s31+$0x0], $0xffff  }
0x1cd: {  	v32 =	vld.idx.msk [tilespmem:v32+s31+$0x0], $0xffff;
	v61 =	vmul.f32 v41, v53;
	v34 =	vadd.f32 v58, v34  }
0x1ce: {  	v33 =	vld.idx.msk [tilespmem:v33+s30+$0x0], $0xffff  }
0x1cf: {  	v62 =	vmul.f32 v57, v56;
	v34 =	vadd.f32 v61, v34;
	_ =	sdelay $0x1  }
0x1d0: {  	v63 =	vmul.f32 v60, v59;
	v34 =	vadd.f32 v62, v34  }
0x1d1: {  	p0 =	sne.s32 s4, $0x7B0  }
.Ltmp0:
0x1d2: {  	v32 =	vmul.f32 v32, v33;
	v34 =	vadd.f32 v63, v34;
	(pc) =	sbr.rel @p0 .LBB2_2-.Ltmp0, $3  }
0x1d3: {  	_ = 	snop  }
0x1d4: {  	v32 =	vadd.f32 v32, v34;
	_ =	sdelay $0x1  }
0x1d5: {  	s4 =	sadd.s32 $0x30, s4;
	[tilespmem:s9+$0x18508] =	vst.msk $0xf, v32  }
0x1d6: {  	_ =	swait.ge [sflag:s0], $0x1000  }
0x1d7: {  	[sflag:s0] =	ssyncset.done $0x0  }
0x1d8: {  	[sflag:s0] =	ssyncadd.s32 $0xFFFFF000  }
0x1d9: {  	_ =	swait.ge [sflag:s3], $0x1000  }
0x1da: {  	[sflag:s3] =	ssyncset.done $0x0  }
0x1db: {  	[sflag:s3] =	ssyncadd.s32 $0xFFFFF000  }
0x1dc: {  	_ =	swait.ge [sflag:s0], $0x1000  }
0x1dd: {  	[sflag:s0] =	ssyncset.done $0x0  }
0x1de: {  	[sflag:s0] =	ssyncadd.s32 $0xFFFFF000  }
0x1df: {  	_ =	swait.ge [sflag:s3], $0x1000  }
0x1e0: {  	[sflag:s3] =	ssyncset.done $0x0  }
0x1e1: {  	[sflag:s3] =	ssyncadd.s32 $0xFFFFF000  }
0x1e2: {  	_ =	swait.ge [sflag:s0], $0x1000  }
0x1e3: {  	[sflag:s0] =	ssyncset.done $0x0  }
0x1e4: {  	[sflag:s0] =	ssyncadd.s32 $0xFFFFF000  }
0x1e5: {  	_ =	swait.ge [sflag:s3], $0x1000  }
0x1e6: {  	[sflag:s3] =	ssyncset.done $0x0  }
0x1e7: {  	[sflag:s3] =	ssyncadd.s32 $0xFFFFF000  }
0x1e8: {  	_ =	swait.ge [sflag:s0], $0x1000  }
0x1e9: {  	[sflag:s0] =	ssyncset.done $0x0  }
0x1ea: {  	[sflag:s0] =	ssyncadd.s32 $0xFFFFF000  }
0x1eb: {  	_ =	swait.ge [sflag:s3], $0x1000  }
0x1ec: {  	[sflag:s3] =	ssyncset.done $0x0  }
0x1ed: {  	[sflag:s3] =	ssyncadd.s32 $0xFFFFF000  }
0x1ee: {  	v32 =	vld [tilespmem:$0x1F8]  }
0x1ef: {  	v34 =	vld [tilespmem:$0x478];
	_ =	sdelay $0x3  }
0x1f0: {  	v33 =	vand.u32 $0x7F, v32  }
0x1f1: {  	v32 =	vand.u32 $0x7F, v34;
	v60 =	vor.u32 v0, v33  }
0x1f2: {  	v35 =	vor.u32 v0, v32  }
0x1f3: {  	v36 =	vor.u32 v1, v33  }
0x1f4: {  	v37 =	vor.u32 v1, v32  }
0x1f5: {  	v38 =	vor.u32 v2, v33  }
0x1f6: {  	v39 =	vor.u32 v2, v32;
	v34 =	vld.idx.msk [tilespmem:v60+s13+$0x0], $0xffff  }
0x1f7: {  	v40 =	vor.u32 v3, v33;
	v35 =	vld.idx.msk [tilespmem:v35+s14+$0x0], $0xffff  }
0x1f8: {  	v41 =	vor.u32 v3, v32;
	v36 =	vld.idx.msk [tilespmem:v36+s13+$0x0], $0xffff  }
0x1f9: {  	v42 =	vor.u32 v4, v33;
	v37 =	vld.idx.msk [tilespmem:v37+s14+$0x0], $0xffff  }
0x1fa: {  	v43 =	vor.u32 v4, v32;
	v38 =	vld.idx.msk [tilespmem:v38+s13+$0x0], $0xffff  }
0x1fb: {  	v44 =	vor.u32 v5, v33;
	v39 =	vld.idx.msk [tilespmem:v39+s14+$0x0], $0xffff  }
0x1fc: {  	v62 =	vor.u32 v5, v32;
	v61 =	vld.idx.msk [tilespmem:v40+s13+$0x0], $0xffff;
	v34 =	vmul.f32 v35, v34  }
0x1fd: {  	v45 =	vor.u32 v6, v33;
	v41 =	vld.idx.msk [tilespmem:v41+s14+$0x0], $0xffff  }
0x1fe: {  	v48 =	vor.u32 v6, v32;
	v63 =	vld.idx.msk [tilespmem:v42+s13+$0x0], $0xffff;
	v36 =	vmul.f32 v37, v36;
	v34 =	vadd.f32 $0.0e+00, v34  }
0x1ff: {  	v46 =	vor.u32 v7, v33;
	v43 =	vld.idx.msk [tilespmem:v43+s14+$0x0], $0xffff  }
0x200: {  	v51 =	vor.u32 v7, v32;
	v50 =	vld.idx.msk [tilespmem:v44+s13+$0x0], $0xffff;
	v49 =	vmul.f32 v39, v38;
	v34 =	vadd.f32 v36, v34  }
0x201: {  	v52 =	vor.u32 v8, v33;
	v40 =	vld.idx.msk [tilespmem:v62+s14+$0x0], $0xffff  }
0x202: {  	v54 =	vor.u32 v8, v32;
	v53 =	vld.idx.msk [tilespmem:v45+s13+$0x0], $0xffff;
	v35 =	vmul.f32 v41, v61;
	v34 =	vadd.f32 v49, v34  }
0x203: {  	v58 =	vor.u32 v9, v32;
	v42 =	vld.idx.msk [tilespmem:v48+s14+$0x0], $0xffff  }
0x204: {  	v55 =	vor.u32 v9, v33;
	v57 =	vld.idx.msk [tilespmem:v46+s13+$0x0], $0xffff;
	v56 =	vmul.f32 v43, v63;
	v34 =	vadd.f32 v35, v34  }
0x205: {  	v59 =	vor.u32 v10, v33;
	v39 =	vld.idx.msk [tilespmem:v51+s14+$0x0], $0xffff  }
0x206: {  	v62 =	vor.u32 v10, v32;
	v60 =	vmul.f32 v40, v50;
	v61 =	vld.idx.msk [tilespmem:v52+s13+$0x0], $0xffff;
	v34 =	vadd.f32 v56, v34  }
0x207: {  	v41 =	vld.idx.msk [tilespmem:v54+s14+$0x0], $0xffff;
	v63 =	vor.u32 v11, v33  }
0x208: {  	v48 =	vmul.f32 v42, v53;
	v50 =	vor.u32 v11, v32;
	v43 =	vld.idx.msk [tilespmem:v58+s14+$0x0], $0xffff;
	v34 =	vadd.f32 v60, v34  }
0x209: {  	v54 =	vor.u32 v12, v32;
	v49 =	vld.idx.msk [tilespmem:v55+s13+$0x0], $0xffff  }
0x20a: {  	v51 =	vor.u32 v12, v33;
	v53 =	vld.idx.msk [tilespmem:v59+s13+$0x0], $0xffff;
	v52 =	vmul.f32 v39, v57;
	v34 =	vadd.f32 v48, v34  }
0x20b: {  	v40 =	vld.idx.msk [tilespmem:v62+s14+$0x0], $0xffff;
	v58 =	vor.u32 v13, v32  }
0x20c: {  	v57 =	vld.idx.msk [tilespmem:v63+s13+$0x0], $0xffff;
	v55 =	vor.u32 v13, v33;
	v56 =	vmul.f32 v41, v61;
	v34 =	vadd.f32 v52, v34  }
0x20d: {  	v62 =	vor.u32 v14, v32;
	v42 =	vld.idx.msk [tilespmem:v50+s14+$0x0], $0xffff  }
0x20e: {  	v59 =	vor.u32 v14, v33;
	v39 =	vld.idx.msk [tilespmem:v54+s14+$0x0], $0xffff;
	v60 =	vmul.f32 v43, v49;
	v34 =	vadd.f32 v56, v34  }
0x20f: {  	v50 =	vor.u32 v15, v32;
	v61 =	vld.idx.msk [tilespmem:v51+s13+$0x0], $0xffff  }
0x210: {  	v63 =	vor.u32 v15, v33;
	v41 =	vld.idx.msk [tilespmem:v58+s14+$0x0], $0xffff;
	v48 =	vmul.f32 v40, v53;
	v34 =	vadd.f32 v60, v34  }
0x211: {  	v54 =	vor.u32 v16, v32;
	v49 =	vld.idx.msk [tilespmem:v55+s13+$0x0], $0xffff  }
0x212: {  	v51 =	vor.u32 v16, v33;
	v43 =	vld.idx.msk [tilespmem:v62+s14+$0x0], $0xffff;
	v52 =	vmul.f32 v42, v57;
	v34 =	vadd.f32 v48, v34  }
0x213: {  	v58 =	vor.u32 v17, v32;
	v53 =	vld.idx.msk [tilespmem:v59+s13+$0x0], $0xffff  }
0x214: {  	v55 =	vor.u32 v17, v33;
	v40 =	vld.idx.msk [tilespmem:v50+s14+$0x0], $0xffff;
	v56 =	vmul.f32 v39, v61;
	v34 =	vadd.f32 v52, v34  }
0x215: {  	v62 =	vor.u32 v18, v32;
	v57 =	vld.idx.msk [tilespmem:v63+s13+$0x0], $0xffff  }
0x216: {  	v59 =	vor.u32 v18, v33;
	v42 =	vld.idx.msk [tilespmem:v54+s14+$0x0], $0xffff;
	v60 =	vmul.f32 v41, v49;
	v34 =	vadd.f32 v56, v34  }
0x217: {  	v50 =	vor.u32 v19, v32;
	v61 =	vld.idx.msk [tilespmem:v51+s13+$0x0], $0xffff  }
0x218: {  	v63 =	vor.u32 v19, v33;
	v39 =	vld.idx.msk [tilespmem:v58+s14+$0x0], $0xffff;
	v48 =	vmul.f32 v43, v53;
	v34 =	vadd.f32 v60, v34  }
0x219: {  	v54 =	vor.u32 v20, v32;
	v49 =	vld.idx.msk [tilespmem:v55+s13+$0x0], $0xffff  }
0x21a: {  	v51 =	vor.u32 v20, v33;
	v41 =	vld.idx.msk [tilespmem:v62+s14+$0x0], $0xffff;
	v52 =	vmul.f32 v40, v57;
	v34 =	vadd.f32 v48, v34  }
0x21b: {  	v58 =	vor.u32 v21, v32;
	v53 =	vld.idx.msk [tilespmem:v59+s13+$0x0], $0xffff  }
0x21c: {  	v55 =	vor.u32 v21, v33;
	v43 =	vld.idx.msk [tilespmem:v50+s14+$0x0], $0xffff;
	v56 =	vmul.f32 v42, v61;
	v34 =	vadd.f32 v52, v34  }
0x21d: {  	v62 =	vor.u32 v22, v32;
	v57 =	vld.idx.msk [tilespmem:v63+s13+$0x0], $0xffff  }
0x21e: {  	v59 =	vor.u32 v22, v33;
	v40 =	vld.idx.msk [tilespmem:v54+s14+$0x0], $0xffff;
	v60 =	vmul.f32 v39, v49;
	v34 =	vadd.f32 v56, v34  }
0x21f: {  	v50 =	vor.u32 v23, v32;
	v61 =	vld.idx.msk [tilespmem:v51+s13+$0x0], $0xffff  }
0x220: {  	v63 =	vor.u32 v23, v33;
	v42 =	vld.idx.msk [tilespmem:v58+s14+$0x0], $0xffff;
	v48 =	vmul.f32 v41, v53;
	v34 =	vadd.f32 v60, v34  }
0x221: {  	v54 =	vor.u32 v24, v32;
	v49 =	vld.idx.msk [tilespmem:v55+s13+$0x0], $0xffff  }
0x222: {  	v51 =	vor.u32 v24, v33;
	v39 =	vld.idx.msk [tilespmem:v62+s14+$0x0], $0xffff;
	v52 =	vmul.f32 v43, v57;
	v34 =	vadd.f32 v48, v34  }
0x223: {  	v58 =	vor.u32 v25, v32;
	v53 =	vld.idx.msk [tilespmem:v59+s13+$0x0], $0xffff  }
0x224: {  	v55 =	vor.u32 v25, v33;
	v41 =	vld.idx.msk [tilespmem:v50+s14+$0x0], $0xffff;
	v56 =	vmul.f32 v40, v61;
	v34 =	vadd.f32 v52, v34  }
0x225: {  	v62 =	vor.u32 v26, v32;
	v57 =	vld.idx.msk [tilespmem:v63+s13+$0x0], $0xffff  }
0x226: {  	v59 =	vor.u32 v26, v33;
	v43 =	vld.idx.msk [tilespmem:v54+s14+$0x0], $0xffff;
	v60 =	vmul.f32 v42, v49;
	v34 =	vadd.f32 v56, v34  }
0x227: {  	v50 =	vor.u32 v27, v32;
	v61 =	vld.idx.msk [tilespmem:v51+s13+$0x0], $0xffff  }
0x228: {  	v63 =	vor.u32 v27, v33;
	v40 =	vld.idx.msk [tilespmem:v58+s14+$0x0], $0xffff;
	v48 =	vmul.f32 v39, v53;
	v34 =	vadd.f32 v60, v34  }
0x229: {  	v54 =	vor.u32 v28, v32;
	v49 =	vld.idx.msk [tilespmem:v55+s13+$0x0], $0xffff  }
0x22a: {  	v51 =	vor.u32 v28, v33;
	v42 =	vld.idx.msk [tilespmem:v62+s14+$0x0], $0xffff;
	v52 =	vmul.f32 v41, v57;
	v34 =	vadd.f32 v48, v34  }
0x22b: {  	v58 =	vor.u32 v29, v32;
	v53 =	vld.idx.msk [tilespmem:v59+s13+$0x0], $0xffff  }
0x22c: {  	v55 =	vor.u32 v29, v33;
	v39 =	vld.idx.msk [tilespmem:v50+s14+$0x0], $0xffff;
	v56 =	vmul.f32 v43, v61;
	v34 =	vadd.f32 v52, v34  }
0x22d: {  	v62 =	vor.u32 v30, v32;
	v57 =	vld.idx.msk [tilespmem:v63+s13+$0x0], $0xffff  }
0x22e: {  	v59 =	vor.u32 v30, v33;
	v41 =	vld.idx.msk [tilespmem:v54+s14+$0x0], $0xffff;
	v60 =	vmul.f32 v40, v49;
	v34 =	vadd.f32 v56, v34  }
0x22f: {  	v32 =	vor.u32 v31, v32;
	v61 =	vld.idx.msk [tilespmem:v51+s13+$0x0], $0xffff  }
0x230: {  	v33 =	vor.u32 v31, v33;
	v47 =	vld.idx.msk [tilespmem:v58+s14+$0x0], $0xffff;
	v63 =	vmul.f32 v42, v53;
	v34 =	vadd.f32 v60, v34  }
0x231: {  	v46 =	vld.idx.msk [tilespmem:v55+s13+$0x0], $0xffff  }
0x232: {  	v50 =	vld.idx.msk [tilespmem:v62+s14+$0x0], $0xffff;
	v48 =	vmul.f32 v39, v57;
	v34 =	vadd.f32 v63, v34  }
0x233: {  	v49 =	vld.idx.msk [tilespmem:v59+s13+$0x0], $0xffff  }
0x234: {  	v32 =	vld.idx.msk [tilespmem:v32+s14+$0x0], $0xffff;
	v51 =	vmul.f32 v41, v61;
	v34 =	vadd.f32 v48, v34  }
0x235: {  	v33 =	vld.idx.msk [tilespmem:v33+s13+$0x0], $0xffff  }
0x236: {  	v52 =	vmul.f32 v47, v46;
	v34 =	vadd.f32 v51, v34;
	_ =	sdelay $0x1  }
0x237: {  	v53 =	vmul.f32 v50, v49;
	v34 =	vadd.f32 v52, v34;
	_ =	sdelay $0x1  }
0x238: {  	v32 =	vmul.f32 v32, v33;
	v34 =	vadd.f32 v53, v34;
	_ =	sdelay $0x1  }
0x239: {  	v32 =	vadd.f32 v32, v34  }
0x23a: {  	s4 =	simm.s32 $0x186F8  }
0x23b: {  	[tilespmem:s4+$0x0] =	vst.msk $0xf, v32  }
0x23c: {  	_ =	swait.ge [sflag:s10], $0x1000  }
0x23d: {  	[sflag:s10] =	ssyncset.done $0x0  }
0x23e: {  	[sflag:s10] =	ssyncadd.s32 $0xFFFFF000  }
0x23f: {  	_ =	swait.ge [sflag:s5], $0x1000  }
0x240: {  	[sflag:s5] =	ssyncset.done $0x0  }
0x241: {  	[sflag:s5] =	ssyncadd.s32 $0xFFFFF000  }
0x242: {  	_ =	swait.ge [sflag:s10], $0x1000  }
0x243: {  	[sflag:s10] =	ssyncset.done $0x0  }
0x244: {  	[sflag:s10] =	ssyncadd.s32 $0xFFFFF000  }
0x245: {  	_ =	swait.ge [sflag:s5], $0x1000  }
0x246: {  	[sflag:s5] =	ssyncset.done $0x0  }
0x247: {  	[sflag:s5] =	ssyncadd.s32 $0xFFFFF000  }
0x248: {  	_ =	swait.ge [sflag:s10], $0x1000  }
0x249: {  	[sflag:s10] =	ssyncset.done $0x0  }
0x24a: {  	[sflag:s10] =	ssyncadd.s32 $0xFFFFF000  }
0x24b: {  	_ =	swait.ge [sflag:s5], $0x1000  }
0x24c: {  	[sflag:s5] =	ssyncset.done $0x0  }
0x24d: {  	[sflag:s5] =	ssyncadd.s32 $0xFFFFF000  }
0x24e: {  	_ =	swait.ge [sflag:s10], $0x1000  }
0x24f: {  	[sflag:s10] =	ssyncset.done $0x0  }
0x250: {  	[sflag:s10] =	ssyncadd.s32 $0xFFFFF000  }
0x251: {  	_ =	swait.ge [sflag:s5], $0x1000  }
0x252: {  	[sflag:s5] =	ssyncset.done $0x0  }
0x253: {  	[sflag:s5] =	ssyncadd.s32 $0xFFFFF000  }
0x254: {  	v54 =	vld [tilespmem:$0x1FC]  }
0x255: {  	v55 =	vld [tilespmem:$0x47C];
	_ =	sdelay $0x3  }
0x256: {  	v33 =	vand.u32 $0x7F, v54  }
0x257: {  	v32 =	vand.u32 $0x7F, v55;
	v56 =	vor.u32 v0, v33  }
0x258: {  	v57 =	vor.u32 v0, v32  }
0x259: {  	v58 =	vor.u32 v1, v33  }
0x25a: {  	v59 =	vor.u32 v1, v32  }
0x25b: {  	v60 =	vor.u32 v2, v33  }
0x25c: {  	v61 =	vor.u32 v2, v32;
	v34 =	vld.idx.msk [tilespmem:v56+s21+$0x0], $0xffff  }
0x25d: {  	v62 =	vor.u32 v3, v33;
	v35 =	vld.idx.msk [tilespmem:v57+s22+$0x0], $0xffff  }
0x25e: {  	v63 =	vor.u32 v3, v32;
	v36 =	vld.idx.msk [tilespmem:v58+s21+$0x0], $0xffff  }
0x25f: {  	v48 =	vor.u32 v4, v33;
	v37 =	vld.idx.msk [tilespmem:v59+s22+$0x0], $0xffff  }
0x260: {  	v49 =	vor.u32 v4, v32;
	v38 =	vld.idx.msk [tilespmem:v60+s21+$0x0], $0xffff  }
0x261: {  	v50 =	vor.u32 v5, v33;
	v39 =	vld.idx.msk [tilespmem:v61+s22+$0x0], $0xffff  }
0x262: {  	v52 =	vor.u32 v5, v32;
	v51 =	vld.idx.msk [tilespmem:v62+s21+$0x0], $0xffff;
	v34 =	vmul.f32 v35, v34  }
0x263: {  	v53 =	vor.u32 v6, v33;
	v41 =	vld.idx.msk [tilespmem:v63+s22+$0x0], $0xffff  }
0x264: {  	v55 =	vor.u32 v6, v32;
	v54 =	vld.idx.msk [tilespmem:v48+s21+$0x0], $0xffff;
	v36 =	vmul.f32 v37, v36;
	v34 =	vadd.f32 $0.0e+00, v34  }
0x265: {  	v43 =	vld.idx.msk [tilespmem:v49+s22+$0x0], $0xffff;
	v56 =	vor.u32 v7, v33  }
0x266: {  	v58 =	vld.idx.msk [tilespmem:v50+s21+$0x0], $0xffff;
	v59 =	vor.u32 v7, v32;
	v57 =	vmul.f32 v39, v38;
	v34 =	vadd.f32 v36, v34  }
0x267: {  	v40 =	vld.idx.msk [tilespmem:v52+s22+$0x0], $0xffff;
	v60 =	vor.u32 v8, v33  }
0x268: {  	v61 =	vld.idx.msk [tilespmem:v53+s21+$0x0], $0xffff;
	v62 =	vor.u32 v8, v32;
	v35 =	vmul.f32 v41, v51;
	v34 =	vadd.f32 v57, v34  }
0x269: {  	v42 =	vld.idx.msk [tilespmem:v55+s22+$0x0], $0xffff;
	v50 =	vor.u32 v9, v32  }
0x26a: {  	v63 =	vor.u32 v9, v33;
	v48 =	vmul.f32 v43, v54;
	v49 =	vld.idx.msk [tilespmem:v56+s21+$0x0], $0xffff;
	v34 =	vadd.f32 v35, v34  }
0x26b: {  	v39 =	vld.idx.msk [tilespmem:v59+s22+$0x0], $0xffff;
	v51 =	vor.u32 v10, v33  }
0x26c: {  	v52 =	vmul.f32 v40, v58;
	v53 =	vld.idx.msk [tilespmem:v60+s21+$0x0], $0xffff;
	v54 =	vor.u32 v10, v32;
	v34 =	vadd.f32 v48, v34  }
0x26d: {  	v55 =	vor.u32 v11, v33;
	v41 =	vld.idx.msk [tilespmem:v62+s22+$0x0], $0xffff  }
0x26e: {  	v56 =	vmul.f32 v42, v61;
	v58 =	vor.u32 v11, v32;
	v43 =	vld.idx.msk [tilespmem:v50+s22+$0x0], $0xffff;
	v34 =	vadd.f32 v52, v34  }
0x26f: {  	v62 =	vor.u32 v12, v32;
	v57 =	vld.idx.msk [tilespmem:v63+s21+$0x0], $0xffff  }
0x270: {  	v59 =	vor.u32 v12, v33;
	v60 =	vmul.f32 v39, v49;
	v61 =	vld.idx.msk [tilespmem:v51+s21+$0x0], $0xffff;
	v34 =	vadd.f32 v56, v34  }
0x271: {  	v50 =	vor.u32 v13, v32;
	v40 =	vld.idx.msk [tilespmem:v54+s22+$0x0], $0xffff  }
0x272: {  	v49 =	vld.idx.msk [tilespmem:v55+s21+$0x0], $0xffff;
	v63 =	vor.u32 v13, v33;
	v48 =	vmul.f32 v41, v53;
	v34 =	vadd.f32 v60, v34  }
0x273: {  	v42 =	vld.idx.msk [tilespmem:v58+s22+$0x0], $0xffff;
	v54 =	vor.u32 v14, v32  }
0x274: {  	v51 =	vor.u32 v14, v33;
	v39 =	vld.idx.msk [tilespmem:v62+s22+$0x0], $0xffff;
	v52 =	vmul.f32 v43, v57;
	v34 =	vadd.f32 v48, v34  }
0x275: {  	v58 =	vor.u32 v15, v32;
	v53 =	vld.idx.msk [tilespmem:v59+s21+$0x0], $0xffff  }
0x276: {  	v55 =	vor.u32 v15, v33;
	v41 =	vld.idx.msk [tilespmem:v50+s22+$0x0], $0xffff;
	v56 =	vmul.f32 v40, v61;
	v34 =	vadd.f32 v52, v34  }
0x277: {  	v62 =	vor.u32 v16, v32;
	v57 =	vld.idx.msk [tilespmem:v63+s21+$0x0], $0xffff  }
0x278: {  	v59 =	vor.u32 v16, v33;
	v43 =	vld.idx.msk [tilespmem:v54+s22+$0x0], $0xffff;
	v60 =	vmul.f32 v42, v49;
	v34 =	vadd.f32 v56, v34  }
0x279: {  	v50 =	vor.u32 v17, v32;
	v61 =	vld.idx.msk [tilespmem:v51+s21+$0x0], $0xffff  }
0x27a: {  	v63 =	vor.u32 v17, v33;
	v40 =	vld.idx.msk [tilespmem:v58+s22+$0x0], $0xffff;
	v48 =	vmul.f32 v39, v53;
	v34 =	vadd.f32 v60, v34  }
0x27b: {  	v54 =	vor.u32 v18, v32;
	v49 =	vld.idx.msk [tilespmem:v55+s21+$0x0], $0xffff  }
0x27c: {  	v51 =	vor.u32 v18, v33;
	v42 =	vld.idx.msk [tilespmem:v62+s22+$0x0], $0xffff;
	v52 =	vmul.f32 v41, v57;
	v34 =	vadd.f32 v48, v34  }
0x27d: {  	v58 =	vor.u32 v19, v32;
	v53 =	vld.idx.msk [tilespmem:v59+s21+$0x0], $0xffff  }
0x27e: {  	v55 =	vor.u32 v19, v33;
	v39 =	vld.idx.msk [tilespmem:v50+s22+$0x0], $0xffff;
	v56 =	vmul.f32 v43, v61;
	v34 =	vadd.f32 v52, v34  }
0x27f: {  	v62 =	vor.u32 v20, v32;
	v57 =	vld.idx.msk [tilespmem:v63+s21+$0x0], $0xffff  }
0x280: {  	v59 =	vor.u32 v20, v33;
	v41 =	vld.idx.msk [tilespmem:v54+s22+$0x0], $0xffff;
	v60 =	vmul.f32 v40, v49;
	v34 =	vadd.f32 v56, v34  }
0x281: {  	v50 =	vor.u32 v21, v32;
	v61 =	vld.idx.msk [tilespmem:v51+s21+$0x0], $0xffff  }
0x282: {  	v63 =	vor.u32 v21, v33;
	v43 =	vld.idx.msk [tilespmem:v58+s22+$0x0], $0xffff;
	v48 =	vmul.f32 v42, v53;
	v34 =	vadd.f32 v60, v34  }
0x283: {  	v54 =	vor.u32 v22, v32;
	v49 =	vld.idx.msk [tilespmem:v55+s21+$0x0], $0xffff  }
0x284: {  	v51 =	vor.u32 v22, v33;
	v40 =	vld.idx.msk [tilespmem:v62+s22+$0x0], $0xffff;
	v52 =	vmul.f32 v39, v57;
	v34 =	vadd.f32 v48, v34  }
0x285: {  	v58 =	vor.u32 v23, v32;
	v53 =	vld.idx.msk [tilespmem:v59+s21+$0x0], $0xffff  }
0x286: {  	v55 =	vor.u32 v23, v33;
	v42 =	vld.idx.msk [tilespmem:v50+s22+$0x0], $0xffff;
	v56 =	vmul.f32 v41, v61;
	v34 =	vadd.f32 v52, v34  }
0x287: {  	v62 =	vor.u32 v24, v32;
	v57 =	vld.idx.msk [tilespmem:v63+s21+$0x0], $0xffff  }
0x288: {  	v59 =	vor.u32 v24, v33;
	v39 =	vld.idx.msk [tilespmem:v54+s22+$0x0], $0xffff;
	v60 =	vmul.f32 v43, v49;
	v34 =	vadd.f32 v56, v34  }
0x289: {  	v50 =	vor.u32 v25, v32;
	v61 =	vld.idx.msk [tilespmem:v51+s21+$0x0], $0xffff  }
0x28a: {  	v63 =	vor.u32 v25, v33;
	v41 =	vld.idx.msk [tilespmem:v58+s22+$0x0], $0xffff;
	v48 =	vmul.f32 v40, v53;
	v34 =	vadd.f32 v60, v34  }
0x28b: {  	v54 =	vor.u32 v26, v32;
	v49 =	vld.idx.msk [tilespmem:v55+s21+$0x0], $0xffff  }
0x28c: {  	v51 =	vor.u32 v26, v33;
	v43 =	vld.idx.msk [tilespmem:v62+s22+$0x0], $0xffff;
	v52 =	vmul.f32 v42, v57;
	v34 =	vadd.f32 v48, v34  }
0x28d: {  	v58 =	vor.u32 v27, v32;
	v53 =	vld.idx.msk [tilespmem:v59+s21+$0x0], $0xffff  }
0x28e: {  	v55 =	vor.u32 v27, v33;
	v40 =	vld.idx.msk [tilespmem:v50+s22+$0x0], $0xffff;
	v56 =	vmul.f32 v39, v61;
	v34 =	vadd.f32 v52, v34  }
0x28f: {  	v62 =	vor.u32 v28, v32;
	v57 =	vld.idx.msk [tilespmem:v63+s21+$0x0], $0xffff  }
0x290: {  	v59 =	vor.u32 v28, v33;
	v42 =	vld.idx.msk [tilespmem:v54+s22+$0x0], $0xffff;
	v60 =	vmul.f32 v41, v49;
	v34 =	vadd.f32 v56, v34  }
0x291: {  	v50 =	vor.u32 v29, v32;
	v61 =	vld.idx.msk [tilespmem:v51+s21+$0x0], $0xffff  }
0x292: {  	v63 =	vor.u32 v29, v33;
	v39 =	vld.idx.msk [tilespmem:v58+s22+$0x0], $0xffff;
	v48 =	vmul.f32 v43, v53;
	v34 =	vadd.f32 v60, v34  }
0x293: {  	v51 =	vor.u32 v30, v33;
	v49 =	vld.idx.msk [tilespmem:v55+s21+$0x0], $0xffff  }
0x294: {  	v54 =	vor.u32 v30, v32;
	v41 =	vld.idx.msk [tilespmem:v62+s22+$0x0], $0xffff;
	v52 =	vmul.f32 v40, v57;
	v34 =	vadd.f32 v48, v34  }
0x295: {  	v32 =	vor.u32 v31, v32;
	v53 =	vld.idx.msk [tilespmem:v59+s21+$0x0], $0xffff  }
0x296: {  	v33 =	vor.u32 v31, v33;
	v55 =	vmul.f32 v42, v61;
	v57 =	vld.idx.msk [tilespmem:v50+s22+$0x0], $0xffff;
	v34 =	vadd.f32 v52, v34  }
0x297: {  	v56 =	vld.idx.msk [tilespmem:v63+s21+$0x0], $0xffff  }
0x298: {  	v59 =	vld.idx.msk [tilespmem:v51+s21+$0x0], $0xffff;
	v58 =	vmul.f32 v39, v49;
	v34 =	vadd.f32 v55, v34  }
0x299: {  	v60 =	vld.idx.msk [tilespmem:v54+s22+$0x0], $0xffff  }
0x29a: {  	v32 =	vld.idx.msk [tilespmem:v32+s22+$0x0], $0xffff;
	v61 =	vmul.f32 v41, v53;
	v34 =	vadd.f32 v58, v34  }
0x29b: {  	v33 =	vld.idx.msk [tilespmem:v33+s21+$0x0], $0xffff  }
0x29c: {  	v62 =	vmul.f32 v57, v56;
	v34 =	vadd.f32 v61, v34;
	_ =	sdelay $0x1  }
0x29d: {  	v63 =	vmul.f32 v60, v59;
	v34 =	vadd.f32 v62, v34;
	_ =	sdelay $0x1  }
0x29e: {  	v32 =	vmul.f32 v32, v33;
	v34 =	vadd.f32 v63, v34;
	_ =	sdelay $0x1  }
0x29f: {  	v32 =	vadd.f32 v32, v34  }
0x2a0: {  	s9 =	simm.s32 $0x186FC  }
0x2a1: {  	s8 =	simm.s32 $0x18500;
	s15 =	rddreg [dreg:$0xe];
	[tilespmem:s9+$0x0] =	vst.msk $0xf, v32;
	s9 =	simm.s32 $0x0  }
0x2a2: {  	[hbm4b:s15+s9] =	stream.linear.scatter [tilespmem:s8], [sflag:$0x7], $0x200, $0x38;
	[tilespmem:$0x18780] =	vst v63  }
0x2a3: {  	s8 =	simm.s32 $0x7  }
0x2a4: {  	_ =	swait.ge [sflag:s8], $0x200  }
0x2a5: {  	s15 =	rddreg [dreg:$0x10]  }
0x2a6: {  	s4 =	rddreg [dreg:$0xf];
	s15 =	sadd.s32 $0x1, s15  }
0x2a7: {  	p0 =	sne.s32 s15, s4  }
.Ltmp1:
0x2a8: {  	_ = 	snop;
	(pc) =	sbr.rel @p0 .LBB2_1-.Ltmp1, $3  }
0x2a9: {  	_ =	sdelay $0x1  }
0x2aa: {  	[sflag:s8] =	ssyncset.done $0x0  }
0x2ab: {  	[sflag:s8] =	ssyncadd.s32 $0xFFFFFE00  }
0x2ac: {  	_ =	sfence.sel $0x180000  }
0x2ad: {  	[bflag:$0x0] =	sbarrier.arrive $0xFFFF  }
0x2ae: {  	_ =	strace $0x90000047  }
0x2af: {  	s0 =	stileid.u32;
	[bflag:$0x2] =	sbarrier.arrive $0xFFFF  }
0x2b0: {  	p0 =	sne.s32 s0, $0x0;
	s0 =	rddreg [dreg:$0x5]  }
0x2b1: {  	s0 =	sadd.s32 @!p0 $0x100000, s0  }
0x2b2: {  	[sflag:s0] =	ssyncadd.tile.s32 @!p0 $0x1;
	_ =	shalt  }
.Lfunc_end2:
_tile_overlayer_lowered:
.L_overlay_start_2:
0x2b3: {  	(tag) =	ssettag $0x2  }
0x2b4: {  	s0 =	rddreg [dreg:$0x0];
	s2 =	stileid.u32  }
0x2b5: {  	s1 =	rddreg [dreg:$0x1];
	p0 =	sne.s32 s2, $0x0  }
0x2b6: {  	s3 =	rddreg [dreg:$0x2];
	[bflag:$0x3] =	sbarrier.arrive $0xFFFF;
	s2 =	simm.s32 @!p0 $0x1C07  }
0x2b7: {  	[timem:s3], [sflag:s2] =	dma.local @!p0 [hbm:s0], s1  }
0x2b8: {  	s0 =	simm.s32 @!p0 $0x7  }
0x2b9: {  	_ =	swait.ge @!p0 [sflag:s0], s1  }
0x2ba: {  	s1 =	ssub.s32 @!p0 $0x0, s1;
	[sflag:s0] =	ssyncset.done @!p0 $0x0  }
0x2bb: {  	[sflag:s0] =	ssyncadd.s32 @!p0 s1  }
0x2bc: {  	[bflag:$0x3] =	sbarrier.arrive $0xFFFF  }
0x2bd: {  	_ =	shalt  }

</sc_bundles>
